<compile_context>
chip_gen: v7x
topology: tpu7x:2x2x1
jax: 0.10.2.dev20260603
libtpu: 0.0.44.dev20260713+nightly
codegen_flags: <defaults>
</compile_context>

<pallas_src>
import functools

import jax
import jax.numpy as jnp
from jax import lax
from jax.experimental import pallas as pl
from jax.experimental.pallas import tpu as pltpu
from jax.experimental.pallas import tpu_sc as plsc

_N = 100000
_D = 128
_SEL = 50000

_NS = 16
_IDX_BATCH = 128
_BATCHES_PER_TILE = 25
_SEL_PER_TILE = _IDX_BATCH * _BATCHES_PER_TILE
_WIN_STRIDE = 3128
_LAST_BASE = _SEL - _SEL_PER_TILE
_ZCHUNK = 6256
_ZLAST = _N - 15 * _ZCHUNK


def _mask_body(selq_hbm, selt_hbm, maskq_hbm, maskt_hbm,
               zbuf, idxbuf, onesbuf, shared_mask, sem_idx, sem_scat):
    c = lax.axis_index("c")
    s = lax.axis_index("s")

    with jax.named_scope("fill_bufs"):
        def fill_z(i, carry):
            zbuf[pl.ds(i * 16, 16)] = jnp.zeros((16,), jnp.float32)
            return carry

        lax.fori_loop(0, _ZCHUNK // 16, fill_z, 0)

        def fill_one(i, carry):
            onesbuf[pl.ds(i * 16, 16)] = jnp.ones((16,), jnp.float32)
            return carry

        lax.fori_loop(0, _IDX_BATCH // 16, fill_one, 0)

    def one_side(sel_hbm, mask_hbm, shared):
        base = jnp.where(s < _NS - 1, s * _WIN_STRIDE, _LAST_BASE)
        base = pl.multiple_of(base, 8)
        idx_cps = [
            pltpu.make_async_copy(
                sel_hbm.at[pl.ds(base + j * _IDX_BATCH, _IDX_BATCH)],
                idxbuf.at[j], sem_idx)
            for j in range(_BATCHES_PER_TILE)
        ]
        for cp in idx_cps:
            cp.start()

        with jax.named_scope("zero_phase"):
            @pl.when(s < _NS - 1)
            def _():
                pltpu.sync_copy(zbuf, shared.at[pl.ds(s * _ZCHUNK, _ZCHUNK)])

            @pl.when(s == _NS - 1)
            def _():
                pltpu.sync_copy(zbuf.at[pl.ds(0, _ZLAST)],
                                shared.at[pl.ds((_NS - 1) * _ZCHUNK, _ZLAST)])

        with jax.named_scope("barrier_idx"):
            plsc.subcore_barrier()
            for cp in idx_cps:
                cp.wait()

        with jax.named_scope("scatter_phase"):
            cps = [pltpu.make_async_copy(onesbuf, shared.at[idxbuf.at[j]],
                                         sem_scat)
                   for j in range(_BATCHES_PER_TILE)]
            for cp in cps:
                cp.start()
            for cp in cps:
                cp.wait()

        plsc.subcore_barrier()

        with jax.named_scope("writeout"):
            @pl.when(s < _NS - 1)
            def _():
                sl = pl.ds(s * _ZCHUNK, _ZCHUNK)
                pltpu.sync_copy(shared.at[sl], zbuf)
                pltpu.sync_copy(zbuf, mask_hbm.at[sl])

            @pl.when(s == _NS - 1)
            def _():
                sl = pl.ds((_NS - 1) * _ZCHUNK, _ZLAST)
                pltpu.sync_copy(shared.at[sl], zbuf.at[pl.ds(0, _ZLAST)])
                pltpu.sync_copy(zbuf.at[pl.ds(0, _ZLAST)], mask_hbm.at[sl])

    @pl.when(c == 0)
    def _():
        one_side(selq_hbm, maskq_hbm, shared_mask)

    @pl.when(c == 1)
    def _():
        one_side(selt_hbm, maskt_hbm, shared_mask)


@jax.jit
def _build_masks(selq_pad, selt_pad):
    mesh = plsc.VectorSubcoreMesh(core_axis_name="c", subcore_axis_name="s")
    fn = functools.partial(
        pl.kernel,
        mesh=mesh,
        out_type=[jax.ShapeDtypeStruct((_N,), jnp.float32),
                  jax.ShapeDtypeStruct((_N,), jnp.float32)],
        scratch_types=[
            pltpu.VMEM((_ZCHUNK,), jnp.float32),
            pltpu.VMEM((_BATCHES_PER_TILE, _IDX_BATCH), jnp.int32),
            pltpu.VMEM((_IDX_BATCH,), jnp.float32),
            pltpu.VMEM_SHARED((_N,), jnp.float32),
            pltpu.SemaphoreType.DMA,
            pltpu.SemaphoreType.DMA,
        ],
    )(_mask_body)
    return fn(selq_pad, selt_pad)


def _enc_body(xq_ref, xt_ref, wq_ref, bq_ref, wt_ref, bt_ref,
              oq_ref, ot_ref):
    dn = (((0,), (1,)), ((), ()))
    tr = lambda v: jnp.transpose(v, (1, 0))
    encq = lax.dot_general(wq_ref[...], xq_ref[...], dn,
                           preferred_element_type=jnp.float32)
    oq_ref[...] = encq + tr(bq_ref[...].reshape(1, _D))
    enct = lax.dot_general(wt_ref[...], xt_ref[...], dn,
                           preferred_element_type=jnp.float32)
    ot_ref[...] = enct + tr(bt_ref[...].reshape(1, _D))


def _label_body(aq_ref, at_ref, mq_ref, mt_ref,
                wmq_ref, bmq_ref, wmt_ref, bmt_ref,
                oq_ref, ot_ref):
    del aq_ref, at_ref
    tr = lambda v: jnp.transpose(v, (1, 0))
    row_a_q = tr(wmq_ref[0:1, :] + bmq_ref[...].reshape(1, 8))
    row_b_q = tr(wmq_ref[1:2, :] + bmq_ref[...].reshape(1, 8))
    oq_ref[...] = jnp.where(mq_ref[...].reshape(1, -1) > 0.5,
                            row_a_q, row_b_q)
    row_a_t = tr(wmt_ref[0:1, :] + bmt_ref[...].reshape(1, 8))
    row_b_t = tr(wmt_ref[1:2, :] + bmt_ref[...].reshape(1, 8))
    ot_ref[...] = jnp.where(mt_ref[...].reshape(1, -1) > 0.5,
                            row_a_t, row_b_t)


_BN = 12288
_G = 9
_LBN = 33792
_LG = 3


@jax.jit
def _encode_pass(Xq, Xt, W_enc_q, b_enc_q, W_enc_t, b_enc_t):
    fixed = lambda i: (0, 0)
    return pl.pallas_call(
        _enc_body,
        grid=(_G,),
        in_specs=[
            pl.BlockSpec((_BN, _D), lambda i: (i, 0)),
            pl.BlockSpec((_BN, _D), lambda i: (i, 0)),
            pl.BlockSpec((_D, _D), fixed),
            pl.BlockSpec((_D,), lambda i: (0,)),
            pl.BlockSpec((_D, _D), fixed),
            pl.BlockSpec((_D,), lambda i: (0,)),
        ],
        out_specs=[pl.BlockSpec((_D, _BN), lambda i: (0, i)),
                   pl.BlockSpec((_D, _BN), lambda i: (0, i))],
        out_shape=[jax.ShapeDtypeStruct((_D + 8, _N), jnp.float32),
                   jax.ShapeDtypeStruct((_D + 8, _N), jnp.float32)],
        compiler_params=pltpu.CompilerParams(
            dimension_semantics=("arbitrary",)),
    )(Xq, Xt, W_enc_q, b_enc_q, W_enc_t, b_enc_t)


@jax.jit
def _label_pass(aq, at, mask_q, mask_t,
                W_map_q, b_map_q, W_map_t, b_map_t):
    fixed = lambda i: (0, 0)
    return pl.pallas_call(
        _label_body,
        grid=(_LG,),
        in_specs=[
            pl.BlockSpec(memory_space=pltpu.MemorySpace.HBM),
            pl.BlockSpec(memory_space=pltpu.MemorySpace.HBM),
            pl.BlockSpec((_LBN,), lambda i: (i,)),
            pl.BlockSpec((_LBN,), lambda i: (i,)),
            pl.BlockSpec((2, 8), fixed),
            pl.BlockSpec((8,), lambda i: (0,)),
            pl.BlockSpec((2, 8), fixed),
            pl.BlockSpec((8,), lambda i: (0,)),
        ],
        out_specs=[pl.BlockSpec((8, _LBN), lambda i: (_D // 8, i)),
                   pl.BlockSpec((8, _LBN), lambda i: (_D // 8, i))],
        out_shape=[jax.ShapeDtypeStruct((_D + 8, _N), jnp.float32),
                   jax.ShapeDtypeStruct((_D + 8, _N), jnp.float32)],
        input_output_aliases={0: 0, 1: 1},
        compiler_params=pltpu.CompilerParams(
            dimension_semantics=("arbitrary",)),
    )(aq, at, mask_q, mask_t, W_map_q, b_map_q, W_map_t, b_map_t)


def kernel(Xq, Xt, sel_q, sel_t, W_map_q, b_map_q, W_map_t, b_map_t,
           W_enc_q, b_enc_q, W_enc_t, b_enc_t):
    mask_q, mask_t = _build_masks(sel_q.astype(jnp.int32),
                                  sel_t.astype(jnp.int32))

    aq, at = _encode_pass(Xq, Xt, W_enc_q, b_enc_q, W_enc_t, b_enc_t)
    out_qT, out_tT = _label_pass(aq, at, mask_q, mask_t,
                                 W_map_q, b_map_q, W_map_t, b_map_t)
    return (out_qT.T, out_tT.T)

# --- scband reference (transcript-rebuilt; emitter-appended) ---
"""Pipeline reference for scband-pre-encoder-concat-selected-one-hot-and-mlp-91182155694847 (READ-ONLY COPY).

The authoritative reference and input builder live on the scoring server;
editing this copy changes nothing except your own understanding.
"""

import jax, jax.numpy as jnp
import numpy as np

N = 100000
D = 128
SEL = 50000

def get_one_hot_labelling(num_nodes, sel_nodes):
    oh = jnp.zeros((num_nodes,), dtype=jnp.float32).at[sel_nodes].set(1.0)
    return jnp.stack((oh, 1.0 - oh), axis=-1)

def setup_inputs(seed: int = 0) -> dict:
    key = jax.random.key(seed)
    ks = jax.random.split(key, 10)
    Xq = jax.random.normal(ks[0], (N, D), dtype=jnp.float32)
    Xt = jax.random.normal(ks[1], (N, D), dtype=jnp.float32)
    sel_q = jax.random.randint(ks[2], (SEL,), 0, N, dtype=jnp.int64 if jax.config.jax_enable_x64 else jnp.int32)
    sel_t = jax.random.randint(ks[3], (SEL,), 0, N, dtype=jnp.int64 if jax.config.jax_enable_x64 else jnp.int32)
    W_map_q = jax.random.normal(ks[4], (2, 8), dtype=jnp.float32) * 0.1
    b_map_q = jnp.zeros((8,), dtype=jnp.float32)
    W_map_t = jax.random.normal(ks[5], (2, 8), dtype=jnp.float32) * 0.1
    b_map_t = jnp.zeros((8,), dtype=jnp.float32)
    W_enc_q = jax.random.normal(ks[6], (D, D), dtype=jnp.float32) * 0.05
    b_enc_q = jnp.zeros((D,), dtype=jnp.float32)
    W_enc_t = jax.random.normal(ks[7], (D, D), dtype=jnp.float32) * 0.05
    b_enc_t = jnp.zeros((D,), dtype=jnp.float32)
    return {"Xq": Xq, "Xt": Xt, "sel_q": sel_q, "sel_t": sel_t,
            "W_map_q": W_map_q, "b_map_q": b_map_q, "W_map_t": W_map_t, "b_map_t": b_map_t,
            "W_enc_q": W_enc_q, "b_enc_q": b_enc_q, "W_enc_t": W_enc_t, "b_enc_t": b_enc_t}

def reference(Xq, Xt, sel_q, sel_t, W_map_q, b_map_q, W_map_t, b_map_t, W_enc_q, b_enc_q, W_enc_t, b_enc_t):
    # scatter-overwrite one-hot labelling for selected (matched) nodes
    oh_q = get_one_hot_labelling(Xq.shape[0], sel_q)
    oh_t = get_one_hot_labelling(Xt.shape[0], sel_t)
    # mlp_map_q / mlp_map_t: Linear(2, 8)
    oh_q = oh_q @ W_map_q + b_map_q
    oh_t = oh_t @ W_map_t + b_map_t
    # feature_encoder_q / feature_encoder_t: linear feature encoding of node features
    Xq_enc = Xq @ W_enc_q + b_enc_q
    Xt_enc = Xt @ W_enc_t + b_enc_t
    Xq_out = jnp.concatenate((Xq_enc, oh_q), axis=1)
    Xt_out = jnp.concatenate((Xt_enc, oh_t), axis=1)
    return (Xq_out, Xt_out)

if __name__ == "__main__":
    import jax
    _d = setup_inputs()
    print(jax.jit(kernel)(*tuple(_d.values())))

</pallas_src>

<mosaic_0001>
#map = affine_map<(d0, d1) -> (0)>
module attributes {stable_mosaic.version = 14 : i64} {
  func.func @_mask_body(%arg0: i32, %arg1: i32, %arg2: memref<50000xi32, #tpu.memory_space<hbm>>, %arg3: memref<50000xi32, #tpu.memory_space<hbm>>, %arg4: memref<100000xf32, #tpu.memory_space<hbm>>, %arg5: memref<100000xf32, #tpu.memory_space<hbm>>, %arg6: memref<6256xf32, #tpu.memory_space<vmem>>, %arg7: memref<25x128xi32, #tpu.memory_space<vmem>>, %arg8: memref<128xf32, #tpu.memory_space<vmem>>, %arg9: memref<100000xf32, #tpu.memory_space<vmem_shared>>, %arg10: memref<!tpu.dma_semaphore, #tpu.memory_space<semaphore_mem>>, %arg11: memref<!tpu.dma_semaphore, #tpu.memory_space<semaphore_mem>>) attributes {dimension_semantics = [#tpu.dimension_semantics<core_parallel>, #tpu.dimension_semantics<subcore_parallel>], iteration_bounds = array<i64: 2, 16>, scalar_prefetch = 0 : i64, scratch_operands = 6 : i64, tpu.core_type = #tpu.core_type<sc_vector_subcore>, window_params = [{transform_indices = #map}, {transform_indices = #map}, {transform_indices = #map}, {transform_indices = #map}]} {
    "tpu.trace_start"() <{level = 10 : i32, message = "fill_bufs"}> : () -> ()
    %scan3A = arith.constant 0 : i32
    %scan3A_0 = arith.constant 0 : i32
    %scan3A_1 = arith.constant 391 : i32
    %scan3A_2 = arith.addi %scan3A_0, %scan3A_1 : i32
    %scan3A_3 = arith.constant 1 : i32
    scf.for %scan3A_18 = %scan3A_0 to %scan3A_2 step %scan3A_3  : i32 {
      %broadcast_in_dim3A = arith.constant 0.000000e+00 : f32
      %broadcast_in_dim3A_19 = vector.broadcast %broadcast_in_dim3A : f32 to vector<16xf32>
      %mul3A = arith.constant 16 : i32
      %mul3A_20 = arith.muli %scan3A_18, %mul3A : i32
      %swap3A = arith.index_cast %mul3A_20 : i32 to index
      %swap3A_21 = tpu.vector_load %arg6[%swap3A] {strides = array<i32>} : memref<6256xf32, #tpu.memory_space<vmem>>, vector<16xf32>,
      %swap3A_22 = vector.shape_cast %swap3A_21 : vector<16xf32> to vector<16xf32>
      %swap3A_23 = vector.shape_cast %broadcast_in_dim3A_19 : vector<16xf32> to vector<16xf32>
      tpu.vector_store %arg6[%swap3A], %swap3A_23 {strides = array<i32>} : memref<6256xf32, #tpu.memory_space<vmem>>, vector<16xf32>,
    }
    %scan3A_4 = arith.constant 391 : i32
    %scan3A_5 = arith.constant 0 : i32
    %scan3A_6 = arith.constant 0 : i32
    %scan3A_7 = arith.constant 8 : i32
    %scan3A_8 = arith.addi %scan3A_6, %scan3A_7 : i32
    %scan3A_9 = arith.constant 1 : i32
    scf.for %scan3A_18 = %scan3A_6 to %scan3A_8 step %scan3A_9  : i32 {
      %broadcast_in_dim3A = arith.constant 1.000000e+00 : f32
      %broadcast_in_dim3A_19 = vector.broadcast %broadcast_in_dim3A : f32 to vector<16xf32>
      %mul3A = arith.constant 16 : i32
      %mul3A_20 = arith.muli %scan3A_18, %mul3A : i32
      %swap3A = arith.index_cast %mul3A_20 : i32 to index
      %swap3A_21 = tpu.vector_load %arg8[%swap3A] {strides = array<i32>} : memref<128xf32, #tpu.memory_space<vmem>>, vector<16xf32>,
      %swap3A_22 = vector.shape_cast %swap3A_21 : vector<16xf32> to vector<16xf32>
      %swap3A_23 = vector.shape_cast %broadcast_in_dim3A_19 : vector<16xf32> to vector<16xf32>
      tpu.vector_store %arg8[%swap3A], %swap3A_23 {strides = array<i32>} : memref<128xf32, #tpu.memory_space<vmem>>, vector<16xf32>,
    }
    %scan3A_10 = arith.constant 8 : i32
    %eq3A = arith.constant 0 : i32
    "tpu.trace_stop"() : () -> ()
    %eq3A_11 = arith.cmpi eq, %arg0, %eq3A : i32
    %convert_element_type3A = arith.extui %eq3A_11 : i1 to i32
    %cond3A = arith.constant 0 : i32
    %cond3A_12 = arith.cmpi ne, %convert_element_type3A, %cond3A : i32
    scf.if %cond3A_12 {
      %lt3A = arith.constant 15 : i32
      %lt3A_18 = arith.cmpi slt, %arg1, %lt3A : i32
      %mul3A = arith.constant 3128 : i32
      %mul3A_19 = arith.muli %arg1, %mul3A : i32
      %jit3A = arith.constant 46800 : i32
      %select_n3A = arith.select %lt3A_18, %mul3A_19, %jit3A : i32
      %multiple_of3A = tpu.assume_multiple %select_n3A, 8 : i32
      %add3A = arith.constant 0 : i32
      %add3A_20 = arith.addi %multiple_of3A, %add3A : i32
      %add3A_21 = arith.constant 128 : i32
      %add3A_22 = arith.addi %multiple_of3A, %add3A_21 : i32
      %add3A_23 = arith.constant 256 : i32
      %add3A_24 = arith.addi %multiple_of3A, %add3A_23 : i32
      %add3A_25 = arith.constant 384 : i32
      %add3A_26 = arith.addi %multiple_of3A, %add3A_25 : i32
      %add3A_27 = arith.constant 512 : i32
      %add3A_28 = arith.addi %multiple_of3A, %add3A_27 : i32
      %add3A_29 = arith.constant 640 : i32
      %add3A_30 = arith.addi %multiple_of3A, %add3A_29 : i32
      %add3A_31 = arith.constant 768 : i32
      %add3A_32 = arith.addi %multiple_of3A, %add3A_31 : i32
      %add3A_33 = arith.constant 896 : i32
      %add3A_34 = arith.addi %multiple_of3A, %add3A_33 : i32
      %add3A_35 = arith.constant 1024 : i32
      %add3A_36 = arith.addi %multiple_of3A, %add3A_35 : i32
      %add3A_37 = arith.constant 1152 : i32
      %add3A_38 = arith.addi %multiple_of3A, %add3A_37 : i32
      %add3A_39 = arith.constant 1280 : i32
      %add3A_40 = arith.addi %multiple_of3A, %add3A_39 : i32
      %add3A_41 = arith.constant 1408 : i32
      %add3A_42 = arith.addi %multiple_of3A, %add3A_41 : i32
      %add3A_43 = arith.constant 1536 : i32
      %add3A_44 = arith.addi %multiple_of3A, %add3A_43 : i32
      %add3A_45 = arith.constant 1664 : i32
      %add3A_46 = arith.addi %multiple_of3A, %add3A_45 : i32
      %add3A_47 = arith.constant 1792 : i32
      %add3A_48 = arith.addi %multiple_of3A, %add3A_47 : i32
      %add3A_49 = arith.constant 1920 : i32
      %add3A_50 = arith.addi %multiple_of3A, %add3A_49 : i32
      %add3A_51 = arith.constant 2048 : i32
      %add3A_52 = arith.addi %multiple_of3A, %add3A_51 : i32
      %add3A_53 = arith.constant 2176 : i32
      %add3A_54 = arith.addi %multiple_of3A, %add3A_53 : i32
      %add3A_55 = arith.constant 2304 : i32
      %add3A_56 = arith.addi %multiple_of3A, %add3A_55 : i32
      %add3A_57 = arith.constant 2432 : i32
      %add3A_58 = arith.addi %multiple_of3A, %add3A_57 : i32
      %add3A_59 = arith.constant 2560 : i32
      %add3A_60 = arith.addi %multiple_of3A, %add3A_59 : i32
      %add3A_61 = arith.constant 2688 : i32
      %add3A_62 = arith.addi %multiple_of3A, %add3A_61 : i32
      %add3A_63 = arith.constant 2816 : i32
      %add3A_64 = arith.addi %multiple_of3A, %add3A_63 : i32
      %add3A_65 = arith.constant 2944 : i32
      %add3A_66 = arith.addi %multiple_of3A, %add3A_65 : i32
      %add3A_67 = arith.constant 3072 : i32
      %add3A_68 = arith.addi %multiple_of3A, %add3A_67 : i32
      %dma_start3A = arith.constant 0 : i32
      %dma_start3A_69 = arith.constant 0 : i32
      %dma_start3A_70 = tpu.memref_slice %arg7[%dma_start3A, %dma_start3A_69] : memref<25x128xi32, #tpu.memory_space<vmem>> -> memref<1x128xi32, #tpu.memory_space<vmem>>
      %dma_start3A_71 = tpu.memref_squeeze %dma_start3A_70 : memref<1x128xi32, #tpu.memory_space<vmem>> -> memref<128xi32, #tpu.memory_space<vmem>>
      %dma_start3A_72 = tpu.memref_slice %arg2[%add3A_20] : memref<50000xi32, #tpu.memory_space<hbm>> -> memref<128xi32, #tpu.memory_space<hbm>>
      %dma_start3A_73 = arith.constant 0 : i32
      %dma_start3A_74 = tpu.memref_slice %arg7[%dma_start3A, %dma_start3A_73] : memref<25x128xi32, #tpu.memory_space<vmem>> -> memref<1x128xi32, #tpu.memory_space<vmem>>
      %dma_start3A_75 = tpu.memref_squeeze %dma_start3A_74 : memref<1x128xi32, #tpu.memory_space<vmem>> -> memref<128xi32, #tpu.memory_space<vmem>>
      %dma_start3A_76 = tpu.memref_slice %arg2[%add3A_20] : memref<50000xi32, #tpu.memory_space<hbm>> -> memref<128xi32, #tpu.memory_space<hbm>>
      tpu.enqueue_dma source(%dma_start3A_76 : memref<128xi32, #tpu.memory_space<hbm>>) target(%dma_start3A_75 : memref<128xi32, #tpu.memory_space<vmem>>) target_semaphore(%arg10 : memref<!tpu.dma_semaphore, #tpu.memory_space<semaphore_mem>>)
      %dma_start3A_77 = arith.constant 1 : i32
      %dma_start3A_78 = arith.constant 0 : i32
      %dma_start3A_79 = tpu.memref_slice %arg7[%dma_start3A_77, %dma_start3A_78] : memref<25x128xi32, #tpu.memory_space<vmem>> -> memref<1x128xi32, #tpu.memory_space<vmem>>
      %dma_start3A_80 = tpu.memref_squeeze %dma_start3A_79 : memref<1x128xi32, #tpu.memory_space<vmem>> -> memref<128xi32, #tpu.memory_space<vmem>>
      %dma_start3A_81 = tpu.memref_slice %arg2[%add3A_22] : memref<50000xi32, #tpu.memory_space<hbm>> -> memref<128xi32, #tpu.memory_space<hbm>>
      %dma_start3A_82 = arith.constant 0 : i32
      %dma_start3A_83 = tpu.memref_slice %arg7[%dma_start3A_77, %dma_start3A_82] : memref<25x128xi32, #tpu.memory_space<vmem>> -> memref<1x128xi32, #tpu.memory_space<vmem>>
      %dma_start3A_84 = tpu.memref_squeeze %dma_start3A_83 : memref<1x128xi32, #tpu.memory_space<vmem>> -> memref<128xi32, #tpu.memory_space<vmem>>
      %dma_start3A_85 = tpu.memref_slice %arg2[%add3A_22] : memref<50000xi32, #tpu.memory_space<hbm>> -> memref<128xi32, #tpu.memory_space<hbm>>
      tpu.enqueue_dma source(%dma_start3A_85 : memref<128xi32, #tpu.memory_space<hbm>>) target(%dma_start3A_84 : memref<128xi32, #tpu.memory_space<vmem>>) target_semaphore(%arg10 : memref<!tpu.dma_semaphore, #tpu.memory_space<semaphore_mem>>)
      %dma_start3A_86 = arith.constant 2 : i32
      %dma_start3A_87 = arith.constant 0 : i32
      %dma_start3A_88 = tpu.memref_slice %arg7[%dma_start3A_86, %dma_start3A_87] : memref<25x128xi32, #tpu.memory_space<vmem>> -> memref<1x128xi32, #tpu.memory_space<vmem>>
      %dma_start3A_89 = tpu.memref_squeeze %dma_start3A_88 : memref<1x128xi32, #tpu.memory_space<vmem>> -> memref<128xi32, #tpu.memory_space<vmem>>
      %dma_start3A_90 = tpu.memref_slice %arg2[%add3A_24] : memref<50000xi32, #tpu.memory_space<hbm>> -> memref<128xi32, #tpu.memory_space<hbm>>
      %dma_start3A_91 = arith.constant 0 : i32
      %dma_start3A_92 = tpu.memref_slice %arg7[%dma_start3A_86, %dma_start3A_91] : memref<25x128xi32, #tpu.memory_space<vmem>> -> memref<1x128xi32, #tpu.memory_space<vmem>>
      %dma_start3A_93 = tpu.memref_squeeze %dma_start3A_92 : memref<1x128xi32, #tpu.memory_space<vmem>> -> memref<128xi32, #tpu.memory_space<vmem>>
      %dma_start3A_94 = tpu.memref_slice %arg2[%add3A_24] : memref<50000xi32, #tpu.memory_space<hbm>> -> memref<128xi32, #tpu.memory_space<hbm>>
      tpu.enqueue_dma source(%dma_start3A_94 : memref<128xi32, #tpu.memory_space<hbm>>) target(%dma_start3A_93 : memref<128xi32, #tpu.memory_space<vmem>>) target_semaphore(%arg10 : memref<!tpu.dma_semaphore, #tpu.memory_space<semaphore_mem>>)
      %dma_start3A_95 = arith.constant 3 : i32
      %dma_start3A_96 = arith.constant 0 : i32
      %dma_start3A_97 = tpu.memref_slice %arg7[%dma_start3A_95, %dma_start3A_96] : memref<25x128xi32, #tpu.memory_space<vmem>> -> memref<1x128xi32, #tpu.memory_space<vmem>>
      %dma_start3A_98 = tpu.memref_squeeze %dma_start3A_97 : memref<1x128xi32, #tpu.memory_space<vmem>> -> memref<128xi32, #tpu.memory_space<vmem>>
      %dma_start3A_99 = tpu.memref_slice %arg2[%add3A_26] : memref<50000xi32, #tpu.memory_space<hbm>> -> memref<128xi32, #tpu.memory_space<hbm>>
      %dma_start3A_100 = arith.constant 0 : i32
      %dma_start3A_101 = tpu.memref_slice %arg7[%dma_start3A_95, %dma_start3A_100] : memref<25x128xi32, #tpu.memory_space<vmem>> -> memref<1x128xi32, #tpu.memory_space<vmem>>
      %dma_start3A_102 = tpu.memref_squeeze %dma_start3A_101 : memref<1x128xi32, #tpu.memory_space<vmem>> -> memref<128xi32, #tpu.memory_space<vmem>>
      %dma_start3A_103 = tpu.memref_slice %arg2[%add3A_26] : memref<50000xi32, #tpu.memory_space<hbm>> -> memref<128xi32, #tpu.memory_space<hbm>>
      tpu.enqueue_dma source(%dma_start3A_103 : memref<128xi32, #tpu.memory_space<hbm>>) target(%dma_start3A_102 : memref<128xi32, #tpu.memory_space<vmem>>) target_semaphore(%arg10 : memref<!tpu.dma_semaphore, #tpu.memory_space<semaphore_mem>>)
      %dma_start3A_104 = arith.constant 4 : i32
      %dma_start3A_105 = arith.constant 0 : i32
      %dma_start3A_106 = tpu.memref_slice %arg7[%dma_start3A_104, %dma_start3A_105] : memref<25x128xi32, #tpu.memory_space<vmem>> -> memref<1x128xi32, #tpu.memory_space<vmem>>
      %dma_start3A_107 = tpu.memref_squeeze %dma_start3A_106 : memref<1x128xi32, #tpu.memory_space<vmem>> -> memref<128xi32, #tpu.memory_space<vmem>>
      %dma_start3A_108 = tpu.memref_slice %arg2[%add3A_28] : memref<50000xi32, #tpu.memory_space<hbm>> -> memref<128xi32, #tpu.memory_space<hbm>>
      %dma_start3A_109 = arith.constant 0 : i32
      %dma_start3A_110 = tpu.memref_slice %arg7[%dma_start3A_104, %dma_start3A_109] : memref<25x128xi32, #tpu.memory_space<vmem>> -> memref<1x128xi32, #tpu.memory_space<vmem>>
      %dma_start3A_111 = tpu.memref_squeeze %dma_start3A_110 : memref<1x128xi32, #tpu.memory_space<vmem>> -> memref<128xi32, #tpu.memory_space<vmem>>
      %dma_start3A_112 = tpu.memref_slice %arg2[%add3A_28] : memref<50000xi32, #tpu.memory_space<hbm>> -> memref<128xi32, #tpu.memory_space<hbm>>
      tpu.enqueue_dma source(%dma_start3A_112 : memref<128xi32, #tpu.memory_space<hbm>>) target(%dma_start3A_111 : memref<128xi32, #tpu.memory_space<vmem>>) target_semaphore(%arg10 : memref<!tpu.dma_semaphore, #tpu.memory_space<semaphore_mem>>)
      %dma_start3A_113 = arith.constant 5 : i32
      %dma_start3A_114 = arith.constant 0 : i32
      %dma_start3A_115 = tpu.memref_slice %arg7[%dma_start3A_113, %dma_start3A_114] : memref<25x128xi32, #tpu.memory_space<vmem>> -> memref<1x128xi32, #tpu.memory_space<vmem>>
      %dma_start3A_116 = tpu.memref_squeeze %dma_start3A_115 : memref<1x128xi32, #tpu.memory_space<vmem>> -> memref<128xi32, #tpu.memory_space<vmem>>
      %dma_start3A_117 = tpu.memref_slice %arg2[%add3A_30] : memref<50000xi32, #tpu.memory_space<hbm>> -> memref<128xi32, #tpu.memory_space<hbm>>
      %dma_start3A_118 = arith.constant 0 : i32
      %dma_start3A_119 = tpu.memref_slice %arg7[%dma_start3A_113, %dma_start3A_118] : memref<25x128xi32, #tpu.memory_space<vmem>> -> memref<1x128xi32, #tpu.memory_space<vmem>>
      %dma_start3A_120 = tpu.memref_squeeze %dma_start3A_119 : memref<1x128xi32, #tpu.memory_space<vmem>> -> memref<128xi32, #tpu.memory_space<vmem>>
      %dma_start3A_121 = tpu.memref_slice %arg2[%add3A_30] : memref<50000xi32, #tpu.memory_space<hbm>> -> memref<128xi32, #tpu.memory_space<hbm>>
      tpu.enqueue_dma source(%dma_start3A_121 : memref<128xi32, #tpu.memory_space<hbm>>) target(%dma_start3A_120 : memref<128xi32, #tpu.memory_space<vmem>>) target_semaphore(%arg10 : memref<!tpu.dma_semaphore, #tpu.memory_space<semaphore_mem>>)
      %dma_start3A_122 = arith.constant 6 : i32
      %dma_start3A_123 = arith.constant 0 : i32
      %dma_start3A_124 = tpu.memref_slice %arg7[%dma_start3A_122, %dma_start3A_123] : memref<25x128xi32, #tpu.memory_space<vmem>> -> memref<1x128xi32, #tpu.memory_space<vmem>>
      %dma_start3A_125 = tpu.memref_squeeze %dma_start3A_124 : memref<1x128xi32, #tpu.memory_space<vmem>> -> memref<128xi32, #tpu.memory_space<vmem>>
      %dma_start3A_126 = tpu.memref_slice %arg2[%add3A_32] : memref<50000xi32, #tpu.memory_space<hbm>> -> memref<128xi32, #tpu.memory_space<hbm>>
      %dma_start3A_127 = arith.constant 0 : i32
      %dma_start3A_128 = tpu.memref_slice %arg7[%dma_start3A_122, %dma_start3A_127] : memref<25x128xi32, #tpu.memory_space<vmem>> -> memref<1x128xi32, #tpu.memory_space<vmem>>
      %dma_start3A_129 = tpu.memref_squeeze %dma_start3A_128 : memref<1x128xi32, #tpu.memory_space<vmem>> -> memref<128xi32, #tpu.memory_space<vmem>>
      %dma_start3A_130 = tpu.memref_slice %arg2[%add3A_32] : memref<50000xi32, #tpu.memory_space<hbm>> -> memref<128xi32, #tpu.memory_space<hbm>>
      tpu.enqueue_dma source(%dma_start3A_130 : memref<128xi32, #tpu.memory_space<hbm>>) target(%dma_start3A_129 : memref<128xi32, #tpu.memory_space<vmem>>) target_semaphore(%arg10 : memref<!tpu.dma_semaphore, #tpu.memory_space<semaphore_mem>>)
      %dma_start3A_131 = arith.constant 7 : i32
      %dma_start3A_132 = arith.constant 0 : i32
      %dma_start3A_133 = tpu.memref_slice %arg7[%dma_start3A_131, %dma_start3A_132] : memref<25x128xi32, #tpu.memory_space<vmem>> -> memref<1x128xi32, #tpu.memory_space<vmem>>
      %dma_start3A_134 = tpu.memref_squeeze %dma_start3A_133 : memref<1x128xi32, #tpu.memory_space<vmem>> -> memref<128xi32, #tpu.memory_space<vmem>>
      %dma_start3A_135 = tpu.memref_slice %arg2[%add3A_34] : memref<50000xi32, #tpu.memory_space<hbm>> -> memref<128xi32, #tpu.memory_space<hbm>>
      %dma_start3A_136 = arith.constant 0 : i32
      %dma_start3A_137 = tpu.memref_slice %arg7[%dma_start3A_131, %dma_start3A_136] : memref<25x128xi32, #tpu.memory_space<vmem>> -> memref<1x128xi32, #tpu.memory_space<vmem>>
      %dma_start3A_138 = tpu.memref_squeeze %dma_start3A_137 : memref<1x128xi32, #tpu.memory_space<vmem>> -> memref<128xi32, #tpu.memory_space<vmem>>
      %dma_start3A_139 = tpu.memref_slice %arg2[%add3A_34] : memref<50000xi32, #tpu.memory_space<hbm>> -> memref<128xi32, #tpu.memory_space<hbm>>
      tpu.enqueue_dma source(%dma_start3A_139 : memref<128xi32, #tpu.memory_space<hbm>>) target(%dma_start3A_138 : memref<128xi32, #tpu.memory_space<vmem>>) target_semaphore(%arg10 : memref<!tpu.dma_semaphore, #tpu.memory_space<semaphore_mem>>)
      %dma_start3A_140 = arith.constant 8 : i32
      %dma_start3A_141 = arith.constant 0 : i32
      %dma_start3A_142 = tpu.memref_slice %arg7[%dma_start3A_140, %dma_start3A_141] : memref<25x128xi32, #tpu.memory_space<vmem>> -> memref<1x128xi32, #tpu.memory_space<vmem>>
      %dma_start3A_143 = tpu.memref_squeeze %dma_start3A_142 : memref<1x128xi32, #tpu.memory_space<vmem>> -> memref<128xi32, #tpu.memory_space<vmem>>
      %dma_start3A_144 = tpu.memref_slice %arg2[%add3A_36] : memref<50000xi32, #tpu.memory_space<hbm>> -> memref<128xi32, #tpu.memory_space<hbm>>
      %dma_start3A_145 = arith.constant 0 : i32
      %dma_start3A_146 = tpu.memref_slice %arg7[%dma_start3A_140, %dma_start3A_145] : memref<25x128xi32, #tpu.memory_space<vmem>> -> memref<1x128xi32, #tpu.memory_space<vmem>>
      %dma_start3A_147 = tpu.memref_squeeze %dma_start3A_146 : memref<1x128xi32, #tpu.memory_space<vmem>> -> memref<128xi32, #tpu.memory_space<vmem>>
      %dma_start3A_148 = tpu.memref_slice %arg2[%add3A_36] : memref<50000xi32, #tpu.memory_space<hbm>> -> memref<128xi32, #tpu.memory_space<hbm>>
      tpu.enqueue_dma source(%dma_start3A_148 : memref<128xi32, #tpu.memory_space<hbm>>) target(%dma_start3A_147 : memref<128xi32, #tpu.memory_space<vmem>>) target_semaphore(%arg10 : memref<!tpu.dma_semaphore, #tpu.memory_space<semaphore_mem>>)
      %dma_start3A_149 = arith.constant 9 : i32
      %dma_start3A_150 = arith.constant 0 : i32
      %dma_start3A_151 = tpu.memref_slice %arg7[%dma_start3A_149, %dma_start3A_150] : memref<25x128xi32, #tpu.memory_space<vmem>> -> memref<1x128xi32, #tpu.memory_space<vmem>>
      %dma_start3A_152 = tpu.memref_squeeze %dma_start3A_151 : memref<1x128xi32, #tpu.memory_space<vmem>> -> memref<128xi32, #tpu.memory_space<vmem>>
      %dma_start3A_153 = tpu.memref_slice %arg2[%add3A_38] : memref<50000xi32, #tpu.memory_space<hbm>> -> memref<128xi32, #tpu.memory_space<hbm>>
      %dma_start3A_154 = arith.constant 0 : i32
      %dma_start3A_155 = tpu.memref_slice %arg7[%dma_start3A_149, %dma_start3A_154] : memref<25x128xi32, #tpu.memory_space<vmem>> -> memref<1x128xi32, #tpu.memory_space<vmem>>
      %dma_start3A_156 = tpu.memref_squeeze %dma_start3A_155 : memref<1x128xi32, #tpu.memory_space<vmem>> -> memref<128xi32, #tpu.memory_space<vmem>>
      %dma_start3A_157 = tpu.memref_slice %arg2[%add3A_38] : memref<50000xi32, #tpu.memory_space<hbm>> -> memref<128xi32, #tpu.memory_space<hbm>>
      tpu.enqueue_dma source(%dma_start3A_157 : memref<128xi32, #tpu.memory_space<hbm>>) target(%dma_start3A_156 : memref<128xi32, #tpu.memory_space<vmem>>) target_semaphore(%arg10 : memref<!tpu.dma_semaphore, #tpu.memory_space<semaphore_mem>>)
      %dma_start3A_158 = arith.constant 10 : i32
      %dma_start3A_159 = arith.constant 0 : i32
      %dma_start3A_160 = tpu.memref_slice %arg7[%dma_start3A_158, %dma_start3A_159] : memref<25x128xi32, #tpu.memory_space<vmem>> -> memref<1x128xi32, #tpu.memory_space<vmem>>
      %dma_start3A_161 = tpu.memref_squeeze %dma_start3A_160 : memref<1x128xi32, #tpu.memory_space<vmem>> -> memref<128xi32, #tpu.memory_space<vmem>>
      %dma_start3A_162 = tpu.memref_slice %arg2[%add3A_40] : memref<50000xi32, #tpu.memory_space<hbm>> -> memref<128xi32, #tpu.memory_space<hbm>>
      %dma_start3A_163 = arith.constant 0 : i32
      %dma_start3A_164 = tpu.memref_slice %arg7[%dma_start3A_158, %dma_start3A_163] : memref<25x128xi32, #tpu.memory_space<vmem>> -> memref<1x128xi32, #tpu.memory_space<vmem>>
      %dma_start3A_165 = tpu.memref_squeeze %dma_start3A_164 : memref<1x128xi32, #tpu.memory_space<vmem>> -> memref<128xi32, #tpu.memory_space<vmem>>
      %dma_start3A_166 = tpu.memref_slice %arg2[%add3A_40] : memref<50000xi32, #tpu.memory_space<hbm>> -> memref<128xi32, #tpu.memory_space<hbm>>
      tpu.enqueue_dma source(%dma_start3A_166 : memref<128xi32, #tpu.memory_space<hbm>>) target(%dma_start3A_165 : memref<128xi32, #tpu.memory_space<vmem>>) target_semaphore(%arg10 : memref<!tpu.dma_semaphore, #tpu.memory_space<semaphore_mem>>)
      %dma_start3A_167 = arith.constant 11 : i32
      %dma_start3A_168 = arith.constant 0 : i32
      %dma_start3A_169 = tpu.memref_slice %arg7[%dma_start3A_167, %dma_start3A_168] : memref<25x128xi32, #tpu.memory_space<vmem>> -> memref<1x128xi32, #tpu.memory_space<vmem>>
      %dma_start3A_170 = tpu.memref_squeeze %dma_start3A_169 : memref<1x128xi32, #tpu.memory_space<vmem>> -> memref<128xi32, #tpu.memory_space<vmem>>
      %dma_start3A_171 = tpu.memref_slice %arg2[%add3A_42] : memref<50000xi32, #tpu.memory_space<hbm>> -> memref<128xi32, #tpu.memory_space<hbm>>
      %dma_start3A_172 = arith.constant 0 : i32
      %dma_start3A_173 = tpu.memref_slice %arg7[%dma_start3A_167, %dma_start3A_172] : memref<25x128xi32, #tpu.memory_space<vmem>> -> memref<1x128xi32, #tpu.memory_space<vmem>>
      %dma_start3A_174 = tpu.memref_squeeze %dma_start3A_173 : memref<1x128xi32, #tpu.memory_space<vmem>> -> memref<128xi32, #tpu.memory_space<vmem>>
      %dma_start3A_175 = tpu.memref_slice %arg2[%add3A_42] : memref<50000xi32, #tpu.memory_space<hbm>> -> memref<128xi32, #tpu.memory_space<hbm>>
      tpu.enqueue_dma source(%dma_start3A_175 : memref<128xi32, #tpu.memory_space<hbm>>) target(%dma_start3A_174 : memref<128xi32, #tpu.memory_space<vmem>>) target_semaphore(%arg10 : memref<!tpu.dma_semaphore, #tpu.memory_space<semaphore_mem>>)
      %dma_start3A_176 = arith.constant 12 : i32
      %dma_start3A_177 = arith.constant 0 : i32
      %dma_start3A_178 = tpu.memref_slice %arg7[%dma_start3A_176, %dma_start3A_177] : memref<25x128xi32, #tpu.memory_space<vmem>> -> memref<1x128xi32, #tpu.memory_space<vmem>>
      %dma_start3A_179 = tpu.memref_squeeze %dma_start3A_178 : memref<1x128xi32, #tpu.memory_space<vmem>> -> memref<128xi32, #tpu.memory_space<vmem>>
      %dma_start3A_180 = tpu.memref_slice %arg2[%add3A_44] : memref<50000xi32, #tpu.memory_space<hbm>> -> memref<128xi32, #tpu.memory_space<hbm>>
      %dma_start3A_181 = arith.constant 0 : i32
      %dma_start3A_182 = tpu.memref_slice %arg7[%dma_start3A_176, %dma_start3A_181] : memref<25x128xi32, #tpu.memory_space<vmem>> -> memref<1x128xi32, #tpu.memory_space<vmem>>
      %dma_start3A_183 = tpu.memref_squeeze %dma_start3A_182 : memref<1x128xi32, #tpu.memory_space<vmem>> -> memref<128xi32, #tpu.memory_space<vmem>>
      %dma_start3A_184 = tpu.memref_slice %arg2[%add3A_44] : memref<50000xi32, #tpu.memory_space<hbm>> -> memref<128xi32, #tpu.memory_space<hbm>>
      tpu.enqueue_dma source(%dma_start3A_184 : memref<128xi32, #tpu.memory_space<hbm>>) target(%dma_start3A_183 : memref<128xi32, #tpu.memory_space<vmem>>) target_semaphore(%arg10 : memref<!tpu.dma_semaphore, #tpu.memory_space<semaphore_mem>>)
      %dma_start3A_185 = arith.constant 13 : i32
      %dma_start3A_186 = arith.constant 0 : i32
      %dma_start3A_187 = tpu.memref_slice %arg7[%dma_start3A_185, %dma_start3A_186] : memref<25x128xi32, #tpu.memory_space<vmem>> -> memref<1x128xi32, #tpu.memory_space<vmem>>
      %dma_start3A_188 = tpu.memref_squeeze %dma_start3A_187 : memref<1x128xi32, #tpu.memory_space<vmem>> -> memref<128xi32, #tpu.memory_space<vmem>>
      %dma_start3A_189 = tpu.memref_slice %arg2[%add3A_46] : memref<50000xi32, #tpu.memory_space<hbm>> -> memref<128xi32, #tpu.memory_space<hbm>>
      %dma_start3A_190 = arith.constant 0 : i32
      %dma_start3A_191 = tpu.memref_slice %arg7[%dma_start3A_185, %dma_start3A_190] : memref<25x128xi32, #tpu.memory_space<vmem>> -> memref<1x128xi32, #tpu.memory_space<vmem>>
      %dma_start3A_192 = tpu.memref_squeeze %dma_start3A_191 : memref<1x128xi32, #tpu.memory_space<vmem>> -> memref<128xi32, #tpu.memory_space<vmem>>
      %dma_start3A_193 = tpu.memref_slice %arg2[%add3A_46] : memref<50000xi32, #tpu.memory_space<hbm>> -> memref<128xi32, #tpu.memory_space<hbm>>
      tpu.enqueue_dma source(%dma_start3A_193 : memref<128xi32, #tpu.memory_space<hbm>>) target(%dma_start3A_192 : memref<128xi32, #tpu.memory_space<vmem>>) target_semaphore(%arg10 : memref<!tpu.dma_semaphore, #tpu.memory_space<semaphore_mem>>)
      %dma_start3A_194 = arith.constant 14 : i32
      %dma_start3A_195 = arith.constant 0 : i32
      %dma_start3A_196 = tpu.memref_slice %arg7[%dma_start3A_194, %dma_start3A_195] : memref<25x128xi32, #tpu.memory_space<vmem>> -> memref<1x128xi32, #tpu.memory_space<vmem>>
      %dma_start3A_197 = tpu.memref_squeeze %dma_start3A_196 : memref<1x128xi32, #tpu.memory_space<vmem>> -> memref<128xi32, #tpu.memory_space<vmem>>
      %dma_start3A_198 = tpu.memref_slice %arg2[%add3A_48] : memref<50000xi32, #tpu.memory_space<hbm>> -> memref<128xi32, #tpu.memory_space<hbm>>
      %dma_start3A_199 = arith.constant 0 : i32
      %dma_start3A_200 = tpu.memref_slice %arg7[%dma_start3A_194, %dma_start3A_199] : memref<25x128xi32, #tpu.memory_space<vmem>> -> memref<1x128xi32, #tpu.memory_space<vmem>>
      %dma_start3A_201 = tpu.memref_squeeze %dma_start3A_200 : memref<1x128xi32, #tpu.memory_space<vmem>> -> memref<128xi32, #tpu.memory_space<vmem>>
      %dma_start3A_202 = tpu.memref_slice %arg2[%add3A_48] : memref<50000xi32, #tpu.memory_space<hbm>> -> memref<128xi32, #tpu.memory_space<hbm>>
      tpu.enqueue_dma source(%dma_start3A_202 : memref<128xi32, #tpu.memory_space<hbm>>) target(%dma_start3A_201 : memref<128xi32, #tpu.memory_space<vmem>>) target_semaphore(%arg10 : memref<!tpu.dma_semaphore, #tpu.memory_space<semaphore_mem>>)
      %dma_start3A_203 = arith.constant 15 : i32
      %dma_start3A_204 = arith.constant 0 : i32
      %dma_start3A_205 = tpu.memref_slice %arg7[%dma_start3A_203, %dma_start3A_204] : memref<25x128xi32, #tpu.memory_space<vmem>> -> memref<1x128xi32, #tpu.memory_space<vmem>>
      %dma_start3A_206 = tpu.memref_squeeze %dma_start3A_205 : memref<1x128xi32, #tpu.memory_space<vmem>> -> memref<128xi32, #tpu.memory_space<vmem>>
      %dma_start3A_207 = tpu.memref_slice %arg2[%add3A_50] : memref<50000xi32, #tpu.memory_space<hbm>> -> memref<128xi32, #tpu.memory_space<hbm>>
      %dma_start3A_208 = arith.constant 0 : i32
      %dma_start3A_209 = tpu.memref_slice %arg7[%dma_start3A_203, %dma_start3A_208] : memref<25x128xi32, #tpu.memory_space<vmem>> -> memref<1x128xi32, #tpu.memory_space<vmem>>
      %dma_start3A_210 = tpu.memref_squeeze %dma_start3A_209 : memref<1x128xi32, #tpu.memory_space<vmem>> -> memref<128xi32, #tpu.memory_space<vmem>>
      %dma_start3A_211 = tpu.memref_slice %arg2[%add3A_50] : memref<50000xi32, #tpu.memory_space<hbm>> -> memref<128xi32, #tpu.memory_space<hbm>>
      tpu.enqueue_dma source(%dma_start3A_211 : memref<128xi32, #tpu.memory_space<hbm>>) target(%dma_start3A_210 : memref<128xi32, #tpu.memory_space<vmem>>) target_semaphore(%arg10 : memref<!tpu.dma_semaphore, #tpu.memory_space<semaphore_mem>>)
      %dma_start3A_212 = arith.constant 16 : i32
      %dma_start3A_213 = arith.constant 0 : i32
      %dma_start3A_214 = tpu.memref_slice %arg7[%dma_start3A_212, %dma_start3A_213] : memref<25x128xi32, #tpu.memory_space<vmem>> -> memref<1x128xi32, #tpu.memory_space<vmem>>
      %dma_start3A_215 = tpu.memref_squeeze %dma_start3A_214 : memref<1x128xi32, #tpu.memory_space<vmem>> -> memref<128xi32, #tpu.memory_space<vmem>>
      %dma_start3A_216 = tpu.memref_slice %arg2[%add3A_52] : memref<50000xi32, #tpu.memory_space<hbm>> -> memref<128xi32, #tpu.memory_space<hbm>>
      %dma_start3A_217 = arith.constant 0 : i32
      %dma_start3A_218 = tpu.memref_slice %arg7[%dma_start3A_212, %dma_start3A_217] : memref<25x128xi32, #tpu.memory_space<vmem>> -> memref<1x128xi32, #tpu.memory_space<vmem>>
      %dma_start3A_219 = tpu.memref_squeeze %dma_start3A_218 : memref<1x128xi32, #tpu.memory_space<vmem>> -> memref<128xi32, #tpu.memory_space<vmem>>
      %dma_start3A_220 = tpu.memref_slice %arg2[%add3A_52] : memref<50000xi32, #tpu.memory_space<hbm>> -> memref<128xi32, #tpu.memory_space<hbm>>
      tpu.enqueue_dma source(%dma_start3A_220 : memref<128xi32, #tpu.memory_space<hbm>>) target(%dma_start3A_219 : memref<128xi32, #tpu.memory_space<vmem>>) target_semaphore(%arg10 : memref<!tpu.dma_semaphore, #tpu.memory_space<semaphore_mem>>)
      %dma_start3A_221 = arith.constant 17 : i32
      %dma_start3A_222 = arith.constant 0 : i32
      %dma_start3A_223 = tpu.memref_slice %arg7[%dma_start3A_221, %dma_start3A_222] : memref<25x128xi32, #tpu.memory_space<vmem>> -> memref<1x128xi32, #tpu.memory_space<vmem>>
      %dma_start3A_224 = tpu.memref_squeeze %dma_start3A_223 : memref<1x128xi32, #tpu.memory_space<vmem>> -> memref<128xi32, #tpu.memory_space<vmem>>
      %dma_start3A_225 = tpu.memref_slice %arg2[%add3A_54] : memref<50000xi32, #tpu.memory_space<hbm>> -> memref<128xi32, #tpu.memory_space<hbm>>
      %dma_start3A_226 = arith.constant 0 : i32
      %dma_start3A_227 = tpu.memref_slice %arg7[%dma_start3A_221, %dma_start3A_226] : memref<25x128xi32, #tpu.memory_space<vmem>> -> memref<1x128xi32, #tpu.memory_space<vmem>>
      %dma_start3A_228 = tpu.memref_squeeze %dma_start3A_227 : memref<1x128xi32, #tpu.memory_space<vmem>> -> memref<128xi32, #tpu.memory_space<vmem>>
      %dma_start3A_229 = tpu.memref_slice %arg2[%add3A_54] : memref<50000xi32, #tpu.memory_space<hbm>> -> memref<128xi32, #tpu.memory_space<hbm>>
      tpu.enqueue_dma source(%dma_start3A_229 : memref<128xi32, #tpu.memory_space<hbm>>) target(%dma_start3A_228 : memref<128xi32, #tpu.memory_space<vmem>>) target_semaphore(%arg10 : memref<!tpu.dma_semaphore, #tpu.memory_space<semaphore_mem>>)
      %dma_start3A_230 = arith.constant 18 : i32
      %dma_start3A_231 = arith.constant 0 : i32
      %dma_start3A_232 = tpu.memref_slice %arg7[%dma_start3A_230, %dma_start3A_231] : memref<25x128xi32, #tpu.memory_space<vmem>> -> memref<1x128xi32, #tpu.memory_space<vmem>>
      %dma_start3A_233 = tpu.memref_squeeze %dma_start3A_232 : memref<1x128xi32, #tpu.memory_space<vmem>> -> memref<128xi32, #tpu.memory_space<vmem>>
      %dma_start3A_234 = tpu.memref_slice %arg2[%add3A_56] : memref<50000xi32, #tpu.memory_space<hbm>> -> memref<128xi32, #tpu.memory_space<hbm>>
      %dma_start3A_235 = arith.constant 0 : i32
      %dma_start3A_236 = tpu.memref_slice %arg7[%dma_start3A_230, %dma_start3A_235] : memref<25x128xi32, #tpu.memory_space<vmem>> -> memref<1x128xi32, #tpu.memory_space<vmem>>
      %dma_start3A_237 = tpu.memref_squeeze %dma_start3A_236 : memref<1x128xi32, #tpu.memory_space<vmem>> -> memref<128xi32, #tpu.memory_space<vmem>>
      %dma_start3A_238 = tpu.memref_slice %arg2[%add3A_56] : memref<50000xi32, #tpu.memory_space<hbm>> -> memref<128xi32, #tpu.memory_space<hbm>>
      tpu.enqueue_dma source(%dma_start3A_238 : memref<128xi32, #tpu.memory_space<hbm>>) target(%dma_start3A_237 : memref<128xi32, #tpu.memory_space<vmem>>) target_semaphore(%arg10 : memref<!tpu.dma_semaphore, #tpu.memory_space<semaphore_mem>>)
      %dma_start3A_239 = arith.constant 19 : i32
      %dma_start3A_240 = arith.constant 0 : i32
      %dma_start3A_241 = tpu.memref_slice %arg7[%dma_start3A_239, %dma_start3A_240] : memref<25x128xi32, #tpu.memory_space<vmem>> -> memref<1x128xi32, #tpu.memory_space<vmem>>
      %dma_start3A_242 = tpu.memref_squeeze %dma_start3A_241 : memref<1x128xi32, #tpu.memory_space<vmem>> -> memref<128xi32, #tpu.memory_space<vmem>>
      %dma_start3A_243 = tpu.memref_slice %arg2[%add3A_58] : memref<50000xi32, #tpu.memory_space<hbm>> -> memref<128xi32, #tpu.memory_space<hbm>>
      %dma_start3A_244 = arith.constant 0 : i32
      %dma_start3A_245 = tpu.memref_slice %arg7[%dma_start3A_239, %dma_start3A_244] : memref<25x128xi32, #tpu.memory_space<vmem>> -> memref<1x128xi32, #tpu.memory_space<vmem>>
      %dma_start3A_246 = tpu.memref_squeeze %dma_start3A_245 : memref<1x128xi32, #tpu.memory_space<vmem>> -> memref<128xi32, #tpu.memory_space<vmem>>
      %dma_start3A_247 = tpu.memref_slice %arg2[%add3A_58] : memref<50000xi32, #tpu.memory_space<hbm>> -> memref<128xi32, #tpu.memory_space<hbm>>
      tpu.enqueue_dma source(%dma_start3A_247 : memref<128xi32, #tpu.memory_space<hbm>>) target(%dma_start3A_246 : memref<128xi32, #tpu.memory_space<vmem>>) target_semaphore(%arg10 : memref<!tpu.dma_semaphore, #tpu.memory_space<semaphore_mem>>)
      %dma_start3A_248 = arith.constant 20 : i32
      %dma_start3A_249 = arith.constant 0 : i32
      %dma_start3A_250 = tpu.memref_slice %arg7[%dma_start3A_248, %dma_start3A_249] : memref<25x128xi32, #tpu.memory_space<vmem>> -> memref<1x128xi32, #tpu.memory_space<vmem>>
      %dma_start3A_251 = tpu.memref_squeeze %dma_start3A_250 : memref<1x128xi32, #tpu.memory_space<vmem>> -> memref<128xi32, #tpu.memory_space<vmem>>
      %dma_start3A_252 = tpu.memref_slice %arg2[%add3A_60] : memref<50000xi32, #tpu.memory_space<hbm>> -> memref<128xi32, #tpu.memory_space<hbm>>
      %dma_start3A_253 = arith.constant 0 : i32
      %dma_start3A_254 = tpu.memref_slice %arg7[%dma_start3A_248, %dma_start3A_253] : memref<25x128xi32, #tpu.memory_space<vmem>> -> memref<1x128xi32, #tpu.memory_space<vmem>>
      %dma_start3A_255 = tpu.memref_squeeze %dma_start3A_254 : memref<1x128xi32, #tpu.memory_space<vmem>> -> memref<128xi32, #tpu.memory_space<vmem>>
      %dma_start3A_256 = tpu.memref_slice %arg2[%add3A_60] : memref<50000xi32, #tpu.memory_space<hbm>> -> memref<128xi32, #tpu.memory_space<hbm>>
      tpu.enqueue_dma source(%dma_start3A_256 : memref<128xi32, #tpu.memory_space<hbm>>) target(%dma_start3A_255 : memref<128xi32, #tpu.memory_space<vmem>>) target_semaphore(%arg10 : memref<!tpu.dma_semaphore, #tpu.memory_space<semaphore_mem>>)
      %dma_start3A_257 = arith.constant 21 : i32
      %dma_start3A_258 = arith.constant 0 : i32
      %dma_start3A_259 = tpu.memref_slice %arg7[%dma_start3A_257, %dma_start3A_258] : memref<25x128xi32, #tpu.memory_space<vmem>> -> memref<1x128xi32, #tpu.memory_space<vmem>>
      %dma_start3A_260 = tpu.memref_squeeze %dma_start3A_259 : memref<1x128xi32, #tpu.memory_space<vmem>> -> memref<128xi32, #tpu.memory_space<vmem>>
      %dma_start3A_261 = tpu.memref_slice %arg2[%add3A_62] : memref<50000xi32, #tpu.memory_space<hbm>> -> memref<128xi32, #tpu.memory_space<hbm>>
      %dma_start3A_262 = arith.constant 0 : i32
      %dma_start3A_263 = tpu.memref_slice %arg7[%dma_start3A_257, %dma_start3A_262] : memref<25x128xi32, #tpu.memory_space<vmem>> -> memref<1x128xi32, #tpu.memory_space<vmem>>
      %dma_start3A_264 = tpu.memref_squeeze %dma_start3A_263 : memref<1x128xi32, #tpu.memory_space<vmem>> -> memref<128xi32, #tpu.memory_space<vmem>>
      %dma_start3A_265 = tpu.memref_slice %arg2[%add3A_62] : memref<50000xi32, #tpu.memory_space<hbm>> -> memref<128xi32, #tpu.memory_space<hbm>>
      tpu.enqueue_dma source(%dma_start3A_265 : memref<128xi32, #tpu.memory_space<hbm>>) target(%dma_start3A_264 : memref<128xi32, #tpu.memory_space<vmem>>) target_semaphore(%arg10 : memref<!tpu.dma_semaphore, #tpu.memory_space<semaphore_mem>>)
      %dma_start3A_266 = arith.constant 22 : i32
      %dma_start3A_267 = arith.constant 0 : i32
      %dma_start3A_268 = tpu.memref_slice %arg7[%dma_start3A_266, %dma_start3A_267] : memref<25x128xi32, #tpu.memory_space<vmem>> -> memref<1x128xi32, #tpu.memory_space<vmem>>
      %dma_start3A_269 = tpu.memref_squeeze %dma_start3A_268 : memref<1x128xi32, #tpu.memory_space<vmem>> -> memref<128xi32, #tpu.memory_space<vmem>>
      %dma_start3A_270 = tpu.memref_slice %arg2[%add3A_64] : memref<50000xi32, #tpu.memory_space<hbm>> -> memref<128xi32, #tpu.memory_space<hbm>>
      %dma_start3A_271 = arith.constant 0 : i32
      %dma_start3A_272 = tpu.memref_slice %arg7[%dma_start3A_266, %dma_start3A_271] : memref<25x128xi32, #tpu.memory_space<vmem>> -> memref<1x128xi32, #tpu.memory_space<vmem>>
      %dma_start3A_273 = tpu.memref_squeeze %dma_start3A_272 : memref<1x128xi32, #tpu.memory_space<vmem>> -> memref<128xi32, #tpu.memory_space<vmem>>
      %dma_start3A_274 = tpu.memref_slice %arg2[%add3A_64] : memref<50000xi32, #tpu.memory_space<hbm>> -> memref<128xi32, #tpu.memory_space<hbm>>
      tpu.enqueue_dma source(%dma_start3A_274 : memref<128xi32, #tpu.memory_space<hbm>>) target(%dma_start3A_273 : memref<128xi32, #tpu.memory_space<vmem>>) target_semaphore(%arg10 : memref<!tpu.dma_semaphore, #tpu.memory_space<semaphore_mem>>)
      %dma_start3A_275 = arith.constant 23 : i32
      %dma_start3A_276 = arith.constant 0 : i32
      %dma_start3A_277 = tpu.memref_slice %arg7[%dma_start3A_275, %dma_start3A_276] : memref<25x128xi32, #tpu.memory_space<vmem>> -> memref<1x128xi32, #tpu.memory_space<vmem>>
      %dma_start3A_278 = tpu.memref_squeeze %dma_start3A_277 : memref<1x128xi32, #tpu.memory_space<vmem>> -> memref<128xi32, #tpu.memory_space<vmem>>
      %dma_start3A_279 = tpu.memref_slice %arg2[%add3A_66] : memref<50000xi32, #tpu.memory_space<hbm>> -> memref<128xi32, #tpu.memory_space<hbm>>
      %dma_start3A_280 = arith.constant 0 : i32
      %dma_start3A_281 = tpu.memref_slice %arg7[%dma_start3A_275, %dma_start3A_280] : memref<25x128xi32, #tpu.memory_space<vmem>> -> memref<1x128xi32, #tpu.memory_space<vmem>>
      %dma_start3A_282 = tpu.memref_squeeze %dma_start3A_281 : memref<1x128xi32, #tpu.memory_space<vmem>> -> memref<128xi32, #tpu.memory_space<vmem>>
      %dma_start3A_283 = tpu.memref_slice %arg2[%add3A_66] : memref<50000xi32, #tpu.memory_space<hbm>> -> memref<128xi32, #tpu.memory_space<hbm>>
      tpu.enqueue_dma source(%dma_start3A_283 : memref<128xi32, #tpu.memory_space<hbm>>) target(%dma_start3A_282 : memref<128xi32, #tpu.memory_space<vmem>>) target_semaphore(%arg10 : memref<!tpu.dma_semaphore, #tpu.memory_space<semaphore_mem>>)
      %dma_start3A_284 = arith.constant 24 : i32
      %dma_start3A_285 = arith.constant 0 : i32
      %dma_start3A_286 = tpu.memref_slice %arg7[%dma_start3A_284, %dma_start3A_285] : memref<25x128xi32, #tpu.memory_space<vmem>> -> memref<1x128xi32, #tpu.memory_space<vmem>>
      %dma_start3A_287 = tpu.memref_squeeze %dma_start3A_286 : memref<1x128xi32, #tpu.memory_space<vmem>> -> memref<128xi32, #tpu.memory_space<vmem>>
      %dma_start3A_288 = tpu.memref_slice %arg2[%add3A_68] : memref<50000xi32, #tpu.memory_space<hbm>> -> memref<128xi32, #tpu.memory_space<hbm>>
      %dma_start3A_289 = arith.constant 0 : i32
      %dma_start3A_290 = tpu.memref_slice %arg7[%dma_start3A_284, %dma_start3A_289] : memref<25x128xi32, #tpu.memory_space<vmem>> -> memref<1x128xi32, #tpu.memory_space<vmem>>
      %dma_start3A_291 = tpu.memref_squeeze %dma_start3A_290 : memref<1x128xi32, #tpu.memory_space<vmem>> -> memref<128xi32, #tpu.memory_space<vmem>>
      %dma_start3A_292 = tpu.memref_slice %arg2[%add3A_68] : memref<50000xi32, #tpu.memory_space<hbm>> -> memref<128xi32, #tpu.memory_space<hbm>>
      tpu.enqueue_dma source(%dma_start3A_292 : memref<128xi32, #tpu.memory_space<hbm>>) target(%dma_start3A_291 : memref<128xi32, #tpu.memory_space<vmem>>) target_semaphore(%arg10 : memref<!tpu.dma_semaphore, #tpu.memory_space<semaphore_mem>>)
      %lt3A_293 = arith.constant 15 : i32
      "tpu.trace_start"() <{level = 10 : i32, message = "zero_phase"}> : () -> ()
      %lt3A_294 = arith.cmpi slt, %arg1, %lt3A_293 : i32
      %convert_element_type3A_295 = arith.extui %lt3A_294 : i1 to i32
      %cond3A_296 = arith.constant 0 : i32
      %cond3A_297 = arith.cmpi ne, %convert_element_type3A_295, %cond3A_296 : i32
      scf.if %cond3A_297 {
        %mul3A_838 = arith.constant 6256 : i32
        %mul3A_839 = arith.muli %arg1, %mul3A_838 : i32
        "tpu.region"() ({
          %run_scoped3A = tpu.sem_alloc : memref<!tpu.dma_semaphore, #tpu.memory_space<semaphore_mem>>
          %dma_start3A_840 = tpu.memref_slice %arg9[%mul3A_839] : memref<100000xf32, #tpu.memory_space<vmem_shared>> -> memref<6256xf32, #tpu.memory_space<vmem_shared>>
          %dma_start3A_841 = tpu.memref_slice %arg9[%mul3A_839] : memref<100000xf32, #tpu.memory_space<vmem_shared>> -> memref<6256xf32, #tpu.memory_space<vmem_shared>>
          tpu.enqueue_dma source(%arg6 : memref<6256xf32, #tpu.memory_space<vmem>>) target(%dma_start3A_841 : memref<6256xf32, #tpu.memory_space<vmem_shared>>) target_semaphore(%run_scoped3A : memref<!tpu.dma_semaphore, #tpu.memory_space<semaphore_mem>>)
          %dma_wait3A_842 = tpu.memref_slice %arg9[%mul3A_839] : memref<100000xf32, #tpu.memory_space<vmem_shared>> -> memref<6256xf32, #tpu.memory_space<vmem_shared>>
          %dma_wait3A_843 = tpu.memref_slice %arg9[%mul3A_839] : memref<100000xf32, #tpu.memory_space<vmem_shared>> -> memref<6256xf32, #tpu.memory_space<vmem_shared>>
          tpu.wait_dma2 semaphore(%run_scoped3A : memref<!tpu.dma_semaphore, #tpu.memory_space<semaphore_mem>>) src(%arg6 : memref<6256xf32, #tpu.memory_space<vmem>>) dst(%dma_wait3A_843 : memref<6256xf32, #tpu.memory_space<vmem_shared>>)
          tpu.yield
        }) : () -> ()
      } else {
      }
      %eq3A_298 = arith.constant 15 : i32
      %eq3A_299 = arith.cmpi eq, %arg1, %eq3A_298 : i32
      %convert_element_type3A_300 = arith.extui %eq3A_299 : i1 to i32
      %cond3A_301 = arith.constant 0 : i32
      %cond3A_302 = arith.cmpi ne, %convert_element_type3A_300, %cond3A_301 : i32
      scf.if %cond3A_302 {
        "tpu.region"() ({
          %run_scoped3A = tpu.sem_alloc : memref<!tpu.dma_semaphore, #tpu.memory_space<semaphore_mem>>
          %dma_start3A_838 = arith.constant 0 : i32
          %dma_start3A_839 = tpu.memref_slice %arg6[%dma_start3A_838] : memref<6256xf32, #tpu.memory_space<vmem>> -> memref<6160xf32, #tpu.memory_space<vmem>>
          %dma_start3A_840 = arith.constant 93840 : i32
          %dma_start3A_841 = tpu.memref_slice %arg9[%dma_start3A_840] : memref<100000xf32, #tpu.memory_space<vmem_shared>> -> memref<6160xf32, #tpu.memory_space<vmem_shared>>
          %dma_start3A_842 = arith.constant 93840 : i32
          %dma_start3A_843 = tpu.memref_slice %arg9[%dma_start3A_842] : memref<100000xf32, #tpu.memory_space<vmem_shared>> -> memref<6160xf32, #tpu.memory_space<vmem_shared>>
          %dma_start3A_844 = arith.constant 0 : i32
          %dma_start3A_845 = tpu.memref_slice %arg6[%dma_start3A_844] : memref<6256xf32, #tpu.memory_space<vmem>> -> memref<6160xf32, #tpu.memory_space<vmem>>
          tpu.enqueue_dma source(%dma_start3A_845 : memref<6160xf32, #tpu.memory_space<vmem>>) target(%dma_start3A_843 : memref<6160xf32, #tpu.memory_space<vmem_shared>>) target_semaphore(%run_scoped3A : memref<!tpu.dma_semaphore, #tpu.memory_space<semaphore_mem>>)
          %dma_wait3A_846 = arith.constant 0 : i32
          %dma_wait3A_847 = tpu.memref_slice %arg6[%dma_wait3A_846] : memref<6256xf32, #tpu.memory_space<vmem>> -> memref<6160xf32, #tpu.memory_space<vmem>>
          %dma_wait3A_848 = arith.constant 93840 : i32
          %dma_wait3A_849 = tpu.memref_slice %arg9[%dma_wait3A_848] : memref<100000xf32, #tpu.memory_space<vmem_shared>> -> memref<6160xf32, #tpu.memory_space<vmem_shared>>
          %dma_wait3A_850 = arith.constant 93840 : i32
          %dma_wait3A_851 = tpu.memref_slice %arg9[%dma_wait3A_850] : memref<100000xf32, #tpu.memory_space<vmem_shared>> -> memref<6160xf32, #tpu.memory_space<vmem_shared>>
          %dma_wait3A_852 = arith.constant 0 : i32
          %dma_wait3A_853 = tpu.memref_slice %arg6[%dma_wait3A_852] : memref<6256xf32, #tpu.memory_space<vmem>> -> memref<6160xf32, #tpu.memory_space<vmem>>
          tpu.wait_dma2 semaphore(%run_scoped3A : memref<!tpu.dma_semaphore, #tpu.memory_space<semaphore_mem>>) src(%dma_wait3A_853 : memref<6160xf32, #tpu.memory_space<vmem>>) dst(%dma_wait3A_851 : memref<6160xf32, #tpu.memory_space<vmem_shared>>)
          tpu.yield
        }) : () -> ()
      } else {
      }
      "tpu.trace_stop"() : () -> ()
      "tpu.trace_start"() <{level = 10 : i32, message = "barrier_idx"}> : () -> ()
      %barrier3A = arith.constant 0 : index
      tpu.barrier barrier_id(%barrier3A)
      %dma_wait3A = arith.constant 0 : i32
      %dma_wait3A_303 = arith.constant 0 : i32
      %dma_wait3A_304 = tpu.memref_slice %arg7[%dma_wait3A, %dma_wait3A_303] : memref<25x128xi32, #tpu.memory_space<vmem>> -> memref<1x128xi32, #tpu.memory_space<vmem>>
      %dma_wait3A_305 = tpu.memref_squeeze %dma_wait3A_304 : memref<1x128xi32, #tpu.memory_space<vmem>> -> memref<128xi32, #tpu.memory_space<vmem>>
      %dma_wait3A_306 = tpu.memref_slice %arg2[%add3A_20] : memref<50000xi32, #tpu.memory_space<hbm>> -> memref<128xi32, #tpu.memory_space<hbm>>
      %dma_wait3A_307 = arith.constant 0 : i32
      %dma_wait3A_308 = tpu.memref_slice %arg7[%dma_wait3A, %dma_wait3A_307] : memref<25x128xi32, #tpu.memory_space<vmem>> -> memref<1x128xi32, #tpu.memory_space<vmem>>
      %dma_wait3A_309 = tpu.memref_squeeze %dma_wait3A_308 : memref<1x128xi32, #tpu.memory_space<vmem>> -> memref<128xi32, #tpu.memory_space<vmem>>
      %dma_wait3A_310 = tpu.memref_slice %arg2[%add3A_20] : memref<50000xi32, #tpu.memory_space<hbm>> -> memref<128xi32, #tpu.memory_space<hbm>>
      tpu.wait_dma2 semaphore(%arg10 : memref<!tpu.dma_semaphore, #tpu.memory_space<semaphore_mem>>) src(%dma_wait3A_310 : memref<128xi32, #tpu.memory_space<hbm>>) dst(%dma_wait3A_309 : memref<128xi32, #tpu.memory_space<vmem>>)
      %dma_wait3A_311 = arith.constant 1 : i32
      %dma_wait3A_312 = arith.constant 0 : i32
      %dma_wait3A_313 = tpu.memref_slice %arg7[%dma_wait3A_311, %dma_wait3A_312] : memref<25x128xi32, #tpu.memory_space<vmem>> -> memref<1x128xi32, #tpu.memory_space<vmem>>
      %dma_wait3A_314 = tpu.memref_squeeze %dma_wait3A_313 : memref<1x128xi32, #tpu.memory_space<vmem>> -> memref<128xi32, #tpu.memory_space<vmem>>
      %dma_wait3A_315 = tpu.memref_slice %arg2[%add3A_22] : memref<50000xi32, #tpu.memory_space<hbm>> -> memref<128xi32, #tpu.memory_space<hbm>>
      %dma_wait3A_316 = arith.constant 0 : i32
      %dma_wait3A_317 = tpu.memref_slice %arg7[%dma_wait3A_311, %dma_wait3A_316] : memref<25x128xi32, #tpu.memory_space<vmem>> -> memref<1x128xi32, #tpu.memory_space<vmem>>
      %dma_wait3A_318 = tpu.memref_squeeze %dma_wait3A_317 : memref<1x128xi32, #tpu.memory_space<vmem>> -> memref<128xi32, #tpu.memory_space<vmem>>
      %dma_wait3A_319 = tpu.memref_slice %arg2[%add3A_22] : memref<50000xi32, #tpu.memory_space<hbm>> -> memref<128xi32, #tpu.memory_space<hbm>>
      tpu.wait_dma2 semaphore(%arg10 : memref<!tpu.dma_semaphore, #tpu.memory_space<semaphore_mem>>) src(%dma_wait3A_319 : memref<128xi32, #tpu.memory_space<hbm>>) dst(%dma_wait3A_318 : memref<128xi32, #tpu.memory_space<vmem>>)
      %dma_wait3A_320 = arith.constant 2 : i32
      %dma_wait3A_321 = arith.constant 0 : i32
      %dma_wait3A_322 = tpu.memref_slice %arg7[%dma_wait3A_320, %dma_wait3A_321] : memref<25x128xi32, #tpu.memory_space<vmem>> -> memref<1x128xi32, #tpu.memory_space<vmem>>
      %dma_wait3A_323 = tpu.memref_squeeze %dma_wait3A_322 : memref<1x128xi32, #tpu.memory_space<vmem>> -> memref<128xi32, #tpu.memory_space<vmem>>
      %dma_wait3A_324 = tpu.memref_slice %arg2[%add3A_24] : memref<50000xi32, #tpu.memory_space<hbm>> -> memref<128xi32, #tpu.memory_space<hbm>>
      %dma_wait3A_325 = arith.constant 0 : i32
      %dma_wait3A_326 = tpu.memref_slice %arg7[%dma_wait3A_320, %dma_wait3A_325] : memref<25x128xi32, #tpu.memory_space<vmem>> -> memref<1x128xi32, #tpu.memory_space<vmem>>
      %dma_wait3A_327 = tpu.memref_squeeze %dma_wait3A_326 : memref<1x128xi32, #tpu.memory_space<vmem>> -> memref<128xi32, #tpu.memory_space<vmem>>
      %dma_wait3A_328 = tpu.memref_slice %arg2[%add3A_24] : memref<50000xi32, #tpu.memory_space<hbm>> -> memref<128xi32, #tpu.memory_space<hbm>>
      tpu.wait_dma2 semaphore(%arg10 : memref<!tpu.dma_semaphore, #tpu.memory_space<semaphore_mem>>) src(%dma_wait3A_328 : memref<128xi32, #tpu.memory_space<hbm>>) dst(%dma_wait3A_327 : memref<128xi32, #tpu.memory_space<vmem>>)
      %dma_wait3A_329 = arith.constant 3 : i32
      %dma_wait3A_330 = arith.constant 0 : i32
      %dma_wait3A_331 = tpu.memref_slice %arg7[%dma_wait3A_329, %dma_wait3A_330] : memref<25x128xi32, #tpu.memory_space<vmem>> -> memref<1x128xi32, #tpu.memory_space<vmem>>
      %dma_wait3A_332 = tpu.memref_squeeze %dma_wait3A_331 : memref<1x128xi32, #tpu.memory_space<vmem>> -> memref<128xi32, #tpu.memory_space<vmem>>
      %dma_wait3A_333 = tpu.memref_slice %arg2[%add3A_26] : memref<50000xi32, #tpu.memory_space<hbm>> -> memref<128xi32, #tpu.memory_space<hbm>>
      %dma_wait3A_334 = arith.constant 0 : i32
      %dma_wait3A_335 = tpu.memref_slice %arg7[%dma_wait3A_329, %dma_wait3A_334] : memref<25x128xi32, #tpu.memory_space<vmem>> -> memref<1x128xi32, #tpu.memory_space<vmem>>
      %dma_wait3A_336 = tpu.memref_squeeze %dma_wait3A_335 : memref<1x128xi32, #tpu.memory_space<vmem>> -> memref<128xi32, #tpu.memory_space<vmem>>
      %dma_wait3A_337 = tpu.memref_slice %arg2[%add3A_26] : memref<50000xi32, #tpu.memory_space<hbm>> -> memref<128xi32, #tpu.memory_space<hbm>>
      tpu.wait_dma2 semaphore(%arg10 : memref<!tpu.dma_semaphore, #tpu.memory_space<semaphore_mem>>) src(%dma_wait3A_337 : memref<128xi32, #tpu.memory_space<hbm>>) dst(%dma_wait3A_336 : memref<128xi32, #tpu.memory_space<vmem>>)
      %dma_wait3A_338 = arith.constant 4 : i32
      %dma_wait3A_339 = arith.constant 0 : i32
      %dma_wait3A_340 = tpu.memref_slice %arg7[%dma_wait3A_338, %dma_wait3A_339] : memref<25x128xi32, #tpu.memory_space<vmem>> -> memref<1x128xi32, #tpu.memory_space<vmem>>
      %dma_wait3A_341 = tpu.memref_squeeze %dma_wait3A_340 : memref<1x128xi32, #tpu.memory_space<vmem>> -> memref<128xi32, #tpu.memory_space<vmem>>
      %dma_wait3A_342 = tpu.memref_slice %arg2[%add3A_28] : memref<50000xi32, #tpu.memory_space<hbm>> -> memref<128xi32, #tpu.memory_space<hbm>>
      %dma_wait3A_343 = arith.constant 0 : i32
      %dma_wait3A_344 = tpu.memref_slice %arg7[%dma_wait3A_338, %dma_wait3A_343] : memref<25x128xi32, #tpu.memory_space<vmem>> -> memref<1x128xi32, #tpu.memory_space<vmem>>
      %dma_wait3A_345 = tpu.memref_squeeze %dma_wait3A_344 : memref<1x128xi32, #tpu.memory_space<vmem>> -> memref<128xi32, #tpu.memory_space<vmem>>
      %dma_wait3A_346 = tpu.memref_slice %arg2[%add3A_28] : memref<50000xi32, #tpu.memory_space<hbm>> -> memref<128xi32, #tpu.memory_space<hbm>>
      tpu.wait_dma2 semaphore(%arg10 : memref<!tpu.dma_semaphore, #tpu.memory_space<semaphore_mem>>) src(%dma_wait3A_346 : memref<128xi32, #tpu.memory_space<hbm>>) dst(%dma_wait3A_345 : memref<128xi32, #tpu.memory_space<vmem>>)
      %dma_wait3A_347 = arith.constant 5 : i32
      %dma_wait3A_348 = arith.constant 0 : i32
      %dma_wait3A_349 = tpu.memref_slice %arg7[%dma_wait3A_347, %dma_wait3A_348] : memref<25x128xi32, #tpu.memory_space<vmem>> -> memref<1x128xi32, #tpu.memory_space<vmem>>
      %dma_wait3A_350 = tpu.memref_squeeze %dma_wait3A_349 : memref<1x128xi32, #tpu.memory_space<vmem>> -> memref<128xi32, #tpu.memory_space<vmem>>
      %dma_wait3A_351 = tpu.memref_slice %arg2[%add3A_30] : memref<50000xi32, #tpu.memory_space<hbm>> -> memref<128xi32, #tpu.memory_space<hbm>>
      %dma_wait3A_352 = arith.constant 0 : i32
      %dma_wait3A_353 = tpu.memref_slice %arg7[%dma_wait3A_347, %dma_wait3A_352] : memref<25x128xi32, #tpu.memory_space<vmem>> -> memref<1x128xi32, #tpu.memory_space<vmem>>
      %dma_wait3A_354 = tpu.memref_squeeze %dma_wait3A_353 : memref<1x128xi32, #tpu.memory_space<vmem>> -> memref<128xi32, #tpu.memory_space<vmem>>
      %dma_wait3A_355 = tpu.memref_slice %arg2[%add3A_30] : memref<50000xi32, #tpu.memory_space<hbm>> -> memref<128xi32, #tpu.memory_space<hbm>>
      tpu.wait_dma2 semaphore(%arg10 : memref<!tpu.dma_semaphore, #tpu.memory_space<semaphore_mem>>) src(%dma_wait3A_355 : memref<128xi32, #tpu.memory_space<hbm>>) dst(%dma_wait3A_354 : memref<128xi32, #tpu.memory_space<vmem>>)
      %dma_wait3A_356 = arith.constant 6 : i32
      %dma_wait3A_357 = arith.constant 0 : i32
      %dma_wait3A_358 = tpu.memref_slice %arg7[%dma_wait3A_356, %dma_wait3A_357] : memref<25x128xi32, #tpu.memory_space<vmem>> -> memref<1x128xi32, #tpu.memory_space<vmem>>
      %dma_wait3A_359 = tpu.memref_squeeze %dma_wait3A_358 : memref<1x128xi32, #tpu.memory_space<vmem>> -> memref<128xi32, #tpu.memory_space<vmem>>
      %dma_wait3A_360 = tpu.memref_slice %arg2[%add3A_32] : memref<50000xi32, #tpu.memory_space<hbm>> -> memref<128xi32, #tpu.memory_space<hbm>>
      %dma_wait3A_361 = arith.constant 0 : i32
      %dma_wait3A_362 = tpu.memref_slice %arg7[%dma_wait3A_356, %dma_wait3A_361] : memref<25x128xi32, #tpu.memory_space<vmem>> -> memref<1x128xi32, #tpu.memory_space<vmem>>
      %dma_wait3A_363 = tpu.memref_squeeze %dma_wait3A_362 : memref<1x128xi32, #tpu.memory_space<vmem>> -> memref<128xi32, #tpu.memory_space<vmem>>
      %dma_wait3A_364 = tpu.memref_slice %arg2[%add3A_32] : memref<50000xi32, #tpu.memory_space<hbm>> -> memref<128xi32, #tpu.memory_space<hbm>>
      tpu.wait_dma2 semaphore(%arg10 : memref<!tpu.dma_semaphore, #tpu.memory_space<semaphore_mem>>) src(%dma_wait3A_364 : memref<128xi32, #tpu.memory_space<hbm>>) dst(%dma_wait3A_363 : memref<128xi32, #tpu.memory_space<vmem>>)
      %dma_wait3A_365 = arith.constant 7 : i32
      %dma_wait3A_366 = arith.constant 0 : i32
      %dma_wait3A_367 = tpu.memref_slice %arg7[%dma_wait3A_365, %dma_wait3A_366] : memref<25x128xi32, #tpu.memory_space<vmem>> -> memref<1x128xi32, #tpu.memory_space<vmem>>
      %dma_wait3A_368 = tpu.memref_squeeze %dma_wait3A_367 : memref<1x128xi32, #tpu.memory_space<vmem>> -> memref<128xi32, #tpu.memory_space<vmem>>
      %dma_wait3A_369 = tpu.memref_slice %arg2[%add3A_34] : memref<50000xi32, #tpu.memory_space<hbm>> -> memref<128xi32, #tpu.memory_space<hbm>>
      %dma_wait3A_370 = arith.constant 0 : i32
      %dma_wait3A_371 = tpu.memref_slice %arg7[%dma_wait3A_365, %dma_wait3A_370] : memref<25x128xi32, #tpu.memory_space<vmem>> -> memref<1x128xi32, #tpu.memory_space<vmem>>
      %dma_wait3A_372 = tpu.memref_squeeze %dma_wait3A_371 : memref<1x128xi32, #tpu.memory_space<vmem>> -> memref<128xi32, #tpu.memory_space<vmem>>
      %dma_wait3A_373 = tpu.memref_slice %arg2[%add3A_34] : memref<50000xi32, #tpu.memory_space<hbm>> -> memref<128xi32, #tpu.memory_space<hbm>>
      tpu.wait_dma2 semaphore(%arg10 : memref<!tpu.dma_semaphore, #tpu.memory_space<semaphore_mem>>) src(%dma_wait3A_373 : memref<128xi32, #tpu.memory_space<hbm>>) dst(%dma_wait3A_372 : memref<128xi32, #tpu.memory_space<vmem>>)
      %dma_wait3A_374 = arith.constant 8 : i32
      %dma_wait3A_375 = arith.constant 0 : i32
      %dma_wait3A_376 = tpu.memref_slice %arg7[%dma_wait3A_374, %dma_wait3A_375] : memref<25x128xi32, #tpu.memory_space<vmem>> -> memref<1x128xi32, #tpu.memory_space<vmem>>
      %dma_wait3A_377 = tpu.memref_squeeze %dma_wait3A_376 : memref<1x128xi32, #tpu.memory_space<vmem>> -> memref<128xi32, #tpu.memory_space<vmem>>
      %dma_wait3A_378 = tpu.memref_slice %arg2[%add3A_36] : memref<50000xi32, #tpu.memory_space<hbm>> -> memref<128xi32, #tpu.memory_space<hbm>>
      %dma_wait3A_379 = arith.constant 0 : i32
      %dma_wait3A_380 = tpu.memref_slice %arg7[%dma_wait3A_374, %dma_wait3A_379] : memref<25x128xi32, #tpu.memory_space<vmem>> -> memref<1x128xi32, #tpu.memory_space<vmem>>
      %dma_wait3A_381 = tpu.memref_squeeze %dma_wait3A_380 : memref<1x128xi32, #tpu.memory_space<vmem>> -> memref<128xi32, #tpu.memory_space<vmem>>
      %dma_wait3A_382 = tpu.memref_slice %arg2[%add3A_36] : memref<50000xi32, #tpu.memory_space<hbm>> -> memref<128xi32, #tpu.memory_space<hbm>>
      tpu.wait_dma2 semaphore(%arg10 : memref<!tpu.dma_semaphore, #tpu.memory_space<semaphore_mem>>) src(%dma_wait3A_382 : memref<128xi32, #tpu.memory_space<hbm>>) dst(%dma_wait3A_381 : memref<128xi32, #tpu.memory_space<vmem>>)
      %dma_wait3A_383 = arith.constant 9 : i32
      %dma_wait3A_384 = arith.constant 0 : i32
      %dma_wait3A_385 = tpu.memref_slice %arg7[%dma_wait3A_383, %dma_wait3A_384] : memref<25x128xi32, #tpu.memory_space<vmem>> -> memref<1x128xi32, #tpu.memory_space<vmem>>
      %dma_wait3A_386 = tpu.memref_squeeze %dma_wait3A_385 : memref<1x128xi32, #tpu.memory_space<vmem>> -> memref<128xi32, #tpu.memory_space<vmem>>
      %dma_wait3A_387 = tpu.memref_slice %arg2[%add3A_38] : memref<50000xi32, #tpu.memory_space<hbm>> -> memref<128xi32, #tpu.memory_space<hbm>>
      %dma_wait3A_388 = arith.constant 0 : i32
      %dma_wait3A_389 = tpu.memref_slice %arg7[%dma_wait3A_383, %dma_wait3A_388] : memref<25x128xi32, #tpu.memory_space<vmem>> -> memref<1x128xi32, #tpu.memory_space<vmem>>
      %dma_wait3A_390 = tpu.memref_squeeze %dma_wait3A_389 : memref<1x128xi32, #tpu.memory_space<vmem>> -> memref<128xi32, #tpu.memory_space<vmem>>
      %dma_wait3A_391 = tpu.memref_slice %arg2[%add3A_38] : memref<50000xi32, #tpu.memory_space<hbm>> -> memref<128xi32, #tpu.memory_space<hbm>>
      tpu.wait_dma2 semaphore(%arg10 : memref<!tpu.dma_semaphore, #tpu.memory_space<semaphore_mem>>) src(%dma_wait3A_391 : memref<128xi32, #tpu.memory_space<hbm>>) dst(%dma_wait3A_390 : memref<128xi32, #tpu.memory_space<vmem>>)
      %dma_wait3A_392 = arith.constant 10 : i32
      %dma_wait3A_393 = arith.constant 0 : i32
      %dma_wait3A_394 = tpu.memref_slice %arg7[%dma_wait3A_392, %dma_wait3A_393] : memref<25x128xi32, #tpu.memory_space<vmem>> -> memref<1x128xi32, #tpu.memory_space<vmem>>
      %dma_wait3A_395 = tpu.memref_squeeze %dma_wait3A_394 : memref<1x128xi32, #tpu.memory_space<vmem>> -> memref<128xi32, #tpu.memory_space<vmem>>
      %dma_wait3A_396 = tpu.memref_slice %arg2[%add3A_40] : memref<50000xi32, #tpu.memory_space<hbm>> -> memref<128xi32, #tpu.memory_space<hbm>>
      %dma_wait3A_397 = arith.constant 0 : i32
      %dma_wait3A_398 = tpu.memref_slice %arg7[%dma_wait3A_392, %dma_wait3A_397] : memref<25x128xi32, #tpu.memory_space<vmem>> -> memref<1x128xi32, #tpu.memory_space<vmem>>
      %dma_wait3A_399 = tpu.memref_squeeze %dma_wait3A_398 : memref<1x128xi32, #tpu.memory_space<vmem>> -> memref<128xi32, #tpu.memory_space<vmem>>
      %dma_wait3A_400 = tpu.memref_slice %arg2[%add3A_40] : memref<50000xi32, #tpu.memory_space<hbm>> -> memref<128xi32, #tpu.memory_space<hbm>>
      tpu.wait_dma2 semaphore(%arg10 : memref<!tpu.dma_semaphore, #tpu.memory_space<semaphore_mem>>) src(%dma_wait3A_400 : memref<128xi32, #tpu.memory_space<hbm>>) dst(%dma_wait3A_399 : memref<128xi32, #tpu.memory_space<vmem>>)
      %dma_wait3A_401 = arith.constant 11 : i32
      %dma_wait3A_402 = arith.constant 0 : i32
      %dma_wait3A_403 = tpu.memref_slice %arg7[%dma_wait3A_401, %dma_wait3A_402] : memref<25x128xi32, #tpu.memory_space<vmem>> -> memref<1x128xi32, #tpu.memory_space<vmem>>
      %dma_wait3A_404 = tpu.memref_squeeze %dma_wait3A_403 : memref<1x128xi32, #tpu.memory_space<vmem>> -> memref<128xi32, #tpu.memory_space<vmem>>
      %dma_wait3A_405 = tpu.memref_slice %arg2[%add3A_42] : memref<50000xi32, #tpu.memory_space<hbm>> -> memref<128xi32, #tpu.memory_space<hbm>>
      %dma_wait3A_406 = arith.constant 0 : i32
      %dma_wait3A_407 = tpu.memref_slice %arg7[%dma_wait3A_401, %dma_wait3A_406] : memref<25x128xi32, #tpu.memory_space<vmem>> -> memref<1x128xi32, #tpu.memory_space<vmem>>
      %dma_wait3A_408 = tpu.memref_squeeze %dma_wait3A_407 : memref<1x128xi32, #tpu.memory_space<vmem>> -> memref<128xi32, #tpu.memory_space<vmem>>
      %dma_wait3A_409 = tpu.memref_slice %arg2[%add3A_42] : memref<50000xi32, #tpu.memory_space<hbm>> -> memref<128xi32, #tpu.memory_space<hbm>>
      tpu.wait_dma2 semaphore(%arg10 : memref<!tpu.dma_semaphore, #tpu.memory_space<semaphore_mem>>) src(%dma_wait3A_409 : memref<128xi32, #tpu.memory_space<hbm>>) dst(%dma_wait3A_408 : memref<128xi32, #tpu.memory_space<vmem>>)
      %dma_wait3A_410 = arith.constant 12 : i32
      %dma_wait3A_411 = arith.constant 0 : i32
      %dma_wait3A_412 = tpu.memref_slice %arg7[%dma_wait3A_410, %dma_wait3A_411] : memref<25x128xi32, #tpu.memory_space<vmem>> -> memref<1x128xi32, #tpu.memory_space<vmem>>
      %dma_wait3A_413 = tpu.memref_squeeze %dma_wait3A_412 : memref<1x128xi32, #tpu.memory_space<vmem>> -> memref<128xi32, #tpu.memory_space<vmem>>
      %dma_wait3A_414 = tpu.memref_slice %arg2[%add3A_44] : memref<50000xi32, #tpu.memory_space<hbm>> -> memref<128xi32, #tpu.memory_space<hbm>>
      %dma_wait3A_415 = arith.constant 0 : i32
      %dma_wait3A_416 = tpu.memref_slice %arg7[%dma_wait3A_410, %dma_wait3A_415] : memref<25x128xi32, #tpu.memory_space<vmem>> -> memref<1x128xi32, #tpu.memory_space<vmem>>
      %dma_wait3A_417 = tpu.memref_squeeze %dma_wait3A_416 : memref<1x128xi32, #tpu.memory_space<vmem>> -> memref<128xi32, #tpu.memory_space<vmem>>
      %dma_wait3A_418 = tpu.memref_slice %arg2[%add3A_44] : memref<50000xi32, #tpu.memory_space<hbm>> -> memref<128xi32, #tpu.memory_space<hbm>>
      tpu.wait_dma2 semaphore(%arg10 : memref<!tpu.dma_semaphore, #tpu.memory_space<semaphore_mem>>) src(%dma_wait3A_418 : memref<128xi32, #tpu.memory_space<hbm>>) dst(%dma_wait3A_417 : memref<128xi32, #tpu.memory_space<vmem>>)
      %dma_wait3A_419 = arith.constant 13 : i32
      %dma_wait3A_420 = arith.constant 0 : i32
      %dma_wait3A_421 = tpu.memref_slice %arg7[%dma_wait3A_419, %dma_wait3A_420] : memref<25x128xi32, #tpu.memory_space<vmem>> -> memref<1x128xi32, #tpu.memory_space<vmem>>
      %dma_wait3A_422 = tpu.memref_squeeze %dma_wait3A_421 : memref<1x128xi32, #tpu.memory_space<vmem>> -> memref<128xi32, #tpu.memory_space<vmem>>
      %dma_wait3A_423 = tpu.memref_slice %arg2[%add3A_46] : memref<50000xi32, #tpu.memory_space<hbm>> -> memref<128xi32, #tpu.memory_space<hbm>>
      %dma_wait3A_424 = arith.constant 0 : i32
      %dma_wait3A_425 = tpu.memref_slice %arg7[%dma_wait3A_419, %dma_wait3A_424] : memref<25x128xi32, #tpu.memory_space<vmem>> -> memref<1x128xi32, #tpu.memory_space<vmem>>
      %dma_wait3A_426 = tpu.memref_squeeze %dma_wait3A_425 : memref<1x128xi32, #tpu.memory_space<vmem>> -> memref<128xi32, #tpu.memory_space<vmem>>
      %dma_wait3A_427 = tpu.memref_slice %arg2[%add3A_46] : memref<50000xi32, #tpu.memory_space<hbm>> -> memref<128xi32, #tpu.memory_space<hbm>>
      tpu.wait_dma2 semaphore(%arg10 : memref<!tpu.dma_semaphore, #tpu.memory_space<semaphore_mem>>) src(%dma_wait3A_427 : memref<128xi32, #tpu.memory_space<hbm>>) dst(%dma_wait3A_426 : memref<128xi32, #tpu.memory_space<vmem>>)
      %dma_wait3A_428 = arith.constant 14 : i32
      %dma_wait3A_429 = arith.constant 0 : i32
      %dma_wait3A_430 = tpu.memref_slice %arg7[%dma_wait3A_428, %dma_wait3A_429] : memref<25x128xi32, #tpu.memory_space<vmem>> -> memref<1x128xi32, #tpu.memory_space<vmem>>
      %dma_wait3A_431 = tpu.memref_squeeze %dma_wait3A_430 : memref<1x128xi32, #tpu.memory_space<vmem>> -> memref<128xi32, #tpu.memory_space<vmem>>
      %dma_wait3A_432 = tpu.memref_slice %arg2[%add3A_48] : memref<50000xi32, #tpu.memory_space<hbm>> -> memref<128xi32, #tpu.memory_space<hbm>>
      %dma_wait3A_433 = arith.constant 0 : i32
      %dma_wait3A_434 = tpu.memref_slice %arg7[%dma_wait3A_428, %dma_wait3A_433] : memref<25x128xi32, #tpu.memory_space<vmem>> -> memref<1x128xi32, #tpu.memory_space<vmem>>
      %dma_wait3A_435 = tpu.memref_squeeze %dma_wait3A_434 : memref<1x128xi32, #tpu.memory_space<vmem>> -> memref<128xi32, #tpu.memory_space<vmem>>
      %dma_wait3A_436 = tpu.memref_slice %arg2[%add3A_48] : memref<50000xi32, #tpu.memory_space<hbm>> -> memref<128xi32, #tpu.memory_space<hbm>>
      tpu.wait_dma2 semaphore(%arg10 : memref<!tpu.dma_semaphore, #tpu.memory_space<semaphore_mem>>) src(%dma_wait3A_436 : memref<128xi32, #tpu.memory_space<hbm>>) dst(%dma_wait3A_435 : memref<128xi32, #tpu.memory_space<vmem>>)
      %dma_wait3A_437 = arith.constant 15 : i32
      %dma_wait3A_438 = arith.constant 0 : i32
      %dma_wait3A_439 = tpu.memref_slice %arg7[%dma_wait3A_437, %dma_wait3A_438] : memref<25x128xi32, #tpu.memory_space<vmem>> -> memref<1x128xi32, #tpu.memory_space<vmem>>
      %dma_wait3A_440 = tpu.memref_squeeze %dma_wait3A_439 : memref<1x128xi32, #tpu.memory_space<vmem>> -> memref<128xi32, #tpu.memory_space<vmem>>
      %dma_wait3A_441 = tpu.memref_slice %arg2[%add3A_50] : memref<50000xi32, #tpu.memory_space<hbm>> -> memref<128xi32, #tpu.memory_space<hbm>>
      %dma_wait3A_442 = arith.constant 0 : i32
      %dma_wait3A_443 = tpu.memref_slice %arg7[%dma_wait3A_437, %dma_wait3A_442] : memref<25x128xi32, #tpu.memory_space<vmem>> -> memref<1x128xi32, #tpu.memory_space<vmem>>
      %dma_wait3A_444 = tpu.memref_squeeze %dma_wait3A_443 : memref<1x128xi32, #tpu.memory_space<vmem>> -> memref<128xi32, #tpu.memory_space<vmem>>
      %dma_wait3A_445 = tpu.memref_slice %arg2[%add3A_50] : memref<50000xi32, #tpu.memory_space<hbm>> -> memref<128xi32, #tpu.memory_space<hbm>>
      tpu.wait_dma2 semaphore(%arg10 : memref<!tpu.dma_semaphore, #tpu.memory_space<semaphore_mem>>) src(%dma_wait3A_445 : memref<128xi32, #tpu.memory_space<hbm>>) dst(%dma_wait3A_444 : memref<128xi32, #tpu.memory_space<vmem>>)
      %dma_wait3A_446 = arith.constant 16 : i32
      %dma_wait3A_447 = arith.constant 0 : i32
      %dma_wait3A_448 = tpu.memref_slice %arg7[%dma_wait3A_446, %dma_wait3A_447] : memref<25x128xi32, #tpu.memory_space<vmem>> -> memref<1x128xi32, #tpu.memory_space<vmem>>
      %dma_wait3A_449 = tpu.memref_squeeze %dma_wait3A_448 : memref<1x128xi32, #tpu.memory_space<vmem>> -> memref<128xi32, #tpu.memory_space<vmem>>
      %dma_wait3A_450 = tpu.memref_slice %arg2[%add3A_52] : memref<50000xi32, #tpu.memory_space<hbm>> -> memref<128xi32, #tpu.memory_space<hbm>>
      %dma_wait3A_451 = arith.constant 0 : i32
      %dma_wait3A_452 = tpu.memref_slice %arg7[%dma_wait3A_446, %dma_wait3A_451] : memref<25x128xi32, #tpu.memory_space<vmem>> -> memref<1x128xi32, #tpu.memory_space<vmem>>
      %dma_wait3A_453 = tpu.memref_squeeze %dma_wait3A_452 : memref<1x128xi32, #tpu.memory_space<vmem>> -> memref<128xi32, #tpu.memory_space<vmem>>
      %dma_wait3A_454 = tpu.memref_slice %arg2[%add3A_52] : memref<50000xi32, #tpu.memory_space<hbm>> -> memref<128xi32, #tpu.memory_space<hbm>>
      tpu.wait_dma2 semaphore(%arg10 : memref<!tpu.dma_semaphore, #tpu.memory_space<semaphore_mem>>) src(%dma_wait3A_454 : memref<128xi32, #tpu.memory_space<hbm>>) dst(%dma_wait3A_453 : memref<128xi32, #tpu.memory_space<vmem>>)
      %dma_wait3A_455 = arith.constant 17 : i32
      %dma_wait3A_456 = arith.constant 0 : i32
      %dma_wait3A_457 = tpu.memref_slice %arg7[%dma_wait3A_455, %dma_wait3A_456] : memref<25x128xi32, #tpu.memory_space<vmem>> -> memref<1x128xi32, #tpu.memory_space<vmem>>
      %dma_wait3A_458 = tpu.memref_squeeze %dma_wait3A_457 : memref<1x128xi32, #tpu.memory_space<vmem>> -> memref<128xi32, #tpu.memory_space<vmem>>
      %dma_wait3A_459 = tpu.memref_slice %arg2[%add3A_54] : memref<50000xi32, #tpu.memory_space<hbm>> -> memref<128xi32, #tpu.memory_space<hbm>>
      %dma_wait3A_460 = arith.constant 0 : i32
      %dma_wait3A_461 = tpu.memref_slice %arg7[%dma_wait3A_455, %dma_wait3A_460] : memref<25x128xi32, #tpu.memory_space<vmem>> -> memref<1x128xi32, #tpu.memory_space<vmem>>
      %dma_wait3A_462 = tpu.memref_squeeze %dma_wait3A_461 : memref<1x128xi32, #tpu.memory_space<vmem>> -> memref<128xi32, #tpu.memory_space<vmem>>
      %dma_wait3A_463 = tpu.memref_slice %arg2[%add3A_54] : memref<50000xi32, #tpu.memory_space<hbm>> -> memref<128xi32, #tpu.memory_space<hbm>>
      tpu.wait_dma2 semaphore(%arg10 : memref<!tpu.dma_semaphore, #tpu.memory_space<semaphore_mem>>) src(%dma_wait3A_463 : memref<128xi32, #tpu.memory_space<hbm>>) dst(%dma_wait3A_462 : memref<128xi32, #tpu.memory_space<vmem>>)
      %dma_wait3A_464 = arith.constant 18 : i32
      %dma_wait3A_465 = arith.constant 0 : i32
      %dma_wait3A_466 = tpu.memref_slice %arg7[%dma_wait3A_464, %dma_wait3A_465] : memref<25x128xi32, #tpu.memory_space<vmem>> -> memref<1x128xi32, #tpu.memory_space<vmem>>
      %dma_wait3A_467 = tpu.memref_squeeze %dma_wait3A_466 : memref<1x128xi32, #tpu.memory_space<vmem>> -> memref<128xi32, #tpu.memory_space<vmem>>
      %dma_wait3A_468 = tpu.memref_slice %arg2[%add3A_56] : memref<50000xi32, #tpu.memory_space<hbm>> -> memref<128xi32, #tpu.memory_space<hbm>>
      %dma_wait3A_469 = arith.constant 0 : i32
      %dma_wait3A_470 = tpu.memref_slice %arg7[%dma_wait3A_464, %dma_wait3A_469] : memref<25x128xi32, #tpu.memory_space<vmem>> -> memref<1x128xi32, #tpu.memory_space<vmem>>
      %dma_wait3A_471 = tpu.memref_squeeze %dma_wait3A_470 : memref<1x128xi32, #tpu.memory_space<vmem>> -> memref<128xi32, #tpu.memory_space<vmem>>
      %dma_wait3A_472 = tpu.memref_slice %arg2[%add3A_56] : memref<50000xi32, #tpu.memory_space<hbm>> -> memref<128xi32, #tpu.memory_space<hbm>>
      tpu.wait_dma2 semaphore(%arg10 : memref<!tpu.dma_semaphore, #tpu.memory_space<semaphore_mem>>) src(%dma_wait3A_472 : memref<128xi32, #tpu.memory_space<hbm>>) dst(%dma_wait3A_471 : memref<128xi32, #tpu.memory_space<vmem>>)
      %dma_wait3A_473 = arith.constant 19 : i32
      %dma_wait3A_474 = arith.constant 0 : i32
      %dma_wait3A_475 = tpu.memref_slice %arg7[%dma_wait3A_473, %dma_wait3A_474] : memref<25x128xi32, #tpu.memory_space<vmem>> -> memref<1x128xi32, #tpu.memory_space<vmem>>
      %dma_wait3A_476 = tpu.memref_squeeze %dma_wait3A_475 : memref<1x128xi32, #tpu.memory_space<vmem>> -> memref<128xi32, #tpu.memory_space<vmem>>
      %dma_wait3A_477 = tpu.memref_slice %arg2[%add3A_58] : memref<50000xi32, #tpu.memory_space<hbm>> -> memref<128xi32, #tpu.memory_space<hbm>>
      %dma_wait3A_478 = arith.constant 0 : i32
      %dma_wait3A_479 = tpu.memref_slice %arg7[%dma_wait3A_473, %dma_wait3A_478] : memref<25x128xi32, #tpu.memory_space<vmem>> -> memref<1x128xi32, #tpu.memory_space<vmem>>
      %dma_wait3A_480 = tpu.memref_squeeze %dma_wait3A_479 : memref<1x128xi32, #tpu.memory_space<vmem>> -> memref<128xi32, #tpu.memory_space<vmem>>
      %dma_wait3A_481 = tpu.memref_slice %arg2[%add3A_58] : memref<50000xi32, #tpu.memory_space<hbm>> -> memref<128xi32, #tpu.memory_space<hbm>>
      tpu.wait_dma2 semaphore(%arg10 : memref<!tpu.dma_semaphore, #tpu.memory_space<semaphore_mem>>) src(%dma_wait3A_481 : memref<128xi32, #tpu.memory_space<hbm>>) dst(%dma_wait3A_480 : memref<128xi32, #tpu.memory_space<vmem>>)
      %dma_wait3A_482 = arith.constant 20 : i32
      %dma_wait3A_483 = arith.constant 0 : i32
      %dma_wait3A_484 = tpu.memref_slice %arg7[%dma_wait3A_482, %dma_wait3A_483] : memref<25x128xi32, #tpu.memory_space<vmem>> -> memref<1x128xi32, #tpu.memory_space<vmem>>
      %dma_wait3A_485 = tpu.memref_squeeze %dma_wait3A_484 : memref<1x128xi32, #tpu.memory_space<vmem>> -> memref<128xi32, #tpu.memory_space<vmem>>
      %dma_wait3A_486 = tpu.memref_slice %arg2[%add3A_60] : memref<50000xi32, #tpu.memory_space<hbm>> -> memref<128xi32, #tpu.memory_space<hbm>>
      %dma_wait3A_487 = arith.constant 0 : i32
      %dma_wait3A_488 = tpu.memref_slice %arg7[%dma_wait3A_482, %dma_wait3A_487] : memref<25x128xi32, #tpu.memory_space<vmem>> -> memref<1x128xi32, #tpu.memory_space<vmem>>
      %dma_wait3A_489 = tpu.memref_squeeze %dma_wait3A_488 : memref<1x128xi32, #tpu.memory_space<vmem>> -> memref<128xi32, #tpu.memory_space<vmem>>
      %dma_wait3A_490 = tpu.memref_slice %arg2[%add3A_60] : memref<50000xi32, #tpu.memory_space<hbm>> -> memref<128xi32, #tpu.memory_space<hbm>>
      tpu.wait_dma2 semaphore(%arg10 : memref<!tpu.dma_semaphore, #tpu.memory_space<semaphore_mem>>) src(%dma_wait3A_490 : memref<128xi32, #tpu.memory_space<hbm>>) dst(%dma_wait3A_489 : memref<128xi32, #tpu.memory_space<vmem>>)
      %dma_wait3A_491 = arith.constant 21 : i32
      %dma_wait3A_492 = arith.constant 0 : i32
      %dma_wait3A_493 = tpu.memref_slice %arg7[%dma_wait3A_491, %dma_wait3A_492] : memref<25x128xi32, #tpu.memory_space<vmem>> -> memref<1x128xi32, #tpu.memory_space<vmem>>
      %dma_wait3A_494 = tpu.memref_squeeze %dma_wait3A_493 : memref<1x128xi32, #tpu.memory_space<vmem>> -> memref<128xi32, #tpu.memory_space<vmem>>
      %dma_wait3A_495 = tpu.memref_slice %arg2[%add3A_62] : memref<50000xi32, #tpu.memory_space<hbm>> -> memref<128xi32, #tpu.memory_space<hbm>>
      %dma_wait3A_496 = arith.constant 0 : i32
      %dma_wait3A_497 = tpu.memref_slice %arg7[%dma_wait3A_491, %dma_wait3A_496] : memref<25x128xi32, #tpu.memory_space<vmem>> -> memref<1x128xi32, #tpu.memory_space<vmem>>
      %dma_wait3A_498 = tpu.memref_squeeze %dma_wait3A_497 : memref<1x128xi32, #tpu.memory_space<vmem>> -> memref<128xi32, #tpu.memory_space<vmem>>
      %dma_wait3A_499 = tpu.memref_slice %arg2[%add3A_62] : memref<50000xi32, #tpu.memory_space<hbm>> -> memref<128xi32, #tpu.memory_space<hbm>>
      tpu.wait_dma2 semaphore(%arg10 : memref<!tpu.dma_semaphore, #tpu.memory_space<semaphore_mem>>) src(%dma_wait3A_499 : memref<128xi32, #tpu.memory_space<hbm>>) dst(%dma_wait3A_498 : memref<128xi32, #tpu.memory_space<vmem>>)
      %dma_wait3A_500 = arith.constant 22 : i32
      %dma_wait3A_501 = arith.constant 0 : i32
      %dma_wait3A_502 = tpu.memref_slice %arg7[%dma_wait3A_500, %dma_wait3A_501] : memref<25x128xi32, #tpu.memory_space<vmem>> -> memref<1x128xi32, #tpu.memory_space<vmem>>
      %dma_wait3A_503 = tpu.memref_squeeze %dma_wait3A_502 : memref<1x128xi32, #tpu.memory_space<vmem>> -> memref<128xi32, #tpu.memory_space<vmem>>
      %dma_wait3A_504 = tpu.memref_slice %arg2[%add3A_64] : memref<50000xi32, #tpu.memory_space<hbm>> -> memref<128xi32, #tpu.memory_space<hbm>>
      %dma_wait3A_505 = arith.constant 0 : i32
      %dma_wait3A_506 = tpu.memref_slice %arg7[%dma_wait3A_500, %dma_wait3A_505] : memref<25x128xi32, #tpu.memory_space<vmem>> -> memref<1x128xi32, #tpu.memory_space<vmem>>
      %dma_wait3A_507 = tpu.memref_squeeze %dma_wait3A_506 : memref<1x128xi32, #tpu.memory_space<vmem>> -> memref<128xi32, #tpu.memory_space<vmem>>
      %dma_wait3A_508 = tpu.memref_slice %arg2[%add3A_64] : memref<50000xi32, #tpu.memory_space<hbm>> -> memref<128xi32, #tpu.memory_space<hbm>>
      tpu.wait_dma2 semaphore(%arg10 : memref<!tpu.dma_semaphore, #tpu.memory_space<semaphore_mem>>) src(%dma_wait3A_508 : memref<128xi32, #tpu.memory_space<hbm>>) dst(%dma_wait3A_507 : memref<128xi32, #tpu.memory_space<vmem>>)
      %dma_wait3A_509 = arith.constant 23 : i32
      %dma_wait3A_510 = arith.constant 0 : i32
      %dma_wait3A_511 = tpu.memref_slice %arg7[%dma_wait3A_509, %dma_wait3A_510] : memref<25x128xi32, #tpu.memory_space<vmem>> -> memref<1x128xi32, #tpu.memory_space<vmem>>
      %dma_wait3A_512 = tpu.memref_squeeze %dma_wait3A_511 : memref<1x128xi32, #tpu.memory_space<vmem>> -> memref<128xi32, #tpu.memory_space<vmem>>
      %dma_wait3A_513 = tpu.memref_slice %arg2[%add3A_66] : memref<50000xi32, #tpu.memory_space<hbm>> -> memref<128xi32, #tpu.memory_space<hbm>>
      %dma_wait3A_514 = arith.constant 0 : i32
      %dma_wait3A_515 = tpu.memref_slice %arg7[%dma_wait3A_509, %dma_wait3A_514] : memref<25x128xi32, #tpu.memory_space<vmem>> -> memref<1x128xi32, #tpu.memory_space<vmem>>
      %dma_wait3A_516 = tpu.memref_squeeze %dma_wait3A_515 : memref<1x128xi32, #tpu.memory_space<vmem>> -> memref<128xi32, #tpu.memory_space<vmem>>
      %dma_wait3A_517 = tpu.memref_slice %arg2[%add3A_66] : memref<50000xi32, #tpu.memory_space<hbm>> -> memref<128xi32, #tpu.memory_space<hbm>>
      tpu.wait_dma2 semaphore(%arg10 : memref<!tpu.dma_semaphore, #tpu.memory_space<semaphore_mem>>) src(%dma_wait3A_517 : memref<128xi32, #tpu.memory_space<hbm>>) dst(%dma_wait3A_516 : memref<128xi32, #tpu.memory_space<vmem>>)
      %dma_wait3A_518 = arith.constant 24 : i32
      %dma_wait3A_519 = arith.constant 0 : i32
      %dma_wait3A_520 = tpu.memref_slice %arg7[%dma_wait3A_518, %dma_wait3A_519] : memref<25x128xi32, #tpu.memory_space<vmem>> -> memref<1x128xi32, #tpu.memory_space<vmem>>
      %dma_wait3A_521 = tpu.memref_squeeze %dma_wait3A_520 : memref<1x128xi32, #tpu.memory_space<vmem>> -> memref<128xi32, #tpu.memory_space<vmem>>
      %dma_wait3A_522 = tpu.memref_slice %arg2[%add3A_68] : memref<50000xi32, #tpu.memory_space<hbm>> -> memref<128xi32, #tpu.memory_space<hbm>>
      %dma_wait3A_523 = arith.constant 0 : i32
      %dma_wait3A_524 = tpu.memref_slice %arg7[%dma_wait3A_518, %dma_wait3A_523] : memref<25x128xi32, #tpu.memory_space<vmem>> -> memref<1x128xi32, #tpu.memory_space<vmem>>
      %dma_wait3A_525 = tpu.memref_squeeze %dma_wait3A_524 : memref<1x128xi32, #tpu.memory_space<vmem>> -> memref<128xi32, #tpu.memory_space<vmem>>
      %dma_wait3A_526 = tpu.memref_slice %arg2[%add3A_68] : memref<50000xi32, #tpu.memory_space<hbm>> -> memref<128xi32, #tpu.memory_space<hbm>>
      tpu.wait_dma2 semaphore(%arg10 : memref<!tpu.dma_semaphore, #tpu.memory_space<semaphore_mem>>) src(%dma_wait3A_526 : memref<128xi32, #tpu.memory_space<hbm>>) dst(%dma_wait3A_525 : memref<128xi32, #tpu.memory_space<vmem>>)
      %dma_start3A_527 = arith.constant 0 : i32
      "tpu.trace_stop"() : () -> ()
      "tpu.trace_start"() <{level = 10 : i32, message = "scatter_phase"}> : () -> ()
      %dma_start3A_528 = arith.constant 0 : i32
      %dma_start3A_529 = tpu.memref_slice %arg7[%dma_start3A_527, %dma_start3A_528] : memref<25x128xi32, #tpu.memory_space<vmem>> -> memref<1x128xi32, #tpu.memory_space<vmem>>
      %dma_start3A_530 = tpu.memref_squeeze %dma_start3A_529 : memref<1x128xi32, #tpu.memory_space<vmem>> -> memref<128xi32, #tpu.memory_space<vmem>>
      %dma_start3A_531 = arith.constant 0 : i32
      %dma_start3A_532 = tpu.memref_slice %arg9[%dma_start3A_531] : memref<100000xf32, #tpu.memory_space<vmem_shared>> -> memref<100000xf32, #tpu.memory_space<vmem_shared>>
      tpu.enqueue_indirect_dma source(%arg8 : memref<128xf32, #tpu.memory_space<vmem>>) target(%dma_start3A_532 : memref<100000xf32, #tpu.memory_space<vmem_shared>>) offsets(%dma_start3A_530 : memref<128xi32, #tpu.memory_space<vmem>>) semaphore(%arg11 : memref<!tpu.dma_semaphore, #tpu.memory_space<semaphore_mem>>)
      %dma_start3A_533 = arith.constant 1 : i32
      %dma_start3A_534 = arith.constant 0 : i32
      %dma_start3A_535 = tpu.memref_slice %arg7[%dma_start3A_533, %dma_start3A_534] : memref<25x128xi32, #tpu.memory_space<vmem>> -> memref<1x128xi32, #tpu.memory_space<vmem>>
      %dma_start3A_536 = tpu.memref_squeeze %dma_start3A_535 : memref<1x128xi32, #tpu.memory_space<vmem>> -> memref<128xi32, #tpu.memory_space<vmem>>
      %dma_start3A_537 = arith.constant 0 : i32
      %dma_start3A_538 = tpu.memref_slice %arg9[%dma_start3A_537] : memref<100000xf32, #tpu.memory_space<vmem_shared>> -> memref<100000xf32, #tpu.memory_space<vmem_shared>>
      tpu.enqueue_indirect_dma source(%arg8 : memref<128xf32, #tpu.memory_space<vmem>>) target(%dma_start3A_538 : memref<100000xf32, #tpu.memory_space<vmem_shared>>) offsets(%dma_start3A_536 : memref<128xi32, #tpu.memory_space<vmem>>) semaphore(%arg11 : memref<!tpu.dma_semaphore, #tpu.memory_space<semaphore_mem>>)
      %dma_start3A_539 = arith.constant 2 : i32
      %dma_start3A_540 = arith.constant 0 : i32
      %dma_start3A_541 = tpu.memref_slice %arg7[%dma_start3A_539, %dma_start3A_540] : memref<25x128xi32, #tpu.memory_space<vmem>> -> memref<1x128xi32, #tpu.memory_space<vmem>>
      %dma_start3A_542 = tpu.memref_squeeze %dma_start3A_541 : memref<1x128xi32, #tpu.memory_space<vmem>> -> memref<128xi32, #tpu.memory_space<vmem>>
      %dma_start3A_543 = arith.constant 0 : i32
      %dma_start3A_544 = tpu.memref_slice %arg9[%dma_start3A_543] : memref<100000xf32, #tpu.memory_space<vmem_shared>> -> memref<100000xf32, #tpu.memory_space<vmem_shared>>
      tpu.enqueue_indirect_dma source(%arg8 : memref<128xf32, #tpu.memory_space<vmem>>) target(%dma_start3A_544 : memref<100000xf32, #tpu.memory_space<vmem_shared>>) offsets(%dma_start3A_542 : memref<128xi32, #tpu.memory_space<vmem>>) semaphore(%arg11 : memref<!tpu.dma_semaphore, #tpu.memory_space<semaphore_mem>>)
      %dma_start3A_545 = arith.constant 3 : i32
      %dma_start3A_546 = arith.constant 0 : i32
      %dma_start3A_547 = tpu.memref_slice %arg7[%dma_start3A_545, %dma_start3A_546] : memref<25x128xi32, #tpu.memory_space<vmem>> -> memref<1x128xi32, #tpu.memory_space<vmem>>
      %dma_start3A_548 = tpu.memref_squeeze %dma_start3A_547 : memref<1x128xi32, #tpu.memory_space<vmem>> -> memref<128xi32, #tpu.memory_space<vmem>>
      %dma_start3A_549 = arith.constant 0 : i32
      %dma_start3A_550 = tpu.memref_slice %arg9[%dma_start3A_549] : memref<100000xf32, #tpu.memory_space<vmem_shared>> -> memref<100000xf32, #tpu.memory_space<vmem_shared>>
      tpu.enqueue_indirect_dma source(%arg8 : memref<128xf32, #tpu.memory_space<vmem>>) target(%dma_start3A_550 : memref<100000xf32, #tpu.memory_space<vmem_shared>>) offsets(%dma_start3A_548 : memref<128xi32, #tpu.memory_space<vmem>>) semaphore(%arg11 : memref<!tpu.dma_semaphore, #tpu.memory_space<semaphore_mem>>)
      %dma_start3A_551 = arith.constant 4 : i32
      %dma_start3A_552 = arith.constant 0 : i32
      %dma_start3A_553 = tpu.memref_slice %arg7[%dma_start3A_551, %dma_start3A_552] : memref<25x128xi32, #tpu.memory_space<vmem>> -> memref<1x128xi32, #tpu.memory_space<vmem>>
      %dma_start3A_554 = tpu.memref_squeeze %dma_start3A_553 : memref<1x128xi32, #tpu.memory_space<vmem>> -> memref<128xi32, #tpu.memory_space<vmem>>
      %dma_start3A_555 = arith.constant 0 : i32
      %dma_start3A_556 = tpu.memref_slice %arg9[%dma_start3A_555] : memref<100000xf32, #tpu.memory_space<vmem_shared>> -> memref<100000xf32, #tpu.memory_space<vmem_shared>>
      tpu.enqueue_indirect_dma source(%arg8 : memref<128xf32, #tpu.memory_space<vmem>>) target(%dma_start3A_556 : memref<100000xf32, #tpu.memory_space<vmem_shared>>) offsets(%dma_start3A_554 : memref<128xi32, #tpu.memory_space<vmem>>) semaphore(%arg11 : memref<!tpu.dma_semaphore, #tpu.memory_space<semaphore_mem>>)
      %dma_start3A_557 = arith.constant 5 : i32
      %dma_start3A_558 = arith.constant 0 : i32
      %dma_start3A_559 = tpu.memref_slice %arg7[%dma_start3A_557, %dma_start3A_558] : memref<25x128xi32, #tpu.memory_space<vmem>> -> memref<1x128xi32, #tpu.memory_space<vmem>>
      %dma_start3A_560 = tpu.memref_squeeze %dma_start3A_559 : memref<1x128xi32, #tpu.memory_space<vmem>> -> memref<128xi32, #tpu.memory_space<vmem>>
      %dma_start3A_561 = arith.constant 0 : i32
      %dma_start3A_562 = tpu.memref_slice %arg9[%dma_start3A_561] : memref<100000xf32, #tpu.memory_space<vmem_shared>> -> memref<100000xf32, #tpu.memory_space<vmem_shared>>
      tpu.enqueue_indirect_dma source(%arg8 : memref<128xf32, #tpu.memory_space<vmem>>) target(%dma_start3A_562 : memref<100000xf32, #tpu.memory_space<vmem_shared>>) offsets(%dma_start3A_560 : memref<128xi32, #tpu.memory_space<vmem>>) semaphore(%arg11 : memref<!tpu.dma_semaphore, #tpu.memory_space<semaphore_mem>>)
      %dma_start3A_563 = arith.constant 6 : i32
      %dma_start3A_564 = arith.constant 0 : i32
      %dma_start3A_565 = tpu.memref_slice %arg7[%dma_start3A_563, %dma_start3A_564] : memref<25x128xi32, #tpu.memory_space<vmem>> -> memref<1x128xi32, #tpu.memory_space<vmem>>
      %dma_start3A_566 = tpu.memref_squeeze %dma_start3A_565 : memref<1x128xi32, #tpu.memory_space<vmem>> -> memref<128xi32, #tpu.memory_space<vmem>>
      %dma_start3A_567 = arith.constant 0 : i32
      %dma_start3A_568 = tpu.memref_slice %arg9[%dma_start3A_567] : memref<100000xf32, #tpu.memory_space<vmem_shared>> -> memref<100000xf32, #tpu.memory_space<vmem_shared>>
      tpu.enqueue_indirect_dma source(%arg8 : memref<128xf32, #tpu.memory_space<vmem>>) target(%dma_start3A_568 : memref<100000xf32, #tpu.memory_space<vmem_shared>>) offsets(%dma_start3A_566 : memref<128xi32, #tpu.memory_space<vmem>>) semaphore(%arg11 : memref<!tpu.dma_semaphore, #tpu.memory_space<semaphore_mem>>)
      %dma_start3A_569 = arith.constant 7 : i32
      %dma_start3A_570 = arith.constant 0 : i32
      %dma_start3A_571 = tpu.memref_slice %arg7[%dma_start3A_569, %dma_start3A_570] : memref<25x128xi32, #tpu.memory_space<vmem>> -> memref<1x128xi32, #tpu.memory_space<vmem>>
      %dma_start3A_572 = tpu.memref_squeeze %dma_start3A_571 : memref<1x128xi32, #tpu.memory_space<vmem>> -> memref<128xi32, #tpu.memory_space<vmem>>
      %dma_start3A_573 = arith.constant 0 : i32
      %dma_start3A_574 = tpu.memref_slice %arg9[%dma_start3A_573] : memref<100000xf32, #tpu.memory_space<vmem_shared>> -> memref<100000xf32, #tpu.memory_space<vmem_shared>>
      tpu.enqueue_indirect_dma source(%arg8 : memref<128xf32, #tpu.memory_space<vmem>>) target(%dma_start3A_574 : memref<100000xf32, #tpu.memory_space<vmem_shared>>) offsets(%dma_start3A_572 : memref<128xi32, #tpu.memory_space<vmem>>) semaphore(%arg11 : memref<!tpu.dma_semaphore, #tpu.memory_space<semaphore_mem>>)
      %dma_start3A_575 = arith.constant 8 : i32
      %dma_start3A_576 = arith.constant 0 : i32
      %dma_start3A_577 = tpu.memref_slice %arg7[%dma_start3A_575, %dma_start3A_576] : memref<25x128xi32, #tpu.memory_space<vmem>> -> memref<1x128xi32, #tpu.memory_space<vmem>>
      %dma_start3A_578 = tpu.memref_squeeze %dma_start3A_577 : memref<1x128xi32, #tpu.memory_space<vmem>> -> memref<128xi32, #tpu.memory_space<vmem>>
      %dma_start3A_579 = arith.constant 0 : i32
      %dma_start3A_580 = tpu.memref_slice %arg9[%dma_start3A_579] : memref<100000xf32, #tpu.memory_space<vmem_shared>> -> memref<100000xf32, #tpu.memory_space<vmem_shared>>
      tpu.enqueue_indirect_dma source(%arg8 : memref<128xf32, #tpu.memory_space<vmem>>) target(%dma_start3A_580 : memref<100000xf32, #tpu.memory_space<vmem_shared>>) offsets(%dma_start3A_578 : memref<128xi32, #tpu.memory_space<vmem>>) semaphore(%arg11 : memref<!tpu.dma_semaphore, #tpu.memory_space<semaphore_mem>>)
      %dma_start3A_581 = arith.constant 9 : i32
      %dma_start3A_582 = arith.constant 0 : i32
      %dma_start3A_583 = tpu.memref_slice %arg7[%dma_start3A_581, %dma_start3A_582] : memref<25x128xi32, #tpu.memory_space<vmem>> -> memref<1x128xi32, #tpu.memory_space<vmem>>
      %dma_start3A_584 = tpu.memref_squeeze %dma_start3A_583 : memref<1x128xi32, #tpu.memory_space<vmem>> -> memref<128xi32, #tpu.memory_space<vmem>>
      %dma_start3A_585 = arith.constant 0 : i32
      %dma_start3A_586 = tpu.memref_slice %arg9[%dma_start3A_585] : memref<100000xf32, #tpu.memory_space<vmem_shared>> -> memref<100000xf32, #tpu.memory_space<vmem_shared>>
      tpu.enqueue_indirect_dma source(%arg8 : memref<128xf32, #tpu.memory_space<vmem>>) target(%dma_start3A_586 : memref<100000xf32, #tpu.memory_space<vmem_shared>>) offsets(%dma_start3A_584 : memref<128xi32, #tpu.memory_space<vmem>>) semaphore(%arg11 : memref<!tpu.dma_semaphore, #tpu.memory_space<semaphore_mem>>)
      %dma_start3A_587 = arith.constant 10 : i32
      %dma_start3A_588 = arith.constant 0 : i32
      %dma_start3A_589 = tpu.memref_slice %arg7[%dma_start3A_587, %dma_start3A_588] : memref<25x128xi32, #tpu.memory_space<vmem>> -> memref<1x128xi32, #tpu.memory_space<vmem>>
      %dma_start3A_590 = tpu.memref_squeeze %dma_start3A_589 : memref<1x128xi32, #tpu.memory_space<vmem>> -> memref<128xi32, #tpu.memory_space<vmem>>
      %dma_start3A_591 = arith.constant 0 : i32
      %dma_start3A_592 = tpu.memref_slice %arg9[%dma_start3A_591] : memref<100000xf32, #tpu.memory_space<vmem_shared>> -> memref<100000xf32, #tpu.memory_space<vmem_shared>>
      tpu.enqueue_indirect_dma source(%arg8 : memref<128xf32, #tpu.memory_space<vmem>>) target(%dma_start3A_592 : memref<100000xf32, #tpu.memory_space<vmem_shared>>) offsets(%dma_start3A_590 : memref<128xi32, #tpu.memory_space<vmem>>) semaphore(%arg11 : memref<!tpu.dma_semaphore, #tpu.memory_space<semaphore_mem>>)
      %dma_start3A_593 = arith.constant 11 : i32
      %dma_start3A_594 = arith.constant 0 : i32
      %dma_start3A_595 = tpu.memref_slice %arg7[%dma_start3A_593, %dma_start3A_594] : memref<25x128xi32, #tpu.memory_space<vmem>> -> memref<1x128xi32, #tpu.memory_space<vmem>>
      %dma_start3A_596 = tpu.memref_squeeze %dma_start3A_595 : memref<1x128xi32, #tpu.memory_space<vmem>> -> memref<128xi32, #tpu.memory_space<vmem>>
      %dma_start3A_597 = arith.constant 0 : i32
      %dma_start3A_598 = tpu.memref_slice %arg9[%dma_start3A_597] : memref<100000xf32, #tpu.memory_space<vmem_shared>> -> memref<100000xf32, #tpu.memory_space<vmem_shared>>
      tpu.enqueue_indirect_dma source(%arg8 : memref<128xf32, #tpu.memory_space<vmem>>) target(%dma_start3A_598 : memref<100000xf32, #tpu.memory_space<vmem_shared>>) offsets(%dma_start3A_596 : memref<128xi32, #tpu.memory_space<vmem>>) semaphore(%arg11 : memref<!tpu.dma_semaphore, #tpu.memory_space<semaphore_mem>>)
      %dma_start3A_599 = arith.constant 12 : i32
      %dma_start3A_600 = arith.constant 0 : i32
      %dma_start3A_601 = tpu.memref_slice %arg7[%dma_start3A_599, %dma_start3A_600] : memref<25x128xi32, #tpu.memory_space<vmem>> -> memref<1x128xi32, #tpu.memory_space<vmem>>
      %dma_start3A_602 = tpu.memref_squeeze %dma_start3A_601 : memref<1x128xi32, #tpu.memory_space<vmem>> -> memref<128xi32, #tpu.memory_space<vmem>>
      %dma_start3A_603 = arith.constant 0 : i32
      %dma_start3A_604 = tpu.memref_slice %arg9[%dma_start3A_603] : memref<100000xf32, #tpu.memory_space<vmem_shared>> -> memref<100000xf32, #tpu.memory_space<vmem_shared>>
      tpu.enqueue_indirect_dma source(%arg8 : memref<128xf32, #tpu.memory_space<vmem>>) target(%dma_start3A_604 : memref<100000xf32, #tpu.memory_space<vmem_shared>>) offsets(%dma_start3A_602 : memref<128xi32, #tpu.memory_space<vmem>>) semaphore(%arg11 : memref<!tpu.dma_semaphore, #tpu.memory_space<semaphore_mem>>)
      %dma_start3A_605 = arith.constant 13 : i32
      %dma_start3A_606 = arith.constant 0 : i32
      %dma_start3A_607 = tpu.memref_slice %arg7[%dma_start3A_605, %dma_start3A_606] : memref<25x128xi32, #tpu.memory_space<vmem>> -> memref<1x128xi32, #tpu.memory_space<vmem>>
      %dma_start3A_608 = tpu.memref_squeeze %dma_start3A_607 : memref<1x128xi32, #tpu.memory_space<vmem>> -> memref<128xi32, #tpu.memory_space<vmem>>
      %dma_start3A_609 = arith.constant 0 : i32
      %dma_start3A_610 = tpu.memref_slice %arg9[%dma_start3A_609] : memref<100000xf32, #tpu.memory_space<vmem_shared>> -> memref<100000xf32, #tpu.memory_space<vmem_shared>>
      tpu.enqueue_indirect_dma source(%arg8 : memref<128xf32, #tpu.memory_space<vmem>>) target(%dma_start3A_610 : memref<100000xf32, #tpu.memory_space<vmem_shared>>) offsets(%dma_start3A_608 : memref<128xi32, #tpu.memory_space<vmem>>) semaphore(%arg11 : memref<!tpu.dma_semaphore, #tpu.memory_space<semaphore_mem>>)
      %dma_start3A_611 = arith.constant 14 : i32
      %dma_start3A_612 = arith.constant 0 : i32
      %dma_start3A_613 = tpu.memref_slice %arg7[%dma_start3A_611, %dma_start3A_612] : memref<25x128xi32, #tpu.memory_space<vmem>> -> memref<1x128xi32, #tpu.memory_space<vmem>>
      %dma_start3A_614 = tpu.memref_squeeze %dma_start3A_613 : memref<1x128xi32, #tpu.memory_space<vmem>> -> memref<128xi32, #tpu.memory_space<vmem>>
      %dma_start3A_615 = arith.constant 0 : i32
      %dma_start3A_616 = tpu.memref_slice %arg9[%dma_start3A_615] : memref<100000xf32, #tpu.memory_space<vmem_shared>> -> memref<100000xf32, #tpu.memory_space<vmem_shared>>
      tpu.enqueue_indirect_dma source(%arg8 : memref<128xf32, #tpu.memory_space<vmem>>) target(%dma_start3A_616 : memref<100000xf32, #tpu.memory_space<vmem_shared>>) offsets(%dma_start3A_614 : memref<128xi32, #tpu.memory_space<vmem>>) semaphore(%arg11 : memref<!tpu.dma_semaphore, #tpu.memory_space<semaphore_mem>>)
      %dma_start3A_617 = arith.constant 15 : i32
      %dma_start3A_618 = arith.constant 0 : i32
      %dma_start3A_619 = tpu.memref_slice %arg7[%dma_start3A_617, %dma_start3A_618] : memref<25x128xi32, #tpu.memory_space<vmem>> -> memref<1x128xi32, #tpu.memory_space<vmem>>
      %dma_start3A_620 = tpu.memref_squeeze %dma_start3A_619 : memref<1x128xi32, #tpu.memory_space<vmem>> -> memref<128xi32, #tpu.memory_space<vmem>>
      %dma_start3A_621 = arith.constant 0 : i32
      %dma_start3A_622 = tpu.memref_slice %arg9[%dma_start3A_621] : memref<100000xf32, #tpu.memory_space<vmem_shared>> -> memref<100000xf32, #tpu.memory_space<vmem_shared>>
      tpu.enqueue_indirect_dma source(%arg8 : memref<128xf32, #tpu.memory_space<vmem>>) target(%dma_start3A_622 : memref<100000xf32, #tpu.memory_space<vmem_shared>>) offsets(%dma_start3A_620 : memref<128xi32, #tpu.memory_space<vmem>>) semaphore(%arg11 : memref<!tpu.dma_semaphore, #tpu.memory_space<semaphore_mem>>)
      %dma_start3A_623 = arith.constant 16 : i32
      %dma_start3A_624 = arith.constant 0 : i32
      %dma_start3A_625 = tpu.memref_slice %arg7[%dma_start3A_623, %dma_start3A_624] : memref<25x128xi32, #tpu.memory_space<vmem>> -> memref<1x128xi32, #tpu.memory_space<vmem>>
      %dma_start3A_626 = tpu.memref_squeeze %dma_start3A_625 : memref<1x128xi32, #tpu.memory_space<vmem>> -> memref<128xi32, #tpu.memory_space<vmem>>
      %dma_start3A_627 = arith.constant 0 : i32
      %dma_start3A_628 = tpu.memref_slice %arg9[%dma_start3A_627] : memref<100000xf32, #tpu.memory_space<vmem_shared>> -> memref<100000xf32, #tpu.memory_space<vmem_shared>>
      tpu.enqueue_indirect_dma source(%arg8 : memref<128xf32, #tpu.memory_space<vmem>>) target(%dma_start3A_628 : memref<100000xf32, #tpu.memory_space<vmem_shared>>) offsets(%dma_start3A_626 : memref<128xi32, #tpu.memory_space<vmem>>) semaphore(%arg11 : memref<!tpu.dma_semaphore, #tpu.memory_space<semaphore_mem>>)
      %dma_start3A_629 = arith.constant 17 : i32
      %dma_start3A_630 = arith.constant 0 : i32
      %dma_start3A_631 = tpu.memref_slice %arg7[%dma_start3A_629, %dma_start3A_630] : memref<25x128xi32, #tpu.memory_space<vmem>> -> memref<1x128xi32, #tpu.memory_space<vmem>>
      %dma_start3A_632 = tpu.memref_squeeze %dma_start3A_631 : memref<1x128xi32, #tpu.memory_space<vmem>> -> memref<128xi32, #tpu.memory_space<vmem>>
      %dma_start3A_633 = arith.constant 0 : i32
      %dma_start3A_634 = tpu.memref_slice %arg9[%dma_start3A_633] : memref<100000xf32, #tpu.memory_space<vmem_shared>> -> memref<100000xf32, #tpu.memory_space<vmem_shared>>
      tpu.enqueue_indirect_dma source(%arg8 : memref<128xf32, #tpu.memory_space<vmem>>) target(%dma_start3A_634 : memref<100000xf32, #tpu.memory_space<vmem_shared>>) offsets(%dma_start3A_632 : memref<128xi32, #tpu.memory_space<vmem>>) semaphore(%arg11 : memref<!tpu.dma_semaphore, #tpu.memory_space<semaphore_mem>>)
      %dma_start3A_635 = arith.constant 18 : i32
      %dma_start3A_636 = arith.constant 0 : i32
      %dma_start3A_637 = tpu.memref_slice %arg7[%dma_start3A_635, %dma_start3A_636] : memref<25x128xi32, #tpu.memory_space<vmem>> -> memref<1x128xi32, #tpu.memory_space<vmem>>
      %dma_start3A_638 = tpu.memref_squeeze %dma_start3A_637 : memref<1x128xi32, #tpu.memory_space<vmem>> -> memref<128xi32, #tpu.memory_space<vmem>>
      %dma_start3A_639 = arith.constant 0 : i32
      %dma_start3A_640 = tpu.memref_slice %arg9[%dma_start3A_639] : memref<100000xf32, #tpu.memory_space<vmem_shared>> -> memref<100000xf32, #tpu.memory_space<vmem_shared>>
      tpu.enqueue_indirect_dma source(%arg8 : memref<128xf32, #tpu.memory_space<vmem>>) target(%dma_start3A_640 : memref<100000xf32, #tpu.memory_space<vmem_shared>>) offsets(%dma_start3A_638 : memref<128xi32, #tpu.memory_space<vmem>>) semaphore(%arg11 : memref<!tpu.dma_semaphore, #tpu.memory_space<semaphore_mem>>)
      %dma_start3A_641 = arith.constant 19 : i32
      %dma_start3A_642 = arith.constant 0 : i32
      %dma_start3A_643 = tpu.memref_slice %arg7[%dma_start3A_641, %dma_start3A_642] : memref<25x128xi32, #tpu.memory_space<vmem>> -> memref<1x128xi32, #tpu.memory_space<vmem>>
      %dma_start3A_644 = tpu.memref_squeeze %dma_start3A_643 : memref<1x128xi32, #tpu.memory_space<vmem>> -> memref<128xi32, #tpu.memory_space<vmem>>
      %dma_start3A_645 = arith.constant 0 : i32
      %dma_start3A_646 = tpu.memref_slice %arg9[%dma_start3A_645] : memref<100000xf32, #tpu.memory_space<vmem_shared>> -> memref<100000xf32, #tpu.memory_space<vmem_shared>>
      tpu.enqueue_indirect_dma source(%arg8 : memref<128xf32, #tpu.memory_space<vmem>>) target(%dma_start3A_646 : memref<100000xf32, #tpu.memory_space<vmem_shared>>) offsets(%dma_start3A_644 : memref<128xi32, #tpu.memory_space<vmem>>) semaphore(%arg11 : memref<!tpu.dma_semaphore, #tpu.memory_space<semaphore_mem>>)
      %dma_start3A_647 = arith.constant 20 : i32
      %dma_start3A_648 = arith.constant 0 : i32
      %dma_start3A_649 = tpu.memref_slice %arg7[%dma_start3A_647, %dma_start3A_648] : memref<25x128xi32, #tpu.memory_space<vmem>> -> memref<1x128xi32, #tpu.memory_space<vmem>>
      %dma_start3A_650 = tpu.memref_squeeze %dma_start3A_649 : memref<1x128xi32, #tpu.memory_space<vmem>> -> memref<128xi32, #tpu.memory_space<vmem>>
      %dma_start3A_651 = arith.constant 0 : i32
      %dma_start3A_652 = tpu.memref_slice %arg9[%dma_start3A_651] : memref<100000xf32, #tpu.memory_space<vmem_shared>> -> memref<100000xf32, #tpu.memory_space<vmem_shared>>
      tpu.enqueue_indirect_dma source(%arg8 : memref<128xf32, #tpu.memory_space<vmem>>) target(%dma_start3A_652 : memref<100000xf32, #tpu.memory_space<vmem_shared>>) offsets(%dma_start3A_650 : memref<128xi32, #tpu.memory_space<vmem>>) semaphore(%arg11 : memref<!tpu.dma_semaphore, #tpu.memory_space<semaphore_mem>>)
      %dma_start3A_653 = arith.constant 21 : i32
      %dma_start3A_654 = arith.constant 0 : i32
      %dma_start3A_655 = tpu.memref_slice %arg7[%dma_start3A_653, %dma_start3A_654] : memref<25x128xi32, #tpu.memory_space<vmem>> -> memref<1x128xi32, #tpu.memory_space<vmem>>
      %dma_start3A_656 = tpu.memref_squeeze %dma_start3A_655 : memref<1x128xi32, #tpu.memory_space<vmem>> -> memref<128xi32, #tpu.memory_space<vmem>>
      %dma_start3A_657 = arith.constant 0 : i32
      %dma_start3A_658 = tpu.memref_slice %arg9[%dma_start3A_657] : memref<100000xf32, #tpu.memory_space<vmem_shared>> -> memref<100000xf32, #tpu.memory_space<vmem_shared>>
      tpu.enqueue_indirect_dma source(%arg8 : memref<128xf32, #tpu.memory_space<vmem>>) target(%dma_start3A_658 : memref<100000xf32, #tpu.memory_space<vmem_shared>>) offsets(%dma_start3A_656 : memref<128xi32, #tpu.memory_space<vmem>>) semaphore(%arg11 : memref<!tpu.dma_semaphore, #tpu.memory_space<semaphore_mem>>)
      %dma_start3A_659 = arith.constant 22 : i32
      %dma_start3A_660 = arith.constant 0 : i32
      %dma_start3A_661 = tpu.memref_slice %arg7[%dma_start3A_659, %dma_start3A_660] : memref<25x128xi32, #tpu.memory_space<vmem>> -> memref<1x128xi32, #tpu.memory_space<vmem>>
      %dma_start3A_662 = tpu.memref_squeeze %dma_start3A_661 : memref<1x128xi32, #tpu.memory_space<vmem>> -> memref<128xi32, #tpu.memory_space<vmem>>
      %dma_start3A_663 = arith.constant 0 : i32
      %dma_start3A_664 = tpu.memref_slice %arg9[%dma_start3A_663] : memref<100000xf32, #tpu.memory_space<vmem_shared>> -> memref<100000xf32, #tpu.memory_space<vmem_shared>>
      tpu.enqueue_indirect_dma source(%arg8 : memref<128xf32, #tpu.memory_space<vmem>>) target(%dma_start3A_664 : memref<100000xf32, #tpu.memory_space<vmem_shared>>) offsets(%dma_start3A_662 : memref<128xi32, #tpu.memory_space<vmem>>) semaphore(%arg11 : memref<!tpu.dma_semaphore, #tpu.memory_space<semaphore_mem>>)
      %dma_start3A_665 = arith.constant 23 : i32
      %dma_start3A_666 = arith.constant 0 : i32
      %dma_start3A_667 = tpu.memref_slice %arg7[%dma_start3A_665, %dma_start3A_666] : memref<25x128xi32, #tpu.memory_space<vmem>> -> memref<1x128xi32, #tpu.memory_space<vmem>>
      %dma_start3A_668 = tpu.memref_squeeze %dma_start3A_667 : memref<1x128xi32, #tpu.memory_space<vmem>> -> memref<128xi32, #tpu.memory_space<vmem>>
      %dma_start3A_669 = arith.constant 0 : i32
      %dma_start3A_670 = tpu.memref_slice %arg9[%dma_start3A_669] : memref<100000xf32, #tpu.memory_space<vmem_shared>> -> memref<100000xf32, #tpu.memory_space<vmem_shared>>
      tpu.enqueue_indirect_dma source(%arg8 : memref<128xf32, #tpu.memory_space<vmem>>) target(%dma_start3A_670 : memref<100000xf32, #tpu.memory_space<vmem_shared>>) offsets(%dma_start3A_668 : memref<128xi32, #tpu.memory_space<vmem>>) semaphore(%arg11 : memref<!tpu.dma_semaphore, #tpu.memory_space<semaphore_mem>>)
      %dma_start3A_671 = arith.constant 24 : i32
      %dma_start3A_672 = arith.constant 0 : i32
      %dma_start3A_673 = tpu.memref_slice %arg7[%dma_start3A_671, %dma_start3A_672] : memref<25x128xi32, #tpu.memory_space<vmem>> -> memref<1x128xi32, #tpu.memory_space<vmem>>
      %dma_start3A_674 = tpu.memref_squeeze %dma_start3A_673 : memref<1x128xi32, #tpu.memory_space<vmem>> -> memref<128xi32, #tpu.memory_space<vmem>>
      %dma_start3A_675 = arith.constant 0 : i32
      %dma_start3A_676 = tpu.memref_slice %arg9[%dma_start3A_675] : memref<100000xf32, #tpu.memory_space<vmem_shared>> -> memref<100000xf32, #tpu.memory_space<vmem_shared>>
      tpu.enqueue_indirect_dma source(%arg8 : memref<128xf32, #tpu.memory_space<vmem>>) target(%dma_start3A_676 : memref<100000xf32, #tpu.memory_space<vmem_shared>>) offsets(%dma_start3A_674 : memref<128xi32, #tpu.memory_space<vmem>>) semaphore(%arg11 : memref<!tpu.dma_semaphore, #tpu.memory_space<semaphore_mem>>)
      %dma_wait3A_677 = arith.constant 0 : i32
      %dma_wait3A_678 = arith.constant 0 : i32
      %dma_wait3A_679 = tpu.memref_slice %arg7[%dma_wait3A_677, %dma_wait3A_678] : memref<25x128xi32, #tpu.memory_space<vmem>> -> memref<1x128xi32, #tpu.memory_space<vmem>>
      %dma_wait3A_680 = tpu.memref_squeeze %dma_wait3A_679 : memref<1x128xi32, #tpu.memory_space<vmem>> -> memref<128xi32, #tpu.memory_space<vmem>>
      %dma_wait3A_681 = arith.constant 0 : i32
      %dma_wait3A_682 = tpu.memref_slice %arg9[%dma_wait3A_681] : memref<100000xf32, #tpu.memory_space<vmem_shared>> -> memref<100000xf32, #tpu.memory_space<vmem_shared>>
      tpu.wait_indirect_dma semaphore(%arg11 : memref<!tpu.dma_semaphore, #tpu.memory_space<semaphore_mem>>) src(%arg8 : memref<128xf32, #tpu.memory_space<vmem>>) dst(%dma_wait3A_682 : memref<100000xf32, #tpu.memory_space<vmem_shared>>)
      %dma_wait3A_683 = arith.constant 1 : i32
      %dma_wait3A_684 = arith.constant 0 : i32
      %dma_wait3A_685 = tpu.memref_slice %arg7[%dma_wait3A_683, %dma_wait3A_684] : memref<25x128xi32, #tpu.memory_space<vmem>> -> memref<1x128xi32, #tpu.memory_space<vmem>>
      %dma_wait3A_686 = tpu.memref_squeeze %dma_wait3A_685 : memref<1x128xi32, #tpu.memory_space<vmem>> -> memref<128xi32, #tpu.memory_space<vmem>>
      %dma_wait3A_687 = arith.constant 0 : i32
      %dma_wait3A_688 = tpu.memref_slice %arg9[%dma_wait3A_687] : memref<100000xf32, #tpu.memory_space<vmem_shared>> -> memref<100000xf32, #tpu.memory_space<vmem_shared>>
      tpu.wait_indirect_dma semaphore(%arg11 : memref<!tpu.dma_semaphore, #tpu.memory_space<semaphore_mem>>) src(%arg8 : memref<128xf32, #tpu.memory_space<vmem>>) dst(%dma_wait3A_688 : memref<100000xf32, #tpu.memory_space<vmem_shared>>)
      %dma_wait3A_689 = arith.constant 2 : i32
      %dma_wait3A_690 = arith.constant 0 : i32
      %dma_wait3A_691 = tpu.memref_slice %arg7[%dma_wait3A_689, %dma_wait3A_690] : memref<25x128xi32, #tpu.memory_space<vmem>> -> memref<1x128xi32, #tpu.memory_space<vmem>>
      %dma_wait3A_692 = tpu.memref_squeeze %dma_wait3A_691 : memref<1x128xi32, #tpu.memory_space<vmem>> -> memref<128xi32, #tpu.memory_space<vmem>>
      %dma_wait3A_693 = arith.constant 0 : i32
      %dma_wait3A_694 = tpu.memref_slice %arg9[%dma_wait3A_693] : memref<100000xf32, #tpu.memory_space<vmem_shared>> -> memref<100000xf32, #tpu.memory_space<vmem_shared>>
      tpu.wait_indirect_dma semaphore(%arg11 : memref<!tpu.dma_semaphore, #tpu.memory_space<semaphore_mem>>) src(%arg8 : memref<128xf32, #tpu.memory_space<vmem>>) dst(%dma_wait3A_694 : memref<100000xf32, #tpu.memory_space<vmem_shared>>)
      %dma_wait3A_695 = arith.constant 3 : i32
      %dma_wait3A_696 = arith.constant 0 : i32
      %dma_wait3A_697 = tpu.memref_slice %arg7[%dma_wait3A_695, %dma_wait3A_696] : memref<25x128xi32, #tpu.memory_space<vmem>> -> memref<1x128xi32, #tpu.memory_space<vmem>>
      %dma_wait3A_698 = tpu.memref_squeeze %dma_wait3A_697 : memref<1x128xi32, #tpu.memory_space<vmem>> -> memref<128xi32, #tpu.memory_space<vmem>>
      %dma_wait3A_699 = arith.constant 0 : i32
      %dma_wait3A_700 = tpu.memref_slice %arg9[%dma_wait3A_699] : memref<100000xf32, #tpu.memory_space<vmem_shared>> -> memref<100000xf32, #tpu.memory_space<vmem_shared>>
      tpu.wait_indirect_dma semaphore(%arg11 : memref<!tpu.dma_semaphore, #tpu.memory_space<semaphore_mem>>) src(%arg8 : memref<128xf32, #tpu.memory_space<vmem>>) dst(%dma_wait3A_700 : memref<100000xf32, #tpu.memory_space<vmem_shared>>)
      %dma_wait3A_701 = arith.constant 4 : i32
      %dma_wait3A_702 = arith.constant 0 : i32
      %dma_wait3A_703 = tpu.memref_slice %arg7[%dma_wait3A_701, %dma_wait3A_702] : memref<25x128xi32, #tpu.memory_space<vmem>> -> memref<1x128xi32, #tpu.memory_space<vmem>>
      %dma_wait3A_704 = tpu.memref_squeeze %dma_wait3A_703 : memref<1x128xi32, #tpu.memory_space<vmem>> -> memref<128xi32, #tpu.memory_space<vmem>>
      %dma_wait3A_705 = arith.constant 0 : i32
      %dma_wait3A_706 = tpu.memref_slice %arg9[%dma_wait3A_705] : memref<100000xf32, #tpu.memory_space<vmem_shared>> -> memref<100000xf32, #tpu.memory_space<vmem_shared>>
      tpu.wait_indirect_dma semaphore(%arg11 : memref<!tpu.dma_semaphore, #tpu.memory_space<semaphore_mem>>) src(%arg8 : memref<128xf32, #tpu.memory_space<vmem>>) dst(%dma_wait3A_706 : memref<100000xf32, #tpu.memory_space<vmem_shared>>)
      %dma_wait3A_707 = arith.constant 5 : i32
      %dma_wait3A_708 = arith.constant 0 : i32
      %dma_wait3A_709 = tpu.memref_slice %arg7[%dma_wait3A_707, %dma_wait3A_708] : memref<25x128xi32, #tpu.memory_space<vmem>> -> memref<1x128xi32, #tpu.memory_space<vmem>>
      %dma_wait3A_710 = tpu.memref_squeeze %dma_wait3A_709 : memref<1x128xi32, #tpu.memory_space<vmem>> -> memref<128xi32, #tpu.memory_space<vmem>>
      %dma_wait3A_711 = arith.constant 0 : i32
      %dma_wait3A_712 = tpu.memref_slice %arg9[%dma_wait3A_711] : memref<100000xf32, #tpu.memory_space<vmem_shared>> -> memref<100000xf32, #tpu.memory_space<vmem_shared>>
      tpu.wait_indirect_dma semaphore(%arg11 : memref<!tpu.dma_semaphore, #tpu.memory_space<semaphore_mem>>) src(%arg8 : memref<128xf32, #tpu.memory_space<vmem>>) dst(%dma_wait3A_712 : memref<100000xf32, #tpu.memory_space<vmem_shared>>)
      %dma_wait3A_713 = arith.constant 6 : i32
      %dma_wait3A_714 = arith.constant 0 : i32
      %dma_wait3A_715 = tpu.memref_slice %arg7[%dma_wait3A_713, %dma_wait3A_714] : memref<25x128xi32, #tpu.memory_space<vmem>> -> memref<1x128xi32, #tpu.memory_space<vmem>>
      %dma_wait3A_716 = tpu.memref_squeeze %dma_wait3A_715 : memref<1x128xi32, #tpu.memory_space<vmem>> -> memref<128xi32, #tpu.memory_space<vmem>>
      %dma_wait3A_717 = arith.constant 0 : i32
      %dma_wait3A_718 = tpu.memref_slice %arg9[%dma_wait3A_717] : memref<100000xf32, #tpu.memory_space<vmem_shared>> -> memref<100000xf32, #tpu.memory_space<vmem_shared>>
      tpu.wait_indirect_dma semaphore(%arg11 : memref<!tpu.dma_semaphore, #tpu.memory_space<semaphore_mem>>) src(%arg8 : memref<128xf32, #tpu.memory_space<vmem>>) dst(%dma_wait3A_718 : memref<100000xf32, #tpu.memory_space<vmem_shared>>)
      %dma_wait3A_719 = arith.constant 7 : i32
      %dma_wait3A_720 = arith.constant 0 : i32
      %dma_wait3A_721 = tpu.memref_slice %arg7[%dma_wait3A_719, %dma_wait3A_720] : memref<25x128xi32, #tpu.memory_space<vmem>> -> memref<1x128xi32, #tpu.memory_space<vmem>>
      %dma_wait3A_722 = tpu.memref_squeeze %dma_wait3A_721 : memref<1x128xi32, #tpu.memory_space<vmem>> -> memref<128xi32, #tpu.memory_space<vmem>>
      %dma_wait3A_723 = arith.constant 0 : i32
      %dma_wait3A_724 = tpu.memref_slice %arg9[%dma_wait3A_723] : memref<100000xf32, #tpu.memory_space<vmem_shared>> -> memref<100000xf32, #tpu.memory_space<vmem_shared>>
      tpu.wait_indirect_dma semaphore(%arg11 : memref<!tpu.dma_semaphore, #tpu.memory_space<semaphore_mem>>) src(%arg8 : memref<128xf32, #tpu.memory_space<vmem>>) dst(%dma_wait3A_724 : memref<100000xf32, #tpu.memory_space<vmem_shared>>)
      %dma_wait3A_725 = arith.constant 8 : i32
      %dma_wait3A_726 = arith.constant 0 : i32
      %dma_wait3A_727 = tpu.memref_slice %arg7[%dma_wait3A_725, %dma_wait3A_726] : memref<25x128xi32, #tpu.memory_space<vmem>> -> memref<1x128xi32, #tpu.memory_space<vmem>>
      %dma_wait3A_728 = tpu.memref_squeeze %dma_wait3A_727 : memref<1x128xi32, #tpu.memory_space<vmem>> -> memref<128xi32, #tpu.memory_space<vmem>>
      %dma_wait3A_729 = arith.constant 0 : i32
      %dma_wait3A_730 = tpu.memref_slice %arg9[%dma_wait3A_729] : memref<100000xf32, #tpu.memory_space<vmem_shared>> -> memref<100000xf32, #tpu.memory_space<vmem_shared>>
      tpu.wait_indirect_dma semaphore(%arg11 : memref<!tpu.dma_semaphore, #tpu.memory_space<semaphore_mem>>) src(%arg8 : memref<128xf32, #tpu.memory_space<vmem>>) dst(%dma_wait3A_730 : memref<100000xf32, #tpu.memory_space<vmem_shared>>)
      %dma_wait3A_731 = arith.constant 9 : i32
      %dma_wait3A_732 = arith.constant 0 : i32
      %dma_wait3A_733 = tpu.memref_slice %arg7[%dma_wait3A_731, %dma_wait3A_732] : memref<25x128xi32, #tpu.memory_space<vmem>> -> memref<1x128xi32, #tpu.memory_space<vmem>>
      %dma_wait3A_734 = tpu.memref_squeeze %dma_wait3A_733 : memref<1x128xi32, #tpu.memory_space<vmem>> -> memref<128xi32, #tpu.memory_space<vmem>>
      %dma_wait3A_735 = arith.constant 0 : i32
      %dma_wait3A_736 = tpu.memref_slice %arg9[%dma_wait3A_735] : memref<100000xf32, #tpu.memory_space<vmem_shared>> -> memref<100000xf32, #tpu.memory_space<vmem_shared>>
      tpu.wait_indirect_dma semaphore(%arg11 : memref<!tpu.dma_semaphore, #tpu.memory_space<semaphore_mem>>) src(%arg8 : memref<128xf32, #tpu.memory_space<vmem>>) dst(%dma_wait3A_736 : memref<100000xf32, #tpu.memory_space<vmem_shared>>)
      %dma_wait3A_737 = arith.constant 10 : i32
      %dma_wait3A_738 = arith.constant 0 : i32
      %dma_wait3A_739 = tpu.memref_slice %arg7[%dma_wait3A_737, %dma_wait3A_738] : memref<25x128xi32, #tpu.memory_space<vmem>> -> memref<1x128xi32, #tpu.memory_space<vmem>>
      %dma_wait3A_740 = tpu.memref_squeeze %dma_wait3A_739 : memref<1x128xi32, #tpu.memory_space<vmem>> -> memref<128xi32, #tpu.memory_space<vmem>>
      %dma_wait3A_741 = arith.constant 0 : i32
      %dma_wait3A_742 = tpu.memref_slice %arg9[%dma_wait3A_741] : memref<100000xf32, #tpu.memory_space<vmem_shared>> -> memref<100000xf32, #tpu.memory_space<vmem_shared>>
      tpu.wait_indirect_dma semaphore(%arg11 : memref<!tpu.dma_semaphore, #tpu.memory_space<semaphore_mem>>) src(%arg8 : memref<128xf32, #tpu.memory_space<vmem>>) dst(%dma_wait3A_742 : memref<100000xf32, #tpu.memory_space<vmem_shared>>)
      %dma_wait3A_743 = arith.constant 11 : i32
      %dma_wait3A_744 = arith.constant 0 : i32
      %dma_wait3A_745 = tpu.memref_slice %arg7[%dma_wait3A_743, %dma_wait3A_744] : memref<25x128xi32, #tpu.memory_space<vmem>> -> memref<1x128xi32, #tpu.memory_space<vmem>>
      %dma_wait3A_746 = tpu.memref_squeeze %dma_wait3A_745 : memref<1x128xi32, #tpu.memory_space<vmem>> -> memref<128xi32, #tpu.memory_space<vmem>>
      %dma_wait3A_747 = arith.constant 0 : i32
      %dma_wait3A_748 = tpu.memref_slice %arg9[%dma_wait3A_747] : memref<100000xf32, #tpu.memory_space<vmem_shared>> -> memref<100000xf32, #tpu.memory_space<vmem_shared>>
      tpu.wait_indirect_dma semaphore(%arg11 : memref<!tpu.dma_semaphore, #tpu.memory_space<semaphore_mem>>) src(%arg8 : memref<128xf32, #tpu.memory_space<vmem>>) dst(%dma_wait3A_748 : memref<100000xf32, #tpu.memory_space<vmem_shared>>)
      %dma_wait3A_749 = arith.constant 12 : i32
      %dma_wait3A_750 = arith.constant 0 : i32
      %dma_wait3A_751 = tpu.memref_slice %arg7[%dma_wait3A_749, %dma_wait3A_750] : memref<25x128xi32, #tpu.memory_space<vmem>> -> memref<1x128xi32, #tpu.memory_space<vmem>>
      %dma_wait3A_752 = tpu.memref_squeeze %dma_wait3A_751 : memref<1x128xi32, #tpu.memory_space<vmem>> -> memref<128xi32, #tpu.memory_space<vmem>>
      %dma_wait3A_753 = arith.constant 0 : i32
      %dma_wait3A_754 = tpu.memref_slice %arg9[%dma_wait3A_753] : memref<100000xf32, #tpu.memory_space<vmem_shared>> -> memref<100000xf32, #tpu.memory_space<vmem_shared>>
      tpu.wait_indirect_dma semaphore(%arg11 : memref<!tpu.dma_semaphore, #tpu.memory_space<semaphore_mem>>) src(%arg8 : memref<128xf32, #tpu.memory_space<vmem>>) dst(%dma_wait3A_754 : memref<100000xf32, #tpu.memory_space<vmem_shared>>)
      %dma_wait3A_755 = arith.constant 13 : i32
      %dma_wait3A_756 = arith.constant 0 : i32
      %dma_wait3A_757 = tpu.memref_slice %arg7[%dma_wait3A_755, %dma_wait3A_756] : memref<25x128xi32, #tpu.memory_space<vmem>> -> memref<1x128xi32, #tpu.memory_space<vmem>>
      %dma_wait3A_758 = tpu.memref_squeeze %dma_wait3A_757 : memref<1x128xi32, #tpu.memory_space<vmem>> -> memref<128xi32, #tpu.memory_space<vmem>>
      %dma_wait3A_759 = arith.constant 0 : i32
      %dma_wait3A_760 = tpu.memref_slice %arg9[%dma_wait3A_759] : memref<100000xf32, #tpu.memory_space<vmem_shared>> -> memref<100000xf32, #tpu.memory_space<vmem_shared>>
      tpu.wait_indirect_dma semaphore(%arg11 : memref<!tpu.dma_semaphore, #tpu.memory_space<semaphore_mem>>) src(%arg8 : memref<128xf32, #tpu.memory_space<vmem>>) dst(%dma_wait3A_760 : memref<100000xf32, #tpu.memory_space<vmem_shared>>)
      %dma_wait3A_761 = arith.constant 14 : i32
      %dma_wait3A_762 = arith.constant 0 : i32
      %dma_wait3A_763 = tpu.memref_slice %arg7[%dma_wait3A_761, %dma_wait3A_762] : memref<25x128xi32, #tpu.memory_space<vmem>> -> memref<1x128xi32, #tpu.memory_space<vmem>>
      %dma_wait3A_764 = tpu.memref_squeeze %dma_wait3A_763 : memref<1x128xi32, #tpu.memory_space<vmem>> -> memref<128xi32, #tpu.memory_space<vmem>>
      %dma_wait3A_765 = arith.constant 0 : i32
      %dma_wait3A_766 = tpu.memref_slice %arg9[%dma_wait3A_765] : memref<100000xf32, #tpu.memory_space<vmem_shared>> -> memref<100000xf32, #tpu.memory_space<vmem_shared>>
      tpu.wait_indirect_dma semaphore(%arg11 : memref<!tpu.dma_semaphore, #tpu.memory_space<semaphore_mem>>) src(%arg8 : memref<128xf32, #tpu.memory_space<vmem>>) dst(%dma_wait3A_766 : memref<100000xf32, #tpu.memory_space<vmem_shared>>)
      %dma_wait3A_767 = arith.constant 15 : i32
      %dma_wait3A_768 = arith.constant 0 : i32
      %dma_wait3A_769 = tpu.memref_slice %arg7[%dma_wait3A_767, %dma_wait3A_768] : memref<25x128xi32, #tpu.memory_space<vmem>> -> memref<1x128xi32, #tpu.memory_space<vmem>>
      %dma_wait3A_770 = tpu.memref_squeeze %dma_wait3A_769 : memref<1x128xi32, #tpu.memory_space<vmem>> -> memref<128xi32, #tpu.memory_space<vmem>>
      %dma_wait3A_771 = arith.constant 0 : i32
      %dma_wait3A_772 = tpu.memref_slice %arg9[%dma_wait3A_771] : memref<100000xf32, #tpu.memory_space<vmem_shared>> -> memref<100000xf32, #tpu.memory_space<vmem_shared>>
      tpu.wait_indirect_dma semaphore(%arg11 : memref<!tpu.dma_semaphore, #tpu.memory_space<semaphore_mem>>) src(%arg8 : memref<128xf32, #tpu.memory_space<vmem>>) dst(%dma_wait3A_772 : memref<100000xf32, #tpu.memory_space<vmem_shared>>)
      %dma_wait3A_773 = arith.constant 16 : i32
      %dma_wait3A_774 = arith.constant 0 : i32
      %dma_wait3A_775 = tpu.memref_slice %arg7[%dma_wait3A_773, %dma_wait3A_774] : memref<25x128xi32, #tpu.memory_space<vmem>> -> memref<1x128xi32, #tpu.memory_space<vmem>>
      %dma_wait3A_776 = tpu.memref_squeeze %dma_wait3A_775 : memref<1x128xi32, #tpu.memory_space<vmem>> -> memref<128xi32, #tpu.memory_space<vmem>>
      %dma_wait3A_777 = arith.constant 0 : i32
      %dma_wait3A_778 = tpu.memref_slice %arg9[%dma_wait3A_777] : memref<100000xf32, #tpu.memory_space<vmem_shared>> -> memref<100000xf32, #tpu.memory_space<vmem_shared>>
      tpu.wait_indirect_dma semaphore(%arg11 : memref<!tpu.dma_semaphore, #tpu.memory_space<semaphore_mem>>) src(%arg8 : memref<128xf32, #tpu.memory_space<vmem>>) dst(%dma_wait3A_778 : memref<100000xf32, #tpu.memory_space<vmem_shared>>)
      %dma_wait3A_779 = arith.constant 17 : i32
      %dma_wait3A_780 = arith.constant 0 : i32
      %dma_wait3A_781 = tpu.memref_slice %arg7[%dma_wait3A_779, %dma_wait3A_780] : memref<25x128xi32, #tpu.memory_space<vmem>> -> memref<1x128xi32, #tpu.memory_space<vmem>>
      %dma_wait3A_782 = tpu.memref_squeeze %dma_wait3A_781 : memref<1x128xi32, #tpu.memory_space<vmem>> -> memref<128xi32, #tpu.memory_space<vmem>>
      %dma_wait3A_783 = arith.constant 0 : i32
      %dma_wait3A_784 = tpu.memref_slice %arg9[%dma_wait3A_783] : memref<100000xf32, #tpu.memory_space<vmem_shared>> -> memref<100000xf32, #tpu.memory_space<vmem_shared>>
      tpu.wait_indirect_dma semaphore(%arg11 : memref<!tpu.dma_semaphore, #tpu.memory_space<semaphore_mem>>) src(%arg8 : memref<128xf32, #tpu.memory_space<vmem>>) dst(%dma_wait3A_784 : memref<100000xf32, #tpu.memory_space<vmem_shared>>)
      %dma_wait3A_785 = arith.constant 18 : i32
      %dma_wait3A_786 = arith.constant 0 : i32
      %dma_wait3A_787 = tpu.memref_slice %arg7[%dma_wait3A_785, %dma_wait3A_786] : memref<25x128xi32, #tpu.memory_space<vmem>> -> memref<1x128xi32, #tpu.memory_space<vmem>>
      %dma_wait3A_788 = tpu.memref_squeeze %dma_wait3A_787 : memref<1x128xi32, #tpu.memory_space<vmem>> -> memref<128xi32, #tpu.memory_space<vmem>>
      %dma_wait3A_789 = arith.constant 0 : i32
      %dma_wait3A_790 = tpu.memref_slice %arg9[%dma_wait3A_789] : memref<100000xf32, #tpu.memory_space<vmem_shared>> -> memref<100000xf32, #tpu.memory_space<vmem_shared>>
      tpu.wait_indirect_dma semaphore(%arg11 : memref<!tpu.dma_semaphore, #tpu.memory_space<semaphore_mem>>) src(%arg8 : memref<128xf32, #tpu.memory_space<vmem>>) dst(%dma_wait3A_790 : memref<100000xf32, #tpu.memory_space<vmem_shared>>)
      %dma_wait3A_791 = arith.constant 19 : i32
      %dma_wait3A_792 = arith.constant 0 : i32
      %dma_wait3A_793 = tpu.memref_slice %arg7[%dma_wait3A_791, %dma_wait3A_792] : memref<25x128xi32, #tpu.memory_space<vmem>> -> memref<1x128xi32, #tpu.memory_space<vmem>>
      %dma_wait3A_794 = tpu.memref_squeeze %dma_wait3A_793 : memref<1x128xi32, #tpu.memory_space<vmem>> -> memref<128xi32, #tpu.memory_space<vmem>>
      %dma_wait3A_795 = arith.constant 0 : i32
      %dma_wait3A_796 = tpu.memref_slice %arg9[%dma_wait3A_795] : memref<100000xf32, #tpu.memory_space<vmem_shared>> -> memref<100000xf32, #tpu.memory_space<vmem_shared>>
      tpu.wait_indirect_dma semaphore(%arg11 : memref<!tpu.dma_semaphore, #tpu.memory_space<semaphore_mem>>) src(%arg8 : memref<128xf32, #tpu.memory_space<vmem>>) dst(%dma_wait3A_796 : memref<100000xf32, #tpu.memory_space<vmem_shared>>)
      %dma_wait3A_797 = arith.constant 20 : i32
      %dma_wait3A_798 = arith.constant 0 : i32
      %dma_wait3A_799 = tpu.memref_slice %arg7[%dma_wait3A_797, %dma_wait3A_798] : memref<25x128xi32, #tpu.memory_space<vmem>> -> memref<1x128xi32, #tpu.memory_space<vmem>>
      %dma_wait3A_800 = tpu.memref_squeeze %dma_wait3A_799 : memref<1x128xi32, #tpu.memory_space<vmem>> -> memref<128xi32, #tpu.memory_space<vmem>>
      %dma_wait3A_801 = arith.constant 0 : i32
      %dma_wait3A_802 = tpu.memref_slice %arg9[%dma_wait3A_801] : memref<100000xf32, #tpu.memory_space<vmem_shared>> -> memref<100000xf32, #tpu.memory_space<vmem_shared>>
      tpu.wait_indirect_dma semaphore(%arg11 : memref<!tpu.dma_semaphore, #tpu.memory_space<semaphore_mem>>) src(%arg8 : memref<128xf32, #tpu.memory_space<vmem>>) dst(%dma_wait3A_802 : memref<100000xf32, #tpu.memory_space<vmem_shared>>)
      %dma_wait3A_803 = arith.constant 21 : i32
      %dma_wait3A_804 = arith.constant 0 : i32
      %dma_wait3A_805 = tpu.memref_slice %arg7[%dma_wait3A_803, %dma_wait3A_804] : memref<25x128xi32, #tpu.memory_space<vmem>> -> memref<1x128xi32, #tpu.memory_space<vmem>>
      %dma_wait3A_806 = tpu.memref_squeeze %dma_wait3A_805 : memref<1x128xi32, #tpu.memory_space<vmem>> -> memref<128xi32, #tpu.memory_space<vmem>>
      %dma_wait3A_807 = arith.constant 0 : i32
      %dma_wait3A_808 = tpu.memref_slice %arg9[%dma_wait3A_807] : memref<100000xf32, #tpu.memory_space<vmem_shared>> -> memref<100000xf32, #tpu.memory_space<vmem_shared>>
      tpu.wait_indirect_dma semaphore(%arg11 : memref<!tpu.dma_semaphore, #tpu.memory_space<semaphore_mem>>) src(%arg8 : memref<128xf32, #tpu.memory_space<vmem>>) dst(%dma_wait3A_808 : memref<100000xf32, #tpu.memory_space<vmem_shared>>)
      %dma_wait3A_809 = arith.constant 22 : i32
      %dma_wait3A_810 = arith.constant 0 : i32
      %dma_wait3A_811 = tpu.memref_slice %arg7[%dma_wait3A_809, %dma_wait3A_810] : memref<25x128xi32, #tpu.memory_space<vmem>> -> memref<1x128xi32, #tpu.memory_space<vmem>>
      %dma_wait3A_812 = tpu.memref_squeeze %dma_wait3A_811 : memref<1x128xi32, #tpu.memory_space<vmem>> -> memref<128xi32, #tpu.memory_space<vmem>>
      %dma_wait3A_813 = arith.constant 0 : i32
      %dma_wait3A_814 = tpu.memref_slice %arg9[%dma_wait3A_813] : memref<100000xf32, #tpu.memory_space<vmem_shared>> -> memref<100000xf32, #tpu.memory_space<vmem_shared>>
      tpu.wait_indirect_dma semaphore(%arg11 : memref<!tpu.dma_semaphore, #tpu.memory_space<semaphore_mem>>) src(%arg8 : memref<128xf32, #tpu.memory_space<vmem>>) dst(%dma_wait3A_814 : memref<100000xf32, #tpu.memory_space<vmem_shared>>)
      %dma_wait3A_815 = arith.constant 23 : i32
      %dma_wait3A_816 = arith.constant 0 : i32
      %dma_wait3A_817 = tpu.memref_slice %arg7[%dma_wait3A_815, %dma_wait3A_816] : memref<25x128xi32, #tpu.memory_space<vmem>> -> memref<1x128xi32, #tpu.memory_space<vmem>>
      %dma_wait3A_818 = tpu.memref_squeeze %dma_wait3A_817 : memref<1x128xi32, #tpu.memory_space<vmem>> -> memref<128xi32, #tpu.memory_space<vmem>>
      %dma_wait3A_819 = arith.constant 0 : i32
      %dma_wait3A_820 = tpu.memref_slice %arg9[%dma_wait3A_819] : memref<100000xf32, #tpu.memory_space<vmem_shared>> -> memref<100000xf32, #tpu.memory_space<vmem_shared>>
      tpu.wait_indirect_dma semaphore(%arg11 : memref<!tpu.dma_semaphore, #tpu.memory_space<semaphore_mem>>) src(%arg8 : memref<128xf32, #tpu.memory_space<vmem>>) dst(%dma_wait3A_820 : memref<100000xf32, #tpu.memory_space<vmem_shared>>)
      %dma_wait3A_821 = arith.constant 24 : i32
      %dma_wait3A_822 = arith.constant 0 : i32
      %dma_wait3A_823 = tpu.memref_slice %arg7[%dma_wait3A_821, %dma_wait3A_822] : memref<25x128xi32, #tpu.memory_space<vmem>> -> memref<1x128xi32, #tpu.memory_space<vmem>>
      %dma_wait3A_824 = tpu.memref_squeeze %dma_wait3A_823 : memref<1x128xi32, #tpu.memory_space<vmem>> -> memref<128xi32, #tpu.memory_space<vmem>>
      %dma_wait3A_825 = arith.constant 0 : i32
      %dma_wait3A_826 = tpu.memref_slice %arg9[%dma_wait3A_825] : memref<100000xf32, #tpu.memory_space<vmem_shared>> -> memref<100000xf32, #tpu.memory_space<vmem_shared>>
      tpu.wait_indirect_dma semaphore(%arg11 : memref<!tpu.dma_semaphore, #tpu.memory_space<semaphore_mem>>) src(%arg8 : memref<128xf32, #tpu.memory_space<vmem>>) dst(%dma_wait3A_826 : memref<100000xf32, #tpu.memory_space<vmem_shared>>)
      "tpu.trace_stop"() : () -> ()
      %barrier3A_827 = arith.constant 0 : index
      tpu.barrier barrier_id(%barrier3A_827)
      %lt3A_828 = arith.constant 15 : i32
      "tpu.trace_start"() <{level = 10 : i32, message = "writeout"}> : () -> ()
      %lt3A_829 = arith.cmpi slt, %arg1, %lt3A_828 : i32
      %convert_element_type3A_830 = arith.extui %lt3A_829 : i1 to i32
      %cond3A_831 = arith.constant 0 : i32
      %cond3A_832 = arith.cmpi ne, %convert_element_type3A_830, %cond3A_831 : i32
      scf.if %cond3A_832 {
        %mul3A_838 = arith.constant 6256 : i32
        %mul3A_839 = arith.muli %arg1, %mul3A_838 : i32
        "tpu.region"() ({
          %run_scoped3A = tpu.sem_alloc : memref<!tpu.dma_semaphore, #tpu.memory_space<semaphore_mem>>
          %dma_start3A_840 = tpu.memref_slice %arg9[%mul3A_839] : memref<100000xf32, #tpu.memory_space<vmem_shared>> -> memref<6256xf32, #tpu.memory_space<vmem_shared>>
          %dma_start3A_841 = tpu.memref_slice %arg9[%mul3A_839] : memref<100000xf32, #tpu.memory_space<vmem_shared>> -> memref<6256xf32, #tpu.memory_space<vmem_shared>>
          tpu.enqueue_dma source(%dma_start3A_841 : memref<6256xf32, #tpu.memory_space<vmem_shared>>) target(%arg6 : memref<6256xf32, #tpu.memory_space<vmem>>) target_semaphore(%run_scoped3A : memref<!tpu.dma_semaphore, #tpu.memory_space<semaphore_mem>>)
          %dma_wait3A_842 = tpu.memref_slice %arg9[%mul3A_839] : memref<100000xf32, #tpu.memory_space<vmem_shared>> -> memref<6256xf32, #tpu.memory_space<vmem_shared>>
          %dma_wait3A_843 = tpu.memref_slice %arg9[%mul3A_839] : memref<100000xf32, #tpu.memory_space<vmem_shared>> -> memref<6256xf32, #tpu.memory_space<vmem_shared>>
          tpu.wait_dma2 semaphore(%run_scoped3A : memref<!tpu.dma_semaphore, #tpu.memory_space<semaphore_mem>>) src(%dma_wait3A_843 : memref<6256xf32, #tpu.memory_space<vmem_shared>>) dst(%arg6 : memref<6256xf32, #tpu.memory_space<vmem>>)
          tpu.yield
        }) : () -> ()
        "tpu.region"() ({
          %run_scoped3A = tpu.sem_alloc : memref<!tpu.dma_semaphore, #tpu.memory_space<semaphore_mem>>
          %dma_start3A_840 = tpu.memref_slice %arg4[%mul3A_839] : memref<100000xf32, #tpu.memory_space<hbm>> -> memref<6256xf32, #tpu.memory_space<hbm>>
          %dma_start3A_841 = tpu.memref_slice %arg4[%mul3A_839] : memref<100000xf32, #tpu.memory_space<hbm>> -> memref<6256xf32, #tpu.memory_space<hbm>>
          tpu.enqueue_dma source(%arg6 : memref<6256xf32, #tpu.memory_space<vmem>>) target(%dma_start3A_841 : memref<6256xf32, #tpu.memory_space<hbm>>) target_semaphore(%run_scoped3A : memref<!tpu.dma_semaphore, #tpu.memory_space<semaphore_mem>>)
          %dma_wait3A_842 = tpu.memref_slice %arg4[%mul3A_839] : memref<100000xf32, #tpu.memory_space<hbm>> -> memref<6256xf32, #tpu.memory_space<hbm>>
          %dma_wait3A_843 = tpu.memref_slice %arg4[%mul3A_839] : memref<100000xf32, #tpu.memory_space<hbm>> -> memref<6256xf32, #tpu.memory_space<hbm>>
          tpu.wait_dma2 semaphore(%run_scoped3A : memref<!tpu.dma_semaphore, #tpu.memory_space<semaphore_mem>>) src(%arg6 : memref<6256xf32, #tpu.memory_space<vmem>>) dst(%dma_wait3A_843 : memref<6256xf32, #tpu.memory_space<hbm>>)
          tpu.yield
        }) : () -> ()
      } else {
      }
      %eq3A_833 = arith.constant 15 : i32
      %eq3A_834 = arith.cmpi eq, %arg1, %eq3A_833 : i32
      %convert_element_type3A_835 = arith.extui %eq3A_834 : i1 to i32
      %cond3A_836 = arith.constant 0 : i32
      %cond3A_837 = arith.cmpi ne, %convert_element_type3A_835, %cond3A_836 : i32
      scf.if %cond3A_837 {
        "tpu.region"() ({
          %run_scoped3A = tpu.sem_alloc : memref<!tpu.dma_semaphore, #tpu.memory_space<semaphore_mem>>
          %dma_start3A_838 = arith.constant 0 : i32
          %dma_start3A_839 = tpu.memref_slice %arg6[%dma_start3A_838] : memref<6256xf32, #tpu.memory_space<vmem>> -> memref<6160xf32, #tpu.memory_space<vmem>>
          %dma_start3A_840 = arith.constant 93840 : i32
          %dma_start3A_841 = tpu.memref_slice %arg9[%dma_start3A_840] : memref<100000xf32, #tpu.memory_space<vmem_shared>> -> memref<6160xf32, #tpu.memory_space<vmem_shared>>
          %dma_start3A_842 = arith.constant 0 : i32
          %dma_start3A_843 = tpu.memref_slice %arg6[%dma_start3A_842] : memref<6256xf32, #tpu.memory_space<vmem>> -> memref<6160xf32, #tpu.memory_space<vmem>>
          %dma_start3A_844 = arith.constant 93840 : i32
          %dma_start3A_845 = tpu.memref_slice %arg9[%dma_start3A_844] : memref<100000xf32, #tpu.memory_space<vmem_shared>> -> memref<6160xf32, #tpu.memory_space<vmem_shared>>
          tpu.enqueue_dma source(%dma_start3A_845 : memref<6160xf32, #tpu.memory_space<vmem_shared>>) target(%dma_start3A_843 : memref<6160xf32, #tpu.memory_space<vmem>>) target_semaphore(%run_scoped3A : memref<!tpu.dma_semaphore, #tpu.memory_space<semaphore_mem>>)
          %dma_wait3A_846 = arith.constant 0 : i32
          %dma_wait3A_847 = tpu.memref_slice %arg6[%dma_wait3A_846] : memref<6256xf32, #tpu.memory_space<vmem>> -> memref<6160xf32, #tpu.memory_space<vmem>>
          %dma_wait3A_848 = arith.constant 93840 : i32
          %dma_wait3A_849 = tpu.memref_slice %arg9[%dma_wait3A_848] : memref<100000xf32, #tpu.memory_space<vmem_shared>> -> memref<6160xf32, #tpu.memory_space<vmem_shared>>
          %dma_wait3A_850 = arith.constant 0 : i32
          %dma_wait3A_851 = tpu.memref_slice %arg6[%dma_wait3A_850] : memref<6256xf32, #tpu.memory_space<vmem>> -> memref<6160xf32, #tpu.memory_space<vmem>>
          %dma_wait3A_852 = arith.constant 93840 : i32
          %dma_wait3A_853 = tpu.memref_slice %arg9[%dma_wait3A_852] : memref<100000xf32, #tpu.memory_space<vmem_shared>> -> memref<6160xf32, #tpu.memory_space<vmem_shared>>
          tpu.wait_dma2 semaphore(%run_scoped3A : memref<!tpu.dma_semaphore, #tpu.memory_space<semaphore_mem>>) src(%dma_wait3A_853 : memref<6160xf32, #tpu.memory_space<vmem_shared>>) dst(%dma_wait3A_851 : memref<6160xf32, #tpu.memory_space<vmem>>)
          tpu.yield
        }) : () -> ()
        "tpu.region"() ({
          %run_scoped3A = tpu.sem_alloc : memref<!tpu.dma_semaphore, #tpu.memory_space<semaphore_mem>>
          %dma_start3A_838 = arith.constant 0 : i32
          %dma_start3A_839 = tpu.memref_slice %arg6[%dma_start3A_838] : memref<6256xf32, #tpu.memory_space<vmem>> -> memref<6160xf32, #tpu.memory_space<vmem>>
          %dma_start3A_840 = arith.constant 93840 : i32
          %dma_start3A_841 = tpu.memref_slice %arg4[%dma_start3A_840] : memref<100000xf32, #tpu.memory_space<hbm>> -> memref<6160xf32, #tpu.memory_space<hbm>>
          %dma_start3A_842 = arith.constant 93840 : i32
          %dma_start3A_843 = tpu.memref_slice %arg4[%dma_start3A_842] : memref<100000xf32, #tpu.memory_space<hbm>> -> memref<6160xf32, #tpu.memory_space<hbm>>
          %dma_start3A_844 = arith.constant 0 : i32
          %dma_start3A_845 = tpu.memref_slice %arg6[%dma_start3A_844] : memref<6256xf32, #tpu.memory_space<vmem>> -> memref<6160xf32, #tpu.memory_space<vmem>>
          tpu.enqueue_dma source(%dma_start3A_845 : memref<6160xf32, #tpu.memory_space<vmem>>) target(%dma_start3A_843 : memref<6160xf32, #tpu.memory_space<hbm>>) target_semaphore(%run_scoped3A : memref<!tpu.dma_semaphore, #tpu.memory_space<semaphore_mem>>)
          %dma_wait3A_846 = arith.constant 0 : i32
          %dma_wait3A_847 = tpu.memref_slice %arg6[%dma_wait3A_846] : memref<6256xf32, #tpu.memory_space<vmem>> -> memref<6160xf32, #tpu.memory_space<vmem>>
          %dma_wait3A_848 = arith.constant 93840 : i32
          %dma_wait3A_849 = tpu.memref_slice %arg4[%dma_wait3A_848] : memref<100000xf32, #tpu.memory_space<hbm>> -> memref<6160xf32, #tpu.memory_space<hbm>>
          %dma_wait3A_850 = arith.constant 93840 : i32
          %dma_wait3A_851 = tpu.memref_slice %arg4[%dma_wait3A_850] : memref<100000xf32, #tpu.memory_space<hbm>> -> memref<6160xf32, #tpu.memory_space<hbm>>
          %dma_wait3A_852 = arith.constant 0 : i32
          %dma_wait3A_853 = tpu.memref_slice %arg6[%dma_wait3A_852] : memref<6256xf32, #tpu.memory_space<vmem>> -> memref<6160xf32, #tpu.memory_space<vmem>>
          tpu.wait_dma2 semaphore(%run_scoped3A : memref<!tpu.dma_semaphore, #tpu.memory_space<semaphore_mem>>) src(%dma_wait3A_853 : memref<6160xf32, #tpu.memory_space<vmem>>) dst(%dma_wait3A_851 : memref<6160xf32, #tpu.memory_space<hbm>>)
          tpu.yield
        }) : () -> ()
      } else {
      }
      "tpu.trace_stop"() : () -> ()
    } else {
    }
    %eq3A_13 = arith.constant 1 : i32
    %eq3A_14 = arith.cmpi eq, %arg0, %eq3A_13 : i32
    %convert_element_type3A_15 = arith.extui %eq3A_14 : i1 to i32
    %cond3A_16 = arith.constant 0 : i32
    %cond3A_17 = arith.cmpi ne, %convert_element_type3A_15, %cond3A_16 : i32
    scf.if %cond3A_17 {
      %lt3A = arith.constant 15 : i32
      %lt3A_18 = arith.cmpi slt, %arg1, %lt3A : i32
      %mul3A = arith.constant 3128 : i32
      %mul3A_19 = arith.muli %arg1, %mul3A : i32
      %jit3A = arith.constant 46800 : i32
      %select_n3A = arith.select %lt3A_18, %mul3A_19, %jit3A : i32
      %multiple_of3A = tpu.assume_multiple %select_n3A, 8 : i32
      %add3A = arith.constant 0 : i32
      %add3A_20 = arith.addi %multiple_of3A, %add3A : i32
      %add3A_21 = arith.constant 128 : i32
      %add3A_22 = arith.addi %multiple_of3A, %add3A_21 : i32
      %add3A_23 = arith.constant 256 : i32
      %add3A_24 = arith.addi %multiple_of3A, %add3A_23 : i32
      %add3A_25 = arith.constant 384 : i32
      %add3A_26 = arith.addi %multiple_of3A, %add3A_25 : i32
      %add3A_27 = arith.constant 512 : i32
      %add3A_28 = arith.addi %multiple_of3A, %add3A_27 : i32
      %add3A_29 = arith.constant 640 : i32
      %add3A_30 = arith.addi %multiple_of3A, %add3A_29 : i32
      %add3A_31 = arith.constant 768 : i32
      %add3A_32 = arith.addi %multiple_of3A, %add3A_31 : i32
      %add3A_33 = arith.constant 896 : i32
      %add3A_34 = arith.addi %multiple_of3A, %add3A_33 : i32
      %add3A_35 = arith.constant 1024 : i32
      %add3A_36 = arith.addi %multiple_of3A, %add3A_35 : i32
      %add3A_37 = arith.constant 1152 : i32
      %add3A_38 = arith.addi %multiple_of3A, %add3A_37 : i32
      %add3A_39 = arith.constant 1280 : i32
      %add3A_40 = arith.addi %multiple_of3A, %add3A_39 : i32
      %add3A_41 = arith.constant 1408 : i32
      %add3A_42 = arith.addi %multiple_of3A, %add3A_41 : i32
      %add3A_43 = arith.constant 1536 : i32
      %add3A_44 = arith.addi %multiple_of3A, %add3A_43 : i32
      %add3A_45 = arith.constant 1664 : i32
      %add3A_46 = arith.addi %multiple_of3A, %add3A_45 : i32
      %add3A_47 = arith.constant 1792 : i32
      %add3A_48 = arith.addi %multiple_of3A, %add3A_47 : i32
      %add3A_49 = arith.constant 1920 : i32
      %add3A_50 = arith.addi %multiple_of3A, %add3A_49 : i32
      %add3A_51 = arith.constant 2048 : i32
      %add3A_52 = arith.addi %multiple_of3A, %add3A_51 : i32
      %add3A_53 = arith.constant 2176 : i32
      %add3A_54 = arith.addi %multiple_of3A, %add3A_53 : i32
      %add3A_55 = arith.constant 2304 : i32
      %add3A_56 = arith.addi %multiple_of3A, %add3A_55 : i32
      %add3A_57 = arith.constant 2432 : i32
      %add3A_58 = arith.addi %multiple_of3A, %add3A_57 : i32
      %add3A_59 = arith.constant 2560 : i32
      %add3A_60 = arith.addi %multiple_of3A, %add3A_59 : i32
      %add3A_61 = arith.constant 2688 : i32
      %add3A_62 = arith.addi %multiple_of3A, %add3A_61 : i32
      %add3A_63 = arith.constant 2816 : i32
      %add3A_64 = arith.addi %multiple_of3A, %add3A_63 : i32
      %add3A_65 = arith.constant 2944 : i32
      %add3A_66 = arith.addi %multiple_of3A, %add3A_65 : i32
      %add3A_67 = arith.constant 3072 : i32
      %add3A_68 = arith.addi %multiple_of3A, %add3A_67 : i32
      %dma_start3A = arith.constant 0 : i32
      %dma_start3A_69 = arith.constant 0 : i32
      %dma_start3A_70 = tpu.memref_slice %arg7[%dma_start3A, %dma_start3A_69] : memref<25x128xi32, #tpu.memory_space<vmem>> -> memref<1x128xi32, #tpu.memory_space<vmem>>
      %dma_start3A_71 = tpu.memref_squeeze %dma_start3A_70 : memref<1x128xi32, #tpu.memory_space<vmem>> -> memref<128xi32, #tpu.memory_space<vmem>>
      %dma_start3A_72 = tpu.memref_slice %arg3[%add3A_20] : memref<50000xi32, #tpu.memory_space<hbm>> -> memref<128xi32, #tpu.memory_space<hbm>>
      %dma_start3A_73 = arith.constant 0 : i32
      %dma_start3A_74 = tpu.memref_slice %arg7[%dma_start3A, %dma_start3A_73] : memref<25x128xi32, #tpu.memory_space<vmem>> -> memref<1x128xi32, #tpu.memory_space<vmem>>
      %dma_start3A_75 = tpu.memref_squeeze %dma_start3A_74 : memref<1x128xi32, #tpu.memory_space<vmem>> -> memref<128xi32, #tpu.memory_space<vmem>>
      %dma_start3A_76 = tpu.memref_slice %arg3[%add3A_20] : memref<50000xi32, #tpu.memory_space<hbm>> -> memref<128xi32, #tpu.memory_space<hbm>>
      tpu.enqueue_dma source(%dma_start3A_76 : memref<128xi32, #tpu.memory_space<hbm>>) target(%dma_start3A_75 : memref<128xi32, #tpu.memory_space<vmem>>) target_semaphore(%arg10 : memref<!tpu.dma_semaphore, #tpu.memory_space<semaphore_mem>>)
      %dma_start3A_77 = arith.constant 1 : i32
      %dma_start3A_78 = arith.constant 0 : i32
      %dma_start3A_79 = tpu.memref_slice %arg7[%dma_start3A_77, %dma_start3A_78] : memref<25x128xi32, #tpu.memory_space<vmem>> -> memref<1x128xi32, #tpu.memory_space<vmem>>
      %dma_start3A_80 = tpu.memref_squeeze %dma_start3A_79 : memref<1x128xi32, #tpu.memory_space<vmem>> -> memref<128xi32, #tpu.memory_space<vmem>>
      %dma_start3A_81 = tpu.memref_slice %arg3[%add3A_22] : memref<50000xi32, #tpu.memory_space<hbm>> -> memref<128xi32, #tpu.memory_space<hbm>>
      %dma_start3A_82 = arith.constant 0 : i32
      %dma_start3A_83 = tpu.memref_slice %arg7[%dma_start3A_77, %dma_start3A_82] : memref<25x128xi32, #tpu.memory_space<vmem>> -> memref<1x128xi32, #tpu.memory_space<vmem>>
      %dma_start3A_84 = tpu.memref_squeeze %dma_start3A_83 : memref<1x128xi32, #tpu.memory_space<vmem>> -> memref<128xi32, #tpu.memory_space<vmem>>
      %dma_start3A_85 = tpu.memref_slice %arg3[%add3A_22] : memref<50000xi32, #tpu.memory_space<hbm>> -> memref<128xi32, #tpu.memory_space<hbm>>
      tpu.enqueue_dma source(%dma_start3A_85 : memref<128xi32, #tpu.memory_space<hbm>>) target(%dma_start3A_84 : memref<128xi32, #tpu.memory_space<vmem>>) target_semaphore(%arg10 : memref<!tpu.dma_semaphore, #tpu.memory_space<semaphore_mem>>)
      %dma_start3A_86 = arith.constant 2 : i32
      %dma_start3A_87 = arith.constant 0 : i32
      %dma_start3A_88 = tpu.memref_slice %arg7[%dma_start3A_86, %dma_start3A_87] : memref<25x128xi32, #tpu.memory_space<vmem>> -> memref<1x128xi32, #tpu.memory_space<vmem>>
      %dma_start3A_89 = tpu.memref_squeeze %dma_start3A_88 : memref<1x128xi32, #tpu.memory_space<vmem>> -> memref<128xi32, #tpu.memory_space<vmem>>
      %dma_start3A_90 = tpu.memref_slice %arg3[%add3A_24] : memref<50000xi32, #tpu.memory_space<hbm>> -> memref<128xi32, #tpu.memory_space<hbm>>
      %dma_start3A_91 = arith.constant 0 : i32
      %dma_start3A_92 = tpu.memref_slice %arg7[%dma_start3A_86, %dma_start3A_91] : memref<25x128xi32, #tpu.memory_space<vmem>> -> memref<1x128xi32, #tpu.memory_space<vmem>>
      %dma_start3A_93 = tpu.memref_squeeze %dma_start3A_92 : memref<1x128xi32, #tpu.memory_space<vmem>> -> memref<128xi32, #tpu.memory_space<vmem>>
      %dma_start3A_94 = tpu.memref_slice %arg3[%add3A_24] : memref<50000xi32, #tpu.memory_space<hbm>> -> memref<128xi32, #tpu.memory_space<hbm>>
      tpu.enqueue_dma source(%dma_start3A_94 : memref<128xi32, #tpu.memory_space<hbm>>) target(%dma_start3A_93 : memref<128xi32, #tpu.memory_space<vmem>>) target_semaphore(%arg10 : memref<!tpu.dma_semaphore, #tpu.memory_space<semaphore_mem>>)
      %dma_start3A_95 = arith.constant 3 : i32
      %dma_start3A_96 = arith.constant 0 : i32
      %dma_start3A_97 = tpu.memref_slice %arg7[%dma_start3A_95, %dma_start3A_96] : memref<25x128xi32, #tpu.memory_space<vmem>> -> memref<1x128xi32, #tpu.memory_space<vmem>>
      %dma_start3A_98 = tpu.memref_squeeze %dma_start3A_97 : memref<1x128xi32, #tpu.memory_space<vmem>> -> memref<128xi32, #tpu.memory_space<vmem>>
      %dma_start3A_99 = tpu.memref_slice %arg3[%add3A_26] : memref<50000xi32, #tpu.memory_space<hbm>> -> memref<128xi32, #tpu.memory_space<hbm>>
      %dma_start3A_100 = arith.constant 0 : i32
      %dma_start3A_101 = tpu.memref_slice %arg7[%dma_start3A_95, %dma_start3A_100] : memref<25x128xi32, #tpu.memory_space<vmem>> -> memref<1x128xi32, #tpu.memory_space<vmem>>
      %dma_start3A_102 = tpu.memref_squeeze %dma_start3A_101 : memref<1x128xi32, #tpu.memory_space<vmem>> -> memref<128xi32, #tpu.memory_space<vmem>>
      %dma_start3A_103 = tpu.memref_slice %arg3[%add3A_26] : memref<50000xi32, #tpu.memory_space<hbm>> -> memref<128xi32, #tpu.memory_space<hbm>>
      tpu.enqueue_dma source(%dma_start3A_103 : memref<128xi32, #tpu.memory_space<hbm>>) target(%dma_start3A_102 : memref<128xi32, #tpu.memory_space<vmem>>) target_semaphore(%arg10 : memref<!tpu.dma_semaphore, #tpu.memory_space<semaphore_mem>>)
      %dma_start3A_104 = arith.constant 4 : i32
      %dma_start3A_105 = arith.constant 0 : i32
      %dma_start3A_106 = tpu.memref_slice %arg7[%dma_start3A_104, %dma_start3A_105] : memref<25x128xi32, #tpu.memory_space<vmem>> -> memref<1x128xi32, #tpu.memory_space<vmem>>
      %dma_start3A_107 = tpu.memref_squeeze %dma_start3A_106 : memref<1x128xi32, #tpu.memory_space<vmem>> -> memref<128xi32, #tpu.memory_space<vmem>>
      %dma_start3A_108 = tpu.memref_slice %arg3[%add3A_28] : memref<50000xi32, #tpu.memory_space<hbm>> -> memref<128xi32, #tpu.memory_space<hbm>>
      %dma_start3A_109 = arith.constant 0 : i32
      %dma_start3A_110 = tpu.memref_slice %arg7[%dma_start3A_104, %dma_start3A_109] : memref<25x128xi32, #tpu.memory_space<vmem>> -> memref<1x128xi32, #tpu.memory_space<vmem>>
      %dma_start3A_111 = tpu.memref_squeeze %dma_start3A_110 : memref<1x128xi32, #tpu.memory_space<vmem>> -> memref<128xi32, #tpu.memory_space<vmem>>
      %dma_start3A_112 = tpu.memref_slice %arg3[%add3A_28] : memref<50000xi32, #tpu.memory_space<hbm>> -> memref<128xi32, #tpu.memory_space<hbm>>
      tpu.enqueue_dma source(%dma_start3A_112 : memref<128xi32, #tpu.memory_space<hbm>>) target(%dma_start3A_111 : memref<128xi32, #tpu.memory_space<vmem>>) target_semaphore(%arg10 : memref<!tpu.dma_semaphore, #tpu.memory_space<semaphore_mem>>)
      %dma_start3A_113 = arith.constant 5 : i32
      %dma_start3A_114 = arith.constant 0 : i32
      %dma_start3A_115 = tpu.memref_slice %arg7[%dma_start3A_113, %dma_start3A_114] : memref<25x128xi32, #tpu.memory_space<vmem>> -> memref<1x128xi32, #tpu.memory_space<vmem>>
      %dma_start3A_116 = tpu.memref_squeeze %dma_start3A_115 : memref<1x128xi32, #tpu.memory_space<vmem>> -> memref<128xi32, #tpu.memory_space<vmem>>
      %dma_start3A_117 = tpu.memref_slice %arg3[%add3A_30] : memref<50000xi32, #tpu.memory_space<hbm>> -> memref<128xi32, #tpu.memory_space<hbm>>
      %dma_start3A_118 = arith.constant 0 : i32
      %dma_start3A_119 = tpu.memref_slice %arg7[%dma_start3A_113, %dma_start3A_118] : memref<25x128xi32, #tpu.memory_space<vmem>> -> memref<1x128xi32, #tpu.memory_space<vmem>>
      %dma_start3A_120 = tpu.memref_squeeze %dma_start3A_119 : memref<1x128xi32, #tpu.memory_space<vmem>> -> memref<128xi32, #tpu.memory_space<vmem>>
      %dma_start3A_121 = tpu.memref_slice %arg3[%add3A_30] : memref<50000xi32, #tpu.memory_space<hbm>> -> memref<128xi32, #tpu.memory_space<hbm>>
      tpu.enqueue_dma source(%dma_start3A_121 : memref<128xi32, #tpu.memory_space<hbm>>) target(%dma_start3A_120 : memref<128xi32, #tpu.memory_space<vmem>>) target_semaphore(%arg10 : memref<!tpu.dma_semaphore, #tpu.memory_space<semaphore_mem>>)
      %dma_start3A_122 = arith.constant 6 : i32
      %dma_start3A_123 = arith.constant 0 : i32
      %dma_start3A_124 = tpu.memref_slice %arg7[%dma_start3A_122, %dma_start3A_123] : memref<25x128xi32, #tpu.memory_space<vmem>> -> memref<1x128xi32, #tpu.memory_space<vmem>>
      %dma_start3A_125 = tpu.memref_squeeze %dma_start3A_124 : memref<1x128xi32, #tpu.memory_space<vmem>> -> memref<128xi32, #tpu.memory_space<vmem>>
      %dma_start3A_126 = tpu.memref_slice %arg3[%add3A_32] : memref<50000xi32, #tpu.memory_space<hbm>> -> memref<128xi32, #tpu.memory_space<hbm>>
      %dma_start3A_127 = arith.constant 0 : i32
      %dma_start3A_128 = tpu.memref_slice %arg7[%dma_start3A_122, %dma_start3A_127] : memref<25x128xi32, #tpu.memory_space<vmem>> -> memref<1x128xi32, #tpu.memory_space<vmem>>
      %dma_start3A_129 = tpu.memref_squeeze %dma_start3A_128 : memref<1x128xi32, #tpu.memory_space<vmem>> -> memref<128xi32, #tpu.memory_space<vmem>>
      %dma_start3A_130 = tpu.memref_slice %arg3[%add3A_32] : memref<50000xi32, #tpu.memory_space<hbm>> -> memref<128xi32, #tpu.memory_space<hbm>>
      tpu.enqueue_dma source(%dma_start3A_130 : memref<128xi32, #tpu.memory_space<hbm>>) target(%dma_start3A_129 : memref<128xi32, #tpu.memory_space<vmem>>) target_semaphore(%arg10 : memref<!tpu.dma_semaphore, #tpu.memory_space<semaphore_mem>>)
      %dma_start3A_131 = arith.constant 7 : i32
      %dma_start3A_132 = arith.constant 0 : i32
      %dma_start3A_133 = tpu.memref_slice %arg7[%dma_start3A_131, %dma_start3A_132] : memref<25x128xi32, #tpu.memory_space<vmem>> -> memref<1x128xi32, #tpu.memory_space<vmem>>
      %dma_start3A_134 = tpu.memref_squeeze %dma_start3A_133 : memref<1x128xi32, #tpu.memory_space<vmem>> -> memref<128xi32, #tpu.memory_space<vmem>>
      %dma_start3A_135 = tpu.memref_slice %arg3[%add3A_34] : memref<50000xi32, #tpu.memory_space<hbm>> -> memref<128xi32, #tpu.memory_space<hbm>>
      %dma_start3A_136 = arith.constant 0 : i32
      %dma_start3A_137 = tpu.memref_slice %arg7[%dma_start3A_131, %dma_start3A_136] : memref<25x128xi32, #tpu.memory_space<vmem>> -> memref<1x128xi32, #tpu.memory_space<vmem>>
      %dma_start3A_138 = tpu.memref_squeeze %dma_start3A_137 : memref<1x128xi32, #tpu.memory_space<vmem>> -> memref<128xi32, #tpu.memory_space<vmem>>
      %dma_start3A_139 = tpu.memref_slice %arg3[%add3A_34] : memref<50000xi32, #tpu.memory_space<hbm>> -> memref<128xi32, #tpu.memory_space<hbm>>
      tpu.enqueue_dma source(%dma_start3A_139 : memref<128xi32, #tpu.memory_space<hbm>>) target(%dma_start3A_138 : memref<128xi32, #tpu.memory_space<vmem>>) target_semaphore(%arg10 : memref<!tpu.dma_semaphore, #tpu.memory_space<semaphore_mem>>)
      %dma_start3A_140 = arith.constant 8 : i32
      %dma_start3A_141 = arith.constant 0 : i32
      %dma_start3A_142 = tpu.memref_slice %arg7[%dma_start3A_140, %dma_start3A_141] : memref<25x128xi32, #tpu.memory_space<vmem>> -> memref<1x128xi32, #tpu.memory_space<vmem>>
      %dma_start3A_143 = tpu.memref_squeeze %dma_start3A_142 : memref<1x128xi32, #tpu.memory_space<vmem>> -> memref<128xi32, #tpu.memory_space<vmem>>
      %dma_start3A_144 = tpu.memref_slice %arg3[%add3A_36] : memref<50000xi32, #tpu.memory_space<hbm>> -> memref<128xi32, #tpu.memory_space<hbm>>
      %dma_start3A_145 = arith.constant 0 : i32
      %dma_start3A_146 = tpu.memref_slice %arg7[%dma_start3A_140, %dma_start3A_145] : memref<25x128xi32, #tpu.memory_space<vmem>> -> memref<1x128xi32, #tpu.memory_space<vmem>>
      %dma_start3A_147 = tpu.memref_squeeze %dma_start3A_146 : memref<1x128xi32, #tpu.memory_space<vmem>> -> memref<128xi32, #tpu.memory_space<vmem>>
      %dma_start3A_148 = tpu.memref_slice %arg3[%add3A_36] : memref<50000xi32, #tpu.memory_space<hbm>> -> memref<128xi32, #tpu.memory_space<hbm>>
      tpu.enqueue_dma source(%dma_start3A_148 : memref<128xi32, #tpu.memory_space<hbm>>) target(%dma_start3A_147 : memref<128xi32, #tpu.memory_space<vmem>>) target_semaphore(%arg10 : memref<!tpu.dma_semaphore, #tpu.memory_space<semaphore_mem>>)
      %dma_start3A_149 = arith.constant 9 : i32
      %dma_start3A_150 = arith.constant 0 : i32
      %dma_start3A_151 = tpu.memref_slice %arg7[%dma_start3A_149, %dma_start3A_150] : memref<25x128xi32, #tpu.memory_space<vmem>> -> memref<1x128xi32, #tpu.memory_space<vmem>>
      %dma_start3A_152 = tpu.memref_squeeze %dma_start3A_151 : memref<1x128xi32, #tpu.memory_space<vmem>> -> memref<128xi32, #tpu.memory_space<vmem>>
      %dma_start3A_153 = tpu.memref_slice %arg3[%add3A_38] : memref<50000xi32, #tpu.memory_space<hbm>> -> memref<128xi32, #tpu.memory_space<hbm>>
      %dma_start3A_154 = arith.constant 0 : i32
      %dma_start3A_155 = tpu.memref_slice %arg7[%dma_start3A_149, %dma_start3A_154] : memref<25x128xi32, #tpu.memory_space<vmem>> -> memref<1x128xi32, #tpu.memory_space<vmem>>
      %dma_start3A_156 = tpu.memref_squeeze %dma_start3A_155 : memref<1x128xi32, #tpu.memory_space<vmem>> -> memref<128xi32, #tpu.memory_space<vmem>>
      %dma_start3A_157 = tpu.memref_slice %arg3[%add3A_38] : memref<50000xi32, #tpu.memory_space<hbm>> -> memref<128xi32, #tpu.memory_space<hbm>>
      tpu.enqueue_dma source(%dma_start3A_157 : memref<128xi32, #tpu.memory_space<hbm>>) target(%dma_start3A_156 : memref<128xi32, #tpu.memory_space<vmem>>) target_semaphore(%arg10 : memref<!tpu.dma_semaphore, #tpu.memory_space<semaphore_mem>>)
      %dma_start3A_158 = arith.constant 10 : i32
      %dma_start3A_159 = arith.constant 0 : i32
      %dma_start3A_160 = tpu.memref_slice %arg7[%dma_start3A_158, %dma_start3A_159] : memref<25x128xi32, #tpu.memory_space<vmem>> -> memref<1x128xi32, #tpu.memory_space<vmem>>
      %dma_start3A_161 = tpu.memref_squeeze %dma_start3A_160 : memref<1x128xi32, #tpu.memory_space<vmem>> -> memref<128xi32, #tpu.memory_space<vmem>>
      %dma_start3A_162 = tpu.memref_slice %arg3[%add3A_40] : memref<50000xi32, #tpu.memory_space<hbm>> -> memref<128xi32, #tpu.memory_space<hbm>>
      %dma_start3A_163 = arith.constant 0 : i32
      %dma_start3A_164 = tpu.memref_slice %arg7[%dma_start3A_158, %dma_start3A_163] : memref<25x128xi32, #tpu.memory_space<vmem>> -> memref<1x128xi32, #tpu.memory_space<vmem>>
      %dma_start3A_165 = tpu.memref_squeeze %dma_start3A_164 : memref<1x128xi32, #tpu.memory_space<vmem>> -> memref<128xi32, #tpu.memory_space<vmem>>
      %dma_start3A_166 = tpu.memref_slice %arg3[%add3A_40] : memref<50000xi32, #tpu.memory_space<hbm>> -> memref<128xi32, #tpu.memory_space<hbm>>
      tpu.enqueue_dma source(%dma_start3A_166 : memref<128xi32, #tpu.memory_space<hbm>>) target(%dma_start3A_165 : memref<128xi32, #tpu.memory_space<vmem>>) target_semaphore(%arg10 : memref<!tpu.dma_semaphore, #tpu.memory_space<semaphore_mem>>)
      %dma_start3A_167 = arith.constant 11 : i32
      %dma_start3A_168 = arith.constant 0 : i32
      %dma_start3A_169 = tpu.memref_slice %arg7[%dma_start3A_167, %dma_start3A_168] : memref<25x128xi32, #tpu.memory_space<vmem>> -> memref<1x128xi32, #tpu.memory_space<vmem>>
      %dma_start3A_170 = tpu.memref_squeeze %dma_start3A_169 : memref<1x128xi32, #tpu.memory_space<vmem>> -> memref<128xi32, #tpu.memory_space<vmem>>
      %dma_start3A_171 = tpu.memref_slice %arg3[%add3A_42] : memref<50000xi32, #tpu.memory_space<hbm>> -> memref<128xi32, #tpu.memory_space<hbm>>
      %dma_start3A_172 = arith.constant 0 : i32
      %dma_start3A_173 = tpu.memref_slice %arg7[%dma_start3A_167, %dma_start3A_172] : memref<25x128xi32, #tpu.memory_space<vmem>> -> memref<1x128xi32, #tpu.memory_space<vmem>>
      %dma_start3A_174 = tpu.memref_squeeze %dma_start3A_173 : memref<1x128xi32, #tpu.memory_space<vmem>> -> memref<128xi32, #tpu.memory_space<vmem>>
      %dma_start3A_175 = tpu.memref_slice %arg3[%add3A_42] : memref<50000xi32, #tpu.memory_space<hbm>> -> memref<128xi32, #tpu.memory_space<hbm>>
      tpu.enqueue_dma source(%dma_start3A_175 : memref<128xi32, #tpu.memory_space<hbm>>) target(%dma_start3A_174 : memref<128xi32, #tpu.memory_space<vmem>>) target_semaphore(%arg10 : memref<!tpu.dma_semaphore, #tpu.memory_space<semaphore_mem>>)
      %dma_start3A_176 = arith.constant 12 : i32
      %dma_start3A_177 = arith.constant 0 : i32
      %dma_start3A_178 = tpu.memref_slice %arg7[%dma_start3A_176, %dma_start3A_177] : memref<25x128xi32, #tpu.memory_space<vmem>> -> memref<1x128xi32, #tpu.memory_space<vmem>>
      %dma_start3A_179 = tpu.memref_squeeze %dma_start3A_178 : memref<1x128xi32, #tpu.memory_space<vmem>> -> memref<128xi32, #tpu.memory_space<vmem>>
      %dma_start3A_180 = tpu.memref_slice %arg3[%add3A_44] : memref<50000xi32, #tpu.memory_space<hbm>> -> memref<128xi32, #tpu.memory_space<hbm>>
      %dma_start3A_181 = arith.constant 0 : i32
      %dma_start3A_182 = tpu.memref_slice %arg7[%dma_start3A_176, %dma_start3A_181] : memref<25x128xi32, #tpu.memory_space<vmem>> -> memref<1x128xi32, #tpu.memory_space<vmem>>
      %dma_start3A_183 = tpu.memref_squeeze %dma_start3A_182 : memref<1x128xi32, #tpu.memory_space<vmem>> -> memref<128xi32, #tpu.memory_space<vmem>>
      %dma_start3A_184 = tpu.memref_slice %arg3[%add3A_44] : memref<50000xi32, #tpu.memory_space<hbm>> -> memref<128xi32, #tpu.memory_space<hbm>>
      tpu.enqueue_dma source(%dma_start3A_184 : memref<128xi32, #tpu.memory_space<hbm>>) target(%dma_start3A_183 : memref<128xi32, #tpu.memory_space<vmem>>) target_semaphore(%arg10 : memref<!tpu.dma_semaphore, #tpu.memory_space<semaphore_mem>>)
      %dma_start3A_185 = arith.constant 13 : i32
      %dma_start3A_186 = arith.constant 0 : i32
      %dma_start3A_187 = tpu.memref_slice %arg7[%dma_start3A_185, %dma_start3A_186] : memref<25x128xi32, #tpu.memory_space<vmem>> -> memref<1x128xi32, #tpu.memory_space<vmem>>
      %dma_start3A_188 = tpu.memref_squeeze %dma_start3A_187 : memref<1x128xi32, #tpu.memory_space<vmem>> -> memref<128xi32, #tpu.memory_space<vmem>>
      %dma_start3A_189 = tpu.memref_slice %arg3[%add3A_46] : memref<50000xi32, #tpu.memory_space<hbm>> -> memref<128xi32, #tpu.memory_space<hbm>>
      %dma_start3A_190 = arith.constant 0 : i32
      %dma_start3A_191 = tpu.memref_slice %arg7[%dma_start3A_185, %dma_start3A_190] : memref<25x128xi32, #tpu.memory_space<vmem>> -> memref<1x128xi32, #tpu.memory_space<vmem>>
      %dma_start3A_192 = tpu.memref_squeeze %dma_start3A_191 : memref<1x128xi32, #tpu.memory_space<vmem>> -> memref<128xi32, #tpu.memory_space<vmem>>
      %dma_start3A_193 = tpu.memref_slice %arg3[%add3A_46] : memref<50000xi32, #tpu.memory_space<hbm>> -> memref<128xi32, #tpu.memory_space<hbm>>
      tpu.enqueue_dma source(%dma_start3A_193 : memref<128xi32, #tpu.memory_space<hbm>>) target(%dma_start3A_192 : memref<128xi32, #tpu.memory_space<vmem>>) target_semaphore(%arg10 : memref<!tpu.dma_semaphore, #tpu.memory_space<semaphore_mem>>)
      %dma_start3A_194 = arith.constant 14 : i32
      %dma_start3A_195 = arith.constant 0 : i32
      %dma_start3A_196 = tpu.memref_slice %arg7[%dma_start3A_194, %dma_start3A_195] : memref<25x128xi32, #tpu.memory_space<vmem>> -> memref<1x128xi32, #tpu.memory_space<vmem>>
      %dma_start3A_197 = tpu.memref_squeeze %dma_start3A_196 : memref<1x128xi32, #tpu.memory_space<vmem>> -> memref<128xi32, #tpu.memory_space<vmem>>
      %dma_start3A_198 = tpu.memref_slice %arg3[%add3A_48] : memref<50000xi32, #tpu.memory_space<hbm>> -> memref<128xi32, #tpu.memory_space<hbm>>
      %dma_start3A_199 = arith.constant 0 : i32
      %dma_start3A_200 = tpu.memref_slice %arg7[%dma_start3A_194, %dma_start3A_199] : memref<25x128xi32, #tpu.memory_space<vmem>> -> memref<1x128xi32, #tpu.memory_space<vmem>>
      %dma_start3A_201 = tpu.memref_squeeze %dma_start3A_200 : memref<1x128xi32, #tpu.memory_space<vmem>> -> memref<128xi32, #tpu.memory_space<vmem>>
      %dma_start3A_202 = tpu.memref_slice %arg3[%add3A_48] : memref<50000xi32, #tpu.memory_space<hbm>> -> memref<128xi32, #tpu.memory_space<hbm>>
      tpu.enqueue_dma source(%dma_start3A_202 : memref<128xi32, #tpu.memory_space<hbm>>) target(%dma_start3A_201 : memref<128xi32, #tpu.memory_space<vmem>>) target_semaphore(%arg10 : memref<!tpu.dma_semaphore, #tpu.memory_space<semaphore_mem>>)
      %dma_start3A_203 = arith.constant 15 : i32
      %dma_start3A_204 = arith.constant 0 : i32
      %dma_start3A_205 = tpu.memref_slice %arg7[%dma_start3A_203, %dma_start3A_204] : memref<25x128xi32, #tpu.memory_space<vmem>> -> memref<1x128xi32, #tpu.memory_space<vmem>>
      %dma_start3A_206 = tpu.memref_squeeze %dma_start3A_205 : memref<1x128xi32, #tpu.memory_space<vmem>> -> memref<128xi32, #tpu.memory_space<vmem>>
      %dma_start3A_207 = tpu.memref_slice %arg3[%add3A_50] : memref<50000xi32, #tpu.memory_space<hbm>> -> memref<128xi32, #tpu.memory_space<hbm>>
      %dma_start3A_208 = arith.constant 0 : i32
      %dma_start3A_209 = tpu.memref_slice %arg7[%dma_start3A_203, %dma_start3A_208] : memref<25x128xi32, #tpu.memory_space<vmem>> -> memref<1x128xi32, #tpu.memory_space<vmem>>
      %dma_start3A_210 = tpu.memref_squeeze %dma_start3A_209 : memref<1x128xi32, #tpu.memory_space<vmem>> -> memref<128xi32, #tpu.memory_space<vmem>>
      %dma_start3A_211 = tpu.memref_slice %arg3[%add3A_50] : memref<50000xi32, #tpu.memory_space<hbm>> -> memref<128xi32, #tpu.memory_space<hbm>>
      tpu.enqueue_dma source(%dma_start3A_211 : memref<128xi32, #tpu.memory_space<hbm>>) target(%dma_start3A_210 : memref<128xi32, #tpu.memory_space<vmem>>) target_semaphore(%arg10 : memref<!tpu.dma_semaphore, #tpu.memory_space<semaphore_mem>>)
      %dma_start3A_212 = arith.constant 16 : i32
      %dma_start3A_213 = arith.constant 0 : i32
      %dma_start3A_214 = tpu.memref_slice %arg7[%dma_start3A_212, %dma_start3A_213] : memref<25x128xi32, #tpu.memory_space<vmem>> -> memref<1x128xi32, #tpu.memory_space<vmem>>
      %dma_start3A_215 = tpu.memref_squeeze %dma_start3A_214 : memref<1x128xi32, #tpu.memory_space<vmem>> -> memref<128xi32, #tpu.memory_space<vmem>>
      %dma_start3A_216 = tpu.memref_slice %arg3[%add3A_52] : memref<50000xi32, #tpu.memory_space<hbm>> -> memref<128xi32, #tpu.memory_space<hbm>>
      %dma_start3A_217 = arith.constant 0 : i32
      %dma_start3A_218 = tpu.memref_slice %arg7[%dma_start3A_212, %dma_start3A_217] : memref<25x128xi32, #tpu.memory_space<vmem>> -> memref<1x128xi32, #tpu.memory_space<vmem>>
      %dma_start3A_219 = tpu.memref_squeeze %dma_start3A_218 : memref<1x128xi32, #tpu.memory_space<vmem>> -> memref<128xi32, #tpu.memory_space<vmem>>
      %dma_start3A_220 = tpu.memref_slice %arg3[%add3A_52] : memref<50000xi32, #tpu.memory_space<hbm>> -> memref<128xi32, #tpu.memory_space<hbm>>
      tpu.enqueue_dma source(%dma_start3A_220 : memref<128xi32, #tpu.memory_space<hbm>>) target(%dma_start3A_219 : memref<128xi32, #tpu.memory_space<vmem>>) target_semaphore(%arg10 : memref<!tpu.dma_semaphore, #tpu.memory_space<semaphore_mem>>)
      %dma_start3A_221 = arith.constant 17 : i32
      %dma_start3A_222 = arith.constant 0 : i32
      %dma_start3A_223 = tpu.memref_slice %arg7[%dma_start3A_221, %dma_start3A_222] : memref<25x128xi32, #tpu.memory_space<vmem>> -> memref<1x128xi32, #tpu.memory_space<vmem>>
      %dma_start3A_224 = tpu.memref_squeeze %dma_start3A_223 : memref<1x128xi32, #tpu.memory_space<vmem>> -> memref<128xi32, #tpu.memory_space<vmem>>
      %dma_start3A_225 = tpu.memref_slice %arg3[%add3A_54] : memref<50000xi32, #tpu.memory_space<hbm>> -> memref<128xi32, #tpu.memory_space<hbm>>
      %dma_start3A_226 = arith.constant 0 : i32
      %dma_start3A_227 = tpu.memref_slice %arg7[%dma_start3A_221, %dma_start3A_226] : memref<25x128xi32, #tpu.memory_space<vmem>> -> memref<1x128xi32, #tpu.memory_space<vmem>>
      %dma_start3A_228 = tpu.memref_squeeze %dma_start3A_227 : memref<1x128xi32, #tpu.memory_space<vmem>> -> memref<128xi32, #tpu.memory_space<vmem>>
      %dma_start3A_229 = tpu.memref_slice %arg3[%add3A_54] : memref<50000xi32, #tpu.memory_space<hbm>> -> memref<128xi32, #tpu.memory_space<hbm>>
      tpu.enqueue_dma source(%dma_start3A_229 : memref<128xi32, #tpu.memory_space<hbm>>) target(%dma_start3A_228 : memref<128xi32, #tpu.memory_space<vmem>>) target_semaphore(%arg10 : memref<!tpu.dma_semaphore, #tpu.memory_space<semaphore_mem>>)
      %dma_start3A_230 = arith.constant 18 : i32
      %dma_start3A_231 = arith.constant 0 : i32
      %dma_start3A_232 = tpu.memref_slice %arg7[%dma_start3A_230, %dma_start3A_231] : memref<25x128xi32, #tpu.memory_space<vmem>> -> memref<1x128xi32, #tpu.memory_space<vmem>>
      %dma_start3A_233 = tpu.memref_squeeze %dma_start3A_232 : memref<1x128xi32, #tpu.memory_space<vmem>> -> memref<128xi32, #tpu.memory_space<vmem>>
      %dma_start3A_234 = tpu.memref_slice %arg3[%add3A_56] : memref<50000xi32, #tpu.memory_space<hbm>> -> memref<128xi32, #tpu.memory_space<hbm>>
      %dma_start3A_235 = arith.constant 0 : i32
      %dma_start3A_236 = tpu.memref_slice %arg7[%dma_start3A_230, %dma_start3A_235] : memref<25x128xi32, #tpu.memory_space<vmem>> -> memref<1x128xi32, #tpu.memory_space<vmem>>
      %dma_start3A_237 = tpu.memref_squeeze %dma_start3A_236 : memref<1x128xi32, #tpu.memory_space<vmem>> -> memref<128xi32, #tpu.memory_space<vmem>>
      %dma_start3A_238 = tpu.memref_slice %arg3[%add3A_56] : memref<50000xi32, #tpu.memory_space<hbm>> -> memref<128xi32, #tpu.memory_space<hbm>>
      tpu.enqueue_dma source(%dma_start3A_238 : memref<128xi32, #tpu.memory_space<hbm>>) target(%dma_start3A_237 : memref<128xi32, #tpu.memory_space<vmem>>) target_semaphore(%arg10 : memref<!tpu.dma_semaphore, #tpu.memory_space<semaphore_mem>>)
      %dma_start3A_239 = arith.constant 19 : i32
      %dma_start3A_240 = arith.constant 0 : i32
      %dma_start3A_241 = tpu.memref_slice %arg7[%dma_start3A_239, %dma_start3A_240] : memref<25x128xi32, #tpu.memory_space<vmem>> -> memref<1x128xi32, #tpu.memory_space<vmem>>
      %dma_start3A_242 = tpu.memref_squeeze %dma_start3A_241 : memref<1x128xi32, #tpu.memory_space<vmem>> -> memref<128xi32, #tpu.memory_space<vmem>>
      %dma_start3A_243 = tpu.memref_slice %arg3[%add3A_58] : memref<50000xi32, #tpu.memory_space<hbm>> -> memref<128xi32, #tpu.memory_space<hbm>>
      %dma_start3A_244 = arith.constant 0 : i32
      %dma_start3A_245 = tpu.memref_slice %arg7[%dma_start3A_239, %dma_start3A_244] : memref<25x128xi32, #tpu.memory_space<vmem>> -> memref<1x128xi32, #tpu.memory_space<vmem>>
      %dma_start3A_246 = tpu.memref_squeeze %dma_start3A_245 : memref<1x128xi32, #tpu.memory_space<vmem>> -> memref<128xi32, #tpu.memory_space<vmem>>
      %dma_start3A_247 = tpu.memref_slice %arg3[%add3A_58] : memref<50000xi32, #tpu.memory_space<hbm>> -> memref<128xi32, #tpu.memory_space<hbm>>
      tpu.enqueue_dma source(%dma_start3A_247 : memref<128xi32, #tpu.memory_space<hbm>>) target(%dma_start3A_246 : memref<128xi32, #tpu.memory_space<vmem>>) target_semaphore(%arg10 : memref<!tpu.dma_semaphore, #tpu.memory_space<semaphore_mem>>)
      %dma_start3A_248 = arith.constant 20 : i32
      %dma_start3A_249 = arith.constant 0 : i32
      %dma_start3A_250 = tpu.memref_slice %arg7[%dma_start3A_248, %dma_start3A_249] : memref<25x128xi32, #tpu.memory_space<vmem>> -> memref<1x128xi32, #tpu.memory_space<vmem>>
      %dma_start3A_251 = tpu.memref_squeeze %dma_start3A_250 : memref<1x128xi32, #tpu.memory_space<vmem>> -> memref<128xi32, #tpu.memory_space<vmem>>
      %dma_start3A_252 = tpu.memref_slice %arg3[%add3A_60] : memref<50000xi32, #tpu.memory_space<hbm>> -> memref<128xi32, #tpu.memory_space<hbm>>
      %dma_start3A_253 = arith.constant 0 : i32
      %dma_start3A_254 = tpu.memref_slice %arg7[%dma_start3A_248, %dma_start3A_253] : memref<25x128xi32, #tpu.memory_space<vmem>> -> memref<1x128xi32, #tpu.memory_space<vmem>>
      %dma_start3A_255 = tpu.memref_squeeze %dma_start3A_254 : memref<1x128xi32, #tpu.memory_space<vmem>> -> memref<128xi32, #tpu.memory_space<vmem>>
      %dma_start3A_256 = tpu.memref_slice %arg3[%add3A_60] : memref<50000xi32, #tpu.memory_space<hbm>> -> memref<128xi32, #tpu.memory_space<hbm>>
      tpu.enqueue_dma source(%dma_start3A_256 : memref<128xi32, #tpu.memory_space<hbm>>) target(%dma_start3A_255 : memref<128xi32, #tpu.memory_space<vmem>>) target_semaphore(%arg10 : memref<!tpu.dma_semaphore, #tpu.memory_space<semaphore_mem>>)
      %dma_start3A_257 = arith.constant 21 : i32
      %dma_start3A_258 = arith.constant 0 : i32
      %dma_start3A_259 = tpu.memref_slice %arg7[%dma_start3A_257, %dma_start3A_258] : memref<25x128xi32, #tpu.memory_space<vmem>> -> memref<1x128xi32, #tpu.memory_space<vmem>>
      %dma_start3A_260 = tpu.memref_squeeze %dma_start3A_259 : memref<1x128xi32, #tpu.memory_space<vmem>> -> memref<128xi32, #tpu.memory_space<vmem>>
      %dma_start3A_261 = tpu.memref_slice %arg3[%add3A_62] : memref<50000xi32, #tpu.memory_space<hbm>> -> memref<128xi32, #tpu.memory_space<hbm>>
      %dma_start3A_262 = arith.constant 0 : i32
      %dma_start3A_263 = tpu.memref_slice %arg7[%dma_start3A_257, %dma_start3A_262] : memref<25x128xi32, #tpu.memory_space<vmem>> -> memref<1x128xi32, #tpu.memory_space<vmem>>
      %dma_start3A_264 = tpu.memref_squeeze %dma_start3A_263 : memref<1x128xi32, #tpu.memory_space<vmem>> -> memref<128xi32, #tpu.memory_space<vmem>>
      %dma_start3A_265 = tpu.memref_slice %arg3[%add3A_62] : memref<50000xi32, #tpu.memory_space<hbm>> -> memref<128xi32, #tpu.memory_space<hbm>>
      tpu.enqueue_dma source(%dma_start3A_265 : memref<128xi32, #tpu.memory_space<hbm>>) target(%dma_start3A_264 : memref<128xi32, #tpu.memory_space<vmem>>) target_semaphore(%arg10 : memref<!tpu.dma_semaphore, #tpu.memory_space<semaphore_mem>>)
      %dma_start3A_266 = arith.constant 22 : i32
      %dma_start3A_267 = arith.constant 0 : i32
      %dma_start3A_268 = tpu.memref_slice %arg7[%dma_start3A_266, %dma_start3A_267] : memref<25x128xi32, #tpu.memory_space<vmem>> -> memref<1x128xi32, #tpu.memory_space<vmem>>
      %dma_start3A_269 = tpu.memref_squeeze %dma_start3A_268 : memref<1x128xi32, #tpu.memory_space<vmem>> -> memref<128xi32, #tpu.memory_space<vmem>>
      %dma_start3A_270 = tpu.memref_slice %arg3[%add3A_64] : memref<50000xi32, #tpu.memory_space<hbm>> -> memref<128xi32, #tpu.memory_space<hbm>>
      %dma_start3A_271 = arith.constant 0 : i32
      %dma_start3A_272 = tpu.memref_slice %arg7[%dma_start3A_266, %dma_start3A_271] : memref<25x128xi32, #tpu.memory_space<vmem>> -> memref<1x128xi32, #tpu.memory_space<vmem>>
      %dma_start3A_273 = tpu.memref_squeeze %dma_start3A_272 : memref<1x128xi32, #tpu.memory_space<vmem>> -> memref<128xi32, #tpu.memory_space<vmem>>
      %dma_start3A_274 = tpu.memref_slice %arg3[%add3A_64] : memref<50000xi32, #tpu.memory_space<hbm>> -> memref<128xi32, #tpu.memory_space<hbm>>
      tpu.enqueue_dma source(%dma_start3A_274 : memref<128xi32, #tpu.memory_space<hbm>>) target(%dma_start3A_273 : memref<128xi32, #tpu.memory_space<vmem>>) target_semaphore(%arg10 : memref<!tpu.dma_semaphore, #tpu.memory_space<semaphore_mem>>)
      %dma_start3A_275 = arith.constant 23 : i32
      %dma_start3A_276 = arith.constant 0 : i32
      %dma_start3A_277 = tpu.memref_slice %arg7[%dma_start3A_275, %dma_start3A_276] : memref<25x128xi32, #tpu.memory_space<vmem>> -> memref<1x128xi32, #tpu.memory_space<vmem>>
      %dma_start3A_278 = tpu.memref_squeeze %dma_start3A_277 : memref<1x128xi32, #tpu.memory_space<vmem>> -> memref<128xi32, #tpu.memory_space<vmem>>
      %dma_start3A_279 = tpu.memref_slice %arg3[%add3A_66] : memref<50000xi32, #tpu.memory_space<hbm>> -> memref<128xi32, #tpu.memory_space<hbm>>
      %dma_start3A_280 = arith.constant 0 : i32
      %dma_start3A_281 = tpu.memref_slice %arg7[%dma_start3A_275, %dma_start3A_280] : memref<25x128xi32, #tpu.memory_space<vmem>> -> memref<1x128xi32, #tpu.memory_space<vmem>>
      %dma_start3A_282 = tpu.memref_squeeze %dma_start3A_281 : memref<1x128xi32, #tpu.memory_space<vmem>> -> memref<128xi32, #tpu.memory_space<vmem>>
      %dma_start3A_283 = tpu.memref_slice %arg3[%add3A_66] : memref<50000xi32, #tpu.memory_space<hbm>> -> memref<128xi32, #tpu.memory_space<hbm>>
      tpu.enqueue_dma source(%dma_start3A_283 : memref<128xi32, #tpu.memory_space<hbm>>) target(%dma_start3A_282 : memref<128xi32, #tpu.memory_space<vmem>>) target_semaphore(%arg10 : memref<!tpu.dma_semaphore, #tpu.memory_space<semaphore_mem>>)
      %dma_start3A_284 = arith.constant 24 : i32
      %dma_start3A_285 = arith.constant 0 : i32
      %dma_start3A_286 = tpu.memref_slice %arg7[%dma_start3A_284, %dma_start3A_285] : memref<25x128xi32, #tpu.memory_space<vmem>> -> memref<1x128xi32, #tpu.memory_space<vmem>>
      %dma_start3A_287 = tpu.memref_squeeze %dma_start3A_286 : memref<1x128xi32, #tpu.memory_space<vmem>> -> memref<128xi32, #tpu.memory_space<vmem>>
      %dma_start3A_288 = tpu.memref_slice %arg3[%add3A_68] : memref<50000xi32, #tpu.memory_space<hbm>> -> memref<128xi32, #tpu.memory_space<hbm>>
      %dma_start3A_289 = arith.constant 0 : i32
      %dma_start3A_290 = tpu.memref_slice %arg7[%dma_start3A_284, %dma_start3A_289] : memref<25x128xi32, #tpu.memory_space<vmem>> -> memref<1x128xi32, #tpu.memory_space<vmem>>
      %dma_start3A_291 = tpu.memref_squeeze %dma_start3A_290 : memref<1x128xi32, #tpu.memory_space<vmem>> -> memref<128xi32, #tpu.memory_space<vmem>>
      %dma_start3A_292 = tpu.memref_slice %arg3[%add3A_68] : memref<50000xi32, #tpu.memory_space<hbm>> -> memref<128xi32, #tpu.memory_space<hbm>>
      tpu.enqueue_dma source(%dma_start3A_292 : memref<128xi32, #tpu.memory_space<hbm>>) target(%dma_start3A_291 : memref<128xi32, #tpu.memory_space<vmem>>) target_semaphore(%arg10 : memref<!tpu.dma_semaphore, #tpu.memory_space<semaphore_mem>>)
      %lt3A_293 = arith.constant 15 : i32
      "tpu.trace_start"() <{level = 10 : i32, message = "zero_phase"}> : () -> ()
      %lt3A_294 = arith.cmpi slt, %arg1, %lt3A_293 : i32
      %convert_element_type3A_295 = arith.extui %lt3A_294 : i1 to i32
      %cond3A_296 = arith.constant 0 : i32
      %cond3A_297 = arith.cmpi ne, %convert_element_type3A_295, %cond3A_296 : i32
      scf.if %cond3A_297 {
        %mul3A_838 = arith.constant 6256 : i32
        %mul3A_839 = arith.muli %arg1, %mul3A_838 : i32
        "tpu.region"() ({
          %run_scoped3A = tpu.sem_alloc : memref<!tpu.dma_semaphore, #tpu.memory_space<semaphore_mem>>
          %dma_start3A_840 = tpu.memref_slice %arg9[%mul3A_839] : memref<100000xf32, #tpu.memory_space<vmem_shared>> -> memref<6256xf32, #tpu.memory_space<vmem_shared>>
          %dma_start3A_841 = tpu.memref_slice %arg9[%mul3A_839] : memref<100000xf32, #tpu.memory_space<vmem_shared>> -> memref<6256xf32, #tpu.memory_space<vmem_shared>>
          tpu.enqueue_dma source(%arg6 : memref<6256xf32, #tpu.memory_space<vmem>>) target(%dma_start3A_841 : memref<6256xf32, #tpu.memory_space<vmem_shared>>) target_semaphore(%run_scoped3A : memref<!tpu.dma_semaphore, #tpu.memory_space<semaphore_mem>>)
          %dma_wait3A_842 = tpu.memref_slice %arg9[%mul3A_839] : memref<100000xf32, #tpu.memory_space<vmem_shared>> -> memref<6256xf32, #tpu.memory_space<vmem_shared>>
          %dma_wait3A_843 = tpu.memref_slice %arg9[%mul3A_839] : memref<100000xf32, #tpu.memory_space<vmem_shared>> -> memref<6256xf32, #tpu.memory_space<vmem_shared>>
          tpu.wait_dma2 semaphore(%run_scoped3A : memref<!tpu.dma_semaphore, #tpu.memory_space<semaphore_mem>>) src(%arg6 : memref<6256xf32, #tpu.memory_space<vmem>>) dst(%dma_wait3A_843 : memref<6256xf32, #tpu.memory_space<vmem_shared>>)
          tpu.yield
        }) : () -> ()
      } else {
      }
      %eq3A_298 = arith.constant 15 : i32
      %eq3A_299 = arith.cmpi eq, %arg1, %eq3A_298 : i32
      %convert_element_type3A_300 = arith.extui %eq3A_299 : i1 to i32
      %cond3A_301 = arith.constant 0 : i32
      %cond3A_302 = arith.cmpi ne, %convert_element_type3A_300, %cond3A_301 : i32
      scf.if %cond3A_302 {
        "tpu.region"() ({
          %run_scoped3A = tpu.sem_alloc : memref<!tpu.dma_semaphore, #tpu.memory_space<semaphore_mem>>
          %dma_start3A_838 = arith.constant 0 : i32
          %dma_start3A_839 = tpu.memref_slice %arg6[%dma_start3A_838] : memref<6256xf32, #tpu.memory_space<vmem>> -> memref<6160xf32, #tpu.memory_space<vmem>>
          %dma_start3A_840 = arith.constant 93840 : i32
          %dma_start3A_841 = tpu.memref_slice %arg9[%dma_start3A_840] : memref<100000xf32, #tpu.memory_space<vmem_shared>> -> memref<6160xf32, #tpu.memory_space<vmem_shared>>
          %dma_start3A_842 = arith.constant 93840 : i32
          %dma_start3A_843 = tpu.memref_slice %arg9[%dma_start3A_842] : memref<100000xf32, #tpu.memory_space<vmem_shared>> -> memref<6160xf32, #tpu.memory_space<vmem_shared>>
          %dma_start3A_844 = arith.constant 0 : i32
          %dma_start3A_845 = tpu.memref_slice %arg6[%dma_start3A_844] : memref<6256xf32, #tpu.memory_space<vmem>> -> memref<6160xf32, #tpu.memory_space<vmem>>
          tpu.enqueue_dma source(%dma_start3A_845 : memref<6160xf32, #tpu.memory_space<vmem>>) target(%dma_start3A_843 : memref<6160xf32, #tpu.memory_space<vmem_shared>>) target_semaphore(%run_scoped3A : memref<!tpu.dma_semaphore, #tpu.memory_space<semaphore_mem>>)
          %dma_wait3A_846 = arith.constant 0 : i32
          %dma_wait3A_847 = tpu.memref_slice %arg6[%dma_wait3A_846] : memref<6256xf32, #tpu.memory_space<vmem>> -> memref<6160xf32, #tpu.memory_space<vmem>>
          %dma_wait3A_848 = arith.constant 93840 : i32
          %dma_wait3A_849 = tpu.memref_slice %arg9[%dma_wait3A_848] : memref<100000xf32, #tpu.memory_space<vmem_shared>> -> memref<6160xf32, #tpu.memory_space<vmem_shared>>
          %dma_wait3A_850 = arith.constant 93840 : i32
          %dma_wait3A_851 = tpu.memref_slice %arg9[%dma_wait3A_850] : memref<100000xf32, #tpu.memory_space<vmem_shared>> -> memref<6160xf32, #tpu.memory_space<vmem_shared>>
          %dma_wait3A_852 = arith.constant 0 : i32
          %dma_wait3A_853 = tpu.memref_slice %arg6[%dma_wait3A_852] : memref<6256xf32, #tpu.memory_space<vmem>> -> memref<6160xf32, #tpu.memory_space<vmem>>
          tpu.wait_dma2 semaphore(%run_scoped3A : memref<!tpu.dma_semaphore, #tpu.memory_space<semaphore_mem>>) src(%dma_wait3A_853 : memref<6160xf32, #tpu.memory_space<vmem>>) dst(%dma_wait3A_851 : memref<6160xf32, #tpu.memory_space<vmem_shared>>)
          tpu.yield
        }) : () -> ()
      } else {
      }
      "tpu.trace_stop"() : () -> ()
      "tpu.trace_start"() <{level = 10 : i32, message = "barrier_idx"}> : () -> ()
      %barrier3A = arith.constant 0 : index
      tpu.barrier barrier_id(%barrier3A)
      %dma_wait3A = arith.constant 0 : i32
      %dma_wait3A_303 = arith.constant 0 : i32
      %dma_wait3A_304 = tpu.memref_slice %arg7[%dma_wait3A, %dma_wait3A_303] : memref<25x128xi32, #tpu.memory_space<vmem>> -> memref<1x128xi32, #tpu.memory_space<vmem>>
      %dma_wait3A_305 = tpu.memref_squeeze %dma_wait3A_304 : memref<1x128xi32, #tpu.memory_space<vmem>> -> memref<128xi32, #tpu.memory_space<vmem>>
      %dma_wait3A_306 = tpu.memref_slice %arg3[%add3A_20] : memref<50000xi32, #tpu.memory_space<hbm>> -> memref<128xi32, #tpu.memory_space<hbm>>
      %dma_wait3A_307 = arith.constant 0 : i32
      %dma_wait3A_308 = tpu.memref_slice %arg7[%dma_wait3A, %dma_wait3A_307] : memref<25x128xi32, #tpu.memory_space<vmem>> -> memref<1x128xi32, #tpu.memory_space<vmem>>
      %dma_wait3A_309 = tpu.memref_squeeze %dma_wait3A_308 : memref<1x128xi32, #tpu.memory_space<vmem>> -> memref<128xi32, #tpu.memory_space<vmem>>
      %dma_wait3A_310 = tpu.memref_slice %arg3[%add3A_20] : memref<50000xi32, #tpu.memory_space<hbm>> -> memref<128xi32, #tpu.memory_space<hbm>>
      tpu.wait_dma2 semaphore(%arg10 : memref<!tpu.dma_semaphore, #tpu.memory_space<semaphore_mem>>) src(%dma_wait3A_310 : memref<128xi32, #tpu.memory_space<hbm>>) dst(%dma_wait3A_309 : memref<128xi32, #tpu.memory_space<vmem>>)
      %dma_wait3A_311 = arith.constant 1 : i32
      %dma_wait3A_312 = arith.constant 0 : i32
      %dma_wait3A_313 = tpu.memref_slice %arg7[%dma_wait3A_311, %dma_wait3A_312] : memref<25x128xi32, #tpu.memory_space<vmem>> -> memref<1x128xi32, #tpu.memory_space<vmem>>
      %dma_wait3A_314 = tpu.memref_squeeze %dma_wait3A_313 : memref<1x128xi32, #tpu.memory_space<vmem>> -> memref<128xi32, #tpu.memory_space<vmem>>
      %dma_wait3A_315 = tpu.memref_slice %arg3[%add3A_22] : memref<50000xi32, #tpu.memory_space<hbm>> -> memref<128xi32, #tpu.memory_space<hbm>>
      %dma_wait3A_316 = arith.constant 0 : i32
      %dma_wait3A_317 = tpu.memref_slice %arg7[%dma_wait3A_311, %dma_wait3A_316] : memref<25x128xi32, #tpu.memory_space<vmem>> -> memref<1x128xi32, #tpu.memory_space<vmem>>
      %dma_wait3A_318 = tpu.memref_squeeze %dma_wait3A_317 : memref<1x128xi32, #tpu.memory_space<vmem>> -> memref<128xi32, #tpu.memory_space<vmem>>
      %dma_wait3A_319 = tpu.memref_slice %arg3[%add3A_22] : memref<50000xi32, #tpu.memory_space<hbm>> -> memref<128xi32, #tpu.memory_space<hbm>>
      tpu.wait_dma2 semaphore(%arg10 : memref<!tpu.dma_semaphore, #tpu.memory_space<semaphore_mem>>) src(%dma_wait3A_319 : memref<128xi32, #tpu.memory_space<hbm>>) dst(%dma_wait3A_318 : memref<128xi32, #tpu.memory_space<vmem>>)
      %dma_wait3A_320 = arith.constant 2 : i32
      %dma_wait3A_321 = arith.constant 0 : i32
      %dma_wait3A_322 = tpu.memref_slice %arg7[%dma_wait3A_320, %dma_wait3A_321] : memref<25x128xi32, #tpu.memory_space<vmem>> -> memref<1x128xi32, #tpu.memory_space<vmem>>
      %dma_wait3A_323 = tpu.memref_squeeze %dma_wait3A_322 : memref<1x128xi32, #tpu.memory_space<vmem>> -> memref<128xi32, #tpu.memory_space<vmem>>
      %dma_wait3A_324 = tpu.memref_slice %arg3[%add3A_24] : memref<50000xi32, #tpu.memory_space<hbm>> -> memref<128xi32, #tpu.memory_space<hbm>>
      %dma_wait3A_325 = arith.constant 0 : i32
      %dma_wait3A_326 = tpu.memref_slice %arg7[%dma_wait3A_320, %dma_wait3A_325] : memref<25x128xi32, #tpu.memory_space<vmem>> -> memref<1x128xi32, #tpu.memory_space<vmem>>
      %dma_wait3A_327 = tpu.memref_squeeze %dma_wait3A_326 : memref<1x128xi32, #tpu.memory_space<vmem>> -> memref<128xi32, #tpu.memory_space<vmem>>
      %dma_wait3A_328 = tpu.memref_slice %arg3[%add3A_24] : memref<50000xi32, #tpu.memory_space<hbm>> -> memref<128xi32, #tpu.memory_space<hbm>>
      tpu.wait_dma2 semaphore(%arg10 : memref<!tpu.dma_semaphore, #tpu.memory_space<semaphore_mem>>) src(%dma_wait3A_328 : memref<128xi32, #tpu.memory_space<hbm>>) dst(%dma_wait3A_327 : memref<128xi32, #tpu.memory_space<vmem>>)
      %dma_wait3A_329 = arith.constant 3 : i32
      %dma_wait3A_330 = arith.constant 0 : i32
      %dma_wait3A_331 = tpu.memref_slice %arg7[%dma_wait3A_329, %dma_wait3A_330] : memref<25x128xi32, #tpu.memory_space<vmem>> -> memref<1x128xi32, #tpu.memory_space<vmem>>
      %dma_wait3A_332 = tpu.memref_squeeze %dma_wait3A_331 : memref<1x128xi32, #tpu.memory_space<vmem>> -> memref<128xi32, #tpu.memory_space<vmem>>
      %dma_wait3A_333 = tpu.memref_slice %arg3[%add3A_26] : memref<50000xi32, #tpu.memory_space<hbm>> -> memref<128xi32, #tpu.memory_space<hbm>>
      %dma_wait3A_334 = arith.constant 0 : i32
      %dma_wait3A_335 = tpu.memref_slice %arg7[%dma_wait3A_329, %dma_wait3A_334] : memref<25x128xi32, #tpu.memory_space<vmem>> -> memref<1x128xi32, #tpu.memory_space<vmem>>
      %dma_wait3A_336 = tpu.memref_squeeze %dma_wait3A_335 : memref<1x128xi32, #tpu.memory_space<vmem>> -> memref<128xi32, #tpu.memory_space<vmem>>
      %dma_wait3A_337 = tpu.memref_slice %arg3[%add3A_26] : memref<50000xi32, #tpu.memory_space<hbm>> -> memref<128xi32, #tpu.memory_space<hbm>>
      tpu.wait_dma2 semaphore(%arg10 : memref<!tpu.dma_semaphore, #tpu.memory_space<semaphore_mem>>) src(%dma_wait3A_337 : memref<128xi32, #tpu.memory_space<hbm>>) dst(%dma_wait3A_336 : memref<128xi32, #tpu.memory_space<vmem>>)
      %dma_wait3A_338 = arith.constant 4 : i32
      %dma_wait3A_339 = arith.constant 0 : i32
      %dma_wait3A_340 = tpu.memref_slice %arg7[%dma_wait3A_338, %dma_wait3A_339] : memref<25x128xi32, #tpu.memory_space<vmem>> -> memref<1x128xi32, #tpu.memory_space<vmem>>
      %dma_wait3A_341 = tpu.memref_squeeze %dma_wait3A_340 : memref<1x128xi32, #tpu.memory_space<vmem>> -> memref<128xi32, #tpu.memory_space<vmem>>
      %dma_wait3A_342 = tpu.memref_slice %arg3[%add3A_28] : memref<50000xi32, #tpu.memory_space<hbm>> -> memref<128xi32, #tpu.memory_space<hbm>>
      %dma_wait3A_343 = arith.constant 0 : i32
      %dma_wait3A_344 = tpu.memref_slice %arg7[%dma_wait3A_338, %dma_wait3A_343] : memref<25x128xi32, #tpu.memory_space<vmem>> -> memref<1x128xi32, #tpu.memory_space<vmem>>
      %dma_wait3A_345 = tpu.memref_squeeze %dma_wait3A_344 : memref<1x128xi32, #tpu.memory_space<vmem>> -> memref<128xi32, #tpu.memory_space<vmem>>
      %dma_wait3A_346 = tpu.memref_slice %arg3[%add3A_28] : memref<50000xi32, #tpu.memory_space<hbm>> -> memref<128xi32, #tpu.memory_space<hbm>>
      tpu.wait_dma2 semaphore(%arg10 : memref<!tpu.dma_semaphore, #tpu.memory_space<semaphore_mem>>) src(%dma_wait3A_346 : memref<128xi32, #tpu.memory_space<hbm>>) dst(%dma_wait3A_345 : memref<128xi32, #tpu.memory_space<vmem>>)
      %dma_wait3A_347 = arith.constant 5 : i32
      %dma_wait3A_348 = arith.constant 0 : i32
      %dma_wait3A_349 = tpu.memref_slice %arg7[%dma_wait3A_347, %dma_wait3A_348] : memref<25x128xi32, #tpu.memory_space<vmem>> -> memref<1x128xi32, #tpu.memory_space<vmem>>
      %dma_wait3A_350 = tpu.memref_squeeze %dma_wait3A_349 : memref<1x128xi32, #tpu.memory_space<vmem>> -> memref<128xi32, #tpu.memory_space<vmem>>
      %dma_wait3A_351 = tpu.memref_slice %arg3[%add3A_30] : memref<50000xi32, #tpu.memory_space<hbm>> -> memref<128xi32, #tpu.memory_space<hbm>>
      %dma_wait3A_352 = arith.constant 0 : i32
      %dma_wait3A_353 = tpu.memref_slice %arg7[%dma_wait3A_347, %dma_wait3A_352] : memref<25x128xi32, #tpu.memory_space<vmem>> -> memref<1x128xi32, #tpu.memory_space<vmem>>
      %dma_wait3A_354 = tpu.memref_squeeze %dma_wait3A_353 : memref<1x128xi32, #tpu.memory_space<vmem>> -> memref<128xi32, #tpu.memory_space<vmem>>
      %dma_wait3A_355 = tpu.memref_slice %arg3[%add3A_30] : memref<50000xi32, #tpu.memory_space<hbm>> -> memref<128xi32, #tpu.memory_space<hbm>>
      tpu.wait_dma2 semaphore(%arg10 : memref<!tpu.dma_semaphore, #tpu.memory_space<semaphore_mem>>) src(%dma_wait3A_355 : memref<128xi32, #tpu.memory_space<hbm>>) dst(%dma_wait3A_354 : memref<128xi32, #tpu.memory_space<vmem>>)
      %dma_wait3A_356 = arith.constant 6 : i32
      %dma_wait3A_357 = arith.constant 0 : i32
      %dma_wait3A_358 = tpu.memref_slice %arg7[%dma_wait3A_356, %dma_wait3A_357] : memref<25x128xi32, #tpu.memory_space<vmem>> -> memref<1x128xi32, #tpu.memory_space<vmem>>
      %dma_wait3A_359 = tpu.memref_squeeze %dma_wait3A_358 : memref<1x128xi32, #tpu.memory_space<vmem>> -> memref<128xi32, #tpu.memory_space<vmem>>
      %dma_wait3A_360 = tpu.memref_slice %arg3[%add3A_32] : memref<50000xi32, #tpu.memory_space<hbm>> -> memref<128xi32, #tpu.memory_space<hbm>>
      %dma_wait3A_361 = arith.constant 0 : i32
      %dma_wait3A_362 = tpu.memref_slice %arg7[%dma_wait3A_356, %dma_wait3A_361] : memref<25x128xi32, #tpu.memory_space<vmem>> -> memref<1x128xi32, #tpu.memory_space<vmem>>
      %dma_wait3A_363 = tpu.memref_squeeze %dma_wait3A_362 : memref<1x128xi32, #tpu.memory_space<vmem>> -> memref<128xi32, #tpu.memory_space<vmem>>
      %dma_wait3A_364 = tpu.memref_slice %arg3[%add3A_32] : memref<50000xi32, #tpu.memory_space<hbm>> -> memref<128xi32, #tpu.memory_space<hbm>>
      tpu.wait_dma2 semaphore(%arg10 : memref<!tpu.dma_semaphore, #tpu.memory_space<semaphore_mem>>) src(%dma_wait3A_364 : memref<128xi32, #tpu.memory_space<hbm>>) dst(%dma_wait3A_363 : memref<128xi32, #tpu.memory_space<vmem>>)
      %dma_wait3A_365 = arith.constant 7 : i32
      %dma_wait3A_366 = arith.constant 0 : i32
      %dma_wait3A_367 = tpu.memref_slice %arg7[%dma_wait3A_365, %dma_wait3A_366] : memref<25x128xi32, #tpu.memory_space<vmem>> -> memref<1x128xi32, #tpu.memory_space<vmem>>
      %dma_wait3A_368 = tpu.memref_squeeze %dma_wait3A_367 : memref<1x128xi32, #tpu.memory_space<vmem>> -> memref<128xi32, #tpu.memory_space<vmem>>
      %dma_wait3A_369 = tpu.memref_slice %arg3[%add3A_34] : memref<50000xi32, #tpu.memory_space<hbm>> -> memref<128xi32, #tpu.memory_space<hbm>>
      %dma_wait3A_370 = arith.constant 0 : i32
      %dma_wait3A_371 = tpu.memref_slice %arg7[%dma_wait3A_365, %dma_wait3A_370] : memref<25x128xi32, #tpu.memory_space<vmem>> -> memref<1x128xi32, #tpu.memory_space<vmem>>
      %dma_wait3A_372 = tpu.memref_squeeze %dma_wait3A_371 : memref<1x128xi32, #tpu.memory_space<vmem>> -> memref<128xi32, #tpu.memory_space<vmem>>
      %dma_wait3A_373 = tpu.memref_slice %arg3[%add3A_34] : memref<50000xi32, #tpu.memory_space<hbm>> -> memref<128xi32, #tpu.memory_space<hbm>>
      tpu.wait_dma2 semaphore(%arg10 : memref<!tpu.dma_semaphore, #tpu.memory_space<semaphore_mem>>) src(%dma_wait3A_373 : memref<128xi32, #tpu.memory_space<hbm>>) dst(%dma_wait3A_372 : memref<128xi32, #tpu.memory_space<vmem>>)
      %dma_wait3A_374 = arith.constant 8 : i32
      %dma_wait3A_375 = arith.constant 0 : i32
      %dma_wait3A_376 = tpu.memref_slice %arg7[%dma_wait3A_374, %dma_wait3A_375] : memref<25x128xi32, #tpu.memory_space<vmem>> -> memref<1x128xi32, #tpu.memory_space<vmem>>
      %dma_wait3A_377 = tpu.memref_squeeze %dma_wait3A_376 : memref<1x128xi32, #tpu.memory_space<vmem>> -> memref<128xi32, #tpu.memory_space<vmem>>
      %dma_wait3A_378 = tpu.memref_slice %arg3[%add3A_36] : memref<50000xi32, #tpu.memory_space<hbm>> -> memref<128xi32, #tpu.memory_space<hbm>>
      %dma_wait3A_379 = arith.constant 0 : i32
      %dma_wait3A_380 = tpu.memref_slice %arg7[%dma_wait3A_374, %dma_wait3A_379] : memref<25x128xi32, #tpu.memory_space<vmem>> -> memref<1x128xi32, #tpu.memory_space<vmem>>
      %dma_wait3A_381 = tpu.memref_squeeze %dma_wait3A_380 : memref<1x128xi32, #tpu.memory_space<vmem>> -> memref<128xi32, #tpu.memory_space<vmem>>
      %dma_wait3A_382 = tpu.memref_slice %arg3[%add3A_36] : memref<50000xi32, #tpu.memory_space<hbm>> -> memref<128xi32, #tpu.memory_space<hbm>>
      tpu.wait_dma2 semaphore(%arg10 : memref<!tpu.dma_semaphore, #tpu.memory_space<semaphore_mem>>) src(%dma_wait3A_382 : memref<128xi32, #tpu.memory_space<hbm>>) dst(%dma_wait3A_381 : memref<128xi32, #tpu.memory_space<vmem>>)
      %dma_wait3A_383 = arith.constant 9 : i32
      %dma_wait3A_384 = arith.constant 0 : i32
      %dma_wait3A_385 = tpu.memref_slice %arg7[%dma_wait3A_383, %dma_wait3A_384] : memref<25x128xi32, #tpu.memory_space<vmem>> -> memref<1x128xi32, #tpu.memory_space<vmem>>
      %dma_wait3A_386 = tpu.memref_squeeze %dma_wait3A_385 : memref<1x128xi32, #tpu.memory_space<vmem>> -> memref<128xi32, #tpu.memory_space<vmem>>
      %dma_wait3A_387 = tpu.memref_slice %arg3[%add3A_38] : memref<50000xi32, #tpu.memory_space<hbm>> -> memref<128xi32, #tpu.memory_space<hbm>>
      %dma_wait3A_388 = arith.constant 0 : i32
      %dma_wait3A_389 = tpu.memref_slice %arg7[%dma_wait3A_383, %dma_wait3A_388] : memref<25x128xi32, #tpu.memory_space<vmem>> -> memref<1x128xi32, #tpu.memory_space<vmem>>
      %dma_wait3A_390 = tpu.memref_squeeze %dma_wait3A_389 : memref<1x128xi32, #tpu.memory_space<vmem>> -> memref<128xi32, #tpu.memory_space<vmem>>
      %dma_wait3A_391 = tpu.memref_slice %arg3[%add3A_38] : memref<50000xi32, #tpu.memory_space<hbm>> -> memref<128xi32, #tpu.memory_space<hbm>>
      tpu.wait_dma2 semaphore(%arg10 : memref<!tpu.dma_semaphore, #tpu.memory_space<semaphore_mem>>) src(%dma_wait3A_391 : memref<128xi32, #tpu.memory_space<hbm>>) dst(%dma_wait3A_390 : memref<128xi32, #tpu.memory_space<vmem>>)
      %dma_wait3A_392 = arith.constant 10 : i32
      %dma_wait3A_393 = arith.constant 0 : i32
      %dma_wait3A_394 = tpu.memref_slice %arg7[%dma_wait3A_392, %dma_wait3A_393] : memref<25x128xi32, #tpu.memory_space<vmem>> -> memref<1x128xi32, #tpu.memory_space<vmem>>
      %dma_wait3A_395 = tpu.memref_squeeze %dma_wait3A_394 : memref<1x128xi32, #tpu.memory_space<vmem>> -> memref<128xi32, #tpu.memory_space<vmem>>
      %dma_wait3A_396 = tpu.memref_slice %arg3[%add3A_40] : memref<50000xi32, #tpu.memory_space<hbm>> -> memref<128xi32, #tpu.memory_space<hbm>>
      %dma_wait3A_397 = arith.constant 0 : i32
      %dma_wait3A_398 = tpu.memref_slice %arg7[%dma_wait3A_392, %dma_wait3A_397] : memref<25x128xi32, #tpu.memory_space<vmem>> -> memref<1x128xi32, #tpu.memory_space<vmem>>
      %dma_wait3A_399 = tpu.memref_squeeze %dma_wait3A_398 : memref<1x128xi32, #tpu.memory_space<vmem>> -> memref<128xi32, #tpu.memory_space<vmem>>
      %dma_wait3A_400 = tpu.memref_slice %arg3[%add3A_40] : memref<50000xi32, #tpu.memory_space<hbm>> -> memref<128xi32, #tpu.memory_space<hbm>>
      tpu.wait_dma2 semaphore(%arg10 : memref<!tpu.dma_semaphore, #tpu.memory_space<semaphore_mem>>) src(%dma_wait3A_400 : memref<128xi32, #tpu.memory_space<hbm>>) dst(%dma_wait3A_399 : memref<128xi32, #tpu.memory_space<vmem>>)
      %dma_wait3A_401 = arith.constant 11 : i32
      %dma_wait3A_402 = arith.constant 0 : i32
      %dma_wait3A_403 = tpu.memref_slice %arg7[%dma_wait3A_401, %dma_wait3A_402] : memref<25x128xi32, #tpu.memory_space<vmem>> -> memref<1x128xi32, #tpu.memory_space<vmem>>
      %dma_wait3A_404 = tpu.memref_squeeze %dma_wait3A_403 : memref<1x128xi32, #tpu.memory_space<vmem>> -> memref<128xi32, #tpu.memory_space<vmem>>
      %dma_wait3A_405 = tpu.memref_slice %arg3[%add3A_42] : memref<50000xi32, #tpu.memory_space<hbm>> -> memref<128xi32, #tpu.memory_space<hbm>>
      %dma_wait3A_406 = arith.constant 0 : i32
      %dma_wait3A_407 = tpu.memref_slice %arg7[%dma_wait3A_401, %dma_wait3A_406] : memref<25x128xi32, #tpu.memory_space<vmem>> -> memref<1x128xi32, #tpu.memory_space<vmem>>
      %dma_wait3A_408 = tpu.memref_squeeze %dma_wait3A_407 : memref<1x128xi32, #tpu.memory_space<vmem>> -> memref<128xi32, #tpu.memory_space<vmem>>
      %dma_wait3A_409 = tpu.memref_slice %arg3[%add3A_42] : memref<50000xi32, #tpu.memory_space<hbm>> -> memref<128xi32, #tpu.memory_space<hbm>>
      tpu.wait_dma2 semaphore(%arg10 : memref<!tpu.dma_semaphore, #tpu.memory_space<semaphore_mem>>) src(%dma_wait3A_409 : memref<128xi32, #tpu.memory_space<hbm>>) dst(%dma_wait3A_408 : memref<128xi32, #tpu.memory_space<vmem>>)
      %dma_wait3A_410 = arith.constant 12 : i32
      %dma_wait3A_411 = arith.constant 0 : i32
      %dma_wait3A_412 = tpu.memref_slice %arg7[%dma_wait3A_410, %dma_wait3A_411] : memref<25x128xi32, #tpu.memory_space<vmem>> -> memref<1x128xi32, #tpu.memory_space<vmem>>
      %dma_wait3A_413 = tpu.memref_squeeze %dma_wait3A_412 : memref<1x128xi32, #tpu.memory_space<vmem>> -> memref<128xi32, #tpu.memory_space<vmem>>
      %dma_wait3A_414 = tpu.memref_slice %arg3[%add3A_44] : memref<50000xi32, #tpu.memory_space<hbm>> -> memref<128xi32, #tpu.memory_space<hbm>>
      %dma_wait3A_415 = arith.constant 0 : i32
      %dma_wait3A_416 = tpu.memref_slice %arg7[%dma_wait3A_410, %dma_wait3A_415] : memref<25x128xi32, #tpu.memory_space<vmem>> -> memref<1x128xi32, #tpu.memory_space<vmem>>
      %dma_wait3A_417 = tpu.memref_squeeze %dma_wait3A_416 : memref<1x128xi32, #tpu.memory_space<vmem>> -> memref<128xi32, #tpu.memory_space<vmem>>
      %dma_wait3A_418 = tpu.memref_slice %arg3[%add3A_44] : memref<50000xi32, #tpu.memory_space<hbm>> -> memref<128xi32, #tpu.memory_space<hbm>>
      tpu.wait_dma2 semaphore(%arg10 : memref<!tpu.dma_semaphore, #tpu.memory_space<semaphore_mem>>) src(%dma_wait3A_418 : memref<128xi32, #tpu.memory_space<hbm>>) dst(%dma_wait3A_417 : memref<128xi32, #tpu.memory_space<vmem>>)
      %dma_wait3A_419 = arith.constant 13 : i32
      %dma_wait3A_420 = arith.constant 0 : i32
      %dma_wait3A_421 = tpu.memref_slice %arg7[%dma_wait3A_419, %dma_wait3A_420] : memref<25x128xi32, #tpu.memory_space<vmem>> -> memref<1x128xi32, #tpu.memory_space<vmem>>
      %dma_wait3A_422 = tpu.memref_squeeze %dma_wait3A_421 : memref<1x128xi32, #tpu.memory_space<vmem>> -> memref<128xi32, #tpu.memory_space<vmem>>
      %dma_wait3A_423 = tpu.memref_slice %arg3[%add3A_46] : memref<50000xi32, #tpu.memory_space<hbm>> -> memref<128xi32, #tpu.memory_space<hbm>>
      %dma_wait3A_424 = arith.constant 0 : i32
      %dma_wait3A_425 = tpu.memref_slice %arg7[%dma_wait3A_419, %dma_wait3A_424] : memref<25x128xi32, #tpu.memory_space<vmem>> -> memref<1x128xi32, #tpu.memory_space<vmem>>
      %dma_wait3A_426 = tpu.memref_squeeze %dma_wait3A_425 : memref<1x128xi32, #tpu.memory_space<vmem>> -> memref<128xi32, #tpu.memory_space<vmem>>
      %dma_wait3A_427 = tpu.memref_slice %arg3[%add3A_46] : memref<50000xi32, #tpu.memory_space<hbm>> -> memref<128xi32, #tpu.memory_space<hbm>>
      tpu.wait_dma2 semaphore(%arg10 : memref<!tpu.dma_semaphore, #tpu.memory_space<semaphore_mem>>) src(%dma_wait3A_427 : memref<128xi32, #tpu.memory_space<hbm>>) dst(%dma_wait3A_426 : memref<128xi32, #tpu.memory_space<vmem>>)
      %dma_wait3A_428 = arith.constant 14 : i32
      %dma_wait3A_429 = arith.constant 0 : i32
      %dma_wait3A_430 = tpu.memref_slice %arg7[%dma_wait3A_428, %dma_wait3A_429] : memref<25x128xi32, #tpu.memory_space<vmem>> -> memref<1x128xi32, #tpu.memory_space<vmem>>
      %dma_wait3A_431 = tpu.memref_squeeze %dma_wait3A_430 : memref<1x128xi32, #tpu.memory_space<vmem>> -> memref<128xi32, #tpu.memory_space<vmem>>
      %dma_wait3A_432 = tpu.memref_slice %arg3[%add3A_48] : memref<50000xi32, #tpu.memory_space<hbm>> -> memref<128xi32, #tpu.memory_space<hbm>>
      %dma_wait3A_433 = arith.constant 0 : i32
      %dma_wait3A_434 = tpu.memref_slice %arg7[%dma_wait3A_428, %dma_wait3A_433] : memref<25x128xi32, #tpu.memory_space<vmem>> -> memref<1x128xi32, #tpu.memory_space<vmem>>
      %dma_wait3A_435 = tpu.memref_squeeze %dma_wait3A_434 : memref<1x128xi32, #tpu.memory_space<vmem>> -> memref<128xi32, #tpu.memory_space<vmem>>
      %dma_wait3A_436 = tpu.memref_slice %arg3[%add3A_48] : memref<50000xi32, #tpu.memory_space<hbm>> -> memref<128xi32, #tpu.memory_space<hbm>>
      tpu.wait_dma2 semaphore(%arg10 : memref<!tpu.dma_semaphore, #tpu.memory_space<semaphore_mem>>) src(%dma_wait3A_436 : memref<128xi32, #tpu.memory_space<hbm>>) dst(%dma_wait3A_435 : memref<128xi32, #tpu.memory_space<vmem>>)
      %dma_wait3A_437 = arith.constant 15 : i32
      %dma_wait3A_438 = arith.constant 0 : i32
      %dma_wait3A_439 = tpu.memref_slice %arg7[%dma_wait3A_437, %dma_wait3A_438] : memref<25x128xi32, #tpu.memory_space<vmem>> -> memref<1x128xi32, #tpu.memory_space<vmem>>
      %dma_wait3A_440 = tpu.memref_squeeze %dma_wait3A_439 : memref<1x128xi32, #tpu.memory_space<vmem>> -> memref<128xi32, #tpu.memory_space<vmem>>
      %dma_wait3A_441 = tpu.memref_slice %arg3[%add3A_50] : memref<50000xi32, #tpu.memory_space<hbm>> -> memref<128xi32, #tpu.memory_space<hbm>>
      %dma_wait3A_442 = arith.constant 0 : i32
      %dma_wait3A_443 = tpu.memref_slice %arg7[%dma_wait3A_437, %dma_wait3A_442] : memref<25x128xi32, #tpu.memory_space<vmem>> -> memref<1x128xi32, #tpu.memory_space<vmem>>
      %dma_wait3A_444 = tpu.memref_squeeze %dma_wait3A_443 : memref<1x128xi32, #tpu.memory_space<vmem>> -> memref<128xi32, #tpu.memory_space<vmem>>
      %dma_wait3A_445 = tpu.memref_slice %arg3[%add3A_50] : memref<50000xi32, #tpu.memory_space<hbm>> -> memref<128xi32, #tpu.memory_space<hbm>>
      tpu.wait_dma2 semaphore(%arg10 : memref<!tpu.dma_semaphore, #tpu.memory_space<semaphore_mem>>) src(%dma_wait3A_445 : memref<128xi32, #tpu.memory_space<hbm>>) dst(%dma_wait3A_444 : memref<128xi32, #tpu.memory_space<vmem>>)
      %dma_wait3A_446 = arith.constant 16 : i32
      %dma_wait3A_447 = arith.constant 0 : i32
      %dma_wait3A_448 = tpu.memref_slice %arg7[%dma_wait3A_446, %dma_wait3A_447] : memref<25x128xi32, #tpu.memory_space<vmem>> -> memref<1x128xi32, #tpu.memory_space<vmem>>
      %dma_wait3A_449 = tpu.memref_squeeze %dma_wait3A_448 : memref<1x128xi32, #tpu.memory_space<vmem>> -> memref<128xi32, #tpu.memory_space<vmem>>
      %dma_wait3A_450 = tpu.memref_slice %arg3[%add3A_52] : memref<50000xi32, #tpu.memory_space<hbm>> -> memref<128xi32, #tpu.memory_space<hbm>>
      %dma_wait3A_451 = arith.constant 0 : i32
      %dma_wait3A_452 = tpu.memref_slice %arg7[%dma_wait3A_446, %dma_wait3A_451] : memref<25x128xi32, #tpu.memory_space<vmem>> -> memref<1x128xi32, #tpu.memory_space<vmem>>
      %dma_wait3A_453 = tpu.memref_squeeze %dma_wait3A_452 : memref<1x128xi32, #tpu.memory_space<vmem>> -> memref<128xi32, #tpu.memory_space<vmem>>
      %dma_wait3A_454 = tpu.memref_slice %arg3[%add3A_52] : memref<50000xi32, #tpu.memory_space<hbm>> -> memref<128xi32, #tpu.memory_space<hbm>>
      tpu.wait_dma2 semaphore(%arg10 : memref<!tpu.dma_semaphore, #tpu.memory_space<semaphore_mem>>) src(%dma_wait3A_454 : memref<128xi32, #tpu.memory_space<hbm>>) dst(%dma_wait3A_453 : memref<128xi32, #tpu.memory_space<vmem>>)
      %dma_wait3A_455 = arith.constant 17 : i32
      %dma_wait3A_456 = arith.constant 0 : i32
      %dma_wait3A_457 = tpu.memref_slice %arg7[%dma_wait3A_455, %dma_wait3A_456] : memref<25x128xi32, #tpu.memory_space<vmem>> -> memref<1x128xi32, #tpu.memory_space<vmem>>
      %dma_wait3A_458 = tpu.memref_squeeze %dma_wait3A_457 : memref<1x128xi32, #tpu.memory_space<vmem>> -> memref<128xi32, #tpu.memory_space<vmem>>
      %dma_wait3A_459 = tpu.memref_slice %arg3[%add3A_54] : memref<50000xi32, #tpu.memory_space<hbm>> -> memref<128xi32, #tpu.memory_space<hbm>>
      %dma_wait3A_460 = arith.constant 0 : i32
      %dma_wait3A_461 = tpu.memref_slice %arg7[%dma_wait3A_455, %dma_wait3A_460] : memref<25x128xi32, #tpu.memory_space<vmem>> -> memref<1x128xi32, #tpu.memory_space<vmem>>
      %dma_wait3A_462 = tpu.memref_squeeze %dma_wait3A_461 : memref<1x128xi32, #tpu.memory_space<vmem>> -> memref<128xi32, #tpu.memory_space<vmem>>
      %dma_wait3A_463 = tpu.memref_slice %arg3[%add3A_54] : memref<50000xi32, #tpu.memory_space<hbm>> -> memref<128xi32, #tpu.memory_space<hbm>>
      tpu.wait_dma2 semaphore(%arg10 : memref<!tpu.dma_semaphore, #tpu.memory_space<semaphore_mem>>) src(%dma_wait3A_463 : memref<128xi32, #tpu.memory_space<hbm>>) dst(%dma_wait3A_462 : memref<128xi32, #tpu.memory_space<vmem>>)
      %dma_wait3A_464 = arith.constant 18 : i32
      %dma_wait3A_465 = arith.constant 0 : i32
      %dma_wait3A_466 = tpu.memref_slice %arg7[%dma_wait3A_464, %dma_wait3A_465] : memref<25x128xi32, #tpu.memory_space<vmem>> -> memref<1x128xi32, #tpu.memory_space<vmem>>
      %dma_wait3A_467 = tpu.memref_squeeze %dma_wait3A_466 : memref<1x128xi32, #tpu.memory_space<vmem>> -> memref<128xi32, #tpu.memory_space<vmem>>
      %dma_wait3A_468 = tpu.memref_slice %arg3[%add3A_56] : memref<50000xi32, #tpu.memory_space<hbm>> -> memref<128xi32, #tpu.memory_space<hbm>>
      %dma_wait3A_469 = arith.constant 0 : i32
      %dma_wait3A_470 = tpu.memref_slice %arg7[%dma_wait3A_464, %dma_wait3A_469] : memref<25x128xi32, #tpu.memory_space<vmem>> -> memref<1x128xi32, #tpu.memory_space<vmem>>
      %dma_wait3A_471 = tpu.memref_squeeze %dma_wait3A_470 : memref<1x128xi32, #tpu.memory_space<vmem>> -> memref<128xi32, #tpu.memory_space<vmem>>
      %dma_wait3A_472 = tpu.memref_slice %arg3[%add3A_56] : memref<50000xi32, #tpu.memory_space<hbm>> -> memref<128xi32, #tpu.memory_space<hbm>>
      tpu.wait_dma2 semaphore(%arg10 : memref<!tpu.dma_semaphore, #tpu.memory_space<semaphore_mem>>) src(%dma_wait3A_472 : memref<128xi32, #tpu.memory_space<hbm>>) dst(%dma_wait3A_471 : memref<128xi32, #tpu.memory_space<vmem>>)
      %dma_wait3A_473 = arith.constant 19 : i32
      %dma_wait3A_474 = arith.constant 0 : i32
      %dma_wait3A_475 = tpu.memref_slice %arg7[%dma_wait3A_473, %dma_wait3A_474] : memref<25x128xi32, #tpu.memory_space<vmem>> -> memref<1x128xi32, #tpu.memory_space<vmem>>
      %dma_wait3A_476 = tpu.memref_squeeze %dma_wait3A_475 : memref<1x128xi32, #tpu.memory_space<vmem>> -> memref<128xi32, #tpu.memory_space<vmem>>
      %dma_wait3A_477 = tpu.memref_slice %arg3[%add3A_58] : memref<50000xi32, #tpu.memory_space<hbm>> -> memref<128xi32, #tpu.memory_space<hbm>>
      %dma_wait3A_478 = arith.constant 0 : i32
      %dma_wait3A_479 = tpu.memref_slice %arg7[%dma_wait3A_473, %dma_wait3A_478] : memref<25x128xi32, #tpu.memory_space<vmem>> -> memref<1x128xi32, #tpu.memory_space<vmem>>
      %dma_wait3A_480 = tpu.memref_squeeze %dma_wait3A_479 : memref<1x128xi32, #tpu.memory_space<vmem>> -> memref<128xi32, #tpu.memory_space<vmem>>
      %dma_wait3A_481 = tpu.memref_slice %arg3[%add3A_58] : memref<50000xi32, #tpu.memory_space<hbm>> -> memref<128xi32, #tpu.memory_space<hbm>>
      tpu.wait_dma2 semaphore(%arg10 : memref<!tpu.dma_semaphore, #tpu.memory_space<semaphore_mem>>) src(%dma_wait3A_481 : memref<128xi32, #tpu.memory_space<hbm>>) dst(%dma_wait3A_480 : memref<128xi32, #tpu.memory_space<vmem>>)
      %dma_wait3A_482 = arith.constant 20 : i32
      %dma_wait3A_483 = arith.constant 0 : i32
      %dma_wait3A_484 = tpu.memref_slice %arg7[%dma_wait3A_482, %dma_wait3A_483] : memref<25x128xi32, #tpu.memory_space<vmem>> -> memref<1x128xi32, #tpu.memory_space<vmem>>
      %dma_wait3A_485 = tpu.memref_squeeze %dma_wait3A_484 : memref<1x128xi32, #tpu.memory_space<vmem>> -> memref<128xi32, #tpu.memory_space<vmem>>
      %dma_wait3A_486 = tpu.memref_slice %arg3[%add3A_60] : memref<50000xi32, #tpu.memory_space<hbm>> -> memref<128xi32, #tpu.memory_space<hbm>>
      %dma_wait3A_487 = arith.constant 0 : i32
      %dma_wait3A_488 = tpu.memref_slice %arg7[%dma_wait3A_482, %dma_wait3A_487] : memref<25x128xi32, #tpu.memory_space<vmem>> -> memref<1x128xi32, #tpu.memory_space<vmem>>
      %dma_wait3A_489 = tpu.memref_squeeze %dma_wait3A_488 : memref<1x128xi32, #tpu.memory_space<vmem>> -> memref<128xi32, #tpu.memory_space<vmem>>
      %dma_wait3A_490 = tpu.memref_slice %arg3[%add3A_60] : memref<50000xi32, #tpu.memory_space<hbm>> -> memref<128xi32, #tpu.memory_space<hbm>>
      tpu.wait_dma2 semaphore(%arg10 : memref<!tpu.dma_semaphore, #tpu.memory_space<semaphore_mem>>) src(%dma_wait3A_490 : memref<128xi32, #tpu.memory_space<hbm>>) dst(%dma_wait3A_489 : memref<128xi32, #tpu.memory_space<vmem>>)
      %dma_wait3A_491 = arith.constant 21 : i32
      %dma_wait3A_492 = arith.constant 0 : i32
      %dma_wait3A_493 = tpu.memref_slice %arg7[%dma_wait3A_491, %dma_wait3A_492] : memref<25x128xi32, #tpu.memory_space<vmem>> -> memref<1x128xi32, #tpu.memory_space<vmem>>
      %dma_wait3A_494 = tpu.memref_squeeze %dma_wait3A_493 : memref<1x128xi32, #tpu.memory_space<vmem>> -> memref<128xi32, #tpu.memory_space<vmem>>
      %dma_wait3A_495 = tpu.memref_slice %arg3[%add3A_62] : memref<50000xi32, #tpu.memory_space<hbm>> -> memref<128xi32, #tpu.memory_space<hbm>>
      %dma_wait3A_496 = arith.constant 0 : i32
      %dma_wait3A_497 = tpu.memref_slice %arg7[%dma_wait3A_491, %dma_wait3A_496] : memref<25x128xi32, #tpu.memory_space<vmem>> -> memref<1x128xi32, #tpu.memory_space<vmem>>
      %dma_wait3A_498 = tpu.memref_squeeze %dma_wait3A_497 : memref<1x128xi32, #tpu.memory_space<vmem>> -> memref<128xi32, #tpu.memory_space<vmem>>
      %dma_wait3A_499 = tpu.memref_slice %arg3[%add3A_62] : memref<50000xi32, #tpu.memory_space<hbm>> -> memref<128xi32, #tpu.memory_space<hbm>>
      tpu.wait_dma2 semaphore(%arg10 : memref<!tpu.dma_semaphore, #tpu.memory_space<semaphore_mem>>) src(%dma_wait3A_499 : memref<128xi32, #tpu.memory_space<hbm>>) dst(%dma_wait3A_498 : memref<128xi32, #tpu.memory_space<vmem>>)
      %dma_wait3A_500 = arith.constant 22 : i32
      %dma_wait3A_501 = arith.constant 0 : i32
      %dma_wait3A_502 = tpu.memref_slice %arg7[%dma_wait3A_500, %dma_wait3A_501] : memref<25x128xi32, #tpu.memory_space<vmem>> -> memref<1x128xi32, #tpu.memory_space<vmem>>
      %dma_wait3A_503 = tpu.memref_squeeze %dma_wait3A_502 : memref<1x128xi32, #tpu.memory_space<vmem>> -> memref<128xi32, #tpu.memory_space<vmem>>
      %dma_wait3A_504 = tpu.memref_slice %arg3[%add3A_64] : memref<50000xi32, #tpu.memory_space<hbm>> -> memref<128xi32, #tpu.memory_space<hbm>>
      %dma_wait3A_505 = arith.constant 0 : i32
      %dma_wait3A_506 = tpu.memref_slice %arg7[%dma_wait3A_500, %dma_wait3A_505] : memref<25x128xi32, #tpu.memory_space<vmem>> -> memref<1x128xi32, #tpu.memory_space<vmem>>
      %dma_wait3A_507 = tpu.memref_squeeze %dma_wait3A_506 : memref<1x128xi32, #tpu.memory_space<vmem>> -> memref<128xi32, #tpu.memory_space<vmem>>
      %dma_wait3A_508 = tpu.memref_slice %arg3[%add3A_64] : memref<50000xi32, #tpu.memory_space<hbm>> -> memref<128xi32, #tpu.memory_space<hbm>>
      tpu.wait_dma2 semaphore(%arg10 : memref<!tpu.dma_semaphore, #tpu.memory_space<semaphore_mem>>) src(%dma_wait3A_508 : memref<128xi32, #tpu.memory_space<hbm>>) dst(%dma_wait3A_507 : memref<128xi32, #tpu.memory_space<vmem>>)
      %dma_wait3A_509 = arith.constant 23 : i32
      %dma_wait3A_510 = arith.constant 0 : i32
      %dma_wait3A_511 = tpu.memref_slice %arg7[%dma_wait3A_509, %dma_wait3A_510] : memref<25x128xi32, #tpu.memory_space<vmem>> -> memref<1x128xi32, #tpu.memory_space<vmem>>
      %dma_wait3A_512 = tpu.memref_squeeze %dma_wait3A_511 : memref<1x128xi32, #tpu.memory_space<vmem>> -> memref<128xi32, #tpu.memory_space<vmem>>
      %dma_wait3A_513 = tpu.memref_slice %arg3[%add3A_66] : memref<50000xi32, #tpu.memory_space<hbm>> -> memref<128xi32, #tpu.memory_space<hbm>>
      %dma_wait3A_514 = arith.constant 0 : i32
      %dma_wait3A_515 = tpu.memref_slice %arg7[%dma_wait3A_509, %dma_wait3A_514] : memref<25x128xi32, #tpu.memory_space<vmem>> -> memref<1x128xi32, #tpu.memory_space<vmem>>
      %dma_wait3A_516 = tpu.memref_squeeze %dma_wait3A_515 : memref<1x128xi32, #tpu.memory_space<vmem>> -> memref<128xi32, #tpu.memory_space<vmem>>
      %dma_wait3A_517 = tpu.memref_slice %arg3[%add3A_66] : memref<50000xi32, #tpu.memory_space<hbm>> -> memref<128xi32, #tpu.memory_space<hbm>>
      tpu.wait_dma2 semaphore(%arg10 : memref<!tpu.dma_semaphore, #tpu.memory_space<semaphore_mem>>) src(%dma_wait3A_517 : memref<128xi32, #tpu.memory_space<hbm>>) dst(%dma_wait3A_516 : memref<128xi32, #tpu.memory_space<vmem>>)
      %dma_wait3A_518 = arith.constant 24 : i32
      %dma_wait3A_519 = arith.constant 0 : i32
      %dma_wait3A_520 = tpu.memref_slice %arg7[%dma_wait3A_518, %dma_wait3A_519] : memref<25x128xi32, #tpu.memory_space<vmem>> -> memref<1x128xi32, #tpu.memory_space<vmem>>
      %dma_wait3A_521 = tpu.memref_squeeze %dma_wait3A_520 : memref<1x128xi32, #tpu.memory_space<vmem>> -> memref<128xi32, #tpu.memory_space<vmem>>
      %dma_wait3A_522 = tpu.memref_slice %arg3[%add3A_68] : memref<50000xi32, #tpu.memory_space<hbm>> -> memref<128xi32, #tpu.memory_space<hbm>>
      %dma_wait3A_523 = arith.constant 0 : i32
      %dma_wait3A_524 = tpu.memref_slice %arg7[%dma_wait3A_518, %dma_wait3A_523] : memref<25x128xi32, #tpu.memory_space<vmem>> -> memref<1x128xi32, #tpu.memory_space<vmem>>
      %dma_wait3A_525 = tpu.memref_squeeze %dma_wait3A_524 : memref<1x128xi32, #tpu.memory_space<vmem>> -> memref<128xi32, #tpu.memory_space<vmem>>
      %dma_wait3A_526 = tpu.memref_slice %arg3[%add3A_68] : memref<50000xi32, #tpu.memory_space<hbm>> -> memref<128xi32, #tpu.memory_space<hbm>>
      tpu.wait_dma2 semaphore(%arg10 : memref<!tpu.dma_semaphore, #tpu.memory_space<semaphore_mem>>) src(%dma_wait3A_526 : memref<128xi32, #tpu.memory_space<hbm>>) dst(%dma_wait3A_525 : memref<128xi32, #tpu.memory_space<vmem>>)
      %dma_start3A_527 = arith.constant 0 : i32
      "tpu.trace_stop"() : () -> ()
      "tpu.trace_start"() <{level = 10 : i32, message = "scatter_phase"}> : () -> ()
      %dma_start3A_528 = arith.constant 0 : i32
      %dma_start3A_529 = tpu.memref_slice %arg7[%dma_start3A_527, %dma_start3A_528] : memref<25x128xi32, #tpu.memory_space<vmem>> -> memref<1x128xi32, #tpu.memory_space<vmem>>
      %dma_start3A_530 = tpu.memref_squeeze %dma_start3A_529 : memref<1x128xi32, #tpu.memory_space<vmem>> -> memref<128xi32, #tpu.memory_space<vmem>>
      %dma_start3A_531 = arith.constant 0 : i32
      %dma_start3A_532 = tpu.memref_slice %arg9[%dma_start3A_531] : memref<100000xf32, #tpu.memory_space<vmem_shared>> -> memref<100000xf32, #tpu.memory_space<vmem_shared>>
      tpu.enqueue_indirect_dma source(%arg8 : memref<128xf32, #tpu.memory_space<vmem>>) target(%dma_start3A_532 : memref<100000xf32, #tpu.memory_space<vmem_shared>>) offsets(%dma_start3A_530 : memref<128xi32, #tpu.memory_space<vmem>>) semaphore(%arg11 : memref<!tpu.dma_semaphore, #tpu.memory_space<semaphore_mem>>)
      %dma_start3A_533 = arith.constant 1 : i32
      %dma_start3A_534 = arith.constant 0 : i32
      %dma_start3A_535 = tpu.memref_slice %arg7[%dma_start3A_533, %dma_start3A_534] : memref<25x128xi32, #tpu.memory_space<vmem>> -> memref<1x128xi32, #tpu.memory_space<vmem>>
      %dma_start3A_536 = tpu.memref_squeeze %dma_start3A_535 : memref<1x128xi32, #tpu.memory_space<vmem>> -> memref<128xi32, #tpu.memory_space<vmem>>
      %dma_start3A_537 = arith.constant 0 : i32
      %dma_start3A_538 = tpu.memref_slice %arg9[%dma_start3A_537] : memref<100000xf32, #tpu.memory_space<vmem_shared>> -> memref<100000xf32, #tpu.memory_space<vmem_shared>>
      tpu.enqueue_indirect_dma source(%arg8 : memref<128xf32, #tpu.memory_space<vmem>>) target(%dma_start3A_538 : memref<100000xf32, #tpu.memory_space<vmem_shared>>) offsets(%dma_start3A_536 : memref<128xi32, #tpu.memory_space<vmem>>) semaphore(%arg11 : memref<!tpu.dma_semaphore, #tpu.memory_space<semaphore_mem>>)
      %dma_start3A_539 = arith.constant 2 : i32
      %dma_start3A_540 = arith.constant 0 : i32
      %dma_start3A_541 = tpu.memref_slice %arg7[%dma_start3A_539, %dma_start3A_540] : memref<25x128xi32, #tpu.memory_space<vmem>> -> memref<1x128xi32, #tpu.memory_space<vmem>>
      %dma_start3A_542 = tpu.memref_squeeze %dma_start3A_541 : memref<1x128xi32, #tpu.memory_space<vmem>> -> memref<128xi32, #tpu.memory_space<vmem>>
      %dma_start3A_543 = arith.constant 0 : i32
      %dma_start3A_544 = tpu.memref_slice %arg9[%dma_start3A_543] : memref<100000xf32, #tpu.memory_space<vmem_shared>> -> memref<100000xf32, #tpu.memory_space<vmem_shared>>
      tpu.enqueue_indirect_dma source(%arg8 : memref<128xf32, #tpu.memory_space<vmem>>) target(%dma_start3A_544 : memref<100000xf32, #tpu.memory_space<vmem_shared>>) offsets(%dma_start3A_542 : memref<128xi32, #tpu.memory_space<vmem>>) semaphore(%arg11 : memref<!tpu.dma_semaphore, #tpu.memory_space<semaphore_mem>>)
      %dma_start3A_545 = arith.constant 3 : i32
      %dma_start3A_546 = arith.constant 0 : i32
      %dma_start3A_547 = tpu.memref_slice %arg7[%dma_start3A_545, %dma_start3A_546] : memref<25x128xi32, #tpu.memory_space<vmem>> -> memref<1x128xi32, #tpu.memory_space<vmem>>
      %dma_start3A_548 = tpu.memref_squeeze %dma_start3A_547 : memref<1x128xi32, #tpu.memory_space<vmem>> -> memref<128xi32, #tpu.memory_space<vmem>>
      %dma_start3A_549 = arith.constant 0 : i32
      %dma_start3A_550 = tpu.memref_slice %arg9[%dma_start3A_549] : memref<100000xf32, #tpu.memory_space<vmem_shared>> -> memref<100000xf32, #tpu.memory_space<vmem_shared>>
      tpu.enqueue_indirect_dma source(%arg8 : memref<128xf32, #tpu.memory_space<vmem>>) target(%dma_start3A_550 : memref<100000xf32, #tpu.memory_space<vmem_shared>>) offsets(%dma_start3A_548 : memref<128xi32, #tpu.memory_space<vmem>>) semaphore(%arg11 : memref<!tpu.dma_semaphore, #tpu.memory_space<semaphore_mem>>)
      %dma_start3A_551 = arith.constant 4 : i32
      %dma_start3A_552 = arith.constant 0 : i32
      %dma_start3A_553 = tpu.memref_slice %arg7[%dma_start3A_551, %dma_start3A_552] : memref<25x128xi32, #tpu.memory_space<vmem>> -> memref<1x128xi32, #tpu.memory_space<vmem>>
      %dma_start3A_554 = tpu.memref_squeeze %dma_start3A_553 : memref<1x128xi32, #tpu.memory_space<vmem>> -> memref<128xi32, #tpu.memory_space<vmem>>
      %dma_start3A_555 = arith.constant 0 : i32
      %dma_start3A_556 = tpu.memref_slice %arg9[%dma_start3A_555] : memref<100000xf32, #tpu.memory_space<vmem_shared>> -> memref<100000xf32, #tpu.memory_space<vmem_shared>>
      tpu.enqueue_indirect_dma source(%arg8 : memref<128xf32, #tpu.memory_space<vmem>>) target(%dma_start3A_556 : memref<100000xf32, #tpu.memory_space<vmem_shared>>) offsets(%dma_start3A_554 : memref<128xi32, #tpu.memory_space<vmem>>) semaphore(%arg11 : memref<!tpu.dma_semaphore, #tpu.memory_space<semaphore_mem>>)
      %dma_start3A_557 = arith.constant 5 : i32
      %dma_start3A_558 = arith.constant 0 : i32
      %dma_start3A_559 = tpu.memref_slice %arg7[%dma_start3A_557, %dma_start3A_558] : memref<25x128xi32, #tpu.memory_space<vmem>> -> memref<1x128xi32, #tpu.memory_space<vmem>>
      %dma_start3A_560 = tpu.memref_squeeze %dma_start3A_559 : memref<1x128xi32, #tpu.memory_space<vmem>> -> memref<128xi32, #tpu.memory_space<vmem>>
      %dma_start3A_561 = arith.constant 0 : i32
      %dma_start3A_562 = tpu.memref_slice %arg9[%dma_start3A_561] : memref<100000xf32, #tpu.memory_space<vmem_shared>> -> memref<100000xf32, #tpu.memory_space<vmem_shared>>
      tpu.enqueue_indirect_dma source(%arg8 : memref<128xf32, #tpu.memory_space<vmem>>) target(%dma_start3A_562 : memref<100000xf32, #tpu.memory_space<vmem_shared>>) offsets(%dma_start3A_560 : memref<128xi32, #tpu.memory_space<vmem>>) semaphore(%arg11 : memref<!tpu.dma_semaphore, #tpu.memory_space<semaphore_mem>>)
      %dma_start3A_563 = arith.constant 6 : i32
      %dma_start3A_564 = arith.constant 0 : i32
      %dma_start3A_565 = tpu.memref_slice %arg7[%dma_start3A_563, %dma_start3A_564] : memref<25x128xi32, #tpu.memory_space<vmem>> -> memref<1x128xi32, #tpu.memory_space<vmem>>
      %dma_start3A_566 = tpu.memref_squeeze %dma_start3A_565 : memref<1x128xi32, #tpu.memory_space<vmem>> -> memref<128xi32, #tpu.memory_space<vmem>>
      %dma_start3A_567 = arith.constant 0 : i32
      %dma_start3A_568 = tpu.memref_slice %arg9[%dma_start3A_567] : memref<100000xf32, #tpu.memory_space<vmem_shared>> -> memref<100000xf32, #tpu.memory_space<vmem_shared>>
      tpu.enqueue_indirect_dma source(%arg8 : memref<128xf32, #tpu.memory_space<vmem>>) target(%dma_start3A_568 : memref<100000xf32, #tpu.memory_space<vmem_shared>>) offsets(%dma_start3A_566 : memref<128xi32, #tpu.memory_space<vmem>>) semaphore(%arg11 : memref<!tpu.dma_semaphore, #tpu.memory_space<semaphore_mem>>)
      %dma_start3A_569 = arith.constant 7 : i32
      %dma_start3A_570 = arith.constant 0 : i32
      %dma_start3A_571 = tpu.memref_slice %arg7[%dma_start3A_569, %dma_start3A_570] : memref<25x128xi32, #tpu.memory_space<vmem>> -> memref<1x128xi32, #tpu.memory_space<vmem>>
      %dma_start3A_572 = tpu.memref_squeeze %dma_start3A_571 : memref<1x128xi32, #tpu.memory_space<vmem>> -> memref<128xi32, #tpu.memory_space<vmem>>
      %dma_start3A_573 = arith.constant 0 : i32
      %dma_start3A_574 = tpu.memref_slice %arg9[%dma_start3A_573] : memref<100000xf32, #tpu.memory_space<vmem_shared>> -> memref<100000xf32, #tpu.memory_space<vmem_shared>>
      tpu.enqueue_indirect_dma source(%arg8 : memref<128xf32, #tpu.memory_space<vmem>>) target(%dma_start3A_574 : memref<100000xf32, #tpu.memory_space<vmem_shared>>) offsets(%dma_start3A_572 : memref<128xi32, #tpu.memory_space<vmem>>) semaphore(%arg11 : memref<!tpu.dma_semaphore, #tpu.memory_space<semaphore_mem>>)
      %dma_start3A_575 = arith.constant 8 : i32
      %dma_start3A_576 = arith.constant 0 : i32
      %dma_start3A_577 = tpu.memref_slice %arg7[%dma_start3A_575, %dma_start3A_576] : memref<25x128xi32, #tpu.memory_space<vmem>> -> memref<1x128xi32, #tpu.memory_space<vmem>>
      %dma_start3A_578 = tpu.memref_squeeze %dma_start3A_577 : memref<1x128xi32, #tpu.memory_space<vmem>> -> memref<128xi32, #tpu.memory_space<vmem>>
      %dma_start3A_579 = arith.constant 0 : i32
      %dma_start3A_580 = tpu.memref_slice %arg9[%dma_start3A_579] : memref<100000xf32, #tpu.memory_space<vmem_shared>> -> memref<100000xf32, #tpu.memory_space<vmem_shared>>
      tpu.enqueue_indirect_dma source(%arg8 : memref<128xf32, #tpu.memory_space<vmem>>) target(%dma_start3A_580 : memref<100000xf32, #tpu.memory_space<vmem_shared>>) offsets(%dma_start3A_578 : memref<128xi32, #tpu.memory_space<vmem>>) semaphore(%arg11 : memref<!tpu.dma_semaphore, #tpu.memory_space<semaphore_mem>>)
      %dma_start3A_581 = arith.constant 9 : i32
      %dma_start3A_582 = arith.constant 0 : i32
      %dma_start3A_583 = tpu.memref_slice %arg7[%dma_start3A_581, %dma_start3A_582] : memref<25x128xi32, #tpu.memory_space<vmem>> -> memref<1x128xi32, #tpu.memory_space<vmem>>
      %dma_start3A_584 = tpu.memref_squeeze %dma_start3A_583 : memref<1x128xi32, #tpu.memory_space<vmem>> -> memref<128xi32, #tpu.memory_space<vmem>>
      %dma_start3A_585 = arith.constant 0 : i32
      %dma_start3A_586 = tpu.memref_slice %arg9[%dma_start3A_585] : memref<100000xf32, #tpu.memory_space<vmem_shared>> -> memref<100000xf32, #tpu.memory_space<vmem_shared>>
      tpu.enqueue_indirect_dma source(%arg8 : memref<128xf32, #tpu.memory_space<vmem>>) target(%dma_start3A_586 : memref<100000xf32, #tpu.memory_space<vmem_shared>>) offsets(%dma_start3A_584 : memref<128xi32, #tpu.memory_space<vmem>>) semaphore(%arg11 : memref<!tpu.dma_semaphore, #tpu.memory_space<semaphore_mem>>)
      %dma_start3A_587 = arith.constant 10 : i32
      %dma_start3A_588 = arith.constant 0 : i32
      %dma_start3A_589 = tpu.memref_slice %arg7[%dma_start3A_587, %dma_start3A_588] : memref<25x128xi32, #tpu.memory_space<vmem>> -> memref<1x128xi32, #tpu.memory_space<vmem>>
      %dma_start3A_590 = tpu.memref_squeeze %dma_start3A_589 : memref<1x128xi32, #tpu.memory_space<vmem>> -> memref<128xi32, #tpu.memory_space<vmem>>
      %dma_start3A_591 = arith.constant 0 : i32
      %dma_start3A_592 = tpu.memref_slice %arg9[%dma_start3A_591] : memref<100000xf32, #tpu.memory_space<vmem_shared>> -> memref<100000xf32, #tpu.memory_space<vmem_shared>>
      tpu.enqueue_indirect_dma source(%arg8 : memref<128xf32, #tpu.memory_space<vmem>>) target(%dma_start3A_592 : memref<100000xf32, #tpu.memory_space<vmem_shared>>) offsets(%dma_start3A_590 : memref<128xi32, #tpu.memory_space<vmem>>) semaphore(%arg11 : memref<!tpu.dma_semaphore, #tpu.memory_space<semaphore_mem>>)
      %dma_start3A_593 = arith.constant 11 : i32
      %dma_start3A_594 = arith.constant 0 : i32
      %dma_start3A_595 = tpu.memref_slice %arg7[%dma_start3A_593, %dma_start3A_594] : memref<25x128xi32, #tpu.memory_space<vmem>> -> memref<1x128xi32, #tpu.memory_space<vmem>>
      %dma_start3A_596 = tpu.memref_squeeze %dma_start3A_595 : memref<1x128xi32, #tpu.memory_space<vmem>> -> memref<128xi32, #tpu.memory_space<vmem>>
      %dma_start3A_597 = arith.constant 0 : i32
      %dma_start3A_598 = tpu.memref_slice %arg9[%dma_start3A_597] : memref<100000xf32, #tpu.memory_space<vmem_shared>> -> memref<100000xf32, #tpu.memory_space<vmem_shared>>
      tpu.enqueue_indirect_dma source(%arg8 : memref<128xf32, #tpu.memory_space<vmem>>) target(%dma_start3A_598 : memref<100000xf32, #tpu.memory_space<vmem_shared>>) offsets(%dma_start3A_596 : memref<128xi32, #tpu.memory_space<vmem>>) semaphore(%arg11 : memref<!tpu.dma_semaphore, #tpu.memory_space<semaphore_mem>>)
      %dma_start3A_599 = arith.constant 12 : i32
      %dma_start3A_600 = arith.constant 0 : i32
      %dma_start3A_601 = tpu.memref_slice %arg7[%dma_start3A_599, %dma_start3A_600] : memref<25x128xi32, #tpu.memory_space<vmem>> -> memref<1x128xi32, #tpu.memory_space<vmem>>
      %dma_start3A_602 = tpu.memref_squeeze %dma_start3A_601 : memref<1x128xi32, #tpu.memory_space<vmem>> -> memref<128xi32, #tpu.memory_space<vmem>>
      %dma_start3A_603 = arith.constant 0 : i32
      %dma_start3A_604 = tpu.memref_slice %arg9[%dma_start3A_603] : memref<100000xf32, #tpu.memory_space<vmem_shared>> -> memref<100000xf32, #tpu.memory_space<vmem_shared>>
      tpu.enqueue_indirect_dma source(%arg8 : memref<128xf32, #tpu.memory_space<vmem>>) target(%dma_start3A_604 : memref<100000xf32, #tpu.memory_space<vmem_shared>>) offsets(%dma_start3A_602 : memref<128xi32, #tpu.memory_space<vmem>>) semaphore(%arg11 : memref<!tpu.dma_semaphore, #tpu.memory_space<semaphore_mem>>)
      %dma_start3A_605 = arith.constant 13 : i32
      %dma_start3A_606 = arith.constant 0 : i32
      %dma_start3A_607 = tpu.memref_slice %arg7[%dma_start3A_605, %dma_start3A_606] : memref<25x128xi32, #tpu.memory_space<vmem>> -> memref<1x128xi32, #tpu.memory_space<vmem>>
      %dma_start3A_608 = tpu.memref_squeeze %dma_start3A_607 : memref<1x128xi32, #tpu.memory_space<vmem>> -> memref<128xi32, #tpu.memory_space<vmem>>
      %dma_start3A_609 = arith.constant 0 : i32
      %dma_start3A_610 = tpu.memref_slice %arg9[%dma_start3A_609] : memref<100000xf32, #tpu.memory_space<vmem_shared>> -> memref<100000xf32, #tpu.memory_space<vmem_shared>>
      tpu.enqueue_indirect_dma source(%arg8 : memref<128xf32, #tpu.memory_space<vmem>>) target(%dma_start3A_610 : memref<100000xf32, #tpu.memory_space<vmem_shared>>) offsets(%dma_start3A_608 : memref<128xi32, #tpu.memory_space<vmem>>) semaphore(%arg11 : memref<!tpu.dma_semaphore, #tpu.memory_space<semaphore_mem>>)
      %dma_start3A_611 = arith.constant 14 : i32
      %dma_start3A_612 = arith.constant 0 : i32
      %dma_start3A_613 = tpu.memref_slice %arg7[%dma_start3A_611, %dma_start3A_612] : memref<25x128xi32, #tpu.memory_space<vmem>> -> memref<1x128xi32, #tpu.memory_space<vmem>>
      %dma_start3A_614 = tpu.memref_squeeze %dma_start3A_613 : memref<1x128xi32, #tpu.memory_space<vmem>> -> memref<128xi32, #tpu.memory_space<vmem>>
      %dma_start3A_615 = arith.constant 0 : i32
      %dma_start3A_616 = tpu.memref_slice %arg9[%dma_start3A_615] : memref<100000xf32, #tpu.memory_space<vmem_shared>> -> memref<100000xf32, #tpu.memory_space<vmem_shared>>
      tpu.enqueue_indirect_dma source(%arg8 : memref<128xf32, #tpu.memory_space<vmem>>) target(%dma_start3A_616 : memref<100000xf32, #tpu.memory_space<vmem_shared>>) offsets(%dma_start3A_614 : memref<128xi32, #tpu.memory_space<vmem>>) semaphore(%arg11 : memref<!tpu.dma_semaphore, #tpu.memory_space<semaphore_mem>>)
      %dma_start3A_617 = arith.constant 15 : i32
      %dma_start3A_618 = arith.constant 0 : i32
      %dma_start3A_619 = tpu.memref_slice %arg7[%dma_start3A_617, %dma_start3A_618] : memref<25x128xi32, #tpu.memory_space<vmem>> -> memref<1x128xi32, #tpu.memory_space<vmem>>
      %dma_start3A_620 = tpu.memref_squeeze %dma_start3A_619 : memref<1x128xi32, #tpu.memory_space<vmem>> -> memref<128xi32, #tpu.memory_space<vmem>>
      %dma_start3A_621 = arith.constant 0 : i32
      %dma_start3A_622 = tpu.memref_slice %arg9[%dma_start3A_621] : memref<100000xf32, #tpu.memory_space<vmem_shared>> -> memref<100000xf32, #tpu.memory_space<vmem_shared>>
      tpu.enqueue_indirect_dma source(%arg8 : memref<128xf32, #tpu.memory_space<vmem>>) target(%dma_start3A_622 : memref<100000xf32, #tpu.memory_space<vmem_shared>>) offsets(%dma_start3A_620 : memref<128xi32, #tpu.memory_space<vmem>>) semaphore(%arg11 : memref<!tpu.dma_semaphore, #tpu.memory_space<semaphore_mem>>)
      %dma_start3A_623 = arith.constant 16 : i32
      %dma_start3A_624 = arith.constant 0 : i32
      %dma_start3A_625 = tpu.memref_slice %arg7[%dma_start3A_623, %dma_start3A_624] : memref<25x128xi32, #tpu.memory_space<vmem>> -> memref<1x128xi32, #tpu.memory_space<vmem>>
      %dma_start3A_626 = tpu.memref_squeeze %dma_start3A_625 : memref<1x128xi32, #tpu.memory_space<vmem>> -> memref<128xi32, #tpu.memory_space<vmem>>
      %dma_start3A_627 = arith.constant 0 : i32
      %dma_start3A_628 = tpu.memref_slice %arg9[%dma_start3A_627] : memref<100000xf32, #tpu.memory_space<vmem_shared>> -> memref<100000xf32, #tpu.memory_space<vmem_shared>>
      tpu.enqueue_indirect_dma source(%arg8 : memref<128xf32, #tpu.memory_space<vmem>>) target(%dma_start3A_628 : memref<100000xf32, #tpu.memory_space<vmem_shared>>) offsets(%dma_start3A_626 : memref<128xi32, #tpu.memory_space<vmem>>) semaphore(%arg11 : memref<!tpu.dma_semaphore, #tpu.memory_space<semaphore_mem>>)
      %dma_start3A_629 = arith.constant 17 : i32
      %dma_start3A_630 = arith.constant 0 : i32
      %dma_start3A_631 = tpu.memref_slice %arg7[%dma_start3A_629, %dma_start3A_630] : memref<25x128xi32, #tpu.memory_space<vmem>> -> memref<1x128xi32, #tpu.memory_space<vmem>>
      %dma_start3A_632 = tpu.memref_squeeze %dma_start3A_631 : memref<1x128xi32, #tpu.memory_space<vmem>> -> memref<128xi32, #tpu.memory_space<vmem>>
      %dma_start3A_633 = arith.constant 0 : i32
      %dma_start3A_634 = tpu.memref_slice %arg9[%dma_start3A_633] : memref<100000xf32, #tpu.memory_space<vmem_shared>> -> memref<100000xf32, #tpu.memory_space<vmem_shared>>
      tpu.enqueue_indirect_dma source(%arg8 : memref<128xf32, #tpu.memory_space<vmem>>) target(%dma_start3A_634 : memref<100000xf32, #tpu.memory_space<vmem_shared>>) offsets(%dma_start3A_632 : memref<128xi32, #tpu.memory_space<vmem>>) semaphore(%arg11 : memref<!tpu.dma_semaphore, #tpu.memory_space<semaphore_mem>>)
      %dma_start3A_635 = arith.constant 18 : i32
      %dma_start3A_636 = arith.constant 0 : i32
      %dma_start3A_637 = tpu.memref_slice %arg7[%dma_start3A_635, %dma_start3A_636] : memref<25x128xi32, #tpu.memory_space<vmem>> -> memref<1x128xi32, #tpu.memory_space<vmem>>
      %dma_start3A_638 = tpu.memref_squeeze %dma_start3A_637 : memref<1x128xi32, #tpu.memory_space<vmem>> -> memref<128xi32, #tpu.memory_space<vmem>>
      %dma_start3A_639 = arith.constant 0 : i32
      %dma_start3A_640 = tpu.memref_slice %arg9[%dma_start3A_639] : memref<100000xf32, #tpu.memory_space<vmem_shared>> -> memref<100000xf32, #tpu.memory_space<vmem_shared>>
      tpu.enqueue_indirect_dma source(%arg8 : memref<128xf32, #tpu.memory_space<vmem>>) target(%dma_start3A_640 : memref<100000xf32, #tpu.memory_space<vmem_shared>>) offsets(%dma_start3A_638 : memref<128xi32, #tpu.memory_space<vmem>>) semaphore(%arg11 : memref<!tpu.dma_semaphore, #tpu.memory_space<semaphore_mem>>)
      %dma_start3A_641 = arith.constant 19 : i32
      %dma_start3A_642 = arith.constant 0 : i32
      %dma_start3A_643 = tpu.memref_slice %arg7[%dma_start3A_641, %dma_start3A_642] : memref<25x128xi32, #tpu.memory_space<vmem>> -> memref<1x128xi32, #tpu.memory_space<vmem>>
      %dma_start3A_644 = tpu.memref_squeeze %dma_start3A_643 : memref<1x128xi32, #tpu.memory_space<vmem>> -> memref<128xi32, #tpu.memory_space<vmem>>
      %dma_start3A_645 = arith.constant 0 : i32
      %dma_start3A_646 = tpu.memref_slice %arg9[%dma_start3A_645] : memref<100000xf32, #tpu.memory_space<vmem_shared>> -> memref<100000xf32, #tpu.memory_space<vmem_shared>>
      tpu.enqueue_indirect_dma source(%arg8 : memref<128xf32, #tpu.memory_space<vmem>>) target(%dma_start3A_646 : memref<100000xf32, #tpu.memory_space<vmem_shared>>) offsets(%dma_start3A_644 : memref<128xi32, #tpu.memory_space<vmem>>) semaphore(%arg11 : memref<!tpu.dma_semaphore, #tpu.memory_space<semaphore_mem>>)
      %dma_start3A_647 = arith.constant 20 : i32
      %dma_start3A_648 = arith.constant 0 : i32
      %dma_start3A_649 = tpu.memref_slice %arg7[%dma_start3A_647, %dma_start3A_648] : memref<25x128xi32, #tpu.memory_space<vmem>> -> memref<1x128xi32, #tpu.memory_space<vmem>>
      %dma_start3A_650 = tpu.memref_squeeze %dma_start3A_649 : memref<1x128xi32, #tpu.memory_space<vmem>> -> memref<128xi32, #tpu.memory_space<vmem>>
      %dma_start3A_651 = arith.constant 0 : i32
      %dma_start3A_652 = tpu.memref_slice %arg9[%dma_start3A_651] : memref<100000xf32, #tpu.memory_space<vmem_shared>> -> memref<100000xf32, #tpu.memory_space<vmem_shared>>
      tpu.enqueue_indirect_dma source(%arg8 : memref<128xf32, #tpu.memory_space<vmem>>) target(%dma_start3A_652 : memref<100000xf32, #tpu.memory_space<vmem_shared>>) offsets(%dma_start3A_650 : memref<128xi32, #tpu.memory_space<vmem>>) semaphore(%arg11 : memref<!tpu.dma_semaphore, #tpu.memory_space<semaphore_mem>>)
      %dma_start3A_653 = arith.constant 21 : i32
      %dma_start3A_654 = arith.constant 0 : i32
      %dma_start3A_655 = tpu.memref_slice %arg7[%dma_start3A_653, %dma_start3A_654] : memref<25x128xi32, #tpu.memory_space<vmem>> -> memref<1x128xi32, #tpu.memory_space<vmem>>
      %dma_start3A_656 = tpu.memref_squeeze %dma_start3A_655 : memref<1x128xi32, #tpu.memory_space<vmem>> -> memref<128xi32, #tpu.memory_space<vmem>>
      %dma_start3A_657 = arith.constant 0 : i32
      %dma_start3A_658 = tpu.memref_slice %arg9[%dma_start3A_657] : memref<100000xf32, #tpu.memory_space<vmem_shared>> -> memref<100000xf32, #tpu.memory_space<vmem_shared>>
      tpu.enqueue_indirect_dma source(%arg8 : memref<128xf32, #tpu.memory_space<vmem>>) target(%dma_start3A_658 : memref<100000xf32, #tpu.memory_space<vmem_shared>>) offsets(%dma_start3A_656 : memref<128xi32, #tpu.memory_space<vmem>>) semaphore(%arg11 : memref<!tpu.dma_semaphore, #tpu.memory_space<semaphore_mem>>)
      %dma_start3A_659 = arith.constant 22 : i32
      %dma_start3A_660 = arith.constant 0 : i32
      %dma_start3A_661 = tpu.memref_slice %arg7[%dma_start3A_659, %dma_start3A_660] : memref<25x128xi32, #tpu.memory_space<vmem>> -> memref<1x128xi32, #tpu.memory_space<vmem>>
      %dma_start3A_662 = tpu.memref_squeeze %dma_start3A_661 : memref<1x128xi32, #tpu.memory_space<vmem>> -> memref<128xi32, #tpu.memory_space<vmem>>
      %dma_start3A_663 = arith.constant 0 : i32
      %dma_start3A_664 = tpu.memref_slice %arg9[%dma_start3A_663] : memref<100000xf32, #tpu.memory_space<vmem_shared>> -> memref<100000xf32, #tpu.memory_space<vmem_shared>>
      tpu.enqueue_indirect_dma source(%arg8 : memref<128xf32, #tpu.memory_space<vmem>>) target(%dma_start3A_664 : memref<100000xf32, #tpu.memory_space<vmem_shared>>) offsets(%dma_start3A_662 : memref<128xi32, #tpu.memory_space<vmem>>) semaphore(%arg11 : memref<!tpu.dma_semaphore, #tpu.memory_space<semaphore_mem>>)
      %dma_start3A_665 = arith.constant 23 : i32
      %dma_start3A_666 = arith.constant 0 : i32
      %dma_start3A_667 = tpu.memref_slice %arg7[%dma_start3A_665, %dma_start3A_666] : memref<25x128xi32, #tpu.memory_space<vmem>> -> memref<1x128xi32, #tpu.memory_space<vmem>>
      %dma_start3A_668 = tpu.memref_squeeze %dma_start3A_667 : memref<1x128xi32, #tpu.memory_space<vmem>> -> memref<128xi32, #tpu.memory_space<vmem>>
      %dma_start3A_669 = arith.constant 0 : i32
      %dma_start3A_670 = tpu.memref_slice %arg9[%dma_start3A_669] : memref<100000xf32, #tpu.memory_space<vmem_shared>> -> memref<100000xf32, #tpu.memory_space<vmem_shared>>
      tpu.enqueue_indirect_dma source(%arg8 : memref<128xf32, #tpu.memory_space<vmem>>) target(%dma_start3A_670 : memref<100000xf32, #tpu.memory_space<vmem_shared>>) offsets(%dma_start3A_668 : memref<128xi32, #tpu.memory_space<vmem>>) semaphore(%arg11 : memref<!tpu.dma_semaphore, #tpu.memory_space<semaphore_mem>>)
      %dma_start3A_671 = arith.constant 24 : i32
      %dma_start3A_672 = arith.constant 0 : i32
      %dma_start3A_673 = tpu.memref_slice %arg7[%dma_start3A_671, %dma_start3A_672] : memref<25x128xi32, #tpu.memory_space<vmem>> -> memref<1x128xi32, #tpu.memory_space<vmem>>
      %dma_start3A_674 = tpu.memref_squeeze %dma_start3A_673 : memref<1x128xi32, #tpu.memory_space<vmem>> -> memref<128xi32, #tpu.memory_space<vmem>>
      %dma_start3A_675 = arith.constant 0 : i32
      %dma_start3A_676 = tpu.memref_slice %arg9[%dma_start3A_675] : memref<100000xf32, #tpu.memory_space<vmem_shared>> -> memref<100000xf32, #tpu.memory_space<vmem_shared>>
      tpu.enqueue_indirect_dma source(%arg8 : memref<128xf32, #tpu.memory_space<vmem>>) target(%dma_start3A_676 : memref<100000xf32, #tpu.memory_space<vmem_shared>>) offsets(%dma_start3A_674 : memref<128xi32, #tpu.memory_space<vmem>>) semaphore(%arg11 : memref<!tpu.dma_semaphore, #tpu.memory_space<semaphore_mem>>)
      %dma_wait3A_677 = arith.constant 0 : i32
      %dma_wait3A_678 = arith.constant 0 : i32
      %dma_wait3A_679 = tpu.memref_slice %arg7[%dma_wait3A_677, %dma_wait3A_678] : memref<25x128xi32, #tpu.memory_space<vmem>> -> memref<1x128xi32, #tpu.memory_space<vmem>>
      %dma_wait3A_680 = tpu.memref_squeeze %dma_wait3A_679 : memref<1x128xi32, #tpu.memory_space<vmem>> -> memref<128xi32, #tpu.memory_space<vmem>>
      %dma_wait3A_681 = arith.constant 0 : i32
      %dma_wait3A_682 = tpu.memref_slice %arg9[%dma_wait3A_681] : memref<100000xf32, #tpu.memory_space<vmem_shared>> -> memref<100000xf32, #tpu.memory_space<vmem_shared>>
      tpu.wait_indirect_dma semaphore(%arg11 : memref<!tpu.dma_semaphore, #tpu.memory_space<semaphore_mem>>) src(%arg8 : memref<128xf32, #tpu.memory_space<vmem>>) dst(%dma_wait3A_682 : memref<100000xf32, #tpu.memory_space<vmem_shared>>)
      %dma_wait3A_683 = arith.constant 1 : i32
      %dma_wait3A_684 = arith.constant 0 : i32
      %dma_wait3A_685 = tpu.memref_slice %arg7[%dma_wait3A_683, %dma_wait3A_684] : memref<25x128xi32, #tpu.memory_space<vmem>> -> memref<1x128xi32, #tpu.memory_space<vmem>>
      %dma_wait3A_686 = tpu.memref_squeeze %dma_wait3A_685 : memref<1x128xi32, #tpu.memory_space<vmem>> -> memref<128xi32, #tpu.memory_space<vmem>>
      %dma_wait3A_687 = arith.constant 0 : i32
      %dma_wait3A_688 = tpu.memref_slice %arg9[%dma_wait3A_687] : memref<100000xf32, #tpu.memory_space<vmem_shared>> -> memref<100000xf32, #tpu.memory_space<vmem_shared>>
      tpu.wait_indirect_dma semaphore(%arg11 : memref<!tpu.dma_semaphore, #tpu.memory_space<semaphore_mem>>) src(%arg8 : memref<128xf32, #tpu.memory_space<vmem>>) dst(%dma_wait3A_688 : memref<100000xf32, #tpu.memory_space<vmem_shared>>)
      %dma_wait3A_689 = arith.constant 2 : i32
      %dma_wait3A_690 = arith.constant 0 : i32
      %dma_wait3A_691 = tpu.memref_slice %arg7[%dma_wait3A_689, %dma_wait3A_690] : memref<25x128xi32, #tpu.memory_space<vmem>> -> memref<1x128xi32, #tpu.memory_space<vmem>>
      %dma_wait3A_692 = tpu.memref_squeeze %dma_wait3A_691 : memref<1x128xi32, #tpu.memory_space<vmem>> -> memref<128xi32, #tpu.memory_space<vmem>>
      %dma_wait3A_693 = arith.constant 0 : i32
      %dma_wait3A_694 = tpu.memref_slice %arg9[%dma_wait3A_693] : memref<100000xf32, #tpu.memory_space<vmem_shared>> -> memref<100000xf32, #tpu.memory_space<vmem_shared>>
      tpu.wait_indirect_dma semaphore(%arg11 : memref<!tpu.dma_semaphore, #tpu.memory_space<semaphore_mem>>) src(%arg8 : memref<128xf32, #tpu.memory_space<vmem>>) dst(%dma_wait3A_694 : memref<100000xf32, #tpu.memory_space<vmem_shared>>)
      %dma_wait3A_695 = arith.constant 3 : i32
      %dma_wait3A_696 = arith.constant 0 : i32
      %dma_wait3A_697 = tpu.memref_slice %arg7[%dma_wait3A_695, %dma_wait3A_696] : memref<25x128xi32, #tpu.memory_space<vmem>> -> memref<1x128xi32, #tpu.memory_space<vmem>>
      %dma_wait3A_698 = tpu.memref_squeeze %dma_wait3A_697 : memref<1x128xi32, #tpu.memory_space<vmem>> -> memref<128xi32, #tpu.memory_space<vmem>>
      %dma_wait3A_699 = arith.constant 0 : i32
      %dma_wait3A_700 = tpu.memref_slice %arg9[%dma_wait3A_699] : memref<100000xf32, #tpu.memory_space<vmem_shared>> -> memref<100000xf32, #tpu.memory_space<vmem_shared>>
      tpu.wait_indirect_dma semaphore(%arg11 : memref<!tpu.dma_semaphore, #tpu.memory_space<semaphore_mem>>) src(%arg8 : memref<128xf32, #tpu.memory_space<vmem>>) dst(%dma_wait3A_700 : memref<100000xf32, #tpu.memory_space<vmem_shared>>)
      %dma_wait3A_701 = arith.constant 4 : i32
      %dma_wait3A_702 = arith.constant 0 : i32
      %dma_wait3A_703 = tpu.memref_slice %arg7[%dma_wait3A_701, %dma_wait3A_702] : memref<25x128xi32, #tpu.memory_space<vmem>> -> memref<1x128xi32, #tpu.memory_space<vmem>>
      %dma_wait3A_704 = tpu.memref_squeeze %dma_wait3A_703 : memref<1x128xi32, #tpu.memory_space<vmem>> -> memref<128xi32, #tpu.memory_space<vmem>>
      %dma_wait3A_705 = arith.constant 0 : i32
      %dma_wait3A_706 = tpu.memref_slice %arg9[%dma_wait3A_705] : memref<100000xf32, #tpu.memory_space<vmem_shared>> -> memref<100000xf32, #tpu.memory_space<vmem_shared>>
      tpu.wait_indirect_dma semaphore(%arg11 : memref<!tpu.dma_semaphore, #tpu.memory_space<semaphore_mem>>) src(%arg8 : memref<128xf32, #tpu.memory_space<vmem>>) dst(%dma_wait3A_706 : memref<100000xf32, #tpu.memory_space<vmem_shared>>)
      %dma_wait3A_707 = arith.constant 5 : i32
      %dma_wait3A_708 = arith.constant 0 : i32
      %dma_wait3A_709 = tpu.memref_slice %arg7[%dma_wait3A_707, %dma_wait3A_708] : memref<25x128xi32, #tpu.memory_space<vmem>> -> memref<1x128xi32, #tpu.memory_space<vmem>>
      %dma_wait3A_710 = tpu.memref_squeeze %dma_wait3A_709 : memref<1x128xi32, #tpu.memory_space<vmem>> -> memref<128xi32, #tpu.memory_space<vmem>>
      %dma_wait3A_711 = arith.constant 0 : i32
      %dma_wait3A_712 = tpu.memref_slice %arg9[%dma_wait3A_711] : memref<100000xf32, #tpu.memory_space<vmem_shared>> -> memref<100000xf32, #tpu.memory_space<vmem_shared>>
      tpu.wait_indirect_dma semaphore(%arg11 : memref<!tpu.dma_semaphore, #tpu.memory_space<semaphore_mem>>) src(%arg8 : memref<128xf32, #tpu.memory_space<vmem>>) dst(%dma_wait3A_712 : memref<100000xf32, #tpu.memory_space<vmem_shared>>)
      %dma_wait3A_713 = arith.constant 6 : i32
      %dma_wait3A_714 = arith.constant 0 : i32
      %dma_wait3A_715 = tpu.memref_slice %arg7[%dma_wait3A_713, %dma_wait3A_714] : memref<25x128xi32, #tpu.memory_space<vmem>> -> memref<1x128xi32, #tpu.memory_space<vmem>>
      %dma_wait3A_716 = tpu.memref_squeeze %dma_wait3A_715 : memref<1x128xi32, #tpu.memory_space<vmem>> -> memref<128xi32, #tpu.memory_space<vmem>>
      %dma_wait3A_717 = arith.constant 0 : i32
      %dma_wait3A_718 = tpu.memref_slice %arg9[%dma_wait3A_717] : memref<100000xf32, #tpu.memory_space<vmem_shared>> -> memref<100000xf32, #tpu.memory_space<vmem_shared>>
      tpu.wait_indirect_dma semaphore(%arg11 : memref<!tpu.dma_semaphore, #tpu.memory_space<semaphore_mem>>) src(%arg8 : memref<128xf32, #tpu.memory_space<vmem>>) dst(%dma_wait3A_718 : memref<100000xf32, #tpu.memory_space<vmem_shared>>)
      %dma_wait3A_719 = arith.constant 7 : i32
      %dma_wait3A_720 = arith.constant 0 : i32
      %dma_wait3A_721 = tpu.memref_slice %arg7[%dma_wait3A_719, %dma_wait3A_720] : memref<25x128xi32, #tpu.memory_space<vmem>> -> memref<1x128xi32, #tpu.memory_space<vmem>>
      %dma_wait3A_722 = tpu.memref_squeeze %dma_wait3A_721 : memref<1x128xi32, #tpu.memory_space<vmem>> -> memref<128xi32, #tpu.memory_space<vmem>>
      %dma_wait3A_723 = arith.constant 0 : i32
      %dma_wait3A_724 = tpu.memref_slice %arg9[%dma_wait3A_723] : memref<100000xf32, #tpu.memory_space<vmem_shared>> -> memref<100000xf32, #tpu.memory_space<vmem_shared>>
      tpu.wait_indirect_dma semaphore(%arg11 : memref<!tpu.dma_semaphore, #tpu.memory_space<semaphore_mem>>) src(%arg8 : memref<128xf32, #tpu.memory_space<vmem>>) dst(%dma_wait3A_724 : memref<100000xf32, #tpu.memory_space<vmem_shared>>)
      %dma_wait3A_725 = arith.constant 8 : i32
      %dma_wait3A_726 = arith.constant 0 : i32
      %dma_wait3A_727 = tpu.memref_slice %arg7[%dma_wait3A_725, %dma_wait3A_726] : memref<25x128xi32, #tpu.memory_space<vmem>> -> memref<1x128xi32, #tpu.memory_space<vmem>>
      %dma_wait3A_728 = tpu.memref_squeeze %dma_wait3A_727 : memref<1x128xi32, #tpu.memory_space<vmem>> -> memref<128xi32, #tpu.memory_space<vmem>>
      %dma_wait3A_729 = arith.constant 0 : i32
      %dma_wait3A_730 = tpu.memref_slice %arg9[%dma_wait3A_729] : memref<100000xf32, #tpu.memory_space<vmem_shared>> -> memref<100000xf32, #tpu.memory_space<vmem_shared>>
      tpu.wait_indirect_dma semaphore(%arg11 : memref<!tpu.dma_semaphore, #tpu.memory_space<semaphore_mem>>) src(%arg8 : memref<128xf32, #tpu.memory_space<vmem>>) dst(%dma_wait3A_730 : memref<100000xf32, #tpu.memory_space<vmem_shared>>)
      %dma_wait3A_731 = arith.constant 9 : i32
      %dma_wait3A_732 = arith.constant 0 : i32
      %dma_wait3A_733 = tpu.memref_slice %arg7[%dma_wait3A_731, %dma_wait3A_732] : memref<25x128xi32, #tpu.memory_space<vmem>> -> memref<1x128xi32, #tpu.memory_space<vmem>>
      %dma_wait3A_734 = tpu.memref_squeeze %dma_wait3A_733 : memref<1x128xi32, #tpu.memory_space<vmem>> -> memref<128xi32, #tpu.memory_space<vmem>>
      %dma_wait3A_735 = arith.constant 0 : i32
      %dma_wait3A_736 = tpu.memref_slice %arg9[%dma_wait3A_735] : memref<100000xf32, #tpu.memory_space<vmem_shared>> -> memref<100000xf32, #tpu.memory_space<vmem_shared>>
      tpu.wait_indirect_dma semaphore(%arg11 : memref<!tpu.dma_semaphore, #tpu.memory_space<semaphore_mem>>) src(%arg8 : memref<128xf32, #tpu.memory_space<vmem>>) dst(%dma_wait3A_736 : memref<100000xf32, #tpu.memory_space<vmem_shared>>)
      %dma_wait3A_737 = arith.constant 10 : i32
      %dma_wait3A_738 = arith.constant 0 : i32
      %dma_wait3A_739 = tpu.memref_slice %arg7[%dma_wait3A_737, %dma_wait3A_738] : memref<25x128xi32, #tpu.memory_space<vmem>> -> memref<1x128xi32, #tpu.memory_space<vmem>>
      %dma_wait3A_740 = tpu.memref_squeeze %dma_wait3A_739 : memref<1x128xi32, #tpu.memory_space<vmem>> -> memref<128xi32, #tpu.memory_space<vmem>>
      %dma_wait3A_741 = arith.constant 0 : i32
      %dma_wait3A_742 = tpu.memref_slice %arg9[%dma_wait3A_741] : memref<100000xf32, #tpu.memory_space<vmem_shared>> -> memref<100000xf32, #tpu.memory_space<vmem_shared>>
      tpu.wait_indirect_dma semaphore(%arg11 : memref<!tpu.dma_semaphore, #tpu.memory_space<semaphore_mem>>) src(%arg8 : memref<128xf32, #tpu.memory_space<vmem>>) dst(%dma_wait3A_742 : memref<100000xf32, #tpu.memory_space<vmem_shared>>)
      %dma_wait3A_743 = arith.constant 11 : i32
      %dma_wait3A_744 = arith.constant 0 : i32
      %dma_wait3A_745 = tpu.memref_slice %arg7[%dma_wait3A_743, %dma_wait3A_744] : memref<25x128xi32, #tpu.memory_space<vmem>> -> memref<1x128xi32, #tpu.memory_space<vmem>>
      %dma_wait3A_746 = tpu.memref_squeeze %dma_wait3A_745 : memref<1x128xi32, #tpu.memory_space<vmem>> -> memref<128xi32, #tpu.memory_space<vmem>>
      %dma_wait3A_747 = arith.constant 0 : i32
      %dma_wait3A_748 = tpu.memref_slice %arg9[%dma_wait3A_747] : memref<100000xf32, #tpu.memory_space<vmem_shared>> -> memref<100000xf32, #tpu.memory_space<vmem_shared>>
      tpu.wait_indirect_dma semaphore(%arg11 : memref<!tpu.dma_semaphore, #tpu.memory_space<semaphore_mem>>) src(%arg8 : memref<128xf32, #tpu.memory_space<vmem>>) dst(%dma_wait3A_748 : memref<100000xf32, #tpu.memory_space<vmem_shared>>)
      %dma_wait3A_749 = arith.constant 12 : i32
      %dma_wait3A_750 = arith.constant 0 : i32
      %dma_wait3A_751 = tpu.memref_slice %arg7[%dma_wait3A_749, %dma_wait3A_750] : memref<25x128xi32, #tpu.memory_space<vmem>> -> memref<1x128xi32, #tpu.memory_space<vmem>>
      %dma_wait3A_752 = tpu.memref_squeeze %dma_wait3A_751 : memref<1x128xi32, #tpu.memory_space<vmem>> -> memref<128xi32, #tpu.memory_space<vmem>>
      %dma_wait3A_753 = arith.constant 0 : i32
      %dma_wait3A_754 = tpu.memref_slice %arg9[%dma_wait3A_753] : memref<100000xf32, #tpu.memory_space<vmem_shared>> -> memref<100000xf32, #tpu.memory_space<vmem_shared>>
      tpu.wait_indirect_dma semaphore(%arg11 : memref<!tpu.dma_semaphore, #tpu.memory_space<semaphore_mem>>) src(%arg8 : memref<128xf32, #tpu.memory_space<vmem>>) dst(%dma_wait3A_754 : memref<100000xf32, #tpu.memory_space<vmem_shared>>)
      %dma_wait3A_755 = arith.constant 13 : i32
      %dma_wait3A_756 = arith.constant 0 : i32
      %dma_wait3A_757 = tpu.memref_slice %arg7[%dma_wait3A_755, %dma_wait3A_756] : memref<25x128xi32, #tpu.memory_space<vmem>> -> memref<1x128xi32, #tpu.memory_space<vmem>>
      %dma_wait3A_758 = tpu.memref_squeeze %dma_wait3A_757 : memref<1x128xi32, #tpu.memory_space<vmem>> -> memref<128xi32, #tpu.memory_space<vmem>>
      %dma_wait3A_759 = arith.constant 0 : i32
      %dma_wait3A_760 = tpu.memref_slice %arg9[%dma_wait3A_759] : memref<100000xf32, #tpu.memory_space<vmem_shared>> -> memref<100000xf32, #tpu.memory_space<vmem_shared>>
      tpu.wait_indirect_dma semaphore(%arg11 : memref<!tpu.dma_semaphore, #tpu.memory_space<semaphore_mem>>) src(%arg8 : memref<128xf32, #tpu.memory_space<vmem>>) dst(%dma_wait3A_760 : memref<100000xf32, #tpu.memory_space<vmem_shared>>)
      %dma_wait3A_761 = arith.constant 14 : i32
      %dma_wait3A_762 = arith.constant 0 : i32
      %dma_wait3A_763 = tpu.memref_slice %arg7[%dma_wait3A_761, %dma_wait3A_762] : memref<25x128xi32, #tpu.memory_space<vmem>> -> memref<1x128xi32, #tpu.memory_space<vmem>>
      %dma_wait3A_764 = tpu.memref_squeeze %dma_wait3A_763 : memref<1x128xi32, #tpu.memory_space<vmem>> -> memref<128xi32, #tpu.memory_space<vmem>>
      %dma_wait3A_765 = arith.constant 0 : i32
      %dma_wait3A_766 = tpu.memref_slice %arg9[%dma_wait3A_765] : memref<100000xf32, #tpu.memory_space<vmem_shared>> -> memref<100000xf32, #tpu.memory_space<vmem_shared>>
      tpu.wait_indirect_dma semaphore(%arg11 : memref<!tpu.dma_semaphore, #tpu.memory_space<semaphore_mem>>) src(%arg8 : memref<128xf32, #tpu.memory_space<vmem>>) dst(%dma_wait3A_766 : memref<100000xf32, #tpu.memory_space<vmem_shared>>)
      %dma_wait3A_767 = arith.constant 15 : i32
      %dma_wait3A_768 = arith.constant 0 : i32
      %dma_wait3A_769 = tpu.memref_slice %arg7[%dma_wait3A_767, %dma_wait3A_768] : memref<25x128xi32, #tpu.memory_space<vmem>> -> memref<1x128xi32, #tpu.memory_space<vmem>>
      %dma_wait3A_770 = tpu.memref_squeeze %dma_wait3A_769 : memref<1x128xi32, #tpu.memory_space<vmem>> -> memref<128xi32, #tpu.memory_space<vmem>>
      %dma_wait3A_771 = arith.constant 0 : i32
      %dma_wait3A_772 = tpu.memref_slice %arg9[%dma_wait3A_771] : memref<100000xf32, #tpu.memory_space<vmem_shared>> -> memref<100000xf32, #tpu.memory_space<vmem_shared>>
      tpu.wait_indirect_dma semaphore(%arg11 : memref<!tpu.dma_semaphore, #tpu.memory_space<semaphore_mem>>) src(%arg8 : memref<128xf32, #tpu.memory_space<vmem>>) dst(%dma_wait3A_772 : memref<100000xf32, #tpu.memory_space<vmem_shared>>)
      %dma_wait3A_773 = arith.constant 16 : i32
      %dma_wait3A_774 = arith.constant 0 : i32
      %dma_wait3A_775 = tpu.memref_slice %arg7[%dma_wait3A_773, %dma_wait3A_774] : memref<25x128xi32, #tpu.memory_space<vmem>> -> memref<1x128xi32, #tpu.memory_space<vmem>>
      %dma_wait3A_776 = tpu.memref_squeeze %dma_wait3A_775 : memref<1x128xi32, #tpu.memory_space<vmem>> -> memref<128xi32, #tpu.memory_space<vmem>>
      %dma_wait3A_777 = arith.constant 0 : i32
      %dma_wait3A_778 = tpu.memref_slice %arg9[%dma_wait3A_777] : memref<100000xf32, #tpu.memory_space<vmem_shared>> -> memref<100000xf32, #tpu.memory_space<vmem_shared>>
      tpu.wait_indirect_dma semaphore(%arg11 : memref<!tpu.dma_semaphore, #tpu.memory_space<semaphore_mem>>) src(%arg8 : memref<128xf32, #tpu.memory_space<vmem>>) dst(%dma_wait3A_778 : memref<100000xf32, #tpu.memory_space<vmem_shared>>)
      %dma_wait3A_779 = arith.constant 17 : i32
      %dma_wait3A_780 = arith.constant 0 : i32
      %dma_wait3A_781 = tpu.memref_slice %arg7[%dma_wait3A_779, %dma_wait3A_780] : memref<25x128xi32, #tpu.memory_space<vmem>> -> memref<1x128xi32, #tpu.memory_space<vmem>>
      %dma_wait3A_782 = tpu.memref_squeeze %dma_wait3A_781 : memref<1x128xi32, #tpu.memory_space<vmem>> -> memref<128xi32, #tpu.memory_space<vmem>>
      %dma_wait3A_783 = arith.constant 0 : i32
      %dma_wait3A_784 = tpu.memref_slice %arg9[%dma_wait3A_783] : memref<100000xf32, #tpu.memory_space<vmem_shared>> -> memref<100000xf32, #tpu.memory_space<vmem_shared>>
      tpu.wait_indirect_dma semaphore(%arg11 : memref<!tpu.dma_semaphore, #tpu.memory_space<semaphore_mem>>) src(%arg8 : memref<128xf32, #tpu.memory_space<vmem>>) dst(%dma_wait3A_784 : memref<100000xf32, #tpu.memory_space<vmem_shared>>)
      %dma_wait3A_785 = arith.constant 18 : i32
      %dma_wait3A_786 = arith.constant 0 : i32
      %dma_wait3A_787 = tpu.memref_slice %arg7[%dma_wait3A_785, %dma_wait3A_786] : memref<25x128xi32, #tpu.memory_space<vmem>> -> memref<1x128xi32, #tpu.memory_space<vmem>>
      %dma_wait3A_788 = tpu.memref_squeeze %dma_wait3A_787 : memref<1x128xi32, #tpu.memory_space<vmem>> -> memref<128xi32, #tpu.memory_space<vmem>>
      %dma_wait3A_789 = arith.constant 0 : i32
      %dma_wait3A_790 = tpu.memref_slice %arg9[%dma_wait3A_789] : memref<100000xf32, #tpu.memory_space<vmem_shared>> -> memref<100000xf32, #tpu.memory_space<vmem_shared>>
      tpu.wait_indirect_dma semaphore(%arg11 : memref<!tpu.dma_semaphore, #tpu.memory_space<semaphore_mem>>) src(%arg8 : memref<128xf32, #tpu.memory_space<vmem>>) dst(%dma_wait3A_790 : memref<100000xf32, #tpu.memory_space<vmem_shared>>)
      %dma_wait3A_791 = arith.constant 19 : i32
      %dma_wait3A_792 = arith.constant 0 : i32
      %dma_wait3A_793 = tpu.memref_slice %arg7[%dma_wait3A_791, %dma_wait3A_792] : memref<25x128xi32, #tpu.memory_space<vmem>> -> memref<1x128xi32, #tpu.memory_space<vmem>>
      %dma_wait3A_794 = tpu.memref_squeeze %dma_wait3A_793 : memref<1x128xi32, #tpu.memory_space<vmem>> -> memref<128xi32, #tpu.memory_space<vmem>>
      %dma_wait3A_795 = arith.constant 0 : i32
      %dma_wait3A_796 = tpu.memref_slice %arg9[%dma_wait3A_795] : memref<100000xf32, #tpu.memory_space<vmem_shared>> -> memref<100000xf32, #tpu.memory_space<vmem_shared>>
      tpu.wait_indirect_dma semaphore(%arg11 : memref<!tpu.dma_semaphore, #tpu.memory_space<semaphore_mem>>) src(%arg8 : memref<128xf32, #tpu.memory_space<vmem>>) dst(%dma_wait3A_796 : memref<100000xf32, #tpu.memory_space<vmem_shared>>)
      %dma_wait3A_797 = arith.constant 20 : i32
      %dma_wait3A_798 = arith.constant 0 : i32
      %dma_wait3A_799 = tpu.memref_slice %arg7[%dma_wait3A_797, %dma_wait3A_798] : memref<25x128xi32, #tpu.memory_space<vmem>> -> memref<1x128xi32, #tpu.memory_space<vmem>>
      %dma_wait3A_800 = tpu.memref_squeeze %dma_wait3A_799 : memref<1x128xi32, #tpu.memory_space<vmem>> -> memref<128xi32, #tpu.memory_space<vmem>>
      %dma_wait3A_801 = arith.constant 0 : i32
      %dma_wait3A_802 = tpu.memref_slice %arg9[%dma_wait3A_801] : memref<100000xf32, #tpu.memory_space<vmem_shared>> -> memref<100000xf32, #tpu.memory_space<vmem_shared>>
      tpu.wait_indirect_dma semaphore(%arg11 : memref<!tpu.dma_semaphore, #tpu.memory_space<semaphore_mem>>) src(%arg8 : memref<128xf32, #tpu.memory_space<vmem>>) dst(%dma_wait3A_802 : memref<100000xf32, #tpu.memory_space<vmem_shared>>)
      %dma_wait3A_803 = arith.constant 21 : i32
      %dma_wait3A_804 = arith.constant 0 : i32
      %dma_wait3A_805 = tpu.memref_slice %arg7[%dma_wait3A_803, %dma_wait3A_804] : memref<25x128xi32, #tpu.memory_space<vmem>> -> memref<1x128xi32, #tpu.memory_space<vmem>>
      %dma_wait3A_806 = tpu.memref_squeeze %dma_wait3A_805 : memref<1x128xi32, #tpu.memory_space<vmem>> -> memref<128xi32, #tpu.memory_space<vmem>>
      %dma_wait3A_807 = arith.constant 0 : i32
      %dma_wait3A_808 = tpu.memref_slice %arg9[%dma_wait3A_807] : memref<100000xf32, #tpu.memory_space<vmem_shared>> -> memref<100000xf32, #tpu.memory_space<vmem_shared>>
      tpu.wait_indirect_dma semaphore(%arg11 : memref<!tpu.dma_semaphore, #tpu.memory_space<semaphore_mem>>) src(%arg8 : memref<128xf32, #tpu.memory_space<vmem>>) dst(%dma_wait3A_808 : memref<100000xf32, #tpu.memory_space<vmem_shared>>)
      %dma_wait3A_809 = arith.constant 22 : i32
      %dma_wait3A_810 = arith.constant 0 : i32
      %dma_wait3A_811 = tpu.memref_slice %arg7[%dma_wait3A_809, %dma_wait3A_810] : memref<25x128xi32, #tpu.memory_space<vmem>> -> memref<1x128xi32, #tpu.memory_space<vmem>>
      %dma_wait3A_812 = tpu.memref_squeeze %dma_wait3A_811 : memref<1x128xi32, #tpu.memory_space<vmem>> -> memref<128xi32, #tpu.memory_space<vmem>>
      %dma_wait3A_813 = arith.constant 0 : i32
      %dma_wait3A_814 = tpu.memref_slice %arg9[%dma_wait3A_813] : memref<100000xf32, #tpu.memory_space<vmem_shared>> -> memref<100000xf32, #tpu.memory_space<vmem_shared>>
      tpu.wait_indirect_dma semaphore(%arg11 : memref<!tpu.dma_semaphore, #tpu.memory_space<semaphore_mem>>) src(%arg8 : memref<128xf32, #tpu.memory_space<vmem>>) dst(%dma_wait3A_814 : memref<100000xf32, #tpu.memory_space<vmem_shared>>)
      %dma_wait3A_815 = arith.constant 23 : i32
      %dma_wait3A_816 = arith.constant 0 : i32
      %dma_wait3A_817 = tpu.memref_slice %arg7[%dma_wait3A_815, %dma_wait3A_816] : memref<25x128xi32, #tpu.memory_space<vmem>> -> memref<1x128xi32, #tpu.memory_space<vmem>>
      %dma_wait3A_818 = tpu.memref_squeeze %dma_wait3A_817 : memref<1x128xi32, #tpu.memory_space<vmem>> -> memref<128xi32, #tpu.memory_space<vmem>>
      %dma_wait3A_819 = arith.constant 0 : i32
      %dma_wait3A_820 = tpu.memref_slice %arg9[%dma_wait3A_819] : memref<100000xf32, #tpu.memory_space<vmem_shared>> -> memref<100000xf32, #tpu.memory_space<vmem_shared>>
      tpu.wait_indirect_dma semaphore(%arg11 : memref<!tpu.dma_semaphore, #tpu.memory_space<semaphore_mem>>) src(%arg8 : memref<128xf32, #tpu.memory_space<vmem>>) dst(%dma_wait3A_820 : memref<100000xf32, #tpu.memory_space<vmem_shared>>)
      %dma_wait3A_821 = arith.constant 24 : i32
      %dma_wait3A_822 = arith.constant 0 : i32
      %dma_wait3A_823 = tpu.memref_slice %arg7[%dma_wait3A_821, %dma_wait3A_822] : memref<25x128xi32, #tpu.memory_space<vmem>> -> memref<1x128xi32, #tpu.memory_space<vmem>>
      %dma_wait3A_824 = tpu.memref_squeeze %dma_wait3A_823 : memref<1x128xi32, #tpu.memory_space<vmem>> -> memref<128xi32, #tpu.memory_space<vmem>>
      %dma_wait3A_825 = arith.constant 0 : i32
      %dma_wait3A_826 = tpu.memref_slice %arg9[%dma_wait3A_825] : memref<100000xf32, #tpu.memory_space<vmem_shared>> -> memref<100000xf32, #tpu.memory_space<vmem_shared>>
      tpu.wait_indirect_dma semaphore(%arg11 : memref<!tpu.dma_semaphore, #tpu.memory_space<semaphore_mem>>) src(%arg8 : memref<128xf32, #tpu.memory_space<vmem>>) dst(%dma_wait3A_826 : memref<100000xf32, #tpu.memory_space<vmem_shared>>)
      "tpu.trace_stop"() : () -> ()
      %barrier3A_827 = arith.constant 0 : index
      tpu.barrier barrier_id(%barrier3A_827)
      %lt3A_828 = arith.constant 15 : i32
      "tpu.trace_start"() <{level = 10 : i32, message = "writeout"}> : () -> ()
      %lt3A_829 = arith.cmpi slt, %arg1, %lt3A_828 : i32
      %convert_element_type3A_830 = arith.extui %lt3A_829 : i1 to i32
      %cond3A_831 = arith.constant 0 : i32
      %cond3A_832 = arith.cmpi ne, %convert_element_type3A_830, %cond3A_831 : i32
      scf.if %cond3A_832 {
        %mul3A_838 = arith.constant 6256 : i32
        %mul3A_839 = arith.muli %arg1, %mul3A_838 : i32
        "tpu.region"() ({
          %run_scoped3A = tpu.sem_alloc : memref<!tpu.dma_semaphore, #tpu.memory_space<semaphore_mem>>
          %dma_start3A_840 = tpu.memref_slice %arg9[%mul3A_839] : memref<100000xf32, #tpu.memory_space<vmem_shared>> -> memref<6256xf32, #tpu.memory_space<vmem_shared>>
          %dma_start3A_841 = tpu.memref_slice %arg9[%mul3A_839] : memref<100000xf32, #tpu.memory_space<vmem_shared>> -> memref<6256xf32, #tpu.memory_space<vmem_shared>>
          tpu.enqueue_dma source(%dma_start3A_841 : memref<6256xf32, #tpu.memory_space<vmem_shared>>) target(%arg6 : memref<6256xf32, #tpu.memory_space<vmem>>) target_semaphore(%run_scoped3A : memref<!tpu.dma_semaphore, #tpu.memory_space<semaphore_mem>>)
          %dma_wait3A_842 = tpu.memref_slice %arg9[%mul3A_839] : memref<100000xf32, #tpu.memory_space<vmem_shared>> -> memref<6256xf32, #tpu.memory_space<vmem_shared>>
          %dma_wait3A_843 = tpu.memref_slice %arg9[%mul3A_839] : memref<100000xf32, #tpu.memory_space<vmem_shared>> -> memref<6256xf32, #tpu.memory_space<vmem_shared>>
          tpu.wait_dma2 semaphore(%run_scoped3A : memref<!tpu.dma_semaphore, #tpu.memory_space<semaphore_mem>>) src(%dma_wait3A_843 : memref<6256xf32, #tpu.memory_space<vmem_shared>>) dst(%arg6 : memref<6256xf32, #tpu.memory_space<vmem>>)
          tpu.yield
        }) : () -> ()
        "tpu.region"() ({
          %run_scoped3A = tpu.sem_alloc : memref<!tpu.dma_semaphore, #tpu.memory_space<semaphore_mem>>
          %dma_start3A_840 = tpu.memref_slice %arg5[%mul3A_839] : memref<100000xf32, #tpu.memory_space<hbm>> -> memref<6256xf32, #tpu.memory_space<hbm>>
          %dma_start3A_841 = tpu.memref_slice %arg5[%mul3A_839] : memref<100000xf32, #tpu.memory_space<hbm>> -> memref<6256xf32, #tpu.memory_space<hbm>>
          tpu.enqueue_dma source(%arg6 : memref<6256xf32, #tpu.memory_space<vmem>>) target(%dma_start3A_841 : memref<6256xf32, #tpu.memory_space<hbm>>) target_semaphore(%run_scoped3A : memref<!tpu.dma_semaphore, #tpu.memory_space<semaphore_mem>>)
          %dma_wait3A_842 = tpu.memref_slice %arg5[%mul3A_839] : memref<100000xf32, #tpu.memory_space<hbm>> -> memref<6256xf32, #tpu.memory_space<hbm>>
          %dma_wait3A_843 = tpu.memref_slice %arg5[%mul3A_839] : memref<100000xf32, #tpu.memory_space<hbm>> -> memref<6256xf32, #tpu.memory_space<hbm>>
          tpu.wait_dma2 semaphore(%run_scoped3A : memref<!tpu.dma_semaphore, #tpu.memory_space<semaphore_mem>>) src(%arg6 : memref<6256xf32, #tpu.memory_space<vmem>>) dst(%dma_wait3A_843 : memref<6256xf32, #tpu.memory_space<hbm>>)
          tpu.yield
        }) : () -> ()
      } else {
      }
      %eq3A_833 = arith.constant 15 : i32
      %eq3A_834 = arith.cmpi eq, %arg1, %eq3A_833 : i32
      %convert_element_type3A_835 = arith.extui %eq3A_834 : i1 to i32
      %cond3A_836 = arith.constant 0 : i32
      %cond3A_837 = arith.cmpi ne, %convert_element_type3A_835, %cond3A_836 : i32
      scf.if %cond3A_837 {
        "tpu.region"() ({
          %run_scoped3A = tpu.sem_alloc : memref<!tpu.dma_semaphore, #tpu.memory_space<semaphore_mem>>
          %dma_start3A_838 = arith.constant 0 : i32
          %dma_start3A_839 = tpu.memref_slice %arg6[%dma_start3A_838] : memref<6256xf32, #tpu.memory_space<vmem>> -> memref<6160xf32, #tpu.memory_space<vmem>>
          %dma_start3A_840 = arith.constant 93840 : i32
          %dma_start3A_841 = tpu.memref_slice %arg9[%dma_start3A_840] : memref<100000xf32, #tpu.memory_space<vmem_shared>> -> memref<6160xf32, #tpu.memory_space<vmem_shared>>
          %dma_start3A_842 = arith.constant 0 : i32
          %dma_start3A_843 = tpu.memref_slice %arg6[%dma_start3A_842] : memref<6256xf32, #tpu.memory_space<vmem>> -> memref<6160xf32, #tpu.memory_space<vmem>>
          %dma_start3A_844 = arith.constant 93840 : i32
          %dma_start3A_845 = tpu.memref_slice %arg9[%dma_start3A_844] : memref<100000xf32, #tpu.memory_space<vmem_shared>> -> memref<6160xf32, #tpu.memory_space<vmem_shared>>
          tpu.enqueue_dma source(%dma_start3A_845 : memref<6160xf32, #tpu.memory_space<vmem_shared>>) target(%dma_start3A_843 : memref<6160xf32, #tpu.memory_space<vmem>>) target_semaphore(%run_scoped3A : memref<!tpu.dma_semaphore, #tpu.memory_space<semaphore_mem>>)
          %dma_wait3A_846 = arith.constant 0 : i32
          %dma_wait3A_847 = tpu.memref_slice %arg6[%dma_wait3A_846] : memref<6256xf32, #tpu.memory_space<vmem>> -> memref<6160xf32, #tpu.memory_space<vmem>>
          %dma_wait3A_848 = arith.constant 93840 : i32
          %dma_wait3A_849 = tpu.memref_slice %arg9[%dma_wait3A_848] : memref<100000xf32, #tpu.memory_space<vmem_shared>> -> memref<6160xf32, #tpu.memory_space<vmem_shared>>
          %dma_wait3A_850 = arith.constant 0 : i32
          %dma_wait3A_851 = tpu.memref_slice %arg6[%dma_wait3A_850] : memref<6256xf32, #tpu.memory_space<vmem>> -> memref<6160xf32, #tpu.memory_space<vmem>>
          %dma_wait3A_852 = arith.constant 93840 : i32
          %dma_wait3A_853 = tpu.memref_slice %arg9[%dma_wait3A_852] : memref<100000xf32, #tpu.memory_space<vmem_shared>> -> memref<6160xf32, #tpu.memory_space<vmem_shared>>
          tpu.wait_dma2 semaphore(%run_scoped3A : memref<!tpu.dma_semaphore, #tpu.memory_space<semaphore_mem>>) src(%dma_wait3A_853 : memref<6160xf32, #tpu.memory_space<vmem_shared>>) dst(%dma_wait3A_851 : memref<6160xf32, #tpu.memory_space<vmem>>)
          tpu.yield
        }) : () -> ()
        "tpu.region"() ({
          %run_scoped3A = tpu.sem_alloc : memref<!tpu.dma_semaphore, #tpu.memory_space<semaphore_mem>>
          %dma_start3A_838 = arith.constant 0 : i32
          %dma_start3A_839 = tpu.memref_slice %arg6[%dma_start3A_838] : memref<6256xf32, #tpu.memory_space<vmem>> -> memref<6160xf32, #tpu.memory_space<vmem>>
          %dma_start3A_840 = arith.constant 93840 : i32
          %dma_start3A_841 = tpu.memref_slice %arg5[%dma_start3A_840] : memref<100000xf32, #tpu.memory_space<hbm>> -> memref<6160xf32, #tpu.memory_space<hbm>>
          %dma_start3A_842 = arith.constant 93840 : i32
          %dma_start3A_843 = tpu.memref_slice %arg5[%dma_start3A_842] : memref<100000xf32, #tpu.memory_space<hbm>> -> memref<6160xf32, #tpu.memory_space<hbm>>
          %dma_start3A_844 = arith.constant 0 : i32
          %dma_start3A_845 = tpu.memref_slice %arg6[%dma_start3A_844] : memref<6256xf32, #tpu.memory_space<vmem>> -> memref<6160xf32, #tpu.memory_space<vmem>>
          tpu.enqueue_dma source(%dma_start3A_845 : memref<6160xf32, #tpu.memory_space<vmem>>) target(%dma_start3A_843 : memref<6160xf32, #tpu.memory_space<hbm>>) target_semaphore(%run_scoped3A : memref<!tpu.dma_semaphore, #tpu.memory_space<semaphore_mem>>)
          %dma_wait3A_846 = arith.constant 0 : i32
          %dma_wait3A_847 = tpu.memref_slice %arg6[%dma_wait3A_846] : memref<6256xf32, #tpu.memory_space<vmem>> -> memref<6160xf32, #tpu.memory_space<vmem>>
          %dma_wait3A_848 = arith.constant 93840 : i32
          %dma_wait3A_849 = tpu.memref_slice %arg5[%dma_wait3A_848] : memref<100000xf32, #tpu.memory_space<hbm>> -> memref<6160xf32, #tpu.memory_space<hbm>>
          %dma_wait3A_850 = arith.constant 93840 : i32
          %dma_wait3A_851 = tpu.memref_slice %arg5[%dma_wait3A_850] : memref<100000xf32, #tpu.memory_space<hbm>> -> memref<6160xf32, #tpu.memory_space<hbm>>
          %dma_wait3A_852 = arith.constant 0 : i32
          %dma_wait3A_853 = tpu.memref_slice %arg6[%dma_wait3A_852] : memref<6256xf32, #tpu.memory_space<vmem>> -> memref<6160xf32, #tpu.memory_space<vmem>>
          tpu.wait_dma2 semaphore(%run_scoped3A : memref<!tpu.dma_semaphore, #tpu.memory_space<semaphore_mem>>) src(%dma_wait3A_853 : memref<6160xf32, #tpu.memory_space<vmem>>) dst(%dma_wait3A_851 : memref<6160xf32, #tpu.memory_space<hbm>>)
          tpu.yield
        }) : () -> ()
      } else {
      }
      "tpu.trace_stop"() : () -> ()
    } else {
    }
    return
  }
}

</mosaic_0001>

<sc_bundles>
// kernel: _build_masks.3.cloned.1.call-start
scs
__scs_entry_jumppad:
0x0: {  	(pc) =	sbr.rel $0x88, $3  }
0x1: {  	(tag) =	ssettag $0x0;
	lr =	simm.s32 $0x1  }
0x2: {  	[smem:$0x3F9F] =	sst lr;
	_ =	strace $0xD0000000  }
0x3: {  	_ = 	snop  }
0x4: {  	_ = 	snop  }
0x5: {  	_ = 	snop  }
0x6: {  	_ = 	snop  }
0x7: {  	_ = 	snop  }
__scs_overlays_trampoline_lowered:
0x8: {  	[smem:$0x3FAE] =	sst s0  }
0x9: {  	[smem:$0x3FAF] =	sst s1  }
0xa: {  	[smem:$0x3FB0] =	sst s2  }
0xb: {  	[smem:$0x3FB1] =	sst s3  }
0xc: {  	[smem:$0x3FB2] =	sst s4  }
0xd: {  	[smem:$0x3FB3] =	sst s5  }
0xe: {  	[smem:$0x3FB4] =	sst s6  }
0xf: {  	[smem:$0x3FB5] =	sst s7  }
0x10: {  	[smem:$0x3FB6] =	sst s8  }
0x11: {  	[smem:$0x3FB7] =	sst s9;
	s0 =	simm.s32 @!p0 $0x0  }
0x12: {  	s1 =	sld [smem:$0x3F9D];
	s0 =	simm.s32 @p0 $0x1  }
0x13: {  	[smem:$0x3FB8] =	sst s0;
	s0 =	simm.s32 @!p1 $0x0  }
0x14: {  	s2 =	sld [smem:$0x3F9C];
	s0 =	simm.s32 @p1 $0x1  }
0x15: {  	[smem:$0x3FB9] =	sst s0;
	s0 =	simm.s32 @!p2 $0x0  }
0x16: {  	s3 =	sld [smem:$0x3FDB];
	s0 =	simm.s32 @p2 $0x1  }
0x17: {  	s4 =	simm.s32 $0x1BF5;
	[smem:$0x3FBB] =	sst s0  }
0x18: {  	s0 =	sld [smem:$0x3F9E];
	_ =	swait.ge [sflag:s4], $0x0  }
0x19: {  	s7 =	sld [smem:$0x3F9F]  }
0x1a: {  	s8 =	sadd.s32 $0xFFFFE003, lr  }
0x1b: {  	s9 =	sadd.s32 $0xFFFFFEF7, lr;
	s5 =	simm.s32 $0xFFFFFFFF;
	p2 =	slt.u32 s8, $0xFFFFF086  }
0x1c: {  	p1 =	slt.u32 s9, $0xF7A;
	s5 =	simm.s32 @!p2 $0x0  }
0x1d: {  	s5 =	simm.s32 @p1 $0x1;
	p0 =	seq.s32 s7, s2  }
0x1e: {  	s7 =	smul.u32 @!p0 $0xF7A, s2;
	p2 =	seq.s32 @!p0 s5, $0x0  }
0x1f: {  	s9 =	smul.u32 $0xF7A, s1;
	s8 =	simm.s32 @!p0 $0x1BF5;
	p2 =	por !p2, p0  }
0x20: {  	[sflag:s8] =	ssyncset.s32 @!p0 $0xFFFFF086;
	s6 =	sadd.s32 @!p0 s3, s7;
	s7 =	simm.s32 @!p0 $0x108  }
0x21: {  	s3 =	sadd.s32 s3, s9;
	s6 =	sadd.s32 @!p0 $0x88, s6;
	s7 =	simm.s32 @p2 $0x1082  }
0x22: {  	[simem:s7], [sflag:s8] =	dma.local @!p0 [hbm:s6], $0xF7A  }
0x23: {  	s9 =	sor.u32 $0xD0000000, s2;
	s6 =	simm.s32 $0x108;
	_ =	swait.ge @!p0 [sflag:s8], $0x0  }
0x24: {  	s3 =	sadd.s32 $0x88, s3;
	s6 =	simm.s32 @!p1 $0x1082;
	[sflag:s4] =	ssyncset.s32 $0xFFFFF086  }
0x25: {  	[simem:s6], [sflag:s4] =	dma.local [hbm:s3], $0xF7A  }
0x26: {  	[smem:$0x3F9F] =	sst s1;
	(tag) =	ssettag s2;
	_ =	strace s9  }
0x27: {  	s1 =	sld [smem:$0x3FAF]  }
0x28: {  	s2 =	sld [smem:$0x3FB0]  }
0x29: {  	s4 =	sld [smem:$0x3FB2]  }
0x2a: {  	p0 =	seq.s32 s5, $0x0;
	s5 =	sld [smem:$0x3FB3]  }
0x2b: {  	s6 =	sld [smem:$0x3FB4]  }
0x2c: {  	s7 =	sld [smem:$0x3FB5]  }
0x2d: {  	s3 =	simm.s32 $0x108;
	s8 =	sld [smem:$0x3FB6]  }
0x2e: {  	s3 =	simm.s32 @!p0 $0x1082;
	s9 =	sld [smem:$0x3FB7]  }
0x2f: {  	lr =	sadd.s32 s0, s3;
	s0 =	sld [smem:$0x3FAE]  }
0x30: {  	s3 =	sld [smem:$0x3FB1]  }
0x31: {  	[smem:$0x3FBA] =	sst s10  }
0x32: {  	s10 =	sld [smem:$0x3FB8];
	_ =	sdelay $0x3  }
0x33: {  	p0 =	seq.s32 s10, $0x1;
	s10 =	sld [smem:$0x3FBA];
	_ =	sdelay $0x3  }
0x34: {  	[smem:$0x3FBA] =	sst s10  }
0x35: {  	s10 =	sld [smem:$0x3FB9];
	_ =	sdelay $0x3  }
0x36: {  	p1 =	seq.s32 s10, $0x1;
	s10 =	sld [smem:$0x3FBA];
	_ =	sdelay $0x3  }
0x37: {  	[smem:$0x3FBA] =	sst s10  }
0x38: {  	s10 =	sld [smem:$0x3FBB]  }
0x39: {  	_ = 	snop;
	(pc) =	sbr.ind lr, $3  }
0x3a: {  	_ = 	snop  }
0x3b: {  	_ = 	snop  }
0x3c: {  	p2 =	seq.s32 s10, $0x1;
	s10 =	sld [smem:$0x3FBA]  }
0x3d: {  	_ =	shalt  }
0x3e: {  	_ =	shalt  }
0x3f: {  	_ =	shalt  }
0x40: {  	_ =	shalt  }
0x41: {  	_ =	shalt  }
0x42: {  	_ =	shalt  }
0x43: {  	_ =	shalt  }
0x44: {  	_ =	shalt  }
0x45: {  	_ =	shalt  }
0x46: {  	_ =	shalt  }
0x47: {  	_ =	shalt  }
0x48: {  	_ =	shalt  }
0x49: {  	_ =	shalt  }
0x4a: {  	_ =	shalt  }
0x4b: {  	_ =	shalt  }
0x4c: {  	_ =	shalt  }
0x4d: {  	_ =	shalt  }
0x4e: {  	_ =	shalt  }
0x4f: {  	_ =	shalt  }
0x50: {  	_ =	shalt  }
0x51: {  	_ =	shalt  }
0x52: {  	_ =	shalt  }
0x53: {  	_ =	shalt  }
0x54: {  	_ =	shalt  }
0x55: {  	_ =	shalt  }
0x56: {  	_ =	shalt  }
0x57: {  	_ =	shalt  }
0x58: {  	_ =	shalt  }
0x59: {  	_ =	shalt  }
0x5a: {  	_ =	shalt  }
0x5b: {  	_ =	shalt  }
0x5c: {  	_ =	shalt  }
0x5d: {  	_ =	shalt  }
0x5e: {  	_ =	shalt  }
0x5f: {  	_ =	shalt  }
0x60: {  	_ =	shalt  }
0x61: {  	_ =	shalt  }
0x62: {  	_ =	shalt  }
0x63: {  	_ =	shalt  }
0x64: {  	_ =	shalt  }
0x65: {  	_ =	shalt  }
0x66: {  	_ =	shalt  }
0x67: {  	_ =	shalt  }
0x68: {  	_ =	shalt  }
0x69: {  	_ =	shalt  }
0x6a: {  	_ =	shalt  }
0x6b: {  	_ =	shalt  }
0x6c: {  	_ =	shalt  }
0x6d: {  	_ =	shalt  }
0x6e: {  	_ =	shalt  }
0x6f: {  	_ =	shalt  }
0x70: {  	_ =	shalt  }
0x71: {  	_ =	shalt  }
0x72: {  	_ =	shalt  }
0x73: {  	_ =	shalt  }
0x74: {  	_ =	shalt  }
0x75: {  	_ =	shalt  }
0x76: {  	_ =	shalt  }
0x77: {  	_ =	shalt  }
0x78: {  	_ =	shalt  }
0x79: {  	_ =	shalt  }
0x7a: {  	_ =	shalt  }
0x7b: {  	_ =	shalt  }
0x7c: {  	_ =	shalt  }
0x7d: {  	_ =	shalt  }
0x7e: {  	_ =	shalt  }
0x7f: {  	_ =	shalt  }
0x80: {  	_ =	shalt  }
0x81: {  	_ =	shalt  }
0x82: {  	_ =	shalt  }
0x83: {  	_ =	shalt  }
0x84: {  	_ =	shalt  }
0x85: {  	_ =	shalt  }
0x86: {  	_ =	shalt  }
0x87: {  	_ =	shalt  }
.Lfunc_end0:
.L_simem_size_0:
called_computation_lowered:
.L_overlay_start_0:
0x88: {  	s2 =	sld [smem:$0x3FD9]  }
0x89: {  	s3 =	sld [smem:$0x3FFE];
	_ =	sdelay $0x1  }
0x8a: {  	s1 =	srdreg.scid  }
0x8b: {  	s0 =	sand.u32 $0x1, s1  }
0x8c: {  	s15 =	sshll.u32 s0, $0xA;
	s2 =	sadd.s32 s3, s2  }
0x8d: {  	s2 =	sadd.s32 s2, s15  }
0x8e: {  	[smem:$0x3FC6] =	sst s2  }
0x8f: {  	_ = 	snop  }
0x90: {  	s2 =	sld [smem:$0x3FD0];
	_ =	sdelay $0x1  }
0x91: {  	s16 =	sld [smem:$0x3FC9]  }
0x92: {  	s5 =	simm.s32 $0xA;
	s6 =	simm.s32 $0x10;
	s4 =	sld [smem:$0x3FC8]  }
0x93: {  	[smem:s6], [sflag:s5] =	dma.local [hbm:s2], $0x1  }
0x94: {  	_ =	swait.eq [sflag:s5], $0x1  }
0x95: {  	[sflag:s5] =	ssyncset.done $0x0  }
0x96: {  	s17 =	sld [smem:$0x10];
	[sflag:s5] =	ssyncadd.s32 $0xFFFFFFFF  }
0x97: {  	s18 =	sld [smem:$0x11];
	(tm) =	ssettm $0x1  }
0x98: {  	s19 =	sld [smem:$0x3FFB];
	_ =	sdelay $0x3  }
0x99: {  	_ =	strace s19  }
0x9a: {  	s6 =	sld [smem:$0x3FFC];
	_ =	sdelay $0x3  }
0x9b: {  	_ =	strace s6  }
0x9c: {  	s6 =	sld [smem:$0x3FFD];
	_ =	sdelay $0x3  }
0x9d: {  	_ =	strace s6  }
0x9e: {  	_ =	strace $0x8FFFFFFF  }
0x9f: {  	s20 =	sld [smem:$0x3FDB];
	_ =	sdelay $0x1  }
0xa0: {  	s7 =	simm.s32 $_scs_section_size  }
0xa1: {  	s8 =	simm.s32 $_size__tile_overlayer_lowered;
	s9 =	simm.s32 $_tile_overlayer_lowered  }
0xa2: {  	s23 =	simm.s32 $0x1BFF;
	s22 =	sshll.u32 s9, $0x1;
	s6 =	sadd.s32 s7, s20  }
0xa3: {  	s10 =	simm.s32 $0x0;
	s21 =	sshll.u32 s8, $0x1;
	s8 =	sadd.s32 s22, s6  }
0xa4: {  	[timem:s10], [sflag:s23] =	dma.local [hbm:s8], s21  }
0xa5: {  	_ =	swait.ge [sflag:s23], s21  }
0xa6: {  	s7 =	ssub.s32 $0x0, s21;
	[sflag:s23] =	ssyncset.done $0x0  }
0xa7: {  	[sflag:s23] =	ssyncadd.s32 s7;
	_ =	sdelay $0x1  }
0xa8: {  	s24 =	simm.s32 $0x1B8B  }
0xa9: {  	_ =	swait.ge [sflag:s24], $0x1  }
0xaa: {  	[sflag:s24] =	ssyncset.done $0x0  }
0xab: {  	s25 =	simm.s32 $0x1B8E;
	[sflag:s24] =	ssyncadd.s32 $0xFFFFFFFF  }
0xac: {  	s26 =	simm.s32 $execute0_lowered;
	[smem:$0x3FD2] =	sst s25  }
0xad: {  	s7 =	sshll.u32 s26, $0x1;
	_ =	strace $0x80000046;
	[dreg:$0x1] =	wrdreg $0xFFFFFFFF  }
0xae: {  	s28 =	simm.s32 $_size_execute0_lowered;
	s6 =	sadd.s32 s6, s7;
	[dreg:$0x0] =	wrdreg $0x0  }
0xaf: {  	s7 =	sshll.u32 s28, $0x1;
	[dreg:$0x2] =	wrdreg s6  }
0xb0: {  	[dreg:$0x3] =	wrdreg s7  }
0xb1: {  	[dreg:$0x4] =	wrdreg $0xC0  }
0xb2: {  	_ =	task [dreg:s10], $0x5FFFF  }
0xb3: {  	[dreg:$0x1] =	wrdreg $0xFFFFFFFF  }
0xb4: {  	[dreg:$0x0] =	wrdreg $0x60  }
0xb5: {  	[dreg:$0x2] =	wrdreg s16  }
0xb6: {  	[dreg:$0x3] =	wrdreg s4  }
0xb7: {  	[dreg:$0x4] =	wrdreg s17  }
0xb8: {  	[dreg:$0x5] =	wrdreg s18  }
0xb9: {  	[dreg:$0x6] =	wrdreg $0x29000  }
0xba: {  	[dreg:$0x7] =	wrdreg $0x9  }
0xbb: {  	_ =	task.clear_ibuf [dreg:s10], $0x8FFFF;
	_ =	strace $0x90000046  }
0xbc: {  	s29 =	simm.s32 $0x9;
	_ =	strace $0x80000051  }
0xbd: {  	_ =	swait.ge [sflag:s29], $0x1  }
0xbe: {  	[sflag:s29] =	ssyncadd.s32 $0xFFFFFFFF  }
0xbf: {  	_ =	strace $0x90000051  }
0xc0: {  	_ =	sfence  }
0xc1: {  	s30 =	sld [smem:$0x0];
	_ =	sdelay $0x2  }
0xc2: {  	s31 =	sshll.u32 s1, $0xD;
	s1 =	sshrl.u32 s1, $0x2  }
0xc3: {  	s3 =	sand.u32 $0x4000, s31;
	s1 =	sadd.s32 s1, s30  }
0xc4: {  	s0 =	sor.u32 s3, s0;
	s1 =	sshll.u32 s1, $0x11  }
0xc5: {  	s0 =	sor.u32 s1, s0  }
0xc6: {  	s0 =	sadd.s32 $0x8F2B, s0  }
0xc7: {  	[sflag:s0] =	ssyncadd.remote.s32 $0x1  }
0xc8: {  	_ =	sfence.sel $0xFFFF  }
0xc9: {  	[dreg:$0x0] =	wrdreg $0xFFFFFFFF;
	(pc) =	sbr.abs _section_cstart, $3  }
0xca: {  	[dreg:$0x1] =	wrdreg $0xFFFFFFFF  }
0xcb: {  	_ =	task.clear_ibuf [dreg:s10], $0x2FFFF;
	_ =	strace $0x9FFFFFFF  }
0xcc: {  	(tm) =	ssettm $0x7FFFFFFF  }
0xcd: {  	_ =	shalt  }
tec
execute0_lowered:
.L_overlay_start_1:
0x0: {  	(tag) =	ssettag $0x1  }
0x1: {  	s29 =	stileid.u32  }
0x2: {  	s0 =	srdreg.scid;
	s3 =	smul.u32 $0xC38, s29  }
0x3: {  	s2 =	sand.u32 $0x1, s0;
	p0 =	seq.s32 s29, $0xF  }
0x4: {  	s0 =	ssub.s32 $0x2, s2;
	s3 =	simm.s32 @p0 $0xB6D0  }
0x5: {  	s5 =	sshrl.u32 s0, $0x1;
	s3 =	sshrl.u32 s3, $0x3  }
0x6: {  	s4 =	rddreg [dreg:$0x0];
	s0 =	ssub.s32 s0, s5;
	s5 =	sadd.s32 $0x20, s3  }
0x7: {  	s7 =	sadd.s32 s4, s5  }
0x8: {  	[dreg:$0x8] =	wrdreg s7;
	s7 =	sadd.s32 $0x40, s3  }
0x9: {  	s8 =	sadd.s32 s4, s7  }
0xa: {  	[dreg:$0xa] =	wrdreg s8;
	s8 =	sadd.s32 $0x50, s3  }
0xb: {  	s10 =	sadd.s32 s4, s8  }
0xc: {  	[dreg:$0xb] =	wrdreg s10;
	s10 =	sadd.s32 $0x70, s3  }
0xd: {  	s11 =	sadd.s32 s4, s10  }
0xe: {  	s1 =	simm.s32 $0x0;
	[dreg:$0xd] =	wrdreg s11;
	s11 =	sadd.s32 $0x80, s3  }
0xf: {  	[smem:$0x7FF] =	sst s1;
	s13 =	sadd.s32 s4, s11  }
0x10: {  	[dreg:$0xe] =	wrdreg s13;
	s13 =	sadd.s32 $0xA0, s3  }
0x11: {  	p1 =	seq.s32 s2, $0x1;
	s21 =	sadd.s32 s4, s3;
	s14 =	sadd.s32 s4, s13  }
0x12: {  	s2 =	sadd.s32 $0x10, s3;
	[dreg:$0x10] =	wrdreg s14;
	s14 =	sadd.s32 $0xB0, s3  }
0x13: {  	s6 =	sadd.s32 $0x30, s3;
	[dreg:$0x6] =	wrdreg s21;
	s16 =	sadd.s32 s4, s14  }
0x14: {  	s22 =	sadd.s32 s4, s2;
	[dreg:$0x11] =	wrdreg s16;
	s16 =	sadd.s32 $0xD0, s3  }
0x15: {  	s9 =	sadd.s32 $0x60, s3;
	[dreg:$0x7] =	wrdreg s22;
	s17 =	sadd.s32 s4, s16  }
0x16: {  	s23 =	sadd.s32 s4, s6;
	[dreg:$0x13] =	wrdreg s17;
	s17 =	sadd.s32 $0xE0, s3  }
0x17: {  	s12 =	sadd.s32 $0x90, s3;
	[dreg:$0x9] =	wrdreg s23;
	s19 =	sadd.s32 s4, s17  }
0x18: {  	s24 =	sadd.s32 s4, s9;
	[dreg:$0x14] =	wrdreg s19;
	s19 =	sadd.s32 $0x100, s3  }
0x19: {  	s15 =	sadd.s32 $0xC0, s3;
	[dreg:$0xc] =	wrdreg s24;
	s20 =	sadd.s32 s4, s19  }
0x1a: {  	s25 =	sadd.s32 s4, s12;
	[dreg:$0x16] =	wrdreg s20;
	s20 =	sadd.s32 $0x110, s3  }
0x1b: {  	s18 =	sadd.s32 $0xF0, s3;
	[dreg:$0xf] =	wrdreg s25;
	s22 =	sadd.s32 s4, s20  }
0x1c: {  	s26 =	sadd.s32 s4, s15;
	[dreg:$0x17] =	wrdreg s22;
	s22 =	sadd.s32 $0x130, s3  }
0x1d: {  	s28 =	sadd.s32 s4, s18;
	[dreg:$0x12] =	wrdreg s26;
	s23 =	sadd.s32 s4, s22  }
0x1e: {  	s21 =	sadd.s32 $0x120, s3;
	[dreg:$0x19] =	wrdreg s23;
	s23 =	sadd.s32 $0x140, s3  }
0x1f: {  	[dreg:$0x15] =	wrdreg s28;
	s30 =	sadd.s32 s4, s21;
	s25 =	sadd.s32 s4, s23  }
0x20: {  	s24 =	sadd.s32 $0x150, s3;
	[dreg:$0x1a] =	wrdreg s25;
	s25 =	sadd.s32 $0x160, s3  }
0x21: {  	s28 =	sadd.s32 $0x180, s3;
	[dreg:$0x18] =	wrdreg s30;
	s26 =	sadd.s32 s4, s25  }
0x22: {  	s31 =	sadd.s32 s4, s24;
	[dreg:$0x1c] =	wrdreg s26;
	s26 =	sadd.s32 $0x170, s3  }
0x23: {  	[dreg:$0x1b] =	wrdreg s31;
	s30 =	sadd.s32 s4, s26;
	s4 =	sadd.s32 s4, s28  }
0x24: {  	[dreg:$0x1e] =	wrdreg s4  }
0x25: {  	s4 =	rddreg [dreg:$0x1]  }
0x26: {  	[dreg:$0x1d] =	wrdreg s30;
	s3 =	sadd.s32 s4, s3  }
0x27: {  	s30 =	sadd.s32 s4, s9;
	s9 =	sadd.s32 s4, s16;
	s16 =	rddreg [dreg:$0x2]  }
0x28: {  	s2 =	sadd.s32 s4, s2;
	[dreg:$0x1f] =	wrdreg s3  }
0x29: {  	s5 =	sadd.s32 s4, s5;
	[smem:$0x7DE] =	sst s2  }
0x2a: {  	s6 =	sadd.s32 s4, s6;
	[smem:$0x7DF] =	sst s5  }
0x2b: {  	s7 =	sadd.s32 s4, s7;
	[smem:$0x7E0] =	sst s6  }
0x2c: {  	s8 =	sadd.s32 s4, s8;
	[smem:$0x7E1] =	sst s7  }
0x2d: {  	[smem:$0x7E2] =	sst s8  }
0x2e: {  	s31 =	sadd.s32 s4, s10;
	[smem:$0x7E3] =	sst s30  }
0x2f: {  	[smem:$0x7E4] =	sst s31  }
0x30: {  	s10 =	sadd.s32 s4, s17;
	[smem:$0x7EA] =	sst s9  }
0x31: {  	s17 =	sadd.s32 s4, s23;
	[smem:$0x7EB] =	sst s10  }
0x32: {  	s3 =	sadd.s32 s4, s11;
	[smem:$0x7F1] =	sst s17  }
0x33: {  	s5 =	sadd.s32 s4, s12;
	s12 =	sadd.s32 s4, s19;
	s19 =	rddreg [dreg:$0x3]  }
0x34: {  	[smem:$0x7E5] =	sst s3  }
0x35: {  	s6 =	sadd.s32 s4, s13;
	[smem:$0x7E6] =	sst s5  }
0x36: {  	s7 =	sadd.s32 s4, s14;
	[smem:$0x7E7] =	sst s6  }
0x37: {  	s8 =	sadd.s32 s4, s15;
	[smem:$0x7E8] =	sst s7  }
0x38: {  	s11 =	sadd.s32 s4, s18;
	[smem:$0x7E9] =	sst s8  }
0x39: {  	[smem:$0x7EC] =	sst s11  }
0x3a: {  	s13 =	sadd.s32 s4, s20;
	[smem:$0x7ED] =	sst s12  }
0x3b: {  	s14 =	sadd.s32 s4, s21;
	[smem:$0x7EE] =	sst s13  }
0x3c: {  	s15 =	sadd.s32 s4, s22;
	[smem:$0x7EF] =	sst s14  }
0x3d: {  	s18 =	sadd.s32 s4, s24;
	[smem:$0x7F0] =	sst s15  }
0x3e: {  	s20 =	sadd.s32 s4, s25;
	[smem:$0x7F2] =	sst s18  }
0x3f: {  	[smem:$0x7F3] =	sst s20  }
0x40: {  	s22 =	sadd.s32 s4, s26;
	s20 =	rddreg [dreg:$0x4]  }
0x41: {  	s0 =	smax.u32 s0, $0x1;
	s4 =	sadd.s32 s4, s28;
	[smem:$0x7F4] =	sst s22  }
0x42: {  	s23 =	smul.u32 $0x1870, s29;
	s2 =	sadd.s32 $0x2DD2, s16;
	[smem:$0x7F5] =	sst s4  }
0x43: {  	s30 =	sadd.s32 $0x2DD2, s19;
	_ =	strace $0x80000047;
	[smem:$0x7F9] =	sst s2  }
0x44: {  	s21 =	smul.u32 $0x61C0, s29;
	s26 =	sshrl.u32 s23, $0x3;
	[smem:$0x7FB] =	sst s30  }
0x45: {  	s8 =	simm.s32 $0x0;
	s25 =	sadd.s32 s23, s20;
	[smem:$0x7FC] =	sst s0  }
.Ltmp0:
0x46: {  	s28 =	sadd.s32 s16, s26;
	[smem:$0x7F7] =	sst s25;
	(pc) =	sbr.rel .LBB2_1-.Ltmp0, $4  }
0x47: {  	s24 =	sshrl.u32 s21, $0x2;
	s29 =	sadd.s32 s19, s26;
	[smem:$0x7F8] =	sst s28  }
0x48: {  	s31 =	sadd.s32 $0x16E90, s20;
	s23 =	simm.s32 $0x1;
	[smem:$0x7FA] =	sst s29  }
0x49: {  	s0 =	simm.s32 $0x80;
	s4 =	sadd.s32 s24, s20;
	[smem:$0x7FD] =	sst s31  }
0x4a: {  	v0 =	vimm.f32 $0.0e+00;
	v1 =	vimm.f32 $1.000000000e+00;
	s2 =	simm.s32 $0x2;
	s24 =	simm.s32 $0x2880;
	[smem:$0x7F6] =	sst s4  }
.LBB2_5:
0x4b: {  	s4 =	rddreg [dreg:$0x1f]  }
0x4c: {  	s30 =	simm.s32 $0x1880;
	s10 =	sld [smem:$0x7DE]  }
0x4d: {  	[tilespmem:s30], [sflag:$0x1] =	stream.linear.gather [hbm4b:s4+s1], $0x80, $0x38;
	[tilespmem:$0x4170] =	vst v63  }
0x4e: {  	s3 =	simm.s32 $0x1900;
	s11 =	sld [smem:$0x7DF]  }
0x4f: {  	[tilespmem:s3], [sflag:$0x1] =	stream.linear.gather [hbm4b:s10+s1], $0x80, $0x38;
	[tilespmem:$0x4170] =	vst v63  }
0x50: {  	s9 =	simm.s32 $0x1980;
	s12 =	sld [smem:$0x7E0]  }
0x51: {  	[tilespmem:s9], [sflag:$0x1] =	stream.linear.gather [hbm4b:s11+s1], $0x80, $0x38;
	[tilespmem:$0x4170] =	vst v63  }
0x52: {  	s13 =	sld [smem:$0x7E1];
	s10 =	simm.s32 $0x1A00  }
0x53: {  	[tilespmem:s10], [sflag:$0x1] =	stream.linear.gather [hbm4b:s12+s1], $0x80, $0x38;
	[tilespmem:$0x4170] =	vst v63  }
0x54: {  	s14 =	sld [smem:$0x7E2];
	s11 =	simm.s32 $0x1A80  }
0x55: {  	[tilespmem:s11], [sflag:$0x1] =	stream.linear.gather [hbm4b:s13+s1], $0x80, $0x38;
	[tilespmem:$0x4170] =	vst v63  }
0x56: {  	s15 =	sld [smem:$0x7E3];
	s12 =	simm.s32 $0x1B00  }
0x57: {  	[tilespmem:s12], [sflag:$0x1] =	stream.linear.gather [hbm4b:s14+s1], $0x80, $0x38;
	[tilespmem:$0x4170] =	vst v63  }
0x58: {  	s16 =	sld [smem:$0x7E4];
	s13 =	simm.s32 $0x1B80  }
0x59: {  	[tilespmem:s13], [sflag:$0x1] =	stream.linear.gather [hbm4b:s15+s1], $0x80, $0x38;
	[tilespmem:$0x4170] =	vst v63  }
0x5a: {  	s17 =	sld [smem:$0x7E5];
	s14 =	simm.s32 $0x1C00  }
0x5b: {  	[tilespmem:s14], [sflag:$0x1] =	stream.linear.gather [hbm4b:s16+s1], $0x80, $0x38;
	[tilespmem:$0x4170] =	vst v63  }
0x5c: {  	s18 =	sld [smem:$0x7E6];
	s15 =	simm.s32 $0x1C80  }
0x5d: {  	[tilespmem:s15], [sflag:$0x1] =	stream.linear.gather [hbm4b:s17+s1], $0x80, $0x38;
	[tilespmem:$0x4170] =	vst v63  }
0x5e: {  	s19 =	sld [smem:$0x7E7];
	s16 =	simm.s32 $0x1D00  }
0x5f: {  	[tilespmem:s16], [sflag:$0x1] =	stream.linear.gather [hbm4b:s18+s1], $0x80, $0x38;
	[tilespmem:$0x4170] =	vst v63  }
0x60: {  	s21 =	sld [smem:$0x7E8];
	s17 =	simm.s32 $0x1D80  }
0x61: {  	[tilespmem:s17], [sflag:$0x1] =	stream.linear.gather [hbm4b:s19+s1], $0x80, $0x38;
	[tilespmem:$0x4170] =	vst v63  }
0x62: {  	s22 =	sld [smem:$0x7E9];
	s18 =	simm.s32 $0x1E00  }
0x63: {  	[tilespmem:s18], [sflag:$0x1] =	stream.linear.gather [hbm4b:s21+s1], $0x80, $0x38;
	[tilespmem:$0x4170] =	vst v63  }
0x64: {  	s25 =	sld [smem:$0x7EA];
	s19 =	simm.s32 $0x1E80  }
0x65: {  	[tilespmem:s19], [sflag:$0x1] =	stream.linear.gather [hbm4b:s22+s1], $0x80, $0x38;
	[tilespmem:$0x4170] =	vst v63  }
0x66: {  	s26 =	sld [smem:$0x7EB];
	s21 =	simm.s32 $0x1F00  }
0x67: {  	[tilespmem:s21], [sflag:$0x1] =	stream.linear.gather [hbm4b:s25+s1], $0x80, $0x38;
	[tilespmem:$0x4170] =	vst v63  }
0x68: {  	s28 =	sld [smem:$0x7EC];
	s22 =	simm.s32 $0x1F80  }
0x69: {  	[tilespmem:s22], [sflag:$0x1] =	stream.linear.gather [hbm4b:s26+s1], $0x80, $0x38;
	[tilespmem:$0x4170] =	vst v63  }
0x6a: {  	s29 =	sld [smem:$0x7ED];
	s25 =	simm.s32 $0x2000  }
0x6b: {  	[tilespmem:s25], [sflag:$0x1] =	stream.linear.gather [hbm4b:s28+s1], $0x80, $0x38;
	[tilespmem:$0x4170] =	vst v63  }
0x6c: {  	s31 =	sld [smem:$0x7EE];
	s26 =	simm.s32 $0x2080  }
0x6d: {  	[tilespmem:s26], [sflag:$0x1] =	stream.linear.gather [hbm4b:s29+s1], $0x80, $0x38;
	[tilespmem:$0x4170] =	vst v63  }
0x6e: {  	s3 =	sld [smem:$0x7EF];
	s28 =	simm.s32 $0x2100  }
0x6f: {  	[tilespmem:s28], [sflag:$0x1] =	stream.linear.gather [hbm4b:s31+s1], $0x80, $0x38;
	[tilespmem:$0x4170] =	vst v63  }
0x70: {  	s5 =	sld [smem:$0x7F0];
	s29 =	simm.s32 $0x2180  }
0x71: {  	[tilespmem:s29], [sflag:$0x1] =	stream.linear.gather [hbm4b:s3+s1], $0x80, $0x38;
	[tilespmem:$0x4170] =	vst v63  }
0x72: {  	s6 =	sld [smem:$0x7F1];
	s31 =	simm.s32 $0x2200  }
0x73: {  	[tilespmem:s31], [sflag:$0x1] =	stream.linear.gather [hbm4b:s5+s1], $0x80, $0x38;
	[tilespmem:$0x4170] =	vst v63  }
0x74: {  	s7 =	sld [smem:$0x7F2];
	s3 =	simm.s32 $0x2280  }
0x75: {  	[tilespmem:s3], [sflag:$0x1] =	stream.linear.gather [hbm4b:s6+s1], $0x80, $0x38;
	[tilespmem:$0x4170] =	vst v63  }
0x76: {  	s5 =	simm.s32 $0x2300;
	s6 =	sld [smem:$0x7F3]  }
0x77: {  	[tilespmem:s5], [sflag:$0x1] =	stream.linear.gather [hbm4b:s7+s1], $0x80, $0x38;
	[tilespmem:$0x4170] =	vst v63  }
0x78: {  	s7 =	simm.s32 $0x2380  }
0x79: {  	[tilespmem:s7], [sflag:$0x1] =	stream.linear.gather [hbm4b:s6+s1], $0x80, $0x38;
	[tilespmem:$0x4170] =	vst v63  }
0x7a: {  	s6 =	sld [smem:$0x7F4];
	_ =	sdelay $0x1  }
0x7b: {  	s7 =	simm.s32 $0x2400  }
0x7c: {  	[tilespmem:s7], [sflag:$0x1] =	stream.linear.gather [hbm4b:s6+s1], $0x80, $0x38;
	[tilespmem:$0x4170] =	vst v63  }
0x7d: {  	s6 =	sld [smem:$0x7F5];
	_ =	sdelay $0x1  }
0x7e: {  	s7 =	simm.s32 $0x2480  }
0x7f: {  	[tilespmem:s7], [sflag:$0x1] =	stream.linear.gather [hbm4b:s6+s1], $0x80, $0x38;
	[tilespmem:$0x4170] =	vst v63  }
0x80: {  	_ =	strace $0x8000004D  }
0x81: {  	s5 =	sld [smem:$0x7FD];
	_ =	sdelay $0x1  }
0x82: {  	s4 =	simm.s32 @p0 $0x0;
	s6 =	simm.s32 @p0 $0x3  }
0x83: {  	[spmem:s5] =	stream.linear.scatter @p0 [tilespmem:s4], [sflag:$0x3], $0x1810, $0x200038;
	[tilespmem:$0x4170] =	vst v63  }
0x84: {  	_ =	swait.ge @p0 [sflag:s6], $0x1810  }
0x85: {  	s4 =	sld [smem:$0x7F6]  }
0x86: {  	[sflag:s6] =	ssyncset.done @p0 $0x0  }
0x87: {  	s7 =	simm.s32 @!p0 $0x0;
	[sflag:s6] =	ssyncadd.s32 @p0 $0xFFFFE7F0  }
0x88: {  	[spmem:s4] =	stream.linear.scatter @!p0 [tilespmem:s7], [sflag:$0x3], $0x1870, $0x200038;
	[tilespmem:$0x4170] =	vst v63  }
0x89: {  	s4 =	simm.s32 @!p0 $0x3  }
0x8a: {  	_ =	swait.ge @!p0 [sflag:s4], $0x1870  }
0x8b: {  	[sflag:s4] =	ssyncset.done @!p0 $0x0  }
0x8c: {  	[sflag:s4] =	ssyncadd.s32 @!p0 $0xFFFFE790  }
0x8d: {  	_ =	strace $0x9000004D  }
0x8e: {  	_ =	strace $0x8000004E  }
0x8f: {  	[bflag:$0x0] =	sbarrier.arrive $0xFFFF  }
0x90: {  	_ =	swait.ge [sflag:s23], $0x80  }
0x91: {  	[sflag:s23] =	ssyncset.done $0x0  }
0x92: {  	[sflag:s23] =	ssyncadd.s32 $0xFFFFFF80  }
0x93: {  	_ =	swait.ge [sflag:s23], $0x80  }
0x94: {  	[sflag:s23] =	ssyncset.done $0x0  }
0x95: {  	[sflag:s23] =	ssyncadd.s32 $0xFFFFFF80  }
0x96: {  	_ =	swait.ge [sflag:s23], $0x80  }
0x97: {  	[sflag:s23] =	ssyncset.done $0x0  }
0x98: {  	[sflag:s23] =	ssyncadd.s32 $0xFFFFFF80  }
0x99: {  	_ =	swait.ge [sflag:s23], $0x80  }
0x9a: {  	[sflag:s23] =	ssyncset.done $0x0  }
0x9b: {  	[sflag:s23] =	ssyncadd.s32 $0xFFFFFF80  }
0x9c: {  	_ =	swait.ge [sflag:s23], $0x80  }
0x9d: {  	[sflag:s23] =	ssyncset.done $0x0  }
0x9e: {  	[sflag:s23] =	ssyncadd.s32 $0xFFFFFF80  }
0x9f: {  	_ =	swait.ge [sflag:s23], $0x80  }
0xa0: {  	[sflag:s23] =	ssyncset.done $0x0  }
0xa1: {  	[sflag:s23] =	ssyncadd.s32 $0xFFFFFF80  }
0xa2: {  	_ =	swait.ge [sflag:s23], $0x80  }
0xa3: {  	[sflag:s23] =	ssyncset.done $0x0  }
0xa4: {  	[sflag:s23] =	ssyncadd.s32 $0xFFFFFF80  }
0xa5: {  	_ =	swait.ge [sflag:s23], $0x80  }
0xa6: {  	[sflag:s23] =	ssyncset.done $0x0  }
0xa7: {  	[sflag:s23] =	ssyncadd.s32 $0xFFFFFF80  }
0xa8: {  	_ =	swait.ge [sflag:s23], $0x80  }
0xa9: {  	[sflag:s23] =	ssyncset.done $0x0  }
0xaa: {  	[sflag:s23] =	ssyncadd.s32 $0xFFFFFF80  }
0xab: {  	_ =	swait.ge [sflag:s23], $0x80  }
0xac: {  	[sflag:s23] =	ssyncset.done $0x0  }
0xad: {  	[sflag:s23] =	ssyncadd.s32 $0xFFFFFF80  }
0xae: {  	_ =	swait.ge [sflag:s23], $0x80  }
0xaf: {  	[sflag:s23] =	ssyncset.done $0x0  }
0xb0: {  	[sflag:s23] =	ssyncadd.s32 $0xFFFFFF80  }
0xb1: {  	_ =	swait.ge [sflag:s23], $0x80  }
0xb2: {  	[sflag:s23] =	ssyncset.done $0x0  }
0xb3: {  	[sflag:s23] =	ssyncadd.s32 $0xFFFFFF80  }
0xb4: {  	_ =	swait.ge [sflag:s23], $0x80  }
0xb5: {  	[sflag:s23] =	ssyncset.done $0x0  }
0xb6: {  	[sflag:s23] =	ssyncadd.s32 $0xFFFFFF80  }
0xb7: {  	_ =	swait.ge [sflag:s23], $0x80  }
0xb8: {  	[sflag:s23] =	ssyncset.done $0x0  }
0xb9: {  	[sflag:s23] =	ssyncadd.s32 $0xFFFFFF80  }
0xba: {  	_ =	swait.ge [sflag:s23], $0x80  }
0xbb: {  	[sflag:s23] =	ssyncset.done $0x0  }
0xbc: {  	[sflag:s23] =	ssyncadd.s32 $0xFFFFFF80  }
0xbd: {  	_ =	swait.ge [sflag:s23], $0x80  }
0xbe: {  	[sflag:s23] =	ssyncset.done $0x0  }
0xbf: {  	[sflag:s23] =	ssyncadd.s32 $0xFFFFFF80  }
0xc0: {  	_ =	swait.ge [sflag:s23], $0x80  }
0xc1: {  	[sflag:s23] =	ssyncset.done $0x0  }
0xc2: {  	[sflag:s23] =	ssyncadd.s32 $0xFFFFFF80  }
0xc3: {  	_ =	swait.ge [sflag:s23], $0x80  }
0xc4: {  	[sflag:s23] =	ssyncset.done $0x0  }
0xc5: {  	[sflag:s23] =	ssyncadd.s32 $0xFFFFFF80  }
0xc6: {  	_ =	swait.ge [sflag:s23], $0x80  }
0xc7: {  	[sflag:s23] =	ssyncset.done $0x0  }
0xc8: {  	[sflag:s23] =	ssyncadd.s32 $0xFFFFFF80  }
0xc9: {  	_ =	swait.ge [sflag:s23], $0x80  }
0xca: {  	[sflag:s23] =	ssyncset.done $0x0  }
0xcb: {  	[sflag:s23] =	ssyncadd.s32 $0xFFFFFF80  }
0xcc: {  	_ =	swait.ge [sflag:s23], $0x80  }
0xcd: {  	[sflag:s23] =	ssyncset.done $0x0  }
0xce: {  	[sflag:s23] =	ssyncadd.s32 $0xFFFFFF80  }
0xcf: {  	_ =	swait.ge [sflag:s23], $0x80  }
0xd0: {  	[sflag:s23] =	ssyncset.done $0x0  }
0xd1: {  	[sflag:s23] =	ssyncadd.s32 $0xFFFFFF80  }
0xd2: {  	_ =	swait.ge [sflag:s23], $0x80  }
0xd3: {  	[sflag:s23] =	ssyncset.done $0x0  }
0xd4: {  	[sflag:s23] =	ssyncadd.s32 $0xFFFFFF80  }
0xd5: {  	_ =	swait.ge [sflag:s23], $0x80  }
0xd6: {  	[sflag:s23] =	ssyncset.done $0x0  }
0xd7: {  	[sflag:s23] =	ssyncadd.s32 $0xFFFFFF80  }
0xd8: {  	_ =	swait.ge [sflag:s23], $0x80  }
0xd9: {  	[sflag:s23] =	ssyncset.done $0x0  }
0xda: {  	[sflag:s23] =	ssyncadd.s32 $0xFFFFFF80  }
0xdb: {  	_ =	strace $0x9000004E  }
0xdc: {  	_ =	strace $0x8000004F  }
0xdd: {  	[spmem:s20] =	stream.indirect.scatter [tilespmem:s24], [sflag:$0x2], $0x1, s30, s0, $0x2000b8;
	[tilespmem:$0x4170] =	vst v63  }
0xde: {  	s30 =	simm.s32 $0x1900  }
0xdf: {  	[spmem:s20] =	stream.indirect.scatter [tilespmem:s24], [sflag:$0x2], $0x1, s30, s0, $0x2000b8;
	[tilespmem:$0x4170] =	vst v63  }
0xe0: {  	_ = 	snop  }
0xe1: {  	[spmem:s20] =	stream.indirect.scatter [tilespmem:s24], [sflag:$0x2], $0x1, s9, s0, $0x2000b8;
	[tilespmem:$0x4170] =	vst v63  }
0xe2: {  	_ = 	snop  }
0xe3: {  	[spmem:s20] =	stream.indirect.scatter [tilespmem:s24], [sflag:$0x2], $0x1, s10, s0, $0x2000b8;
	[tilespmem:$0x4170] =	vst v63  }
0xe4: {  	_ = 	snop  }
0xe5: {  	[spmem:s20] =	stream.indirect.scatter [tilespmem:s24], [sflag:$0x2], $0x1, s11, s0, $0x2000b8;
	[tilespmem:$0x4170] =	vst v63  }
0xe6: {  	_ = 	snop  }
0xe7: {  	[spmem:s20] =	stream.indirect.scatter [tilespmem:s24], [sflag:$0x2], $0x1, s12, s0, $0x2000b8;
	[tilespmem:$0x4170] =	vst v63  }
0xe8: {  	_ = 	snop  }
0xe9: {  	[spmem:s20] =	stream.indirect.scatter [tilespmem:s24], [sflag:$0x2], $0x1, s13, s0, $0x2000b8;
	[tilespmem:$0x4170] =	vst v63  }
0xea: {  	_ = 	snop  }
0xeb: {  	[spmem:s20] =	stream.indirect.scatter [tilespmem:s24], [sflag:$0x2], $0x1, s14, s0, $0x2000b8;
	[tilespmem:$0x4170] =	vst v63  }
0xec: {  	_ = 	snop  }
0xed: {  	[spmem:s20] =	stream.indirect.scatter [tilespmem:s24], [sflag:$0x2], $0x1, s15, s0, $0x2000b8;
	[tilespmem:$0x4170] =	vst v63  }
0xee: {  	_ = 	snop  }
0xef: {  	[spmem:s20] =	stream.indirect.scatter [tilespmem:s24], [sflag:$0x2], $0x1, s16, s0, $0x2000b8;
	[tilespmem:$0x4170] =	vst v63  }
0xf0: {  	_ = 	snop  }
0xf1: {  	[spmem:s20] =	stream.indirect.scatter [tilespmem:s24], [sflag:$0x2], $0x1, s17, s0, $0x2000b8;
	[tilespmem:$0x4170] =	vst v63  }
0xf2: {  	_ = 	snop  }
0xf3: {  	[spmem:s20] =	stream.indirect.scatter [tilespmem:s24], [sflag:$0x2], $0x1, s18, s0, $0x2000b8;
	[tilespmem:$0x4170] =	vst v63  }
0xf4: {  	_ = 	snop  }
0xf5: {  	[spmem:s20] =	stream.indirect.scatter [tilespmem:s24], [sflag:$0x2], $0x1, s19, s0, $0x2000b8;
	[tilespmem:$0x4170] =	vst v63  }
0xf6: {  	_ = 	snop  }
0xf7: {  	[spmem:s20] =	stream.indirect.scatter [tilespmem:s24], [sflag:$0x2], $0x1, s21, s0, $0x2000b8;
	[tilespmem:$0x4170] =	vst v63  }
0xf8: {  	_ = 	snop  }
0xf9: {  	[spmem:s20] =	stream.indirect.scatter [tilespmem:s24], [sflag:$0x2], $0x1, s22, s0, $0x2000b8;
	[tilespmem:$0x4170] =	vst v63  }
0xfa: {  	_ = 	snop  }
0xfb: {  	[spmem:s20] =	stream.indirect.scatter [tilespmem:s24], [sflag:$0x2], $0x1, s25, s0, $0x2000b8;
	[tilespmem:$0x4170] =	vst v63  }
0xfc: {  	_ = 	snop  }
0xfd: {  	[spmem:s20] =	stream.indirect.scatter [tilespmem:s24], [sflag:$0x2], $0x1, s26, s0, $0x2000b8;
	[tilespmem:$0x4170] =	vst v63  }
0xfe: {  	_ = 	snop  }
0xff: {  	[spmem:s20] =	stream.indirect.scatter [tilespmem:s24], [sflag:$0x2], $0x1, s28, s0, $0x2000b8;
	[tilespmem:$0x4170] =	vst v63  }
0x100: {  	_ = 	snop  }
0x101: {  	[spmem:s20] =	stream.indirect.scatter [tilespmem:s24], [sflag:$0x2], $0x1, s29, s0, $0x2000b8;
	[tilespmem:$0x4170] =	vst v63  }
0x102: {  	_ = 	snop  }
0x103: {  	[spmem:s20] =	stream.indirect.scatter [tilespmem:s24], [sflag:$0x2], $0x1, s31, s0, $0x2000b8;
	[tilespmem:$0x4170] =	vst v63  }
0x104: {  	_ = 	snop  }
0x105: {  	[spmem:s20] =	stream.indirect.scatter [tilespmem:s24], [sflag:$0x2], $0x1, s3, s0, $0x2000b8;
	[tilespmem:$0x4170] =	vst v63  }
0x106: {  	s28 =	simm.s32 $0x2300  }
0x107: {  	[spmem:s20] =	stream.indirect.scatter [tilespmem:s24], [sflag:$0x2], $0x1, s28, s0, $0x2000b8;
	[tilespmem:$0x4170] =	vst v63  }
0x108: {  	s29 =	simm.s32 $0x2380  }
0x109: {  	[spmem:s20] =	stream.indirect.scatter [tilespmem:s24], [sflag:$0x2], $0x1, s29, s0, $0x2000b8;
	[tilespmem:$0x4170] =	vst v63  }
0x10a: {  	s30 =	simm.s32 $0x2400  }
0x10b: {  	[spmem:s20] =	stream.indirect.scatter [tilespmem:s24], [sflag:$0x2], $0x1, s30, s0, $0x2000b8;
	[tilespmem:$0x4170] =	vst v63  }
0x10c: {  	s31 =	simm.s32 $0x2480  }
0x10d: {  	[spmem:s20] =	stream.indirect.scatter [tilespmem:s24], [sflag:$0x2], $0x1, s31, s0, $0x2000b8;
	[tilespmem:$0x4170] =	vst v63  }
0x10e: {  	_ =	swait.ge [sflag:s2], $0x80  }
0x10f: {  	[sflag:s2] =	ssyncset.done $0x0  }
0x110: {  	[sflag:s2] =	ssyncadd.s32 $0xFFFFFF80  }
0x111: {  	_ =	swait.ge [sflag:s2], $0x80  }
0x112: {  	[sflag:s2] =	ssyncset.done $0x0  }
0x113: {  	[sflag:s2] =	ssyncadd.s32 $0xFFFFFF80  }
0x114: {  	_ =	swait.ge [sflag:s2], $0x80  }
0x115: {  	[sflag:s2] =	ssyncset.done $0x0  }
0x116: {  	[sflag:s2] =	ssyncadd.s32 $0xFFFFFF80  }
0x117: {  	_ =	swait.ge [sflag:s2], $0x80  }
0x118: {  	[sflag:s2] =	ssyncset.done $0x0  }
0x119: {  	[sflag:s2] =	ssyncadd.s32 $0xFFFFFF80  }
0x11a: {  	_ =	swait.ge [sflag:s2], $0x80  }
0x11b: {  	[sflag:s2] =	ssyncset.done $0x0  }
0x11c: {  	[sflag:s2] =	ssyncadd.s32 $0xFFFFFF80  }
0x11d: {  	_ =	swait.ge [sflag:s2], $0x80  }
0x11e: {  	[sflag:s2] =	ssyncset.done $0x0  }
0x11f: {  	[sflag:s2] =	ssyncadd.s32 $0xFFFFFF80  }
0x120: {  	_ =	swait.ge [sflag:s2], $0x80  }
0x121: {  	[sflag:s2] =	ssyncset.done $0x0  }
0x122: {  	[sflag:s2] =	ssyncadd.s32 $0xFFFFFF80  }
0x123: {  	_ =	swait.ge [sflag:s2], $0x80  }
0x124: {  	[sflag:s2] =	ssyncset.done $0x0  }
0x125: {  	[sflag:s2] =	ssyncadd.s32 $0xFFFFFF80  }
0x126: {  	_ =	swait.ge [sflag:s2], $0x80  }
0x127: {  	[sflag:s2] =	ssyncset.done $0x0  }
0x128: {  	[sflag:s2] =	ssyncadd.s32 $0xFFFFFF80  }
0x129: {  	_ =	swait.ge [sflag:s2], $0x80  }
0x12a: {  	[sflag:s2] =	ssyncset.done $0x0  }
0x12b: {  	[sflag:s2] =	ssyncadd.s32 $0xFFFFFF80  }
0x12c: {  	_ =	swait.ge [sflag:s2], $0x80  }
0x12d: {  	[sflag:s2] =	ssyncset.done $0x0  }
0x12e: {  	[sflag:s2] =	ssyncadd.s32 $0xFFFFFF80  }
0x12f: {  	_ =	swait.ge [sflag:s2], $0x80  }
0x130: {  	[sflag:s2] =	ssyncset.done $0x0  }
0x131: {  	[sflag:s2] =	ssyncadd.s32 $0xFFFFFF80  }
0x132: {  	_ =	swait.ge [sflag:s2], $0x80  }
0x133: {  	[sflag:s2] =	ssyncset.done $0x0  }
0x134: {  	[sflag:s2] =	ssyncadd.s32 $0xFFFFFF80  }
0x135: {  	_ =	swait.ge [sflag:s2], $0x80  }
0x136: {  	[sflag:s2] =	ssyncset.done $0x0  }
0x137: {  	[sflag:s2] =	ssyncadd.s32 $0xFFFFFF80  }
0x138: {  	_ =	swait.ge [sflag:s2], $0x80  }
0x139: {  	[sflag:s2] =	ssyncset.done $0x0  }
0x13a: {  	[sflag:s2] =	ssyncadd.s32 $0xFFFFFF80  }
0x13b: {  	_ =	swait.ge [sflag:s2], $0x80  }
0x13c: {  	[sflag:s2] =	ssyncset.done $0x0  }
0x13d: {  	[sflag:s2] =	ssyncadd.s32 $0xFFFFFF80  }
0x13e: {  	_ =	swait.ge [sflag:s2], $0x80  }
0x13f: {  	[sflag:s2] =	ssyncset.done $0x0  }
0x140: {  	[sflag:s2] =	ssyncadd.s32 $0xFFFFFF80  }
0x141: {  	_ =	swait.ge [sflag:s2], $0x80  }
0x142: {  	[sflag:s2] =	ssyncset.done $0x0  }
0x143: {  	[sflag:s2] =	ssyncadd.s32 $0xFFFFFF80  }
0x144: {  	_ =	swait.ge [sflag:s2], $0x80  }
0x145: {  	[sflag:s2] =	ssyncset.done $0x0  }
0x146: {  	[sflag:s2] =	ssyncadd.s32 $0xFFFFFF80  }
0x147: {  	_ =	swait.ge [sflag:s2], $0x80  }
0x148: {  	[sflag:s2] =	ssyncset.done $0x0  }
0x149: {  	[sflag:s2] =	ssyncadd.s32 $0xFFFFFF80  }
0x14a: {  	_ =	swait.ge [sflag:s2], $0x80  }
0x14b: {  	[sflag:s2] =	ssyncset.done $0x0  }
0x14c: {  	[sflag:s2] =	ssyncadd.s32 $0xFFFFFF80  }
0x14d: {  	_ =	swait.ge [sflag:s2], $0x80  }
0x14e: {  	[sflag:s2] =	ssyncset.done $0x0  }
0x14f: {  	[sflag:s2] =	ssyncadd.s32 $0xFFFFFF80  }
0x150: {  	_ =	swait.ge [sflag:s2], $0x80  }
0x151: {  	[sflag:s2] =	ssyncset.done $0x0  }
0x152: {  	[sflag:s2] =	ssyncadd.s32 $0xFFFFFF80  }
0x153: {  	_ =	swait.ge [sflag:s2], $0x80  }
0x154: {  	[sflag:s2] =	ssyncset.done $0x0  }
0x155: {  	[sflag:s2] =	ssyncadd.s32 $0xFFFFFF80  }
0x156: {  	_ =	swait.ge [sflag:s2], $0x80  }
0x157: {  	[sflag:s2] =	ssyncset.done $0x0  }
0x158: {  	[sflag:s2] =	ssyncadd.s32 $0xFFFFFF80  }
0x159: {  	_ =	strace $0x9000004F  }
0x15a: {  	[bflag:$0x0] =	sbarrier.arrive $0xFFFF  }
0x15b: {  	s3 =	simm.s32 @p0 $0x0;
	_ =	strace $0x80000050  }
0x15c: {  	[tilespmem:s3], [sflag:$0x3] =	stream.linear.gather @p0 [spmem:s5], $0x1810, $0x200038;
	[tilespmem:$0x4170] =	vst v63  }
0x15d: {  	_ =	swait.ge @p0 [sflag:s6], $0x1810  }
0x15e: {  	s30 =	sld [smem:$0x7FB]  }
0x15f: {  	[sflag:s6] =	ssyncset.done @p0 $0x0  }
0x160: {  	[sflag:s6] =	ssyncadd.s32 @p0 $0xFFFFE7F0  }
0x161: {  	[hbm4b:s30+s3] =	stream.linear.scatter @p0 [tilespmem:s3], [sflag:$0x3], $0x1810, $0x200038;
	[tilespmem:$0x4170] =	vst v63  }
0x162: {  	_ =	swait.ge @p0 [sflag:s6], $0x1810  }
0x163: {  	[sflag:s6] =	ssyncset.done @p0 $0x0  }
0x164: {  	[sflag:s6] =	ssyncadd.s32 @p0 $0xFFFFE7F0;
	s6 =	sld [smem:$0x7F7];
	_ =	sdelay $0x1  }
0x165: {  	s7 =	simm.s32 @!p0 $0x0  }
0x166: {  	[tilespmem:s7], [sflag:$0x3] =	stream.linear.gather @!p0 [spmem:s6], $0x1870, $0x200038;
	[tilespmem:$0x4170] =	vst v63  }
0x167: {  	_ =	swait.ge @!p0 [sflag:s4], $0x1870  }
0x168: {  	s6 =	sld [smem:$0x7FA]  }
0x169: {  	[sflag:s4] =	ssyncset.done @!p0 $0x0  }
0x16a: {  	[sflag:s4] =	ssyncadd.s32 @!p0 $0xFFFFE790  }
0x16b: {  	[hbm4b:s6+s7] =	stream.linear.scatter @!p0 [tilespmem:s7], [sflag:$0x3], $0x1870, $0x200038;
	[tilespmem:$0x4170] =	vst v63  }
0x16c: {  	_ =	swait.ge @!p0 [sflag:s4], $0x1870  }
0x16d: {  	[sflag:s4] =	ssyncset.done @!p0 $0x0  }
0x16e: {  	[sflag:s4] =	ssyncadd.s32 @!p0 $0xFFFFE790  }
0x16f: {  	_ =	strace $0x90000050  }
.LBB2_6:
0x170: {  	s4 =	sld [smem:$0x7FC];
	_ =	sdelay $0x1  }
0x171: {  	s8 =	sadd.s32 $0x1, s8  }
0x172: {  	p2 =	sne.s32 s8, s4  }
.Ltmp1:
0x173: {  	_ = 	snop;
	(pc) =	sbr.rel @!p2 .LBB2_7-.Ltmp1, $1  }
0x174: {  	_ =	sdelay $0x3  }
.LBB2_1:
0x175: {  	_ =	strace $0x80000048;
	s4 =	simm.s32 $0x40;
	s5 =	simm.s32 $0x0  }
.LBB2_2:
0x176: {  	p2 =	sne.s32 s4, $0x6180;
	[tilespmem:s5+$0x0] =	vst v0;
	s5 =	smov.u32 s4;
	s4 =	sadd.s32 $0x40, s4  }
.Ltmp2:
0x177: {  	(pc) =	sbr.rel @p2 .LBB2_2-.Ltmp2, $2  }
0x178: {  	_ =	sdelay $0x2  }
0x179: {  	s5 =	sshra.s32 s5, $0x2  }
0x17a: {  	[tilespmem:s5+$0x0] =	vst v0  }
0x17b: {  	[tilespmem:$0x2880] =	vst v1  }
0x17c: {  	[tilespmem:$0x2890] =	vst v1  }
0x17d: {  	[tilespmem:$0x28A0] =	vst v1  }
0x17e: {  	[tilespmem:$0x28B0] =	vst v1  }
.Ltmp3:
0x17f: {  	[tilespmem:$0x28C0] =	vst v1;
	(pc) =	sbr.rel @p1 .LBB2_5-.Ltmp3, $4  }
0x180: {  	[tilespmem:$0x28D0] =	vst v1  }
0x181: {  	[tilespmem:$0x28E0] =	vst v1  }
0x182: {  	[tilespmem:$0x28F0] =	vst v1  }
0x183: {  	_ =	strace $0x90000048  }
0x184: {  	s4 =	rddreg [dreg:$0x6];
	s30 =	simm.s32 $0x1880  }
0x185: {  	[tilespmem:s30], [sflag:$0x1] =	stream.linear.gather [hbm4b:s4+s1], $0x80, $0x38;
	[tilespmem:$0x4170] =	vst v63  }
0x186: {  	s10 =	rddreg [dreg:$0x7];
	s7 =	simm.s32 $0x1900  }
0x187: {  	[tilespmem:s7], [sflag:$0x1] =	stream.linear.gather [hbm4b:s10+s1], $0x80, $0x38;
	[tilespmem:$0x4170] =	vst v63  }
0x188: {  	s11 =	rddreg [dreg:$0x8];
	s9 =	simm.s32 $0x1980  }
0x189: {  	[tilespmem:s9], [sflag:$0x1] =	stream.linear.gather [hbm4b:s11+s1], $0x80, $0x38;
	[tilespmem:$0x4170] =	vst v63  }
0x18a: {  	s12 =	rddreg [dreg:$0x9];
	s10 =	simm.s32 $0x1A00  }
0x18b: {  	[tilespmem:s10], [sflag:$0x1] =	stream.linear.gather [hbm4b:s12+s1], $0x80, $0x38;
	[tilespmem:$0x4170] =	vst v63  }
0x18c: {  	s13 =	rddreg [dreg:$0xa];
	s11 =	simm.s32 $0x1A80  }
0x18d: {  	[tilespmem:s11], [sflag:$0x1] =	stream.linear.gather [hbm4b:s13+s1], $0x80, $0x38;
	[tilespmem:$0x4170] =	vst v63  }
0x18e: {  	s14 =	rddreg [dreg:$0xb];
	s12 =	simm.s32 $0x1B00  }
0x18f: {  	[tilespmem:s12], [sflag:$0x1] =	stream.linear.gather [hbm4b:s14+s1], $0x80, $0x38;
	[tilespmem:$0x4170] =	vst v63  }
0x190: {  	s15 =	rddreg [dreg:$0xc];
	s13 =	simm.s32 $0x1B80  }
0x191: {  	[tilespmem:s13], [sflag:$0x1] =	stream.linear.gather [hbm4b:s15+s1], $0x80, $0x38;
	[tilespmem:$0x4170] =	vst v63  }
0x192: {  	s16 =	rddreg [dreg:$0xd];
	s14 =	simm.s32 $0x1C00  }
0x193: {  	[tilespmem:s14], [sflag:$0x1] =	stream.linear.gather [hbm4b:s16+s1], $0x80, $0x38;
	[tilespmem:$0x4170] =	vst v63  }
0x194: {  	s17 =	rddreg [dreg:$0xe];
	s15 =	simm.s32 $0x1C80  }
0x195: {  	[tilespmem:s15], [sflag:$0x1] =	stream.linear.gather [hbm4b:s17+s1], $0x80, $0x38;
	[tilespmem:$0x4170] =	vst v63  }
0x196: {  	s18 =	rddreg [dreg:$0xf];
	s16 =	simm.s32 $0x1D00  }
0x197: {  	[tilespmem:s16], [sflag:$0x1] =	stream.linear.gather [hbm4b:s18+s1], $0x80, $0x38;
	[tilespmem:$0x4170] =	vst v63  }
0x198: {  	s19 =	rddreg [dreg:$0x10];
	s17 =	simm.s32 $0x1D80  }
0x199: {  	[tilespmem:s17], [sflag:$0x1] =	stream.linear.gather [hbm4b:s19+s1], $0x80, $0x38;
	[tilespmem:$0x4170] =	vst v63  }
0x19a: {  	s21 =	rddreg [dreg:$0x11];
	s18 =	simm.s32 $0x1E00  }
0x19b: {  	[tilespmem:s18], [sflag:$0x1] =	stream.linear.gather [hbm4b:s21+s1], $0x80, $0x38;
	[tilespmem:$0x4170] =	vst v63  }
0x19c: {  	s22 =	rddreg [dreg:$0x12];
	s19 =	simm.s32 $0x1E80  }
0x19d: {  	[tilespmem:s19], [sflag:$0x1] =	stream.linear.gather [hbm4b:s22+s1], $0x80, $0x38;
	[tilespmem:$0x4170] =	vst v63  }
0x19e: {  	s25 =	rddreg [dreg:$0x13];
	s21 =	simm.s32 $0x1F00  }
0x19f: {  	[tilespmem:s21], [sflag:$0x1] =	stream.linear.gather [hbm4b:s25+s1], $0x80, $0x38;
	[tilespmem:$0x4170] =	vst v63  }
0x1a0: {  	s26 =	rddreg [dreg:$0x14];
	s22 =	simm.s32 $0x1F80  }
0x1a1: {  	[tilespmem:s22], [sflag:$0x1] =	stream.linear.gather [hbm4b:s26+s1], $0x80, $0x38;
	[tilespmem:$0x4170] =	vst v63  }
0x1a2: {  	s28 =	rddreg [dreg:$0x15];
	s25 =	simm.s32 $0x2000  }
0x1a3: {  	[tilespmem:s25], [sflag:$0x1] =	stream.linear.gather [hbm4b:s28+s1], $0x80, $0x38;
	[tilespmem:$0x4170] =	vst v63  }
0x1a4: {  	s29 =	rddreg [dreg:$0x16];
	s26 =	simm.s32 $0x2080  }
0x1a5: {  	[tilespmem:s26], [sflag:$0x1] =	stream.linear.gather [hbm4b:s29+s1], $0x80, $0x38;
	[tilespmem:$0x4170] =	vst v63  }
0x1a6: {  	s31 =	rddreg [dreg:$0x17];
	s28 =	simm.s32 $0x2100  }
0x1a7: {  	[tilespmem:s28], [sflag:$0x1] =	stream.linear.gather [hbm4b:s31+s1], $0x80, $0x38;
	[tilespmem:$0x4170] =	vst v63  }
0x1a8: {  	s3 =	rddreg [dreg:$0x18];
	s29 =	simm.s32 $0x2180  }
0x1a9: {  	[tilespmem:s29], [sflag:$0x1] =	stream.linear.gather [hbm4b:s3+s1], $0x80, $0x38;
	[tilespmem:$0x4170] =	vst v63  }
0x1aa: {  	s5 =	rddreg [dreg:$0x19];
	s31 =	simm.s32 $0x2200  }
0x1ab: {  	[tilespmem:s31], [sflag:$0x1] =	stream.linear.gather [hbm4b:s5+s1], $0x80, $0x38;
	[tilespmem:$0x4170] =	vst v63  }
0x1ac: {  	s6 =	rddreg [dreg:$0x1a];
	s3 =	simm.s32 $0x2280  }
0x1ad: {  	[tilespmem:s3], [sflag:$0x1] =	stream.linear.gather [hbm4b:s6+s1], $0x80, $0x38;
	[tilespmem:$0x4170] =	vst v63  }
0x1ae: {  	s5 =	rddreg [dreg:$0x1b];
	s6 =	simm.s32 $0x2300  }
0x1af: {  	[tilespmem:s6], [sflag:$0x1] =	stream.linear.gather [hbm4b:s5+s1], $0x80, $0x38;
	[tilespmem:$0x4170] =	vst v63  }
0x1b0: {  	s5 =	rddreg [dreg:$0x1c];
	s6 =	simm.s32 $0x2380  }
0x1b1: {  	[tilespmem:s6], [sflag:$0x1] =	stream.linear.gather [hbm4b:s5+s1], $0x80, $0x38;
	[tilespmem:$0x4170] =	vst v63  }
0x1b2: {  	s5 =	rddreg [dreg:$0x1d];
	s6 =	simm.s32 $0x2400  }
0x1b3: {  	[tilespmem:s6], [sflag:$0x1] =	stream.linear.gather [hbm4b:s5+s1], $0x80, $0x38;
	[tilespmem:$0x4170] =	vst v63  }
0x1b4: {  	s5 =	rddreg [dreg:$0x1e];
	s6 =	simm.s32 $0x2480  }
0x1b5: {  	[tilespmem:s6], [sflag:$0x1] =	stream.linear.gather [hbm4b:s5+s1], $0x80, $0x38;
	[tilespmem:$0x4170] =	vst v63  }
0x1b6: {  	_ =	strace $0x80000049  }
0x1b7: {  	s5 =	sld [smem:$0x7FD];
	_ =	sdelay $0x1  }
0x1b8: {  	s3 =	simm.s32 @p0 $0x0;
	s6 =	simm.s32 @p0 $0x3  }
0x1b9: {  	[spmem:s5] =	stream.linear.scatter @p0 [tilespmem:s3], [sflag:$0x3], $0x1810, $0x200038;
	[tilespmem:$0x4170] =	vst v63  }
0x1ba: {  	_ =	swait.ge @p0 [sflag:s6], $0x1810  }
0x1bb: {  	s4 =	sld [smem:$0x7F6]  }
0x1bc: {  	[sflag:s6] =	ssyncset.done @p0 $0x0  }
0x1bd: {  	s3 =	simm.s32 @!p0 $0x0;
	[sflag:s6] =	ssyncadd.s32 @p0 $0xFFFFE7F0  }
0x1be: {  	[spmem:s4] =	stream.linear.scatter @!p0 [tilespmem:s3], [sflag:$0x3], $0x1870, $0x200038;
	[tilespmem:$0x4170] =	vst v63  }
0x1bf: {  	s4 =	simm.s32 @!p0 $0x3  }
0x1c0: {  	_ =	swait.ge @!p0 [sflag:s4], $0x1870  }
0x1c1: {  	[sflag:s4] =	ssyncset.done @!p0 $0x0  }
0x1c2: {  	[sflag:s4] =	ssyncadd.s32 @!p0 $0xFFFFE790  }
0x1c3: {  	_ =	strace $0x90000049  }
0x1c4: {  	_ =	strace $0x8000004A  }
0x1c5: {  	[bflag:$0x0] =	sbarrier.arrive $0xFFFF  }
0x1c6: {  	_ =	swait.ge [sflag:s23], $0x80  }
0x1c7: {  	[sflag:s23] =	ssyncset.done $0x0  }
0x1c8: {  	[sflag:s23] =	ssyncadd.s32 $0xFFFFFF80  }
0x1c9: {  	_ =	swait.ge [sflag:s23], $0x80  }
0x1ca: {  	[sflag:s23] =	ssyncset.done $0x0  }
0x1cb: {  	[sflag:s23] =	ssyncadd.s32 $0xFFFFFF80  }
0x1cc: {  	_ =	swait.ge [sflag:s23], $0x80  }
0x1cd: {  	[sflag:s23] =	ssyncset.done $0x0  }
0x1ce: {  	[sflag:s23] =	ssyncadd.s32 $0xFFFFFF80  }
0x1cf: {  	_ =	swait.ge [sflag:s23], $0x80  }
0x1d0: {  	[sflag:s23] =	ssyncset.done $0x0  }
0x1d1: {  	[sflag:s23] =	ssyncadd.s32 $0xFFFFFF80  }
0x1d2: {  	_ =	swait.ge [sflag:s23], $0x80  }
0x1d3: {  	[sflag:s23] =	ssyncset.done $0x0  }
0x1d4: {  	[sflag:s23] =	ssyncadd.s32 $0xFFFFFF80  }
0x1d5: {  	_ =	swait.ge [sflag:s23], $0x80  }
0x1d6: {  	[sflag:s23] =	ssyncset.done $0x0  }
0x1d7: {  	[sflag:s23] =	ssyncadd.s32 $0xFFFFFF80  }
0x1d8: {  	_ =	swait.ge [sflag:s23], $0x80  }
0x1d9: {  	[sflag:s23] =	ssyncset.done $0x0  }
0x1da: {  	[sflag:s23] =	ssyncadd.s32 $0xFFFFFF80  }
0x1db: {  	_ =	swait.ge [sflag:s23], $0x80  }
0x1dc: {  	[sflag:s23] =	ssyncset.done $0x0  }
0x1dd: {  	[sflag:s23] =	ssyncadd.s32 $0xFFFFFF80  }
0x1de: {  	_ =	swait.ge [sflag:s23], $0x80  }
0x1df: {  	[sflag:s23] =	ssyncset.done $0x0  }
0x1e0: {  	[sflag:s23] =	ssyncadd.s32 $0xFFFFFF80  }
0x1e1: {  	_ =	swait.ge [sflag:s23], $0x80  }
0x1e2: {  	[sflag:s23] =	ssyncset.done $0x0  }
0x1e3: {  	[sflag:s23] =	ssyncadd.s32 $0xFFFFFF80  }
0x1e4: {  	_ =	swait.ge [sflag:s23], $0x80  }
0x1e5: {  	[sflag:s23] =	ssyncset.done $0x0  }
0x1e6: {  	[sflag:s23] =	ssyncadd.s32 $0xFFFFFF80  }
0x1e7: {  	_ =	swait.ge [sflag:s23], $0x80  }
0x1e8: {  	[sflag:s23] =	ssyncset.done $0x0  }
0x1e9: {  	[sflag:s23] =	ssyncadd.s32 $0xFFFFFF80  }
0x1ea: {  	_ =	swait.ge [sflag:s23], $0x80  }
0x1eb: {  	[sflag:s23] =	ssyncset.done $0x0  }
0x1ec: {  	[sflag:s23] =	ssyncadd.s32 $0xFFFFFF80  }
0x1ed: {  	_ =	swait.ge [sflag:s23], $0x80  }
0x1ee: {  	[sflag:s23] =	ssyncset.done $0x0  }
0x1ef: {  	[sflag:s23] =	ssyncadd.s32 $0xFFFFFF80  }
0x1f0: {  	_ =	swait.ge [sflag:s23], $0x80  }
0x1f1: {  	[sflag:s23] =	ssyncset.done $0x0  }
0x1f2: {  	[sflag:s23] =	ssyncadd.s32 $0xFFFFFF80  }
0x1f3: {  	_ =	swait.ge [sflag:s23], $0x80  }
0x1f4: {  	[sflag:s23] =	ssyncset.done $0x0  }
0x1f5: {  	[sflag:s23] =	ssyncadd.s32 $0xFFFFFF80  }
0x1f6: {  	_ =	swait.ge [sflag:s23], $0x80  }
0x1f7: {  	[sflag:s23] =	ssyncset.done $0x0  }
0x1f8: {  	[sflag:s23] =	ssyncadd.s32 $0xFFFFFF80  }
0x1f9: {  	_ =	swait.ge [sflag:s23], $0x80  }
0x1fa: {  	[sflag:s23] =	ssyncset.done $0x0  }
0x1fb: {  	[sflag:s23] =	ssyncadd.s32 $0xFFFFFF80  }
0x1fc: {  	_ =	swait.ge [sflag:s23], $0x80  }
0x1fd: {  	[sflag:s23] =	ssyncset.done $0x0  }
0x1fe: {  	[sflag:s23] =	ssyncadd.s32 $0xFFFFFF80  }
0x1ff: {  	_ =	swait.ge [sflag:s23], $0x80  }
0x200: {  	[sflag:s23] =	ssyncset.done $0x0  }
0x201: {  	[sflag:s23] =	ssyncadd.s32 $0xFFFFFF80  }
0x202: {  	_ =	swait.ge [sflag:s23], $0x80  }
0x203: {  	[sflag:s23] =	ssyncset.done $0x0  }
0x204: {  	[sflag:s23] =	ssyncadd.s32 $0xFFFFFF80  }
0x205: {  	_ =	swait.ge [sflag:s23], $0x80  }
0x206: {  	[sflag:s23] =	ssyncset.done $0x0  }
0x207: {  	[sflag:s23] =	ssyncadd.s32 $0xFFFFFF80  }
0x208: {  	_ =	swait.ge [sflag:s23], $0x80  }
0x209: {  	[sflag:s23] =	ssyncset.done $0x0  }
0x20a: {  	[sflag:s23] =	ssyncadd.s32 $0xFFFFFF80  }
0x20b: {  	_ =	swait.ge [sflag:s23], $0x80  }
0x20c: {  	[sflag:s23] =	ssyncset.done $0x0  }
0x20d: {  	[sflag:s23] =	ssyncadd.s32 $0xFFFFFF80  }
0x20e: {  	_ =	swait.ge [sflag:s23], $0x80  }
0x20f: {  	[sflag:s23] =	ssyncset.done $0x0  }
0x210: {  	[sflag:s23] =	ssyncadd.s32 $0xFFFFFF80  }
0x211: {  	_ =	strace $0x9000004A  }
0x212: {  	_ =	strace $0x8000004B  }
0x213: {  	[spmem:s20] =	stream.indirect.scatter [tilespmem:s24], [sflag:$0x2], $0x1, s30, s0, $0x2000b8;
	[tilespmem:$0x4170] =	vst v63  }
0x214: {  	_ = 	snop  }
0x215: {  	[spmem:s20] =	stream.indirect.scatter [tilespmem:s24], [sflag:$0x2], $0x1, s7, s0, $0x2000b8;
	[tilespmem:$0x4170] =	vst v63  }
0x216: {  	_ = 	snop  }
0x217: {  	[spmem:s20] =	stream.indirect.scatter [tilespmem:s24], [sflag:$0x2], $0x1, s9, s0, $0x2000b8;
	[tilespmem:$0x4170] =	vst v63  }
0x218: {  	_ = 	snop  }
0x219: {  	[spmem:s20] =	stream.indirect.scatter [tilespmem:s24], [sflag:$0x2], $0x1, s10, s0, $0x2000b8;
	[tilespmem:$0x4170] =	vst v63  }
0x21a: {  	_ = 	snop  }
0x21b: {  	[spmem:s20] =	stream.indirect.scatter [tilespmem:s24], [sflag:$0x2], $0x1, s11, s0, $0x2000b8;
	[tilespmem:$0x4170] =	vst v63  }
0x21c: {  	_ = 	snop  }
0x21d: {  	[spmem:s20] =	stream.indirect.scatter [tilespmem:s24], [sflag:$0x2], $0x1, s12, s0, $0x2000b8;
	[tilespmem:$0x4170] =	vst v63  }
0x21e: {  	_ = 	snop  }
0x21f: {  	[spmem:s20] =	stream.indirect.scatter [tilespmem:s24], [sflag:$0x2], $0x1, s13, s0, $0x2000b8;
	[tilespmem:$0x4170] =	vst v63  }
0x220: {  	_ = 	snop  }
0x221: {  	[spmem:s20] =	stream.indirect.scatter [tilespmem:s24], [sflag:$0x2], $0x1, s14, s0, $0x2000b8;
	[tilespmem:$0x4170] =	vst v63  }
0x222: {  	_ = 	snop  }
0x223: {  	[spmem:s20] =	stream.indirect.scatter [tilespmem:s24], [sflag:$0x2], $0x1, s15, s0, $0x2000b8;
	[tilespmem:$0x4170] =	vst v63  }
0x224: {  	_ = 	snop  }
0x225: {  	[spmem:s20] =	stream.indirect.scatter [tilespmem:s24], [sflag:$0x2], $0x1, s16, s0, $0x2000b8;
	[tilespmem:$0x4170] =	vst v63  }
0x226: {  	_ = 	snop  }
0x227: {  	[spmem:s20] =	stream.indirect.scatter [tilespmem:s24], [sflag:$0x2], $0x1, s17, s0, $0x2000b8;
	[tilespmem:$0x4170] =	vst v63  }
0x228: {  	_ = 	snop  }
0x229: {  	[spmem:s20] =	stream.indirect.scatter [tilespmem:s24], [sflag:$0x2], $0x1, s18, s0, $0x2000b8;
	[tilespmem:$0x4170] =	vst v63  }
0x22a: {  	_ = 	snop  }
0x22b: {  	[spmem:s20] =	stream.indirect.scatter [tilespmem:s24], [sflag:$0x2], $0x1, s19, s0, $0x2000b8;
	[tilespmem:$0x4170] =	vst v63  }
0x22c: {  	_ = 	snop  }
0x22d: {  	[spmem:s20] =	stream.indirect.scatter [tilespmem:s24], [sflag:$0x2], $0x1, s21, s0, $0x2000b8;
	[tilespmem:$0x4170] =	vst v63  }
0x22e: {  	_ = 	snop  }
0x22f: {  	[spmem:s20] =	stream.indirect.scatter [tilespmem:s24], [sflag:$0x2], $0x1, s22, s0, $0x2000b8;
	[tilespmem:$0x4170] =	vst v63  }
0x230: {  	_ = 	snop  }
0x231: {  	[spmem:s20] =	stream.indirect.scatter [tilespmem:s24], [sflag:$0x2], $0x1, s25, s0, $0x2000b8;
	[tilespmem:$0x4170] =	vst v63  }
0x232: {  	_ = 	snop  }
0x233: {  	[spmem:s20] =	stream.indirect.scatter [tilespmem:s24], [sflag:$0x2], $0x1, s26, s0, $0x2000b8;
	[tilespmem:$0x4170] =	vst v63  }
0x234: {  	_ = 	snop  }
0x235: {  	[spmem:s20] =	stream.indirect.scatter [tilespmem:s24], [sflag:$0x2], $0x1, s28, s0, $0x2000b8;
	[tilespmem:$0x4170] =	vst v63  }
0x236: {  	_ = 	snop  }
0x237: {  	[spmem:s20] =	stream.indirect.scatter [tilespmem:s24], [sflag:$0x2], $0x1, s29, s0, $0x2000b8;
	[tilespmem:$0x4170] =	vst v63  }
0x238: {  	_ = 	snop  }
0x239: {  	[spmem:s20] =	stream.indirect.scatter [tilespmem:s24], [sflag:$0x2], $0x1, s31, s0, $0x2000b8;
	[tilespmem:$0x4170] =	vst v63  }
0x23a: {  	s26 =	simm.s32 $0x2280  }
0x23b: {  	[spmem:s20] =	stream.indirect.scatter [tilespmem:s24], [sflag:$0x2], $0x1, s26, s0, $0x2000b8;
	[tilespmem:$0x4170] =	vst v63  }
0x23c: {  	s28 =	simm.s32 $0x2300  }
0x23d: {  	[spmem:s20] =	stream.indirect.scatter [tilespmem:s24], [sflag:$0x2], $0x1, s28, s0, $0x2000b8;
	[tilespmem:$0x4170] =	vst v63  }
0x23e: {  	s29 =	simm.s32 $0x2380  }
0x23f: {  	[spmem:s20] =	stream.indirect.scatter [tilespmem:s24], [sflag:$0x2], $0x1, s29, s0, $0x2000b8;
	[tilespmem:$0x4170] =	vst v63  }
0x240: {  	s30 =	simm.s32 $0x2400  }
0x241: {  	[spmem:s20] =	stream.indirect.scatter [tilespmem:s24], [sflag:$0x2], $0x1, s30, s0, $0x2000b8;
	[tilespmem:$0x4170] =	vst v63  }
0x242: {  	s31 =	simm.s32 $0x2480  }
0x243: {  	[spmem:s20] =	stream.indirect.scatter [tilespmem:s24], [sflag:$0x2], $0x1, s31, s0, $0x2000b8;
	[tilespmem:$0x4170] =	vst v63  }
0x244: {  	_ =	swait.ge [sflag:s2], $0x80  }
0x245: {  	[sflag:s2] =	ssyncset.done $0x0  }
0x246: {  	[sflag:s2] =	ssyncadd.s32 $0xFFFFFF80  }
0x247: {  	_ =	swait.ge [sflag:s2], $0x80  }
0x248: {  	[sflag:s2] =	ssyncset.done $0x0  }
0x249: {  	[sflag:s2] =	ssyncadd.s32 $0xFFFFFF80  }
0x24a: {  	_ =	swait.ge [sflag:s2], $0x80  }
0x24b: {  	[sflag:s2] =	ssyncset.done $0x0  }
0x24c: {  	[sflag:s2] =	ssyncadd.s32 $0xFFFFFF80  }
0x24d: {  	_ =	swait.ge [sflag:s2], $0x80  }
0x24e: {  	[sflag:s2] =	ssyncset.done $0x0  }
0x24f: {  	[sflag:s2] =	ssyncadd.s32 $0xFFFFFF80  }
0x250: {  	_ =	swait.ge [sflag:s2], $0x80  }
0x251: {  	[sflag:s2] =	ssyncset.done $0x0  }
0x252: {  	[sflag:s2] =	ssyncadd.s32 $0xFFFFFF80  }
0x253: {  	_ =	swait.ge [sflag:s2], $0x80  }
0x254: {  	[sflag:s2] =	ssyncset.done $0x0  }
0x255: {  	[sflag:s2] =	ssyncadd.s32 $0xFFFFFF80  }
0x256: {  	_ =	swait.ge [sflag:s2], $0x80  }
0x257: {  	[sflag:s2] =	ssyncset.done $0x0  }
0x258: {  	[sflag:s2] =	ssyncadd.s32 $0xFFFFFF80  }
0x259: {  	_ =	swait.ge [sflag:s2], $0x80  }
0x25a: {  	[sflag:s2] =	ssyncset.done $0x0  }
0x25b: {  	[sflag:s2] =	ssyncadd.s32 $0xFFFFFF80  }
0x25c: {  	_ =	swait.ge [sflag:s2], $0x80  }
0x25d: {  	[sflag:s2] =	ssyncset.done $0x0  }
0x25e: {  	[sflag:s2] =	ssyncadd.s32 $0xFFFFFF80  }
0x25f: {  	_ =	swait.ge [sflag:s2], $0x80  }
0x260: {  	[sflag:s2] =	ssyncset.done $0x0  }
0x261: {  	[sflag:s2] =	ssyncadd.s32 $0xFFFFFF80  }
0x262: {  	_ =	swait.ge [sflag:s2], $0x80  }
0x263: {  	[sflag:s2] =	ssyncset.done $0x0  }
0x264: {  	[sflag:s2] =	ssyncadd.s32 $0xFFFFFF80  }
0x265: {  	_ =	swait.ge [sflag:s2], $0x80  }
0x266: {  	[sflag:s2] =	ssyncset.done $0x0  }
0x267: {  	[sflag:s2] =	ssyncadd.s32 $0xFFFFFF80  }
0x268: {  	_ =	swait.ge [sflag:s2], $0x80  }
0x269: {  	[sflag:s2] =	ssyncset.done $0x0  }
0x26a: {  	[sflag:s2] =	ssyncadd.s32 $0xFFFFFF80  }
0x26b: {  	_ =	swait.ge [sflag:s2], $0x80  }
0x26c: {  	[sflag:s2] =	ssyncset.done $0x0  }
0x26d: {  	[sflag:s2] =	ssyncadd.s32 $0xFFFFFF80  }
0x26e: {  	_ =	swait.ge [sflag:s2], $0x80  }
0x26f: {  	[sflag:s2] =	ssyncset.done $0x0  }
0x270: {  	[sflag:s2] =	ssyncadd.s32 $0xFFFFFF80  }
0x271: {  	_ =	swait.ge [sflag:s2], $0x80  }
0x272: {  	[sflag:s2] =	ssyncset.done $0x0  }
0x273: {  	[sflag:s2] =	ssyncadd.s32 $0xFFFFFF80  }
0x274: {  	_ =	swait.ge [sflag:s2], $0x80  }
0x275: {  	[sflag:s2] =	ssyncset.done $0x0  }
0x276: {  	[sflag:s2] =	ssyncadd.s32 $0xFFFFFF80  }
0x277: {  	_ =	swait.ge [sflag:s2], $0x80  }
0x278: {  	[sflag:s2] =	ssyncset.done $0x0  }
0x279: {  	[sflag:s2] =	ssyncadd.s32 $0xFFFFFF80  }
0x27a: {  	_ =	swait.ge [sflag:s2], $0x80  }
0x27b: {  	[sflag:s2] =	ssyncset.done $0x0  }
0x27c: {  	[sflag:s2] =	ssyncadd.s32 $0xFFFFFF80  }
0x27d: {  	_ =	swait.ge [sflag:s2], $0x80  }
0x27e: {  	[sflag:s2] =	ssyncset.done $0x0  }
0x27f: {  	[sflag:s2] =	ssyncadd.s32 $0xFFFFFF80  }
0x280: {  	_ =	swait.ge [sflag:s2], $0x80  }
0x281: {  	[sflag:s2] =	ssyncset.done $0x0  }
0x282: {  	[sflag:s2] =	ssyncadd.s32 $0xFFFFFF80  }
0x283: {  	_ =	swait.ge [sflag:s2], $0x80  }
0x284: {  	[sflag:s2] =	ssyncset.done $0x0  }
0x285: {  	[sflag:s2] =	ssyncadd.s32 $0xFFFFFF80  }
0x286: {  	_ =	swait.ge [sflag:s2], $0x80  }
0x287: {  	[sflag:s2] =	ssyncset.done $0x0  }
0x288: {  	[sflag:s2] =	ssyncadd.s32 $0xFFFFFF80  }
0x289: {  	_ =	swait.ge [sflag:s2], $0x80  }
0x28a: {  	[sflag:s2] =	ssyncset.done $0x0  }
0x28b: {  	[sflag:s2] =	ssyncadd.s32 $0xFFFFFF80  }
0x28c: {  	_ =	swait.ge [sflag:s2], $0x80  }
0x28d: {  	[sflag:s2] =	ssyncset.done $0x0  }
0x28e: {  	[sflag:s2] =	ssyncadd.s32 $0xFFFFFF80  }
0x28f: {  	_ =	strace $0x9000004B  }
0x290: {  	[bflag:$0x0] =	sbarrier.arrive $0xFFFF  }
0x291: {  	s7 =	simm.s32 @p0 $0x0;
	_ =	strace $0x8000004C  }
0x292: {  	[tilespmem:s7], [sflag:$0x3] =	stream.linear.gather @p0 [spmem:s5], $0x1810, $0x200038;
	[tilespmem:$0x4170] =	vst v63  }
0x293: {  	_ =	swait.ge @p0 [sflag:s6], $0x1810  }
0x294: {  	s30 =	sld [smem:$0x7F9]  }
0x295: {  	[sflag:s6] =	ssyncset.done @p0 $0x0  }
0x296: {  	[sflag:s6] =	ssyncadd.s32 @p0 $0xFFFFE7F0  }
0x297: {  	[hbm4b:s30+s7] =	stream.linear.scatter @p0 [tilespmem:s7], [sflag:$0x3], $0x1810, $0x200038;
	[tilespmem:$0x4170] =	vst v63  }
0x298: {  	_ =	swait.ge @p0 [sflag:s6], $0x1810  }
0x299: {  	[sflag:s6] =	ssyncset.done @p0 $0x0  }
0x29a: {  	[sflag:s6] =	ssyncadd.s32 @p0 $0xFFFFE7F0  }
0x29b: {  	_ =	strace @p0 $0x9000004C  }
0x29c: {  	s6 =	sld [smem:$0x7F7];
	_ =	sdelay $0x1  }
0x29d: {  	s3 =	simm.s32 @!p0 $0x0  }
0x29e: {  	[tilespmem:s3], [sflag:$0x3] =	stream.linear.gather @!p0 [spmem:s6], $0x1870, $0x200038;
	[tilespmem:$0x4170] =	vst v63  }
0x29f: {  	_ =	swait.ge @!p0 [sflag:s4], $0x1870  }
0x2a0: {  	s6 =	sld [smem:$0x7F8]  }
0x2a1: {  	[sflag:s4] =	ssyncset.done @!p0 $0x0  }
0x2a2: {  	[sflag:s4] =	ssyncadd.s32 @!p0 $0xFFFFE790  }
0x2a3: {  	[hbm4b:s6+s3] =	stream.linear.scatter @!p0 [tilespmem:s3], [sflag:$0x3], $0x1870, $0x200038;
	[tilespmem:$0x4170] =	vst v63  }
.Ltmp4:
0x2a4: {  	_ = 	snop;
	(pc) =	sbr.rel .LBB2_6-.Ltmp4, $4  }
0x2a5: {  	_ =	swait.ge @!p0 [sflag:s4], $0x1870  }
0x2a6: {  	[sflag:s4] =	ssyncset.done @!p0 $0x0  }
0x2a7: {  	[sflag:s4] =	ssyncadd.s32 @!p0 $0xFFFFE790  }
0x2a8: {  	_ =	strace @!p0 $0x9000004C  }
.LBB2_7:
0x2a9: {  	_ =	sfence.sel $0x180000  }
0x2aa: {  	[bflag:$0x0] =	sbarrier.arrive $0xFFFF  }
0x2ab: {  	_ =	strace $0x90000047  }
0x2ac: {  	s0 =	stileid.u32;
	[bflag:$0x2] =	sbarrier.arrive $0xFFFF  }
0x2ad: {  	p0 =	sne.s32 s0, $0x0;
	s0 =	rddreg [dreg:$0x5]  }
0x2ae: {  	s0 =	sadd.s32 @!p0 $0x100000, s0  }
0x2af: {  	[sflag:s0] =	ssyncadd.tile.s32 @!p0 $0x1;
	_ =	shalt  }
.Lfunc_end2:
_tile_overlayer_lowered:
.L_overlay_start_2:
0x2b0: {  	(tag) =	ssettag $0x2  }
0x2b1: {  	s0 =	rddreg [dreg:$0x0];
	s2 =	stileid.u32  }
0x2b2: {  	s1 =	rddreg [dreg:$0x1];
	p0 =	sne.s32 s2, $0x0  }
0x2b3: {  	s3 =	rddreg [dreg:$0x2];
	[bflag:$0x3] =	sbarrier.arrive $0xFFFF;
	s2 =	simm.s32 @!p0 $0x1C03  }
0x2b4: {  	[timem:s3], [sflag:s2] =	dma.local @!p0 [hbm:s0], s1  }
0x2b5: {  	s0 =	simm.s32 @!p0 $0x3  }
0x2b6: {  	_ =	swait.ge @!p0 [sflag:s0], s1  }
0x2b7: {  	s1 =	ssub.s32 @!p0 $0x0, s1;
	[sflag:s0] =	ssyncset.done @!p0 $0x0  }
0x2b8: {  	[sflag:s0] =	ssyncadd.s32 @!p0 s1  }
0x2b9: {  	[bflag:$0x3] =	sbarrier.arrive $0xFFFF  }
0x2ba: {  	_ =	shalt  }

</sc_bundles>
